<compile_context>
chip_gen: v7x
topology: tpu7x:2x2x1
jax: 0.10.2.dev20260603
libtpu: 0.0.44.dev20260713+nightly
codegen_flags: <defaults>
</compile_context>

<pallas_src>
import dataclasses
import functools

import jax
import jax.numpy as jnp
from jax import lax
from jax.experimental import pallas as pl
from jax.experimental.pallas import tpu as pltpu
from jax.experimental.pallas import tpu_sc as plsc

_H = 384
_W = 384
_N = _H * _W
_BC = 384
_NC = 2
_NS = 16
_NW = _NC * _NS
_PER_W = _N // _NW
_G = 16
_NSTEP = _PER_W // _G
_L = 16


def _sc_interp(table, idxc, wt4):
    mesh = plsc.VectorSubcoreMesh(core_axis_name="c", subcore_axis_name="s")
    cp = pltpu.CompilerParams()
    if "needs_layout_passes" in pltpu.CompilerParams.__dataclass_fields__:
        cp = dataclasses.replace(cp, needs_layout_passes=False)

    @functools.partial(
        pl.kernel,
        mesh=mesh,
        compiler_params=cp,
        out_type=jax.ShapeDtypeStruct((_N, _BC), jnp.float32),
        scratch_types=(
            [pltpu.VMEM((4 * _PER_W,), jnp.int32)]
            + [pltpu.VMEM((_PER_W,), jnp.float32) for _ in range(4)]
            + [
                pltpu.VMEM((3, 4 * _G, _BC), jnp.float32),
                pltpu.VMEM((3, _G, _BC), jnp.float32),
                pltpu.SemaphoreType.DMA,
                pltpu.SemaphoreType.DMA,
                pltpu.SemaphoreType.DMA,
                pltpu.SemaphoreType.DMA,
                pltpu.SemaphoreType.DMA,
                pltpu.SemaphoreType.DMA,
            ]
        ),
    )
    def k(table_h, idx_h, wt_h, out_h,
          idx_v, w0_v, w1_v, w2_v, w3_v, g, outb,
          gsem0, gsem1, gsem2, osem0, osem1, osem2):
        w_vs = [w0_v, w1_v, w2_v, w3_v]
        gsems = [gsem0, gsem1, gsem2]
        osems = [osem0, osem1, osem2]
        wid = lax.axis_index("s") * _NC + lax.axis_index("c")
        base = wid * _PER_W

        pltpu.sync_copy(idx_h.at[pl.ds(4 * base, 4 * _PER_W)], idx_v)
        for kk in range(4):
            pltpu.sync_copy(wt_h.at[kk, pl.ds(base, _PER_W)], w_vs[kk])

        def fire_gathers(chunk, par):
            off = chunk * 4 * _G
            pltpu.async_copy(table_h.at[idx_v.at[pl.ds(off, 4 * _G)]],
                             g.at[par], gsems[par])

        def drain_gathers(chunk, par):
            off = chunk * 4 * _G
            pltpu.make_async_copy(table_h.at[idx_v.at[pl.ds(off, 4 * _G)]],
                                  g.at[par], gsems[par]).wait()

        def fire_out(chunk, par):
            off = chunk * _G
            pltpu.async_copy(outb.at[par], out_h.at[pl.ds(base + off, _G)],
                             osems[par])

        def drain_out(par):
            pltpu.make_async_copy(outb.at[par], out_h.at[pl.ds(base, _G)],
                                  osems[par]).wait()

        def compute(chunk, par):
            off = chunk * _G

            @pl.loop(0, _G)
            def _(r):
                ridx = jnp.full((_L,), off + r, jnp.int32)
                ws = [plsc.load_gather(w_vs[kk], [ridx]) for kk in range(4)]
                for j in range(_BC // _L):
                    s = pl.ds(j * _L, _L)
                    acc = ws[0] * g[par, r, s]
                    acc = acc + ws[1] * g[par, _G + r, s]
                    acc = acc + ws[2] * g[par, 2 * _G + r, s]
                    acc = acc + ws[3] * g[par, 3 * _G + r, s]
                    outb[par, r, s] = acc

        fire_gathers(0, 0)
        fire_gathers(1, 1)

        @pl.loop(0, _NSTEP, step=3)
        def _(c0):
            for par in range(3):
                chunk = c0 + par
                nxt_par = (par + 2) % 3

                @pl.when(chunk + 2 < _NSTEP)
                def _():
                    fire_gathers(chunk + 2, nxt_par)

                drain_gathers(chunk, par)

                @pl.when(chunk >= 3)
                def _():
                    drain_out(par)

                compute(chunk, par)
                fire_out(chunk, par)

        drain_out(0)
        drain_out(1)
        drain_out(2)

    return k(table, idxc, wt4)


def _indices_weights(theta):
    cy = (_H - 1) / 2.0
    cx = (_W - 1) / 2.0
    gy, gx = jnp.meshgrid(
        jnp.arange(_H, dtype=jnp.float32) - cy,
        jnp.arange(_W, dtype=jnp.float32) - cx,
        indexing="ij",
    )
    cos_t = jnp.cos(theta)
    sin_t = jnp.sin(theta)
    src_x = cos_t * gx + sin_t * gy + cx
    src_y = -sin_t * gx + cos_t * gy + cy
    x0 = jnp.floor(src_x)
    y0 = jnp.floor(src_y)
    wx1 = src_x - x0
    wx0 = 1.0 - wx1
    wy1 = src_y - y0
    wy0 = 1.0 - wy1
    valid = ((src_x >= 0) & (src_x <= _W - 1)
             & (src_y >= 0) & (src_y <= _H - 1)).astype(jnp.float32)
    x0i = jnp.clip(x0, 0, _W - 1).astype(jnp.int32)
    x1i = jnp.clip(x0 + 1.0, 0, _W - 1).astype(jnp.int32)
    y0i = jnp.clip(y0, 0, _H - 1).astype(jnp.int32)
    y1i = jnp.clip(y0 + 1.0, 0, _H - 1).astype(jnp.int32)
    idx4 = jnp.stack([
        (y0i * _W + x0i).reshape(-1),
        (y0i * _W + x1i).reshape(-1),
        (y1i * _W + x0i).reshape(-1),
        (y1i * _W + x1i).reshape(-1),
    ])
    wt4 = jnp.stack([
        (wy0 * wx0 * valid).reshape(-1),
        (wy0 * wx1 * valid).reshape(-1),
        (wy1 * wx0 * valid).reshape(-1),
        (wy1 * wx1 * valid).reshape(-1),
    ])
    return idx4, wt4


def kernel(x, const):
    theta = jnp.squeeze(const, axis=0)[0]
    idx4, wt4 = _indices_weights(theta)
    idxc = (idx4.reshape(4, _NW, _NSTEP, _G)
            .transpose(1, 2, 0, 3).reshape(-1))
    table = x.reshape(_BC, _N).T
    out_t = _sc_interp(table, idxc, wt4)
    return out_t.T.reshape(x.shape)

# --- scband reference (transcript-rebuilt; emitter-appended) ---
"""Pipeline reference for scband-transformation-interpolation-1589137899540 (READ-ONLY COPY).

The authoritative reference and input builder live on the scoring server;
editing this copy changes nothing except your own understanding.
"""

import jax, jax.numpy as jnp
import numpy as np


def setup_inputs(seed: int = 0) -> dict:
    key = jax.random.key(seed)
    k1, _ = jax.random.split(key)
    x = jax.random.uniform(k1, (4, 96, 384, 384), dtype=jnp.float32)
    const = jnp.array([[0.3]], dtype=jnp.float32)  # rotation angle in radians, shape [1,1] (squeezed on dim 0 in forward)
    return {"x": x, "const": const}


def _inverse_rotation_bilinear(x, theta):
    # Inverse spatial transformation (rotation about image center) realized with
    # bilinear interpolation; faithful to InverseTransformationBilinear semantics.
    B, C, H, W = x.shape
    cy = (H - 1) / 2.0
    cx = (W - 1) / 2.0
    gy, gx = jnp.meshgrid(
        jnp.arange(H, dtype=jnp.float32) - cy,
        jnp.arange(W, dtype=jnp.float32) - cx,
        indexing="ij",
    )
    cos_t = jnp.cos(theta)
    sin_t = jnp.sin(theta)
    # inverse rotation: map each output pixel back to its source location
    src_x = cos_t * gx + sin_t * gy + cx
    src_y = -sin_t * gx + cos_t * gy + cy
    x0 = jnp.floor(src_x)
    y0 = jnp.floor(src_y)
    x1 = x0 + 1.0
    y1 = y0 + 1.0
    wx1 = src_x - x0
    wx0 = 1.0 - wx1
    wy1 = src_y - y0
    wy0 = 1.0 - wy1
    valid = (src_x >= 0) & (src_x <= W - 1) & (src_y >= 0) & (src_y <= H - 1)
    x0i = jnp.clip(x0, 0, W - 1).astype(jnp.int32)
    x1i = jnp.clip(x1, 0, W - 1).astype(jnp.int32)
    y0i = jnp.clip(y0, 0, H - 1).astype(jnp.int32)
    y1i = jnp.clip(y1, 0, H - 1).astype(jnp.int32)
    # gather the four neighbors (SparseCore-friendly gathers)
    v00 = x[:, :, y0i, x0i]
    v01 = x[:, :, y0i, x1i]
    v10 = x[:, :, y1i, x0i]
    v11 = x[:, :, y1i, x1i]
    out = (wy0 * wx0) * v00 + (wy0 * wx1) * v01 + (wy1 * wx0) * v10 + (wy1 * wx1) * v11
    out = out * valid.astype(x.dtype)
    return out.astype(jnp.float32)


def reference(x, const):
    theta = jnp.squeeze(const, axis=0)[0]
    return _inverse_rotation_bilinear(x, theta)

if __name__ == "__main__":
    import jax
    _d = setup_inputs()
    print(jax.jit(kernel)(*tuple(_d.values())))

</pallas_src>

<mosaic_0001>
#map = affine_map<(d0, d1) -> (0, 0)>
#map1 = affine_map<(d0, d1) -> (0)>
module attributes {stable_mosaic.version = 14 : i64} {
  func.func @k(%arg0: i32, %arg1: i32, %arg2: memref<147456x384xf32, #tpu.memory_space<hbm>>, %arg3: memref<589824xi32, #tpu.memory_space<hbm>>, %arg4: memref<4x147456xf32, #tpu.memory_space<hbm>>, %arg5: memref<147456x384xf32, #tpu.memory_space<hbm>>, %arg6: memref<18432xi32, #tpu.memory_space<vmem>>, %arg7: memref<4608xf32, #tpu.memory_space<vmem>>, %arg8: memref<4608xf32, #tpu.memory_space<vmem>>, %arg9: memref<4608xf32, #tpu.memory_space<vmem>>, %arg10: memref<4608xf32, #tpu.memory_space<vmem>>, %arg11: memref<3x64x384xf32, #tpu.memory_space<vmem>>, %arg12: memref<3x16x384xf32, #tpu.memory_space<vmem>>, %arg13: memref<!tpu.dma_semaphore, #tpu.memory_space<semaphore_mem>>, %arg14: memref<!tpu.dma_semaphore, #tpu.memory_space<semaphore_mem>>, %arg15: memref<!tpu.dma_semaphore, #tpu.memory_space<semaphore_mem>>, %arg16: memref<!tpu.dma_semaphore, #tpu.memory_space<semaphore_mem>>, %arg17: memref<!tpu.dma_semaphore, #tpu.memory_space<semaphore_mem>>, %arg18: memref<!tpu.dma_semaphore, #tpu.memory_space<semaphore_mem>>) attributes {dimension_semantics = [#tpu.dimension_semantics<core_parallel>, #tpu.dimension_semantics<subcore_parallel>], iteration_bounds = array<i64: 2, 16>, scalar_prefetch = 0 : i64, scratch_operands = 13 : i64, tpu.core_type = #tpu.core_type<sc_vector_subcore>, window_params = [{transform_indices = #map}, {transform_indices = #map1}, {transform_indices = #map}, {transform_indices = #map}]} {
    %mul3A = arith.constant 2 : i32
    %mul3A_0 = arith.muli %arg1, %mul3A : i32
    %add3A = arith.addi %mul3A_0, %arg0 : i32
    %mul3A_1 = arith.constant 4608 : i32
    %mul3A_2 = arith.muli %add3A, %mul3A_1 : i32
    %mul3A_3 = arith.constant 4 : i32
    %mul3A_4 = arith.muli %mul3A_3, %mul3A_2 : i32
    "tpu.region"() ({
      %run_scoped3A_69 = tpu.sem_alloc : memref<!tpu.dma_semaphore, #tpu.memory_space<semaphore_mem>>
      %dma_start3A_70 = tpu.memref_slice %arg3[%mul3A_4] : memref<589824xi32, #tpu.memory_space<hbm>> -> memref<18432xi32, #tpu.memory_space<hbm>>
      %dma_start3A_71 = tpu.memref_slice %arg3[%mul3A_4] : memref<589824xi32, #tpu.memory_space<hbm>> -> memref<18432xi32, #tpu.memory_space<hbm>>
      tpu.enqueue_dma source(%dma_start3A_71 : memref<18432xi32, #tpu.memory_space<hbm>>) target(%arg6 : memref<18432xi32, #tpu.memory_space<vmem>>) target_semaphore(%run_scoped3A_69 : memref<!tpu.dma_semaphore, #tpu.memory_space<semaphore_mem>>)
      %dma_wait3A_72 = tpu.memref_slice %arg3[%mul3A_4] : memref<589824xi32, #tpu.memory_space<hbm>> -> memref<18432xi32, #tpu.memory_space<hbm>>
      %dma_wait3A_73 = tpu.memref_slice %arg3[%mul3A_4] : memref<589824xi32, #tpu.memory_space<hbm>> -> memref<18432xi32, #tpu.memory_space<hbm>>
      tpu.wait_dma2 semaphore(%run_scoped3A_69 : memref<!tpu.dma_semaphore, #tpu.memory_space<semaphore_mem>>) src(%dma_wait3A_73 : memref<18432xi32, #tpu.memory_space<hbm>>) dst(%arg6 : memref<18432xi32, #tpu.memory_space<vmem>>)
      tpu.yield
    }) : () -> ()
    %run_scoped3A = arith.constant 0 : i32
    "tpu.region"() ({
      %run_scoped3A_69 = tpu.sem_alloc : memref<!tpu.dma_semaphore, #tpu.memory_space<semaphore_mem>>
      %dma_start3A_70 = tpu.memref_slice %arg4[%run_scoped3A, %mul3A_2] : memref<4x147456xf32, #tpu.memory_space<hbm>> -> memref<1x4608xf32, #tpu.memory_space<hbm>>
      %dma_start3A_71 = tpu.memref_squeeze %dma_start3A_70 : memref<1x4608xf32, #tpu.memory_space<hbm>> -> memref<4608xf32, #tpu.memory_space<hbm>>
      %dma_start3A_72 = tpu.memref_slice %arg4[%run_scoped3A, %mul3A_2] : memref<4x147456xf32, #tpu.memory_space<hbm>> -> memref<1x4608xf32, #tpu.memory_space<hbm>>
      %dma_start3A_73 = tpu.memref_squeeze %dma_start3A_72 : memref<1x4608xf32, #tpu.memory_space<hbm>> -> memref<4608xf32, #tpu.memory_space<hbm>>
      tpu.enqueue_dma source(%dma_start3A_73 : memref<4608xf32, #tpu.memory_space<hbm>>) target(%arg7 : memref<4608xf32, #tpu.memory_space<vmem>>) target_semaphore(%run_scoped3A_69 : memref<!tpu.dma_semaphore, #tpu.memory_space<semaphore_mem>>)
      %dma_wait3A_74 = tpu.memref_slice %arg4[%run_scoped3A, %mul3A_2] : memref<4x147456xf32, #tpu.memory_space<hbm>> -> memref<1x4608xf32, #tpu.memory_space<hbm>>
      %dma_wait3A_75 = tpu.memref_squeeze %dma_wait3A_74 : memref<1x4608xf32, #tpu.memory_space<hbm>> -> memref<4608xf32, #tpu.memory_space<hbm>>
      %dma_wait3A_76 = tpu.memref_slice %arg4[%run_scoped3A, %mul3A_2] : memref<4x147456xf32, #tpu.memory_space<hbm>> -> memref<1x4608xf32, #tpu.memory_space<hbm>>
      %dma_wait3A_77 = tpu.memref_squeeze %dma_wait3A_76 : memref<1x4608xf32, #tpu.memory_space<hbm>> -> memref<4608xf32, #tpu.memory_space<hbm>>
      tpu.wait_dma2 semaphore(%run_scoped3A_69 : memref<!tpu.dma_semaphore, #tpu.memory_space<semaphore_mem>>) src(%dma_wait3A_77 : memref<4608xf32, #tpu.memory_space<hbm>>) dst(%arg7 : memref<4608xf32, #tpu.memory_space<vmem>>)
      tpu.yield
    }) : () -> ()
    %run_scoped3A_5 = arith.constant 1 : i32
    "tpu.region"() ({
      %run_scoped3A_69 = tpu.sem_alloc : memref<!tpu.dma_semaphore, #tpu.memory_space<semaphore_mem>>
      %dma_start3A_70 = tpu.memref_slice %arg4[%run_scoped3A_5, %mul3A_2] : memref<4x147456xf32, #tpu.memory_space<hbm>> -> memref<1x4608xf32, #tpu.memory_space<hbm>>
      %dma_start3A_71 = tpu.memref_squeeze %dma_start3A_70 : memref<1x4608xf32, #tpu.memory_space<hbm>> -> memref<4608xf32, #tpu.memory_space<hbm>>
      %dma_start3A_72 = tpu.memref_slice %arg4[%run_scoped3A_5, %mul3A_2] : memref<4x147456xf32, #tpu.memory_space<hbm>> -> memref<1x4608xf32, #tpu.memory_space<hbm>>
      %dma_start3A_73 = tpu.memref_squeeze %dma_start3A_72 : memref<1x4608xf32, #tpu.memory_space<hbm>> -> memref<4608xf32, #tpu.memory_space<hbm>>
      tpu.enqueue_dma source(%dma_start3A_73 : memref<4608xf32, #tpu.memory_space<hbm>>) target(%arg8 : memref<4608xf32, #tpu.memory_space<vmem>>) target_semaphore(%run_scoped3A_69 : memref<!tpu.dma_semaphore, #tpu.memory_space<semaphore_mem>>)
      %dma_wait3A_74 = tpu.memref_slice %arg4[%run_scoped3A_5, %mul3A_2] : memref<4x147456xf32, #tpu.memory_space<hbm>> -> memref<1x4608xf32, #tpu.memory_space<hbm>>
      %dma_wait3A_75 = tpu.memref_squeeze %dma_wait3A_74 : memref<1x4608xf32, #tpu.memory_space<hbm>> -> memref<4608xf32, #tpu.memory_space<hbm>>
      %dma_wait3A_76 = tpu.memref_slice %arg4[%run_scoped3A_5, %mul3A_2] : memref<4x147456xf32, #tpu.memory_space<hbm>> -> memref<1x4608xf32, #tpu.memory_space<hbm>>
      %dma_wait3A_77 = tpu.memref_squeeze %dma_wait3A_76 : memref<1x4608xf32, #tpu.memory_space<hbm>> -> memref<4608xf32, #tpu.memory_space<hbm>>
      tpu.wait_dma2 semaphore(%run_scoped3A_69 : memref<!tpu.dma_semaphore, #tpu.memory_space<semaphore_mem>>) src(%dma_wait3A_77 : memref<4608xf32, #tpu.memory_space<hbm>>) dst(%arg8 : memref<4608xf32, #tpu.memory_space<vmem>>)
      tpu.yield
    }) : () -> ()
    %run_scoped3A_6 = arith.constant 2 : i32
    "tpu.region"() ({
      %run_scoped3A_69 = tpu.sem_alloc : memref<!tpu.dma_semaphore, #tpu.memory_space<semaphore_mem>>
      %dma_start3A_70 = tpu.memref_slice %arg4[%run_scoped3A_6, %mul3A_2] : memref<4x147456xf32, #tpu.memory_space<hbm>> -> memref<1x4608xf32, #tpu.memory_space<hbm>>
      %dma_start3A_71 = tpu.memref_squeeze %dma_start3A_70 : memref<1x4608xf32, #tpu.memory_space<hbm>> -> memref<4608xf32, #tpu.memory_space<hbm>>
      %dma_start3A_72 = tpu.memref_slice %arg4[%run_scoped3A_6, %mul3A_2] : memref<4x147456xf32, #tpu.memory_space<hbm>> -> memref<1x4608xf32, #tpu.memory_space<hbm>>
      %dma_start3A_73 = tpu.memref_squeeze %dma_start3A_72 : memref<1x4608xf32, #tpu.memory_space<hbm>> -> memref<4608xf32, #tpu.memory_space<hbm>>
      tpu.enqueue_dma source(%dma_start3A_73 : memref<4608xf32, #tpu.memory_space<hbm>>) target(%arg9 : memref<4608xf32, #tpu.memory_space<vmem>>) target_semaphore(%run_scoped3A_69 : memref<!tpu.dma_semaphore, #tpu.memory_space<semaphore_mem>>)
      %dma_wait3A_74 = tpu.memref_slice %arg4[%run_scoped3A_6, %mul3A_2] : memref<4x147456xf32, #tpu.memory_space<hbm>> -> memref<1x4608xf32, #tpu.memory_space<hbm>>
      %dma_wait3A_75 = tpu.memref_squeeze %dma_wait3A_74 : memref<1x4608xf32, #tpu.memory_space<hbm>> -> memref<4608xf32, #tpu.memory_space<hbm>>
      %dma_wait3A_76 = tpu.memref_slice %arg4[%run_scoped3A_6, %mul3A_2] : memref<4x147456xf32, #tpu.memory_space<hbm>> -> memref<1x4608xf32, #tpu.memory_space<hbm>>
      %dma_wait3A_77 = tpu.memref_squeeze %dma_wait3A_76 : memref<1x4608xf32, #tpu.memory_space<hbm>> -> memref<4608xf32, #tpu.memory_space<hbm>>
      tpu.wait_dma2 semaphore(%run_scoped3A_69 : memref<!tpu.dma_semaphore, #tpu.memory_space<semaphore_mem>>) src(%dma_wait3A_77 : memref<4608xf32, #tpu.memory_space<hbm>>) dst(%arg9 : memref<4608xf32, #tpu.memory_space<vmem>>)
      tpu.yield
    }) : () -> ()
    %run_scoped3A_7 = arith.constant 3 : i32
    "tpu.region"() ({
      %run_scoped3A_69 = tpu.sem_alloc : memref<!tpu.dma_semaphore, #tpu.memory_space<semaphore_mem>>
      %dma_start3A_70 = tpu.memref_slice %arg4[%run_scoped3A_7, %mul3A_2] : memref<4x147456xf32, #tpu.memory_space<hbm>> -> memref<1x4608xf32, #tpu.memory_space<hbm>>
      %dma_start3A_71 = tpu.memref_squeeze %dma_start3A_70 : memref<1x4608xf32, #tpu.memory_space<hbm>> -> memref<4608xf32, #tpu.memory_space<hbm>>
      %dma_start3A_72 = tpu.memref_slice %arg4[%run_scoped3A_7, %mul3A_2] : memref<4x147456xf32, #tpu.memory_space<hbm>> -> memref<1x4608xf32, #tpu.memory_space<hbm>>
      %dma_start3A_73 = tpu.memref_squeeze %dma_start3A_72 : memref<1x4608xf32, #tpu.memory_space<hbm>> -> memref<4608xf32, #tpu.memory_space<hbm>>
      tpu.enqueue_dma source(%dma_start3A_73 : memref<4608xf32, #tpu.memory_space<hbm>>) target(%arg10 : memref<4608xf32, #tpu.memory_space<vmem>>) target_semaphore(%run_scoped3A_69 : memref<!tpu.dma_semaphore, #tpu.memory_space<semaphore_mem>>)
      %dma_wait3A_74 = tpu.memref_slice %arg4[%run_scoped3A_7, %mul3A_2] : memref<4x147456xf32, #tpu.memory_space<hbm>> -> memref<1x4608xf32, #tpu.memory_space<hbm>>
      %dma_wait3A_75 = tpu.memref_squeeze %dma_wait3A_74 : memref<1x4608xf32, #tpu.memory_space<hbm>> -> memref<4608xf32, #tpu.memory_space<hbm>>
      %dma_wait3A_76 = tpu.memref_slice %arg4[%run_scoped3A_7, %mul3A_2] : memref<4x147456xf32, #tpu.memory_space<hbm>> -> memref<1x4608xf32, #tpu.memory_space<hbm>>
      %dma_wait3A_77 = tpu.memref_squeeze %dma_wait3A_76 : memref<1x4608xf32, #tpu.memory_space<hbm>> -> memref<4608xf32, #tpu.memory_space<hbm>>
      tpu.wait_dma2 semaphore(%run_scoped3A_69 : memref<!tpu.dma_semaphore, #tpu.memory_space<semaphore_mem>>) src(%dma_wait3A_77 : memref<4608xf32, #tpu.memory_space<hbm>>) dst(%arg10 : memref<4608xf32, #tpu.memory_space<vmem>>)
      tpu.yield
    }) : () -> ()
    %dma_start3A = arith.constant 0 : i32
    %dma_start3A_8 = arith.constant 0 : i32
    %dma_start3A_9 = arith.constant 0 : i32
    %dma_start3A_10 = tpu.memref_slice %arg11[%dma_start3A, %dma_start3A_8, %dma_start3A_9] : memref<3x64x384xf32, #tpu.memory_space<vmem>> -> memref<1x64x384xf32, #tpu.memory_space<vmem>>
    %dma_start3A_11 = tpu.memref_squeeze %dma_start3A_10 : memref<1x64x384xf32, #tpu.memory_space<vmem>> -> memref<64x384xf32, #tpu.memory_space<vmem>>
    %dma_start3A_12 = arith.constant 0 : i32
    %dma_start3A_13 = tpu.memref_slice %arg6[%dma_start3A_12] : memref<18432xi32, #tpu.memory_space<vmem>> -> memref<64xi32, #tpu.memory_space<vmem>>
    %dma_start3A_14 = arith.constant 0 : i32
    %dma_start3A_15 = arith.constant 0 : i32
    %dma_start3A_16 = tpu.memref_slice %arg2[%dma_start3A_14, %dma_start3A_15] : memref<147456x384xf32, #tpu.memory_space<hbm>> -> memref<147456x384xf32, #tpu.memory_space<hbm>>
    tpu.enqueue_indirect_dma source(%dma_start3A_16 : memref<147456x384xf32, #tpu.memory_space<hbm>>) target(%dma_start3A_11 : memref<64x384xf32, #tpu.memory_space<vmem>>) offsets(%dma_start3A_13 : memref<64xi32, #tpu.memory_space<vmem>>) semaphore(%arg13 : memref<!tpu.dma_semaphore, #tpu.memory_space<semaphore_mem>>)
    %dma_start3A_17 = arith.constant 1 : i32
    %dma_start3A_18 = arith.constant 0 : i32
    %dma_start3A_19 = arith.constant 0 : i32
    %dma_start3A_20 = tpu.memref_slice %arg11[%dma_start3A_17, %dma_start3A_18, %dma_start3A_19] : memref<3x64x384xf32, #tpu.memory_space<vmem>> -> memref<1x64x384xf32, #tpu.memory_space<vmem>>
    %dma_start3A_21 = tpu.memref_squeeze %dma_start3A_20 : memref<1x64x384xf32, #tpu.memory_space<vmem>> -> memref<64x384xf32, #tpu.memory_space<vmem>>
    %dma_start3A_22 = arith.constant 64 : i32
    %dma_start3A_23 = tpu.memref_slice %arg6[%dma_start3A_22] : memref<18432xi32, #tpu.memory_space<vmem>> -> memref<64xi32, #tpu.memory_space<vmem>>
    %dma_start3A_24 = arith.constant 0 : i32
    %dma_start3A_25 = arith.constant 0 : i32
    %dma_start3A_26 = tpu.memref_slice %arg2[%dma_start3A_24, %dma_start3A_25] : memref<147456x384xf32, #tpu.memory_space<hbm>> -> memref<147456x384xf32, #tpu.memory_space<hbm>>
    tpu.enqueue_indirect_dma source(%dma_start3A_26 : memref<147456x384xf32, #tpu.memory_space<hbm>>) target(%dma_start3A_21 : memref<64x384xf32, #tpu.memory_space<vmem>>) offsets(%dma_start3A_23 : memref<64xi32, #tpu.memory_space<vmem>>) semaphore(%arg14 : memref<!tpu.dma_semaphore, #tpu.memory_space<semaphore_mem>>)
    %scan3A = arith.constant 0 : i32
    %scan3A_27 = arith.constant 96 : i32
    %scan3A_28 = arith.addi %scan3A, %scan3A_27 : i32
    %scan3A_29 = arith.constant 1 : i32
    scf.for %scan3A_69 = %scan3A to %scan3A_28 step %scan3A_29  : i32 {
      %mul3A_70 = arith.constant 3 : i32
      %mul3A_71 = arith.muli %scan3A_69, %mul3A_70 : i32
      %add3A_72 = arith.constant 0 : i32
      %add3A_73 = arith.addi %add3A_72, %mul3A_71 : i32
      %add3A_74 = arith.constant 0 : i32
      %add3A_75 = arith.addi %add3A_73, %add3A_74 : i32
      %add3A_76 = arith.constant 2 : i32
      %add3A_77 = arith.addi %add3A_75, %add3A_76 : i32
      %lt3A = arith.constant 288 : i32
      %lt3A_78 = arith.cmpi slt, %add3A_77, %lt3A : i32
      %convert_element_type3A = arith.extui %lt3A_78 : i1 to i32
      %cond3A = arith.constant 0 : i32
      %cond3A_79 = arith.cmpi ne, %convert_element_type3A, %cond3A : i32
      scf.if %cond3A_79 {
        %add3A_220 = arith.constant 2 : i32
        %add3A_221 = arith.addi %add3A_75, %add3A_220 : i32
        %mul3A_222 = arith.constant 4 : i32
        %mul3A_223 = arith.muli %add3A_221, %mul3A_222 : i32
        %mul3A_224 = arith.constant 16 : i32
        %mul3A_225 = arith.muli %mul3A_223, %mul3A_224 : i32
        %dma_start3A_226 = arith.constant 2 : i32
        %dma_start3A_227 = arith.constant 0 : i32
        %dma_start3A_228 = arith.constant 0 : i32
        %dma_start3A_229 = tpu.memref_slice %arg11[%dma_start3A_226, %dma_start3A_227, %dma_start3A_228] : memref<3x64x384xf32, #tpu.memory_space<vmem>> -> memref<1x64x384xf32, #tpu.memory_space<vmem>>
        %dma_start3A_230 = tpu.memref_squeeze %dma_start3A_229 : memref<1x64x384xf32, #tpu.memory_space<vmem>> -> memref<64x384xf32, #tpu.memory_space<vmem>>
        %dma_start3A_231 = tpu.memref_slice %arg6[%mul3A_225] : memref<18432xi32, #tpu.memory_space<vmem>> -> memref<64xi32, #tpu.memory_space<vmem>>
        %dma_start3A_232 = arith.constant 0 : i32
        %dma_start3A_233 = arith.constant 0 : i32
        %dma_start3A_234 = tpu.memref_slice %arg2[%dma_start3A_232, %dma_start3A_233] : memref<147456x384xf32, #tpu.memory_space<hbm>> -> memref<147456x384xf32, #tpu.memory_space<hbm>>
        tpu.enqueue_indirect_dma source(%dma_start3A_234 : memref<147456x384xf32, #tpu.memory_space<hbm>>) target(%dma_start3A_230 : memref<64x384xf32, #tpu.memory_space<vmem>>) offsets(%dma_start3A_231 : memref<64xi32, #tpu.memory_space<vmem>>) semaphore(%arg15 : memref<!tpu.dma_semaphore, #tpu.memory_space<semaphore_mem>>)
      } else {
      }
      %mul3A_80 = arith.constant 4 : i32
      %mul3A_81 = arith.muli %add3A_75, %mul3A_80 : i32
      %mul3A_82 = arith.constant 16 : i32
      %mul3A_83 = arith.muli %mul3A_81, %mul3A_82 : i32
      %dma_wait3A_84 = arith.constant 0 : i32
      %dma_wait3A_85 = arith.constant 0 : i32
      %dma_wait3A_86 = arith.constant 0 : i32
      %dma_wait3A_87 = tpu.memref_slice %arg11[%dma_wait3A_84, %dma_wait3A_85, %dma_wait3A_86] : memref<3x64x384xf32, #tpu.memory_space<vmem>> -> memref<1x64x384xf32, #tpu.memory_space<vmem>>
      %dma_wait3A_88 = tpu.memref_squeeze %dma_wait3A_87 : memref<1x64x384xf32, #tpu.memory_space<vmem>> -> memref<64x384xf32, #tpu.memory_space<vmem>>
      %dma_wait3A_89 = tpu.memref_slice %arg6[%mul3A_83] : memref<18432xi32, #tpu.memory_space<vmem>> -> memref<64xi32, #tpu.memory_space<vmem>>
      %dma_wait3A_90 = arith.constant 0 : i32
      %dma_wait3A_91 = arith.constant 0 : i32
      %dma_wait3A_92 = tpu.memref_slice %arg2[%dma_wait3A_90, %dma_wait3A_91] : memref<147456x384xf32, #tpu.memory_space<hbm>> -> memref<147456x384xf32, #tpu.memory_space<hbm>>
      tpu.wait_indirect_dma semaphore(%arg13 : memref<!tpu.dma_semaphore, #tpu.memory_space<semaphore_mem>>) src(%dma_wait3A_92 : memref<147456x384xf32, #tpu.memory_space<hbm>>) dst(%dma_wait3A_88 : memref<64x384xf32, #tpu.memory_space<vmem>>)
      %ge3A = arith.constant 3 : i32
      %ge3A_93 = arith.cmpi sge, %add3A_75, %ge3A : i32
      %convert_element_type3A_94 = arith.extui %ge3A_93 : i1 to i32
      %cond3A_95 = arith.constant 0 : i32
      %cond3A_96 = arith.cmpi ne, %convert_element_type3A_94, %cond3A_95 : i32
      scf.if %cond3A_96 {
        %dma_wait3A_220 = arith.constant 0 : i32
        %dma_wait3A_221 = arith.constant 0 : i32
        %dma_wait3A_222 = arith.constant 0 : i32
        %dma_wait3A_223 = tpu.memref_slice %arg12[%dma_wait3A_220, %dma_wait3A_221, %dma_wait3A_222] : memref<3x16x384xf32, #tpu.memory_space<vmem>> -> memref<1x16x384xf32, #tpu.memory_space<vmem>>
        %dma_wait3A_224 = tpu.memref_squeeze %dma_wait3A_223 : memref<1x16x384xf32, #tpu.memory_space<vmem>> -> memref<16x384xf32, #tpu.memory_space<vmem>>
        %dma_wait3A_225 = arith.constant 0 : i32
        %dma_wait3A_226 = tpu.memref_slice %arg5[%mul3A_2, %dma_wait3A_225] : memref<147456x384xf32, #tpu.memory_space<hbm>> -> memref<16x384xf32, #tpu.memory_space<hbm>>
        %dma_wait3A_227 = arith.constant 0 : i32
        %dma_wait3A_228 = tpu.memref_slice %arg5[%mul3A_2, %dma_wait3A_227] : memref<147456x384xf32, #tpu.memory_space<hbm>> -> memref<16x384xf32, #tpu.memory_space<hbm>>
        %dma_wait3A_229 = arith.constant 0 : i32
        %dma_wait3A_230 = arith.constant 0 : i32
        %dma_wait3A_231 = tpu.memref_slice %arg12[%dma_wait3A_220, %dma_wait3A_229, %dma_wait3A_230] : memref<3x16x384xf32, #tpu.memory_space<vmem>> -> memref<1x16x384xf32, #tpu.memory_space<vmem>>
        %dma_wait3A_232 = tpu.memref_squeeze %dma_wait3A_231 : memref<1x16x384xf32, #tpu.memory_space<vmem>> -> memref<16x384xf32, #tpu.memory_space<vmem>>
        tpu.wait_dma2 semaphore(%arg16 : memref<!tpu.dma_semaphore, #tpu.memory_space<semaphore_mem>>) src(%dma_wait3A_232 : memref<16x384xf32, #tpu.memory_space<vmem>>) dst(%dma_wait3A_228 : memref<16x384xf32, #tpu.memory_space<hbm>>)
      } else {
      }
      %mul3A_97 = arith.constant 16 : i32
      %mul3A_98 = arith.muli %add3A_75, %mul3A_97 : i32
      %scan3A_99 = arith.constant 0 : i32
      %scan3A_100 = arith.constant 16 : i32
      %scan3A_101 = arith.addi %scan3A_99, %scan3A_100 : i32
      %scan3A_102 = arith.constant 1 : i32
      scf.for %scan3A_220 = %scan3A_99 to %scan3A_101 step %scan3A_102  : i32 {
        %mul3A_221 = arith.constant 1 : i32
        %mul3A_222 = arith.muli %scan3A_220, %mul3A_221 : i32
        %add3A_223 = arith.constant 0 : i32
        %add3A_224 = arith.addi %add3A_223, %mul3A_222 : i32
        %add3A_225 = arith.addi %mul3A_98, %add3A_224 : i32
        %broadcast_in_dim3A = vector.broadcast %add3A_225 : i32 to vector<16xi32>
        %gather3A = tpu.vector_load_idx %arg7[%broadcast_in_dim3A] : memref<4608xf32, #tpu.memory_space<vmem>>[vector<16xi32>], vector<16xf32>,
        %gather3A_226 = tpu.vector_load_idx %arg8[%broadcast_in_dim3A] : memref<4608xf32, #tpu.memory_space<vmem>>[vector<16xi32>], vector<16xf32>,
        %gather3A_227 = tpu.vector_load_idx %arg9[%broadcast_in_dim3A] : memref<4608xf32, #tpu.memory_space<vmem>>[vector<16xi32>], vector<16xf32>,
        %gather3A_228 = tpu.vector_load_idx %arg10[%broadcast_in_dim3A] : memref<4608xf32, #tpu.memory_space<vmem>>[vector<16xi32>], vector<16xf32>,
        %get3A = arith.constant 0 : i32
        %get3A_229 = arith.index_cast %get3A : i32 to index
        %get3A_230 = arith.index_cast %add3A_224 : i32 to index
        %get3A_231 = arith.constant 0 : index
        %get3A_232 = tpu.vector_load %arg11[%get3A_229, %get3A_230, %get3A_231] {strides = array<i32>} : memref<3x64x384xf32, #tpu.memory_space<vmem>>, vector<16xf32>,
        %mul3A_233 = arith.mulf %gather3A, %get3A_232 : vector<16xf32>
        %add3A_234 = arith.constant 16 : i32
        %add3A_235 = arith.addi %add3A_234, %add3A_224 : i32
        %get3A_236 = arith.constant 0 : i32
        %get3A_237 = arith.index_cast %get3A_236 : i32 to index
        %get3A_238 = arith.index_cast %add3A_235 : i32 to index
        %get3A_239 = arith.constant 0 : index
        %get3A_240 = tpu.vector_load %arg11[%get3A_237, %get3A_238, %get3A_239] {strides = array<i32>} : memref<3x64x384xf32, #tpu.memory_space<vmem>>, vector<16xf32>,
        %mul3A_241 = arith.mulf %gather3A_226, %get3A_240 : vector<16xf32>
        %add3A_242 = arith.addf %mul3A_233, %mul3A_241 : vector<16xf32>
        %add3A_243 = arith.constant 32 : i32
        %add3A_244 = arith.addi %add3A_243, %add3A_224 : i32
        %get3A_245 = arith.constant 0 : i32
        %get3A_246 = arith.index_cast %get3A_245 : i32 to index
        %get3A_247 = arith.index_cast %add3A_244 : i32 to index
        %get3A_248 = arith.constant 0 : index
        %get3A_249 = tpu.vector_load %arg11[%get3A_246, %get3A_247, %get3A_248] {strides = array<i32>} : memref<3x64x384xf32, #tpu.memory_space<vmem>>, vector<16xf32>,
        %mul3A_250 = arith.mulf %gather3A_227, %get3A_249 : vector<16xf32>
        %add3A_251 = arith.addf %add3A_242, %mul3A_250 : vector<16xf32>
        %add3A_252 = arith.constant 48 : i32
        %add3A_253 = arith.addi %add3A_252, %add3A_224 : i32
        %get3A_254 = arith.constant 0 : i32
        %get3A_255 = arith.index_cast %get3A_254 : i32 to index
        %get3A_256 = arith.index_cast %add3A_253 : i32 to index
        %get3A_257 = arith.constant 0 : index
        %get3A_258 = tpu.vector_load %arg11[%get3A_255, %get3A_256, %get3A_257] {strides = array<i32>} : memref<3x64x384xf32, #tpu.memory_space<vmem>>, vector<16xf32>,
        %mul3A_259 = arith.mulf %gather3A_228, %get3A_258 : vector<16xf32>
        %add3A_260 = arith.addf %add3A_251, %mul3A_259 : vector<16xf32>
        %swap3A = arith.constant 0 : i32
        %swap3A_261 = arith.index_cast %swap3A : i32 to index
        %swap3A_262 = arith.index_cast %add3A_224 : i32 to index
        %swap3A_263 = arith.constant 0 : index
        %swap3A_264 = tpu.vector_load %arg12[%swap3A_261, %swap3A_262, %swap3A_263] {strides = array<i32>} : memref<3x16x384xf32, #tpu.memory_space<vmem>>, vector<16xf32>,
        tpu.vector_store %arg12[%swap3A_261, %swap3A_262, %swap3A_263], %add3A_260 {strides = array<i32>} : memref<3x16x384xf32, #tpu.memory_space<vmem>>, vector<16xf32>,
        %get3A_265 = arith.constant 0 : i32
        %get3A_266 = arith.index_cast %get3A_265 : i32 to index
        %get3A_267 = arith.index_cast %add3A_224 : i32 to index
        %get3A_268 = arith.constant 16 : index
        %get3A_269 = tpu.vector_load %arg11[%get3A_266, %get3A_267, %get3A_268] {strides = array<i32>} : memref<3x64x384xf32, #tpu.memory_space<vmem>>, vector<16xf32>,
        %mul3A_270 = arith.mulf %gather3A, %get3A_269 : vector<16xf32>
        %add3A_271 = arith.constant 16 : i32
        %add3A_272 = arith.addi %add3A_271, %add3A_224 : i32
        %get3A_273 = arith.constant 0 : i32
        %get3A_274 = arith.index_cast %get3A_273 : i32 to index
        %get3A_275 = arith.index_cast %add3A_272 : i32 to index
        %get3A_276 = arith.constant 16 : index
        %get3A_277 = tpu.vector_load %arg11[%get3A_274, %get3A_275, %get3A_276] {strides = array<i32>} : memref<3x64x384xf32, #tpu.memory_space<vmem>>, vector<16xf32>,
        %mul3A_278 = arith.mulf %gather3A_226, %get3A_277 : vector<16xf32>
        %add3A_279 = arith.addf %mul3A_270, %mul3A_278 : vector<16xf32>
        %add3A_280 = arith.constant 32 : i32
        %add3A_281 = arith.addi %add3A_280, %add3A_224 : i32
        %get3A_282 = arith.constant 0 : i32
        %get3A_283 = arith.index_cast %get3A_282 : i32 to index
        %get3A_284 = arith.index_cast %add3A_281 : i32 to index
        %get3A_285 = arith.constant 16 : index
        %get3A_286 = tpu.vector_load %arg11[%get3A_283, %get3A_284, %get3A_285] {strides = array<i32>} : memref<3x64x384xf32, #tpu.memory_space<vmem>>, vector<16xf32>,
        %mul3A_287 = arith.mulf %gather3A_227, %get3A_286 : vector<16xf32>
        %add3A_288 = arith.addf %add3A_279, %mul3A_287 : vector<16xf32>
        %add3A_289 = arith.constant 48 : i32
        %add3A_290 = arith.addi %add3A_289, %add3A_224 : i32
        %get3A_291 = arith.constant 0 : i32
        %get3A_292 = arith.index_cast %get3A_291 : i32 to index
        %get3A_293 = arith.index_cast %add3A_290 : i32 to index
        %get3A_294 = arith.constant 16 : index
        %get3A_295 = tpu.vector_load %arg11[%get3A_292, %get3A_293, %get3A_294] {strides = array<i32>} : memref<3x64x384xf32, #tpu.memory_space<vmem>>, vector<16xf32>,
        %mul3A_296 = arith.mulf %gather3A_228, %get3A_295 : vector<16xf32>
        %add3A_297 = arith.addf %add3A_288, %mul3A_296 : vector<16xf32>
        %swap3A_298 = arith.constant 0 : i32
        %swap3A_299 = arith.index_cast %swap3A_298 : i32 to index
        %swap3A_300 = arith.index_cast %add3A_224 : i32 to index
        %swap3A_301 = arith.constant 16 : index
        %swap3A_302 = tpu.vector_load %arg12[%swap3A_299, %swap3A_300, %swap3A_301] {strides = array<i32>} : memref<3x16x384xf32, #tpu.memory_space<vmem>>, vector<16xf32>,
        tpu.vector_store %arg12[%swap3A_299, %swap3A_300, %swap3A_301], %add3A_297 {strides = array<i32>} : memref<3x16x384xf32, #tpu.memory_space<vmem>>, vector<16xf32>,
        %get3A_303 = arith.constant 0 : i32
        %get3A_304 = arith.index_cast %get3A_303 : i32 to index
        %get3A_305 = arith.index_cast %add3A_224 : i32 to index
        %get3A_306 = arith.constant 32 : index
        %get3A_307 = tpu.vector_load %arg11[%get3A_304, %get3A_305, %get3A_306] {strides = array<i32>} : memref<3x64x384xf32, #tpu.memory_space<vmem>>, vector<16xf32>,
        %mul3A_308 = arith.mulf %gather3A, %get3A_307 : vector<16xf32>
        %add3A_309 = arith.constant 16 : i32
        %add3A_310 = arith.addi %add3A_309, %add3A_224 : i32
        %get3A_311 = arith.constant 0 : i32
        %get3A_312 = arith.index_cast %get3A_311 : i32 to index
        %get3A_313 = arith.index_cast %add3A_310 : i32 to index
        %get3A_314 = arith.constant 32 : index
        %get3A_315 = tpu.vector_load %arg11[%get3A_312, %get3A_313, %get3A_314] {strides = array<i32>} : memref<3x64x384xf32, #tpu.memory_space<vmem>>, vector<16xf32>,
        %mul3A_316 = arith.mulf %gather3A_226, %get3A_315 : vector<16xf32>
        %add3A_317 = arith.addf %mul3A_308, %mul3A_316 : vector<16xf32>
        %add3A_318 = arith.constant 32 : i32
        %add3A_319 = arith.addi %add3A_318, %add3A_224 : i32
        %get3A_320 = arith.constant 0 : i32
        %get3A_321 = arith.index_cast %get3A_320 : i32 to index
        %get3A_322 = arith.index_cast %add3A_319 : i32 to index
        %get3A_323 = arith.constant 32 : index
        %get3A_324 = tpu.vector_load %arg11[%get3A_321, %get3A_322, %get3A_323] {strides = array<i32>} : memref<3x64x384xf32, #tpu.memory_space<vmem>>, vector<16xf32>,
        %mul3A_325 = arith.mulf %gather3A_227, %get3A_324 : vector<16xf32>
        %add3A_326 = arith.addf %add3A_317, %mul3A_325 : vector<16xf32>
        %add3A_327 = arith.constant 48 : i32
        %add3A_328 = arith.addi %add3A_327, %add3A_224 : i32
        %get3A_329 = arith.constant 0 : i32
        %get3A_330 = arith.index_cast %get3A_329 : i32 to index
        %get3A_331 = arith.index_cast %add3A_328 : i32 to index
        %get3A_332 = arith.constant 32 : index
        %get3A_333 = tpu.vector_load %arg11[%get3A_330, %get3A_331, %get3A_332] {strides = array<i32>} : memref<3x64x384xf32, #tpu.memory_space<vmem>>, vector<16xf32>,
        %mul3A_334 = arith.mulf %gather3A_228, %get3A_333 : vector<16xf32>
        %add3A_335 = arith.addf %add3A_326, %mul3A_334 : vector<16xf32>
        %swap3A_336 = arith.constant 0 : i32
        %swap3A_337 = arith.index_cast %swap3A_336 : i32 to index
        %swap3A_338 = arith.index_cast %add3A_224 : i32 to index
        %swap3A_339 = arith.constant 32 : index
        %swap3A_340 = tpu.vector_load %arg12[%swap3A_337, %swap3A_338, %swap3A_339] {strides = array<i32>} : memref<3x16x384xf32, #tpu.memory_space<vmem>>, vector<16xf32>,
        tpu.vector_store %arg12[%swap3A_337, %swap3A_338, %swap3A_339], %add3A_335 {strides = array<i32>} : memref<3x16x384xf32, #tpu.memory_space<vmem>>, vector<16xf32>,
        %get3A_341 = arith.constant 0 : i32
        %get3A_342 = arith.index_cast %get3A_341 : i32 to index
        %get3A_343 = arith.index_cast %add3A_224 : i32 to index
        %get3A_344 = arith.constant 48 : index
        %get3A_345 = tpu.vector_load %arg11[%get3A_342, %get3A_343, %get3A_344] {strides = array<i32>} : memref<3x64x384xf32, #tpu.memory_space<vmem>>, vector<16xf32>,
        %mul3A_346 = arith.mulf %gather3A, %get3A_345 : vector<16xf32>
        %add3A_347 = arith.constant 16 : i32
        %add3A_348 = arith.addi %add3A_347, %add3A_224 : i32
        %get3A_349 = arith.constant 0 : i32
        %get3A_350 = arith.index_cast %get3A_349 : i32 to index
        %get3A_351 = arith.index_cast %add3A_348 : i32 to index
        %get3A_352 = arith.constant 48 : index
        %get3A_353 = tpu.vector_load %arg11[%get3A_350, %get3A_351, %get3A_352] {strides = array<i32>} : memref<3x64x384xf32, #tpu.memory_space<vmem>>, vector<16xf32>,
        %mul3A_354 = arith.mulf %gather3A_226, %get3A_353 : vector<16xf32>
        %add3A_355 = arith.addf %mul3A_346, %mul3A_354 : vector<16xf32>
        %add3A_356 = arith.constant 32 : i32
        %add3A_357 = arith.addi %add3A_356, %add3A_224 : i32
        %get3A_358 = arith.constant 0 : i32
        %get3A_359 = arith.index_cast %get3A_358 : i32 to index
        %get3A_360 = arith.index_cast %add3A_357 : i32 to index
        %get3A_361 = arith.constant 48 : index
        %get3A_362 = tpu.vector_load %arg11[%get3A_359, %get3A_360, %get3A_361] {strides = array<i32>} : memref<3x64x384xf32, #tpu.memory_space<vmem>>, vector<16xf32>,
        %mul3A_363 = arith.mulf %gather3A_227, %get3A_362 : vector<16xf32>
        %add3A_364 = arith.addf %add3A_355, %mul3A_363 : vector<16xf32>
        %add3A_365 = arith.constant 48 : i32
        %add3A_366 = arith.addi %add3A_365, %add3A_224 : i32
        %get3A_367 = arith.constant 0 : i32
        %get3A_368 = arith.index_cast %get3A_367 : i32 to index
        %get3A_369 = arith.index_cast %add3A_366 : i32 to index
        %get3A_370 = arith.constant 48 : index
        %get3A_371 = tpu.vector_load %arg11[%get3A_368, %get3A_369, %get3A_370] {strides = array<i32>} : memref<3x64x384xf32, #tpu.memory_space<vmem>>, vector<16xf32>,
        %mul3A_372 = arith.mulf %gather3A_228, %get3A_371 : vector<16xf32>
        %add3A_373 = arith.addf %add3A_364, %mul3A_372 : vector<16xf32>
        %swap3A_374 = arith.constant 0 : i32
        %swap3A_375 = arith.index_cast %swap3A_374 : i32 to index
        %swap3A_376 = arith.index_cast %add3A_224 : i32 to index
        %swap3A_377 = arith.constant 48 : index
        %swap3A_378 = tpu.vector_load %arg12[%swap3A_375, %swap3A_376, %swap3A_377] {strides = array<i32>} : memref<3x16x384xf32, #tpu.memory_space<vmem>>, vector<16xf32>,
        tpu.vector_store %arg12[%swap3A_375, %swap3A_376, %swap3A_377], %add3A_373 {strides = array<i32>} : memref<3x16x384xf32, #tpu.memory_space<vmem>>, vector<16xf32>,
        %get3A_379 = arith.constant 0 : i32
        %get3A_380 = arith.index_cast %get3A_379 : i32 to index
        %get3A_381 = arith.index_cast %add3A_224 : i32 to index
        %get3A_382 = arith.constant 64 : index
        %get3A_383 = tpu.vector_load %arg11[%get3A_380, %get3A_381, %get3A_382] {strides = array<i32>} : memref<3x64x384xf32, #tpu.memory_space<vmem>>, vector<16xf32>,
        %mul3A_384 = arith.mulf %gather3A, %get3A_383 : vector<16xf32>
        %add3A_385 = arith.constant 16 : i32
        %add3A_386 = arith.addi %add3A_385, %add3A_224 : i32
        %get3A_387 = arith.constant 0 : i32
        %get3A_388 = arith.index_cast %get3A_387 : i32 to index
        %get3A_389 = arith.index_cast %add3A_386 : i32 to index
        %get3A_390 = arith.constant 64 : index
        %get3A_391 = tpu.vector_load %arg11[%get3A_388, %get3A_389, %get3A_390] {strides = array<i32>} : memref<3x64x384xf32, #tpu.memory_space<vmem>>, vector<16xf32>,
        %mul3A_392 = arith.mulf %gather3A_226, %get3A_391 : vector<16xf32>
        %add3A_393 = arith.addf %mul3A_384, %mul3A_392 : vector<16xf32>
        %add3A_394 = arith.constant 32 : i32
        %add3A_395 = arith.addi %add3A_394, %add3A_224 : i32
        %get3A_396 = arith.constant 0 : i32
        %get3A_397 = arith.index_cast %get3A_396 : i32 to index
        %get3A_398 = arith.index_cast %add3A_395 : i32 to index
        %get3A_399 = arith.constant 64 : index
        %get3A_400 = tpu.vector_load %arg11[%get3A_397, %get3A_398, %get3A_399] {strides = array<i32>} : memref<3x64x384xf32, #tpu.memory_space<vmem>>, vector<16xf32>,
        %mul3A_401 = arith.mulf %gather3A_227, %get3A_400 : vector<16xf32>
        %add3A_402 = arith.addf %add3A_393, %mul3A_401 : vector<16xf32>
        %add3A_403 = arith.constant 48 : i32
        %add3A_404 = arith.addi %add3A_403, %add3A_224 : i32
        %get3A_405 = arith.constant 0 : i32
        %get3A_406 = arith.index_cast %get3A_405 : i32 to index
        %get3A_407 = arith.index_cast %add3A_404 : i32 to index
        %get3A_408 = arith.constant 64 : index
        %get3A_409 = tpu.vector_load %arg11[%get3A_406, %get3A_407, %get3A_408] {strides = array<i32>} : memref<3x64x384xf32, #tpu.memory_space<vmem>>, vector<16xf32>,
        %mul3A_410 = arith.mulf %gather3A_228, %get3A_409 : vector<16xf32>
        %add3A_411 = arith.addf %add3A_402, %mul3A_410 : vector<16xf32>
        %swap3A_412 = arith.constant 0 : i32
        %swap3A_413 = arith.index_cast %swap3A_412 : i32 to index
        %swap3A_414 = arith.index_cast %add3A_224 : i32 to index
        %swap3A_415 = arith.constant 64 : index
        %swap3A_416 = tpu.vector_load %arg12[%swap3A_413, %swap3A_414, %swap3A_415] {strides = array<i32>} : memref<3x16x384xf32, #tpu.memory_space<vmem>>, vector<16xf32>,
        tpu.vector_store %arg12[%swap3A_413, %swap3A_414, %swap3A_415], %add3A_411 {strides = array<i32>} : memref<3x16x384xf32, #tpu.memory_space<vmem>>, vector<16xf32>,
        %get3A_417 = arith.constant 0 : i32
        %get3A_418 = arith.index_cast %get3A_417 : i32 to index
        %get3A_419 = arith.index_cast %add3A_224 : i32 to index
        %get3A_420 = arith.constant 80 : index
        %get3A_421 = tpu.vector_load %arg11[%get3A_418, %get3A_419, %get3A_420] {strides = array<i32>} : memref<3x64x384xf32, #tpu.memory_space<vmem>>, vector<16xf32>,
        %mul3A_422 = arith.mulf %gather3A, %get3A_421 : vector<16xf32>
        %add3A_423 = arith.constant 16 : i32
        %add3A_424 = arith.addi %add3A_423, %add3A_224 : i32
        %get3A_425 = arith.constant 0 : i32
        %get3A_426 = arith.index_cast %get3A_425 : i32 to index
        %get3A_427 = arith.index_cast %add3A_424 : i32 to index
        %get3A_428 = arith.constant 80 : index
        %get3A_429 = tpu.vector_load %arg11[%get3A_426, %get3A_427, %get3A_428] {strides = array<i32>} : memref<3x64x384xf32, #tpu.memory_space<vmem>>, vector<16xf32>,
        %mul3A_430 = arith.mulf %gather3A_226, %get3A_429 : vector<16xf32>
        %add3A_431 = arith.addf %mul3A_422, %mul3A_430 : vector<16xf32>
        %add3A_432 = arith.constant 32 : i32
        %add3A_433 = arith.addi %add3A_432, %add3A_224 : i32
        %get3A_434 = arith.constant 0 : i32
        %get3A_435 = arith.index_cast %get3A_434 : i32 to index
        %get3A_436 = arith.index_cast %add3A_433 : i32 to index
        %get3A_437 = arith.constant 80 : index
        %get3A_438 = tpu.vector_load %arg11[%get3A_435, %get3A_436, %get3A_437] {strides = array<i32>} : memref<3x64x384xf32, #tpu.memory_space<vmem>>, vector<16xf32>,
        %mul3A_439 = arith.mulf %gather3A_227, %get3A_438 : vector<16xf32>
        %add3A_440 = arith.addf %add3A_431, %mul3A_439 : vector<16xf32>
        %add3A_441 = arith.constant 48 : i32
        %add3A_442 = arith.addi %add3A_441, %add3A_224 : i32
        %get3A_443 = arith.constant 0 : i32
        %get3A_444 = arith.index_cast %get3A_443 : i32 to index
        %get3A_445 = arith.index_cast %add3A_442 : i32 to index
        %get3A_446 = arith.constant 80 : index
        %get3A_447 = tpu.vector_load %arg11[%get3A_444, %get3A_445, %get3A_446] {strides = array<i32>} : memref<3x64x384xf32, #tpu.memory_space<vmem>>, vector<16xf32>,
        %mul3A_448 = arith.mulf %gather3A_228, %get3A_447 : vector<16xf32>
        %add3A_449 = arith.addf %add3A_440, %mul3A_448 : vector<16xf32>
        %swap3A_450 = arith.constant 0 : i32
        %swap3A_451 = arith.index_cast %swap3A_450 : i32 to index
        %swap3A_452 = arith.index_cast %add3A_224 : i32 to index
        %swap3A_453 = arith.constant 80 : index
        %swap3A_454 = tpu.vector_load %arg12[%swap3A_451, %swap3A_452, %swap3A_453] {strides = array<i32>} : memref<3x16x384xf32, #tpu.memory_space<vmem>>, vector<16xf32>,
        tpu.vector_store %arg12[%swap3A_451, %swap3A_452, %swap3A_453], %add3A_449 {strides = array<i32>} : memref<3x16x384xf32, #tpu.memory_space<vmem>>, vector<16xf32>,
        %get3A_455 = arith.constant 0 : i32
        %get3A_456 = arith.index_cast %get3A_455 : i32 to index
        %get3A_457 = arith.index_cast %add3A_224 : i32 to index
        %get3A_458 = arith.constant 96 : index
        %get3A_459 = tpu.vector_load %arg11[%get3A_456, %get3A_457, %get3A_458] {strides = array<i32>} : memref<3x64x384xf32, #tpu.memory_space<vmem>>, vector<16xf32>,
        %mul3A_460 = arith.mulf %gather3A, %get3A_459 : vector<16xf32>
        %add3A_461 = arith.constant 16 : i32
        %add3A_462 = arith.addi %add3A_461, %add3A_224 : i32
        %get3A_463 = arith.constant 0 : i32
        %get3A_464 = arith.index_cast %get3A_463 : i32 to index
        %get3A_465 = arith.index_cast %add3A_462 : i32 to index
        %get3A_466 = arith.constant 96 : index
        %get3A_467 = tpu.vector_load %arg11[%get3A_464, %get3A_465, %get3A_466] {strides = array<i32>} : memref<3x64x384xf32, #tpu.memory_space<vmem>>, vector<16xf32>,
        %mul3A_468 = arith.mulf %gather3A_226, %get3A_467 : vector<16xf32>
        %add3A_469 = arith.addf %mul3A_460, %mul3A_468 : vector<16xf32>
        %add3A_470 = arith.constant 32 : i32
        %add3A_471 = arith.addi %add3A_470, %add3A_224 : i32
        %get3A_472 = arith.constant 0 : i32
        %get3A_473 = arith.index_cast %get3A_472 : i32 to index
        %get3A_474 = arith.index_cast %add3A_471 : i32 to index
        %get3A_475 = arith.constant 96 : index
        %get3A_476 = tpu.vector_load %arg11[%get3A_473, %get3A_474, %get3A_475] {strides = array<i32>} : memref<3x64x384xf32, #tpu.memory_space<vmem>>, vector<16xf32>,
        %mul3A_477 = arith.mulf %gather3A_227, %get3A_476 : vector<16xf32>
        %add3A_478 = arith.addf %add3A_469, %mul3A_477 : vector<16xf32>
        %add3A_479 = arith.constant 48 : i32
        %add3A_480 = arith.addi %add3A_479, %add3A_224 : i32
        %get3A_481 = arith.constant 0 : i32
        %get3A_482 = arith.index_cast %get3A_481 : i32 to index
        %get3A_483 = arith.index_cast %add3A_480 : i32 to index
        %get3A_484 = arith.constant 96 : index
        %get3A_485 = tpu.vector_load %arg11[%get3A_482, %get3A_483, %get3A_484] {strides = array<i32>} : memref<3x64x384xf32, #tpu.memory_space<vmem>>, vector<16xf32>,
        %mul3A_486 = arith.mulf %gather3A_228, %get3A_485 : vector<16xf32>
        %add3A_487 = arith.addf %add3A_478, %mul3A_486 : vector<16xf32>
        %swap3A_488 = arith.constant 0 : i32
        %swap3A_489 = arith.index_cast %swap3A_488 : i32 to index
        %swap3A_490 = arith.index_cast %add3A_224 : i32 to index
        %swap3A_491 = arith.constant 96 : index
        %swap3A_492 = tpu.vector_load %arg12[%swap3A_489, %swap3A_490, %swap3A_491] {strides = array<i32>} : memref<3x16x384xf32, #tpu.memory_space<vmem>>, vector<16xf32>,
        tpu.vector_store %arg12[%swap3A_489, %swap3A_490, %swap3A_491], %add3A_487 {strides = array<i32>} : memref<3x16x384xf32, #tpu.memory_space<vmem>>, vector<16xf32>,
        %get3A_493 = arith.constant 0 : i32
        %get3A_494 = arith.index_cast %get3A_493 : i32 to index
        %get3A_495 = arith.index_cast %add3A_224 : i32 to index
        %get3A_496 = arith.constant 112 : index
        %get3A_497 = tpu.vector_load %arg11[%get3A_494, %get3A_495, %get3A_496] {strides = array<i32>} : memref<3x64x384xf32, #tpu.memory_space<vmem>>, vector<16xf32>,
        %mul3A_498 = arith.mulf %gather3A, %get3A_497 : vector<16xf32>
        %add3A_499 = arith.constant 16 : i32
        %add3A_500 = arith.addi %add3A_499, %add3A_224 : i32
        %get3A_501 = arith.constant 0 : i32
        %get3A_502 = arith.index_cast %get3A_501 : i32 to index
        %get3A_503 = arith.index_cast %add3A_500 : i32 to index
        %get3A_504 = arith.constant 112 : index
        %get3A_505 = tpu.vector_load %arg11[%get3A_502, %get3A_503, %get3A_504] {strides = array<i32>} : memref<3x64x384xf32, #tpu.memory_space<vmem>>, vector<16xf32>,
        %mul3A_506 = arith.mulf %gather3A_226, %get3A_505 : vector<16xf32>
        %add3A_507 = arith.addf %mul3A_498, %mul3A_506 : vector<16xf32>
        %add3A_508 = arith.constant 32 : i32
        %add3A_509 = arith.addi %add3A_508, %add3A_224 : i32
        %get3A_510 = arith.constant 0 : i32
        %get3A_511 = arith.index_cast %get3A_510 : i32 to index
        %get3A_512 = arith.index_cast %add3A_509 : i32 to index
        %get3A_513 = arith.constant 112 : index
        %get3A_514 = tpu.vector_load %arg11[%get3A_511, %get3A_512, %get3A_513] {strides = array<i32>} : memref<3x64x384xf32, #tpu.memory_space<vmem>>, vector<16xf32>,
        %mul3A_515 = arith.mulf %gather3A_227, %get3A_514 : vector<16xf32>
        %add3A_516 = arith.addf %add3A_507, %mul3A_515 : vector<16xf32>
        %add3A_517 = arith.constant 48 : i32
        %add3A_518 = arith.addi %add3A_517, %add3A_224 : i32
        %get3A_519 = arith.constant 0 : i32
        %get3A_520 = arith.index_cast %get3A_519 : i32 to index
        %get3A_521 = arith.index_cast %add3A_518 : i32 to index
        %get3A_522 = arith.constant 112 : index
        %get3A_523 = tpu.vector_load %arg11[%get3A_520, %get3A_521, %get3A_522] {strides = array<i32>} : memref<3x64x384xf32, #tpu.memory_space<vmem>>, vector<16xf32>,
        %mul3A_524 = arith.mulf %gather3A_228, %get3A_523 : vector<16xf32>
        %add3A_525 = arith.addf %add3A_516, %mul3A_524 : vector<16xf32>
        %swap3A_526 = arith.constant 0 : i32
        %swap3A_527 = arith.index_cast %swap3A_526 : i32 to index
        %swap3A_528 = arith.index_cast %add3A_224 : i32 to index
        %swap3A_529 = arith.constant 112 : index
        %swap3A_530 = tpu.vector_load %arg12[%swap3A_527, %swap3A_528, %swap3A_529] {strides = array<i32>} : memref<3x16x384xf32, #tpu.memory_space<vmem>>, vector<16xf32>,
        tpu.vector_store %arg12[%swap3A_527, %swap3A_528, %swap3A_529], %add3A_525 {strides = array<i32>} : memref<3x16x384xf32, #tpu.memory_space<vmem>>, vector<16xf32>,
        %get3A_531 = arith.constant 0 : i32
        %get3A_532 = arith.index_cast %get3A_531 : i32 to index
        %get3A_533 = arith.index_cast %add3A_224 : i32 to index
        %get3A_534 = arith.constant 128 : index
        %get3A_535 = tpu.vector_load %arg11[%get3A_532, %get3A_533, %get3A_534] {strides = array<i32>} : memref<3x64x384xf32, #tpu.memory_space<vmem>>, vector<16xf32>,
        %mul3A_536 = arith.mulf %gather3A, %get3A_535 : vector<16xf32>
        %add3A_537 = arith.constant 16 : i32
        %add3A_538 = arith.addi %add3A_537, %add3A_224 : i32
        %get3A_539 = arith.constant 0 : i32
        %get3A_540 = arith.index_cast %get3A_539 : i32 to index
        %get3A_541 = arith.index_cast %add3A_538 : i32 to index
        %get3A_542 = arith.constant 128 : index
        %get3A_543 = tpu.vector_load %arg11[%get3A_540, %get3A_541, %get3A_542] {strides = array<i32>} : memref<3x64x384xf32, #tpu.memory_space<vmem>>, vector<16xf32>,
        %mul3A_544 = arith.mulf %gather3A_226, %get3A_543 : vector<16xf32>
        %add3A_545 = arith.addf %mul3A_536, %mul3A_544 : vector<16xf32>
        %add3A_546 = arith.constant 32 : i32
        %add3A_547 = arith.addi %add3A_546, %add3A_224 : i32
        %get3A_548 = arith.constant 0 : i32
        %get3A_549 = arith.index_cast %get3A_548 : i32 to index
        %get3A_550 = arith.index_cast %add3A_547 : i32 to index
        %get3A_551 = arith.constant 128 : index
        %get3A_552 = tpu.vector_load %arg11[%get3A_549, %get3A_550, %get3A_551] {strides = array<i32>} : memref<3x64x384xf32, #tpu.memory_space<vmem>>, vector<16xf32>,
        %mul3A_553 = arith.mulf %gather3A_227, %get3A_552 : vector<16xf32>
        %add3A_554 = arith.addf %add3A_545, %mul3A_553 : vector<16xf32>
        %add3A_555 = arith.constant 48 : i32
        %add3A_556 = arith.addi %add3A_555, %add3A_224 : i32
        %get3A_557 = arith.constant 0 : i32
        %get3A_558 = arith.index_cast %get3A_557 : i32 to index
        %get3A_559 = arith.index_cast %add3A_556 : i32 to index
        %get3A_560 = arith.constant 128 : index
        %get3A_561 = tpu.vector_load %arg11[%get3A_558, %get3A_559, %get3A_560] {strides = array<i32>} : memref<3x64x384xf32, #tpu.memory_space<vmem>>, vector<16xf32>,
        %mul3A_562 = arith.mulf %gather3A_228, %get3A_561 : vector<16xf32>
        %add3A_563 = arith.addf %add3A_554, %mul3A_562 : vector<16xf32>
        %swap3A_564 = arith.constant 0 : i32
        %swap3A_565 = arith.index_cast %swap3A_564 : i32 to index
        %swap3A_566 = arith.index_cast %add3A_224 : i32 to index
        %swap3A_567 = arith.constant 128 : index
        %swap3A_568 = tpu.vector_load %arg12[%swap3A_565, %swap3A_566, %swap3A_567] {strides = array<i32>} : memref<3x16x384xf32, #tpu.memory_space<vmem>>, vector<16xf32>,
        tpu.vector_store %arg12[%swap3A_565, %swap3A_566, %swap3A_567], %add3A_563 {strides = array<i32>} : memref<3x16x384xf32, #tpu.memory_space<vmem>>, vector<16xf32>,
        %get3A_569 = arith.constant 0 : i32
        %get3A_570 = arith.index_cast %get3A_569 : i32 to index
        %get3A_571 = arith.index_cast %add3A_224 : i32 to index
        %get3A_572 = arith.constant 144 : index
        %get3A_573 = tpu.vector_load %arg11[%get3A_570, %get3A_571, %get3A_572] {strides = array<i32>} : memref<3x64x384xf32, #tpu.memory_space<vmem>>, vector<16xf32>,
        %mul3A_574 = arith.mulf %gather3A, %get3A_573 : vector<16xf32>
        %add3A_575 = arith.constant 16 : i32
        %add3A_576 = arith.addi %add3A_575, %add3A_224 : i32
        %get3A_577 = arith.constant 0 : i32
        %get3A_578 = arith.index_cast %get3A_577 : i32 to index
        %get3A_579 = arith.index_cast %add3A_576 : i32 to index
        %get3A_580 = arith.constant 144 : index
        %get3A_581 = tpu.vector_load %arg11[%get3A_578, %get3A_579, %get3A_580] {strides = array<i32>} : memref<3x64x384xf32, #tpu.memory_space<vmem>>, vector<16xf32>,
        %mul3A_582 = arith.mulf %gather3A_226, %get3A_581 : vector<16xf32>
        %add3A_583 = arith.addf %mul3A_574, %mul3A_582 : vector<16xf32>
        %add3A_584 = arith.constant 32 : i32
        %add3A_585 = arith.addi %add3A_584, %add3A_224 : i32
        %get3A_586 = arith.constant 0 : i32
        %get3A_587 = arith.index_cast %get3A_586 : i32 to index
        %get3A_588 = arith.index_cast %add3A_585 : i32 to index
        %get3A_589 = arith.constant 144 : index
        %get3A_590 = tpu.vector_load %arg11[%get3A_587, %get3A_588, %get3A_589] {strides = array<i32>} : memref<3x64x384xf32, #tpu.memory_space<vmem>>, vector<16xf32>,
        %mul3A_591 = arith.mulf %gather3A_227, %get3A_590 : vector<16xf32>
        %add3A_592 = arith.addf %add3A_583, %mul3A_591 : vector<16xf32>
        %add3A_593 = arith.constant 48 : i32
        %add3A_594 = arith.addi %add3A_593, %add3A_224 : i32
        %get3A_595 = arith.constant 0 : i32
        %get3A_596 = arith.index_cast %get3A_595 : i32 to index
        %get3A_597 = arith.index_cast %add3A_594 : i32 to index
        %get3A_598 = arith.constant 144 : index
        %get3A_599 = tpu.vector_load %arg11[%get3A_596, %get3A_597, %get3A_598] {strides = array<i32>} : memref<3x64x384xf32, #tpu.memory_space<vmem>>, vector<16xf32>,
        %mul3A_600 = arith.mulf %gather3A_228, %get3A_599 : vector<16xf32>
        %add3A_601 = arith.addf %add3A_592, %mul3A_600 : vector<16xf32>
        %swap3A_602 = arith.constant 0 : i32
        %swap3A_603 = arith.index_cast %swap3A_602 : i32 to index
        %swap3A_604 = arith.index_cast %add3A_224 : i32 to index
        %swap3A_605 = arith.constant 144 : index
        %swap3A_606 = tpu.vector_load %arg12[%swap3A_603, %swap3A_604, %swap3A_605] {strides = array<i32>} : memref<3x16x384xf32, #tpu.memory_space<vmem>>, vector<16xf32>,
        tpu.vector_store %arg12[%swap3A_603, %swap3A_604, %swap3A_605], %add3A_601 {strides = array<i32>} : memref<3x16x384xf32, #tpu.memory_space<vmem>>, vector<16xf32>,
        %get3A_607 = arith.constant 0 : i32
        %get3A_608 = arith.index_cast %get3A_607 : i32 to index
        %get3A_609 = arith.index_cast %add3A_224 : i32 to index
        %get3A_610 = arith.constant 160 : index
        %get3A_611 = tpu.vector_load %arg11[%get3A_608, %get3A_609, %get3A_610] {strides = array<i32>} : memref<3x64x384xf32, #tpu.memory_space<vmem>>, vector<16xf32>,
        %mul3A_612 = arith.mulf %gather3A, %get3A_611 : vector<16xf32>
        %add3A_613 = arith.constant 16 : i32
        %add3A_614 = arith.addi %add3A_613, %add3A_224 : i32
        %get3A_615 = arith.constant 0 : i32
        %get3A_616 = arith.index_cast %get3A_615 : i32 to index
        %get3A_617 = arith.index_cast %add3A_614 : i32 to index
        %get3A_618 = arith.constant 160 : index
        %get3A_619 = tpu.vector_load %arg11[%get3A_616, %get3A_617, %get3A_618] {strides = array<i32>} : memref<3x64x384xf32, #tpu.memory_space<vmem>>, vector<16xf32>,
        %mul3A_620 = arith.mulf %gather3A_226, %get3A_619 : vector<16xf32>
        %add3A_621 = arith.addf %mul3A_612, %mul3A_620 : vector<16xf32>
        %add3A_622 = arith.constant 32 : i32
        %add3A_623 = arith.addi %add3A_622, %add3A_224 : i32
        %get3A_624 = arith.constant 0 : i32
        %get3A_625 = arith.index_cast %get3A_624 : i32 to index
        %get3A_626 = arith.index_cast %add3A_623 : i32 to index
        %get3A_627 = arith.constant 160 : index
        %get3A_628 = tpu.vector_load %arg11[%get3A_625, %get3A_626, %get3A_627] {strides = array<i32>} : memref<3x64x384xf32, #tpu.memory_space<vmem>>, vector<16xf32>,
        %mul3A_629 = arith.mulf %gather3A_227, %get3A_628 : vector<16xf32>
        %add3A_630 = arith.addf %add3A_621, %mul3A_629 : vector<16xf32>
        %add3A_631 = arith.constant 48 : i32
        %add3A_632 = arith.addi %add3A_631, %add3A_224 : i32
        %get3A_633 = arith.constant 0 : i32
        %get3A_634 = arith.index_cast %get3A_633 : i32 to index
        %get3A_635 = arith.index_cast %add3A_632 : i32 to index
        %get3A_636 = arith.constant 160 : index
        %get3A_637 = tpu.vector_load %arg11[%get3A_634, %get3A_635, %get3A_636] {strides = array<i32>} : memref<3x64x384xf32, #tpu.memory_space<vmem>>, vector<16xf32>,
        %mul3A_638 = arith.mulf %gather3A_228, %get3A_637 : vector<16xf32>
        %add3A_639 = arith.addf %add3A_630, %mul3A_638 : vector<16xf32>
        %swap3A_640 = arith.constant 0 : i32
        %swap3A_641 = arith.index_cast %swap3A_640 : i32 to index
        %swap3A_642 = arith.index_cast %add3A_224 : i32 to index
        %swap3A_643 = arith.constant 160 : index
        %swap3A_644 = tpu.vector_load %arg12[%swap3A_641, %swap3A_642, %swap3A_643] {strides = array<i32>} : memref<3x16x384xf32, #tpu.memory_space<vmem>>, vector<16xf32>,
        tpu.vector_store %arg12[%swap3A_641, %swap3A_642, %swap3A_643], %add3A_639 {strides = array<i32>} : memref<3x16x384xf32, #tpu.memory_space<vmem>>, vector<16xf32>,
        %get3A_645 = arith.constant 0 : i32
        %get3A_646 = arith.index_cast %get3A_645 : i32 to index
        %get3A_647 = arith.index_cast %add3A_224 : i32 to index
        %get3A_648 = arith.constant 176 : index
        %get3A_649 = tpu.vector_load %arg11[%get3A_646, %get3A_647, %get3A_648] {strides = array<i32>} : memref<3x64x384xf32, #tpu.memory_space<vmem>>, vector<16xf32>,
        %mul3A_650 = arith.mulf %gather3A, %get3A_649 : vector<16xf32>
        %add3A_651 = arith.constant 16 : i32
        %add3A_652 = arith.addi %add3A_651, %add3A_224 : i32
        %get3A_653 = arith.constant 0 : i32
        %get3A_654 = arith.index_cast %get3A_653 : i32 to index
        %get3A_655 = arith.index_cast %add3A_652 : i32 to index
        %get3A_656 = arith.constant 176 : index
        %get3A_657 = tpu.vector_load %arg11[%get3A_654, %get3A_655, %get3A_656] {strides = array<i32>} : memref<3x64x384xf32, #tpu.memory_space<vmem>>, vector<16xf32>,
        %mul3A_658 = arith.mulf %gather3A_226, %get3A_657 : vector<16xf32>
        %add3A_659 = arith.addf %mul3A_650, %mul3A_658 : vector<16xf32>
        %add3A_660 = arith.constant 32 : i32
        %add3A_661 = arith.addi %add3A_660, %add3A_224 : i32
        %get3A_662 = arith.constant 0 : i32
        %get3A_663 = arith.index_cast %get3A_662 : i32 to index
        %get3A_664 = arith.index_cast %add3A_661 : i32 to index
        %get3A_665 = arith.constant 176 : index
        %get3A_666 = tpu.vector_load %arg11[%get3A_663, %get3A_664, %get3A_665] {strides = array<i32>} : memref<3x64x384xf32, #tpu.memory_space<vmem>>, vector<16xf32>,
        %mul3A_667 = arith.mulf %gather3A_227, %get3A_666 : vector<16xf32>
        %add3A_668 = arith.addf %add3A_659, %mul3A_667 : vector<16xf32>
        %add3A_669 = arith.constant 48 : i32
        %add3A_670 = arith.addi %add3A_669, %add3A_224 : i32
        %get3A_671 = arith.constant 0 : i32
        %get3A_672 = arith.index_cast %get3A_671 : i32 to index
        %get3A_673 = arith.index_cast %add3A_670 : i32 to index
        %get3A_674 = arith.constant 176 : index
        %get3A_675 = tpu.vector_load %arg11[%get3A_672, %get3A_673, %get3A_674] {strides = array<i32>} : memref<3x64x384xf32, #tpu.memory_space<vmem>>, vector<16xf32>,
        %mul3A_676 = arith.mulf %gather3A_228, %get3A_675 : vector<16xf32>
        %add3A_677 = arith.addf %add3A_668, %mul3A_676 : vector<16xf32>
        %swap3A_678 = arith.constant 0 : i32
        %swap3A_679 = arith.index_cast %swap3A_678 : i32 to index
        %swap3A_680 = arith.index_cast %add3A_224 : i32 to index
        %swap3A_681 = arith.constant 176 : index
        %swap3A_682 = tpu.vector_load %arg12[%swap3A_679, %swap3A_680, %swap3A_681] {strides = array<i32>} : memref<3x16x384xf32, #tpu.memory_space<vmem>>, vector<16xf32>,
        tpu.vector_store %arg12[%swap3A_679, %swap3A_680, %swap3A_681], %add3A_677 {strides = array<i32>} : memref<3x16x384xf32, #tpu.memory_space<vmem>>, vector<16xf32>,
        %get3A_683 = arith.constant 0 : i32
        %get3A_684 = arith.index_cast %get3A_683 : i32 to index
        %get3A_685 = arith.index_cast %add3A_224 : i32 to index
        %get3A_686 = arith.constant 192 : index
        %get3A_687 = tpu.vector_load %arg11[%get3A_684, %get3A_685, %get3A_686] {strides = array<i32>} : memref<3x64x384xf32, #tpu.memory_space<vmem>>, vector<16xf32>,
        %mul3A_688 = arith.mulf %gather3A, %get3A_687 : vector<16xf32>
        %add3A_689 = arith.constant 16 : i32
        %add3A_690 = arith.addi %add3A_689, %add3A_224 : i32
        %get3A_691 = arith.constant 0 : i32
        %get3A_692 = arith.index_cast %get3A_691 : i32 to index
        %get3A_693 = arith.index_cast %add3A_690 : i32 to index
        %get3A_694 = arith.constant 192 : index
        %get3A_695 = tpu.vector_load %arg11[%get3A_692, %get3A_693, %get3A_694] {strides = array<i32>} : memref<3x64x384xf32, #tpu.memory_space<vmem>>, vector<16xf32>,
        %mul3A_696 = arith.mulf %gather3A_226, %get3A_695 : vector<16xf32>
        %add3A_697 = arith.addf %mul3A_688, %mul3A_696 : vector<16xf32>
        %add3A_698 = arith.constant 32 : i32
        %add3A_699 = arith.addi %add3A_698, %add3A_224 : i32
        %get3A_700 = arith.constant 0 : i32
        %get3A_701 = arith.index_cast %get3A_700 : i32 to index
        %get3A_702 = arith.index_cast %add3A_699 : i32 to index
        %get3A_703 = arith.constant 192 : index
        %get3A_704 = tpu.vector_load %arg11[%get3A_701, %get3A_702, %get3A_703] {strides = array<i32>} : memref<3x64x384xf32, #tpu.memory_space<vmem>>, vector<16xf32>,
        %mul3A_705 = arith.mulf %gather3A_227, %get3A_704 : vector<16xf32>
        %add3A_706 = arith.addf %add3A_697, %mul3A_705 : vector<16xf32>
        %add3A_707 = arith.constant 48 : i32
        %add3A_708 = arith.addi %add3A_707, %add3A_224 : i32
        %get3A_709 = arith.constant 0 : i32
        %get3A_710 = arith.index_cast %get3A_709 : i32 to index
        %get3A_711 = arith.index_cast %add3A_708 : i32 to index
        %get3A_712 = arith.constant 192 : index
        %get3A_713 = tpu.vector_load %arg11[%get3A_710, %get3A_711, %get3A_712] {strides = array<i32>} : memref<3x64x384xf32, #tpu.memory_space<vmem>>, vector<16xf32>,
        %mul3A_714 = arith.mulf %gather3A_228, %get3A_713 : vector<16xf32>
        %add3A_715 = arith.addf %add3A_706, %mul3A_714 : vector<16xf32>
        %swap3A_716 = arith.constant 0 : i32
        %swap3A_717 = arith.index_cast %swap3A_716 : i32 to index
        %swap3A_718 = arith.index_cast %add3A_224 : i32 to index
        %swap3A_719 = arith.constant 192 : index
        %swap3A_720 = tpu.vector_load %arg12[%swap3A_717, %swap3A_718, %swap3A_719] {strides = array<i32>} : memref<3x16x384xf32, #tpu.memory_space<vmem>>, vector<16xf32>,
        tpu.vector_store %arg12[%swap3A_717, %swap3A_718, %swap3A_719], %add3A_715 {strides = array<i32>} : memref<3x16x384xf32, #tpu.memory_space<vmem>>, vector<16xf32>,
        %get3A_721 = arith.constant 0 : i32
        %get3A_722 = arith.index_cast %get3A_721 : i32 to index
        %get3A_723 = arith.index_cast %add3A_224 : i32 to index
        %get3A_724 = arith.constant 208 : index
        %get3A_725 = tpu.vector_load %arg11[%get3A_722, %get3A_723, %get3A_724] {strides = array<i32>} : memref<3x64x384xf32, #tpu.memory_space<vmem>>, vector<16xf32>,
        %mul3A_726 = arith.mulf %gather3A, %get3A_725 : vector<16xf32>
        %add3A_727 = arith.constant 16 : i32
        %add3A_728 = arith.addi %add3A_727, %add3A_224 : i32
        %get3A_729 = arith.constant 0 : i32
        %get3A_730 = arith.index_cast %get3A_729 : i32 to index
        %get3A_731 = arith.index_cast %add3A_728 : i32 to index
        %get3A_732 = arith.constant 208 : index
        %get3A_733 = tpu.vector_load %arg11[%get3A_730, %get3A_731, %get3A_732] {strides = array<i32>} : memref<3x64x384xf32, #tpu.memory_space<vmem>>, vector<16xf32>,
        %mul3A_734 = arith.mulf %gather3A_226, %get3A_733 : vector<16xf32>
        %add3A_735 = arith.addf %mul3A_726, %mul3A_734 : vector<16xf32>
        %add3A_736 = arith.constant 32 : i32
        %add3A_737 = arith.addi %add3A_736, %add3A_224 : i32
        %get3A_738 = arith.constant 0 : i32
        %get3A_739 = arith.index_cast %get3A_738 : i32 to index
        %get3A_740 = arith.index_cast %add3A_737 : i32 to index
        %get3A_741 = arith.constant 208 : index
        %get3A_742 = tpu.vector_load %arg11[%get3A_739, %get3A_740, %get3A_741] {strides = array<i32>} : memref<3x64x384xf32, #tpu.memory_space<vmem>>, vector<16xf32>,
        %mul3A_743 = arith.mulf %gather3A_227, %get3A_742 : vector<16xf32>
        %add3A_744 = arith.addf %add3A_735, %mul3A_743 : vector<16xf32>
        %add3A_745 = arith.constant 48 : i32
        %add3A_746 = arith.addi %add3A_745, %add3A_224 : i32
        %get3A_747 = arith.constant 0 : i32
        %get3A_748 = arith.index_cast %get3A_747 : i32 to index
        %get3A_749 = arith.index_cast %add3A_746 : i32 to index
        %get3A_750 = arith.constant 208 : index
        %get3A_751 = tpu.vector_load %arg11[%get3A_748, %get3A_749, %get3A_750] {strides = array<i32>} : memref<3x64x384xf32, #tpu.memory_space<vmem>>, vector<16xf32>,
        %mul3A_752 = arith.mulf %gather3A_228, %get3A_751 : vector<16xf32>
        %add3A_753 = arith.addf %add3A_744, %mul3A_752 : vector<16xf32>
        %swap3A_754 = arith.constant 0 : i32
        %swap3A_755 = arith.index_cast %swap3A_754 : i32 to index
        %swap3A_756 = arith.index_cast %add3A_224 : i32 to index
        %swap3A_757 = arith.constant 208 : index
        %swap3A_758 = tpu.vector_load %arg12[%swap3A_755, %swap3A_756, %swap3A_757] {strides = array<i32>} : memref<3x16x384xf32, #tpu.memory_space<vmem>>, vector<16xf32>,
        tpu.vector_store %arg12[%swap3A_755, %swap3A_756, %swap3A_757], %add3A_753 {strides = array<i32>} : memref<3x16x384xf32, #tpu.memory_space<vmem>>, vector<16xf32>,
        %get3A_759 = arith.constant 0 : i32
        %get3A_760 = arith.index_cast %get3A_759 : i32 to index
        %get3A_761 = arith.index_cast %add3A_224 : i32 to index
        %get3A_762 = arith.constant 224 : index
        %get3A_763 = tpu.vector_load %arg11[%get3A_760, %get3A_761, %get3A_762] {strides = array<i32>} : memref<3x64x384xf32, #tpu.memory_space<vmem>>, vector<16xf32>,
        %mul3A_764 = arith.mulf %gather3A, %get3A_763 : vector<16xf32>
        %add3A_765 = arith.constant 16 : i32
        %add3A_766 = arith.addi %add3A_765, %add3A_224 : i32
        %get3A_767 = arith.constant 0 : i32
        %get3A_768 = arith.index_cast %get3A_767 : i32 to index
        %get3A_769 = arith.index_cast %add3A_766 : i32 to index
        %get3A_770 = arith.constant 224 : index
        %get3A_771 = tpu.vector_load %arg11[%get3A_768, %get3A_769, %get3A_770] {strides = array<i32>} : memref<3x64x384xf32, #tpu.memory_space<vmem>>, vector<16xf32>,
        %mul3A_772 = arith.mulf %gather3A_226, %get3A_771 : vector<16xf32>
        %add3A_773 = arith.addf %mul3A_764, %mul3A_772 : vector<16xf32>
        %add3A_774 = arith.constant 32 : i32
        %add3A_775 = arith.addi %add3A_774, %add3A_224 : i32
        %get3A_776 = arith.constant 0 : i32
        %get3A_777 = arith.index_cast %get3A_776 : i32 to index
        %get3A_778 = arith.index_cast %add3A_775 : i32 to index
        %get3A_779 = arith.constant 224 : index
        %get3A_780 = tpu.vector_load %arg11[%get3A_777, %get3A_778, %get3A_779] {strides = array<i32>} : memref<3x64x384xf32, #tpu.memory_space<vmem>>, vector<16xf32>,
        %mul3A_781 = arith.mulf %gather3A_227, %get3A_780 : vector<16xf32>
        %add3A_782 = arith.addf %add3A_773, %mul3A_781 : vector<16xf32>
        %add3A_783 = arith.constant 48 : i32
        %add3A_784 = arith.addi %add3A_783, %add3A_224 : i32
        %get3A_785 = arith.constant 0 : i32
        %get3A_786 = arith.index_cast %get3A_785 : i32 to index
        %get3A_787 = arith.index_cast %add3A_784 : i32 to index
        %get3A_788 = arith.constant 224 : index
        %get3A_789 = tpu.vector_load %arg11[%get3A_786, %get3A_787, %get3A_788] {strides = array<i32>} : memref<3x64x384xf32, #tpu.memory_space<vmem>>, vector<16xf32>,
        %mul3A_790 = arith.mulf %gather3A_228, %get3A_789 : vector<16xf32>
        %add3A_791 = arith.addf %add3A_782, %mul3A_790 : vector<16xf32>
        %swap3A_792 = arith.constant 0 : i32
        %swap3A_793 = arith.index_cast %swap3A_792 : i32 to index
        %swap3A_794 = arith.index_cast %add3A_224 : i32 to index
        %swap3A_795 = arith.constant 224 : index
        %swap3A_796 = tpu.vector_load %arg12[%swap3A_793, %swap3A_794, %swap3A_795] {strides = array<i32>} : memref<3x16x384xf32, #tpu.memory_space<vmem>>, vector<16xf32>,
        tpu.vector_store %arg12[%swap3A_793, %swap3A_794, %swap3A_795], %add3A_791 {strides = array<i32>} : memref<3x16x384xf32, #tpu.memory_space<vmem>>, vector<16xf32>,
        %get3A_797 = arith.constant 0 : i32
        %get3A_798 = arith.index_cast %get3A_797 : i32 to index
        %get3A_799 = arith.index_cast %add3A_224 : i32 to index
        %get3A_800 = arith.constant 240 : index
        %get3A_801 = tpu.vector_load %arg11[%get3A_798, %get3A_799, %get3A_800] {strides = array<i32>} : memref<3x64x384xf32, #tpu.memory_space<vmem>>, vector<16xf32>,
        %mul3A_802 = arith.mulf %gather3A, %get3A_801 : vector<16xf32>
        %add3A_803 = arith.constant 16 : i32
        %add3A_804 = arith.addi %add3A_803, %add3A_224 : i32
        %get3A_805 = arith.constant 0 : i32
        %get3A_806 = arith.index_cast %get3A_805 : i32 to index
        %get3A_807 = arith.index_cast %add3A_804 : i32 to index
        %get3A_808 = arith.constant 240 : index
        %get3A_809 = tpu.vector_load %arg11[%get3A_806, %get3A_807, %get3A_808] {strides = array<i32>} : memref<3x64x384xf32, #tpu.memory_space<vmem>>, vector<16xf32>,
        %mul3A_810 = arith.mulf %gather3A_226, %get3A_809 : vector<16xf32>
        %add3A_811 = arith.addf %mul3A_802, %mul3A_810 : vector<16xf32>
        %add3A_812 = arith.constant 32 : i32
        %add3A_813 = arith.addi %add3A_812, %add3A_224 : i32
        %get3A_814 = arith.constant 0 : i32
        %get3A_815 = arith.index_cast %get3A_814 : i32 to index
        %get3A_816 = arith.index_cast %add3A_813 : i32 to index
        %get3A_817 = arith.constant 240 : index
        %get3A_818 = tpu.vector_load %arg11[%get3A_815, %get3A_816, %get3A_817] {strides = array<i32>} : memref<3x64x384xf32, #tpu.memory_space<vmem>>, vector<16xf32>,
        %mul3A_819 = arith.mulf %gather3A_227, %get3A_818 : vector<16xf32>
        %add3A_820 = arith.addf %add3A_811, %mul3A_819 : vector<16xf32>
        %add3A_821 = arith.constant 48 : i32
        %add3A_822 = arith.addi %add3A_821, %add3A_224 : i32
        %get3A_823 = arith.constant 0 : i32
        %get3A_824 = arith.index_cast %get3A_823 : i32 to index
        %get3A_825 = arith.index_cast %add3A_822 : i32 to index
        %get3A_826 = arith.constant 240 : index
        %get3A_827 = tpu.vector_load %arg11[%get3A_824, %get3A_825, %get3A_826] {strides = array<i32>} : memref<3x64x384xf32, #tpu.memory_space<vmem>>, vector<16xf32>,
        %mul3A_828 = arith.mulf %gather3A_228, %get3A_827 : vector<16xf32>
        %add3A_829 = arith.addf %add3A_820, %mul3A_828 : vector<16xf32>
        %swap3A_830 = arith.constant 0 : i32
        %swap3A_831 = arith.index_cast %swap3A_830 : i32 to index
        %swap3A_832 = arith.index_cast %add3A_224 : i32 to index
        %swap3A_833 = arith.constant 240 : index
        %swap3A_834 = tpu.vector_load %arg12[%swap3A_831, %swap3A_832, %swap3A_833] {strides = array<i32>} : memref<3x16x384xf32, #tpu.memory_space<vmem>>, vector<16xf32>,
        tpu.vector_store %arg12[%swap3A_831, %swap3A_832, %swap3A_833], %add3A_829 {strides = array<i32>} : memref<3x16x384xf32, #tpu.memory_space<vmem>>, vector<16xf32>,
        %get3A_835 = arith.constant 0 : i32
        %get3A_836 = arith.index_cast %get3A_835 : i32 to index
        %get3A_837 = arith.index_cast %add3A_224 : i32 to index
        %get3A_838 = arith.constant 256 : index
        %get3A_839 = tpu.vector_load %arg11[%get3A_836, %get3A_837, %get3A_838] {strides = array<i32>} : memref<3x64x384xf32, #tpu.memory_space<vmem>>, vector<16xf32>,
        %mul3A_840 = arith.mulf %gather3A, %get3A_839 : vector<16xf32>
        %add3A_841 = arith.constant 16 : i32
        %add3A_842 = arith.addi %add3A_841, %add3A_224 : i32
        %get3A_843 = arith.constant 0 : i32
        %get3A_844 = arith.index_cast %get3A_843 : i32 to index
        %get3A_845 = arith.index_cast %add3A_842 : i32 to index
        %get3A_846 = arith.constant 256 : index
        %get3A_847 = tpu.vector_load %arg11[%get3A_844, %get3A_845, %get3A_846] {strides = array<i32>} : memref<3x64x384xf32, #tpu.memory_space<vmem>>, vector<16xf32>,
        %mul3A_848 = arith.mulf %gather3A_226, %get3A_847 : vector<16xf32>
        %add3A_849 = arith.addf %mul3A_840, %mul3A_848 : vector<16xf32>
        %add3A_850 = arith.constant 32 : i32
        %add3A_851 = arith.addi %add3A_850, %add3A_224 : i32
        %get3A_852 = arith.constant 0 : i32
        %get3A_853 = arith.index_cast %get3A_852 : i32 to index
        %get3A_854 = arith.index_cast %add3A_851 : i32 to index
        %get3A_855 = arith.constant 256 : index
        %get3A_856 = tpu.vector_load %arg11[%get3A_853, %get3A_854, %get3A_855] {strides = array<i32>} : memref<3x64x384xf32, #tpu.memory_space<vmem>>, vector<16xf32>,
        %mul3A_857 = arith.mulf %gather3A_227, %get3A_856 : vector<16xf32>
        %add3A_858 = arith.addf %add3A_849, %mul3A_857 : vector<16xf32>
        %add3A_859 = arith.constant 48 : i32
        %add3A_860 = arith.addi %add3A_859, %add3A_224 : i32
        %get3A_861 = arith.constant 0 : i32
        %get3A_862 = arith.index_cast %get3A_861 : i32 to index
        %get3A_863 = arith.index_cast %add3A_860 : i32 to index
        %get3A_864 = arith.constant 256 : index
        %get3A_865 = tpu.vector_load %arg11[%get3A_862, %get3A_863, %get3A_864] {strides = array<i32>} : memref<3x64x384xf32, #tpu.memory_space<vmem>>, vector<16xf32>,
        %mul3A_866 = arith.mulf %gather3A_228, %get3A_865 : vector<16xf32>
        %add3A_867 = arith.addf %add3A_858, %mul3A_866 : vector<16xf32>
        %swap3A_868 = arith.constant 0 : i32
        %swap3A_869 = arith.index_cast %swap3A_868 : i32 to index
        %swap3A_870 = arith.index_cast %add3A_224 : i32 to index
        %swap3A_871 = arith.constant 256 : index
        %swap3A_872 = tpu.vector_load %arg12[%swap3A_869, %swap3A_870, %swap3A_871] {strides = array<i32>} : memref<3x16x384xf32, #tpu.memory_space<vmem>>, vector<16xf32>,
        tpu.vector_store %arg12[%swap3A_869, %swap3A_870, %swap3A_871], %add3A_867 {strides = array<i32>} : memref<3x16x384xf32, #tpu.memory_space<vmem>>, vector<16xf32>,
        %get3A_873 = arith.constant 0 : i32
        %get3A_874 = arith.index_cast %get3A_873 : i32 to index
        %get3A_875 = arith.index_cast %add3A_224 : i32 to index
        %get3A_876 = arith.constant 272 : index
        %get3A_877 = tpu.vector_load %arg11[%get3A_874, %get3A_875, %get3A_876] {strides = array<i32>} : memref<3x64x384xf32, #tpu.memory_space<vmem>>, vector<16xf32>,
        %mul3A_878 = arith.mulf %gather3A, %get3A_877 : vector<16xf32>
        %add3A_879 = arith.constant 16 : i32
        %add3A_880 = arith.addi %add3A_879, %add3A_224 : i32
        %get3A_881 = arith.constant 0 : i32
        %get3A_882 = arith.index_cast %get3A_881 : i32 to index
        %get3A_883 = arith.index_cast %add3A_880 : i32 to index
        %get3A_884 = arith.constant 272 : index
        %get3A_885 = tpu.vector_load %arg11[%get3A_882, %get3A_883, %get3A_884] {strides = array<i32>} : memref<3x64x384xf32, #tpu.memory_space<vmem>>, vector<16xf32>,
        %mul3A_886 = arith.mulf %gather3A_226, %get3A_885 : vector<16xf32>
        %add3A_887 = arith.addf %mul3A_878, %mul3A_886 : vector<16xf32>
        %add3A_888 = arith.constant 32 : i32
        %add3A_889 = arith.addi %add3A_888, %add3A_224 : i32
        %get3A_890 = arith.constant 0 : i32
        %get3A_891 = arith.index_cast %get3A_890 : i32 to index
        %get3A_892 = arith.index_cast %add3A_889 : i32 to index
        %get3A_893 = arith.constant 272 : index
        %get3A_894 = tpu.vector_load %arg11[%get3A_891, %get3A_892, %get3A_893] {strides = array<i32>} : memref<3x64x384xf32, #tpu.memory_space<vmem>>, vector<16xf32>,
        %mul3A_895 = arith.mulf %gather3A_227, %get3A_894 : vector<16xf32>
        %add3A_896 = arith.addf %add3A_887, %mul3A_895 : vector<16xf32>
        %add3A_897 = arith.constant 48 : i32
        %add3A_898 = arith.addi %add3A_897, %add3A_224 : i32
        %get3A_899 = arith.constant 0 : i32
        %get3A_900 = arith.index_cast %get3A_899 : i32 to index
        %get3A_901 = arith.index_cast %add3A_898 : i32 to index
        %get3A_902 = arith.constant 272 : index
        %get3A_903 = tpu.vector_load %arg11[%get3A_900, %get3A_901, %get3A_902] {strides = array<i32>} : memref<3x64x384xf32, #tpu.memory_space<vmem>>, vector<16xf32>,
        %mul3A_904 = arith.mulf %gather3A_228, %get3A_903 : vector<16xf32>
        %add3A_905 = arith.addf %add3A_896, %mul3A_904 : vector<16xf32>
        %swap3A_906 = arith.constant 0 : i32
        %swap3A_907 = arith.index_cast %swap3A_906 : i32 to index
        %swap3A_908 = arith.index_cast %add3A_224 : i32 to index
        %swap3A_909 = arith.constant 272 : index
        %swap3A_910 = tpu.vector_load %arg12[%swap3A_907, %swap3A_908, %swap3A_909] {strides = array<i32>} : memref<3x16x384xf32, #tpu.memory_space<vmem>>, vector<16xf32>,
        tpu.vector_store %arg12[%swap3A_907, %swap3A_908, %swap3A_909], %add3A_905 {strides = array<i32>} : memref<3x16x384xf32, #tpu.memory_space<vmem>>, vector<16xf32>,
        %get3A_911 = arith.constant 0 : i32
        %get3A_912 = arith.index_cast %get3A_911 : i32 to index
        %get3A_913 = arith.index_cast %add3A_224 : i32 to index
        %get3A_914 = arith.constant 288 : index
        %get3A_915 = tpu.vector_load %arg11[%get3A_912, %get3A_913, %get3A_914] {strides = array<i32>} : memref<3x64x384xf32, #tpu.memory_space<vmem>>, vector<16xf32>,
        %mul3A_916 = arith.mulf %gather3A, %get3A_915 : vector<16xf32>
        %add3A_917 = arith.constant 16 : i32
        %add3A_918 = arith.addi %add3A_917, %add3A_224 : i32
        %get3A_919 = arith.constant 0 : i32
        %get3A_920 = arith.index_cast %get3A_919 : i32 to index
        %get3A_921 = arith.index_cast %add3A_918 : i32 to index
        %get3A_922 = arith.constant 288 : index
        %get3A_923 = tpu.vector_load %arg11[%get3A_920, %get3A_921, %get3A_922] {strides = array<i32>} : memref<3x64x384xf32, #tpu.memory_space<vmem>>, vector<16xf32>,
        %mul3A_924 = arith.mulf %gather3A_226, %get3A_923 : vector<16xf32>
        %add3A_925 = arith.addf %mul3A_916, %mul3A_924 : vector<16xf32>
        %add3A_926 = arith.constant 32 : i32
        %add3A_927 = arith.addi %add3A_926, %add3A_224 : i32
        %get3A_928 = arith.constant 0 : i32
        %get3A_929 = arith.index_cast %get3A_928 : i32 to index
        %get3A_930 = arith.index_cast %add3A_927 : i32 to index
        %get3A_931 = arith.constant 288 : index
        %get3A_932 = tpu.vector_load %arg11[%get3A_929, %get3A_930, %get3A_931] {strides = array<i32>} : memref<3x64x384xf32, #tpu.memory_space<vmem>>, vector<16xf32>,
        %mul3A_933 = arith.mulf %gather3A_227, %get3A_932 : vector<16xf32>
        %add3A_934 = arith.addf %add3A_925, %mul3A_933 : vector<16xf32>
        %add3A_935 = arith.constant 48 : i32
        %add3A_936 = arith.addi %add3A_935, %add3A_224 : i32
        %get3A_937 = arith.constant 0 : i32
        %get3A_938 = arith.index_cast %get3A_937 : i32 to index
        %get3A_939 = arith.index_cast %add3A_936 : i32 to index
        %get3A_940 = arith.constant 288 : index
        %get3A_941 = tpu.vector_load %arg11[%get3A_938, %get3A_939, %get3A_940] {strides = array<i32>} : memref<3x64x384xf32, #tpu.memory_space<vmem>>, vector<16xf32>,
        %mul3A_942 = arith.mulf %gather3A_228, %get3A_941 : vector<16xf32>
        %add3A_943 = arith.addf %add3A_934, %mul3A_942 : vector<16xf32>
        %swap3A_944 = arith.constant 0 : i32
        %swap3A_945 = arith.index_cast %swap3A_944 : i32 to index
        %swap3A_946 = arith.index_cast %add3A_224 : i32 to index
        %swap3A_947 = arith.constant 288 : index
        %swap3A_948 = tpu.vector_load %arg12[%swap3A_945, %swap3A_946, %swap3A_947] {strides = array<i32>} : memref<3x16x384xf32, #tpu.memory_space<vmem>>, vector<16xf32>,
        tpu.vector_store %arg12[%swap3A_945, %swap3A_946, %swap3A_947], %add3A_943 {strides = array<i32>} : memref<3x16x384xf32, #tpu.memory_space<vmem>>, vector<16xf32>,
        %get3A_949 = arith.constant 0 : i32
        %get3A_950 = arith.index_cast %get3A_949 : i32 to index
        %get3A_951 = arith.index_cast %add3A_224 : i32 to index
        %get3A_952 = arith.constant 304 : index
        %get3A_953 = tpu.vector_load %arg11[%get3A_950, %get3A_951, %get3A_952] {strides = array<i32>} : memref<3x64x384xf32, #tpu.memory_space<vmem>>, vector<16xf32>,
        %mul3A_954 = arith.mulf %gather3A, %get3A_953 : vector<16xf32>
        %add3A_955 = arith.constant 16 : i32
        %add3A_956 = arith.addi %add3A_955, %add3A_224 : i32
        %get3A_957 = arith.constant 0 : i32
        %get3A_958 = arith.index_cast %get3A_957 : i32 to index
        %get3A_959 = arith.index_cast %add3A_956 : i32 to index
        %get3A_960 = arith.constant 304 : index
        %get3A_961 = tpu.vector_load %arg11[%get3A_958, %get3A_959, %get3A_960] {strides = array<i32>} : memref<3x64x384xf32, #tpu.memory_space<vmem>>, vector<16xf32>,
        %mul3A_962 = arith.mulf %gather3A_226, %get3A_961 : vector<16xf32>
        %add3A_963 = arith.addf %mul3A_954, %mul3A_962 : vector<16xf32>
        %add3A_964 = arith.constant 32 : i32
        %add3A_965 = arith.addi %add3A_964, %add3A_224 : i32
        %get3A_966 = arith.constant 0 : i32
        %get3A_967 = arith.index_cast %get3A_966 : i32 to index
        %get3A_968 = arith.index_cast %add3A_965 : i32 to index
        %get3A_969 = arith.constant 304 : index
        %get3A_970 = tpu.vector_load %arg11[%get3A_967, %get3A_968, %get3A_969] {strides = array<i32>} : memref<3x64x384xf32, #tpu.memory_space<vmem>>, vector<16xf32>,
        %mul3A_971 = arith.mulf %gather3A_227, %get3A_970 : vector<16xf32>
        %add3A_972 = arith.addf %add3A_963, %mul3A_971 : vector<16xf32>
        %add3A_973 = arith.constant 48 : i32
        %add3A_974 = arith.addi %add3A_973, %add3A_224 : i32
        %get3A_975 = arith.constant 0 : i32
        %get3A_976 = arith.index_cast %get3A_975 : i32 to index
        %get3A_977 = arith.index_cast %add3A_974 : i32 to index
        %get3A_978 = arith.constant 304 : index
        %get3A_979 = tpu.vector_load %arg11[%get3A_976, %get3A_977, %get3A_978] {strides = array<i32>} : memref<3x64x384xf32, #tpu.memory_space<vmem>>, vector<16xf32>,
        %mul3A_980 = arith.mulf %gather3A_228, %get3A_979 : vector<16xf32>
        %add3A_981 = arith.addf %add3A_972, %mul3A_980 : vector<16xf32>
        %swap3A_982 = arith.constant 0 : i32
        %swap3A_983 = arith.index_cast %swap3A_982 : i32 to index
        %swap3A_984 = arith.index_cast %add3A_224 : i32 to index
        %swap3A_985 = arith.constant 304 : index
        %swap3A_986 = tpu.vector_load %arg12[%swap3A_983, %swap3A_984, %swap3A_985] {strides = array<i32>} : memref<3x16x384xf32, #tpu.memory_space<vmem>>, vector<16xf32>,
        tpu.vector_store %arg12[%swap3A_983, %swap3A_984, %swap3A_985], %add3A_981 {strides = array<i32>} : memref<3x16x384xf32, #tpu.memory_space<vmem>>, vector<16xf32>,
        %get3A_987 = arith.constant 0 : i32
        %get3A_988 = arith.index_cast %get3A_987 : i32 to index
        %get3A_989 = arith.index_cast %add3A_224 : i32 to index
        %get3A_990 = arith.constant 320 : index
        %get3A_991 = tpu.vector_load %arg11[%get3A_988, %get3A_989, %get3A_990] {strides = array<i32>} : memref<3x64x384xf32, #tpu.memory_space<vmem>>, vector<16xf32>,
        %mul3A_992 = arith.mulf %gather3A, %get3A_991 : vector<16xf32>
        %add3A_993 = arith.constant 16 : i32
        %add3A_994 = arith.addi %add3A_993, %add3A_224 : i32
        %get3A_995 = arith.constant 0 : i32
        %get3A_996 = arith.index_cast %get3A_995 : i32 to index
        %get3A_997 = arith.index_cast %add3A_994 : i32 to index
        %get3A_998 = arith.constant 320 : index
        %get3A_999 = tpu.vector_load %arg11[%get3A_996, %get3A_997, %get3A_998] {strides = array<i32>} : memref<3x64x384xf32, #tpu.memory_space<vmem>>, vector<16xf32>,
        %mul3A_1000 = arith.mulf %gather3A_226, %get3A_999 : vector<16xf32>
        %add3A_1001 = arith.addf %mul3A_992, %mul3A_1000 : vector<16xf32>
        %add3A_1002 = arith.constant 32 : i32
        %add3A_1003 = arith.addi %add3A_1002, %add3A_224 : i32
        %get3A_1004 = arith.constant 0 : i32
        %get3A_1005 = arith.index_cast %get3A_1004 : i32 to index
        %get3A_1006 = arith.index_cast %add3A_1003 : i32 to index
        %get3A_1007 = arith.constant 320 : index
        %get3A_1008 = tpu.vector_load %arg11[%get3A_1005, %get3A_1006, %get3A_1007] {strides = array<i32>} : memref<3x64x384xf32, #tpu.memory_space<vmem>>, vector<16xf32>,
        %mul3A_1009 = arith.mulf %gather3A_227, %get3A_1008 : vector<16xf32>
        %add3A_1010 = arith.addf %add3A_1001, %mul3A_1009 : vector<16xf32>
        %add3A_1011 = arith.constant 48 : i32
        %add3A_1012 = arith.addi %add3A_1011, %add3A_224 : i32
        %get3A_1013 = arith.constant 0 : i32
        %get3A_1014 = arith.index_cast %get3A_1013 : i32 to index
        %get3A_1015 = arith.index_cast %add3A_1012 : i32 to index
        %get3A_1016 = arith.constant 320 : index
        %get3A_1017 = tpu.vector_load %arg11[%get3A_1014, %get3A_1015, %get3A_1016] {strides = array<i32>} : memref<3x64x384xf32, #tpu.memory_space<vmem>>, vector<16xf32>,
        %mul3A_1018 = arith.mulf %gather3A_228, %get3A_1017 : vector<16xf32>
        %add3A_1019 = arith.addf %add3A_1010, %mul3A_1018 : vector<16xf32>
        %swap3A_1020 = arith.constant 0 : i32
        %swap3A_1021 = arith.index_cast %swap3A_1020 : i32 to index
        %swap3A_1022 = arith.index_cast %add3A_224 : i32 to index
        %swap3A_1023 = arith.constant 320 : index
        %swap3A_1024 = tpu.vector_load %arg12[%swap3A_1021, %swap3A_1022, %swap3A_1023] {strides = array<i32>} : memref<3x16x384xf32, #tpu.memory_space<vmem>>, vector<16xf32>,
        tpu.vector_store %arg12[%swap3A_1021, %swap3A_1022, %swap3A_1023], %add3A_1019 {strides = array<i32>} : memref<3x16x384xf32, #tpu.memory_space<vmem>>, vector<16xf32>,
        %get3A_1025 = arith.constant 0 : i32
        %get3A_1026 = arith.index_cast %get3A_1025 : i32 to index
        %get3A_1027 = arith.index_cast %add3A_224 : i32 to index
        %get3A_1028 = arith.constant 336 : index
        %get3A_1029 = tpu.vector_load %arg11[%get3A_1026, %get3A_1027, %get3A_1028] {strides = array<i32>} : memref<3x64x384xf32, #tpu.memory_space<vmem>>, vector<16xf32>,
        %mul3A_1030 = arith.mulf %gather3A, %get3A_1029 : vector<16xf32>
        %add3A_1031 = arith.constant 16 : i32
        %add3A_1032 = arith.addi %add3A_1031, %add3A_224 : i32
        %get3A_1033 = arith.constant 0 : i32
        %get3A_1034 = arith.index_cast %get3A_1033 : i32 to index
        %get3A_1035 = arith.index_cast %add3A_1032 : i32 to index
        %get3A_1036 = arith.constant 336 : index
        %get3A_1037 = tpu.vector_load %arg11[%get3A_1034, %get3A_1035, %get3A_1036] {strides = array<i32>} : memref<3x64x384xf32, #tpu.memory_space<vmem>>, vector<16xf32>,
        %mul3A_1038 = arith.mulf %gather3A_226, %get3A_1037 : vector<16xf32>
        %add3A_1039 = arith.addf %mul3A_1030, %mul3A_1038 : vector<16xf32>
        %add3A_1040 = arith.constant 32 : i32
        %add3A_1041 = arith.addi %add3A_1040, %add3A_224 : i32
        %get3A_1042 = arith.constant 0 : i32
        %get3A_1043 = arith.index_cast %get3A_1042 : i32 to index
        %get3A_1044 = arith.index_cast %add3A_1041 : i32 to index
        %get3A_1045 = arith.constant 336 : index
        %get3A_1046 = tpu.vector_load %arg11[%get3A_1043, %get3A_1044, %get3A_1045] {strides = array<i32>} : memref<3x64x384xf32, #tpu.memory_space<vmem>>, vector<16xf32>,
        %mul3A_1047 = arith.mulf %gather3A_227, %get3A_1046 : vector<16xf32>
        %add3A_1048 = arith.addf %add3A_1039, %mul3A_1047 : vector<16xf32>
        %add3A_1049 = arith.constant 48 : i32
        %add3A_1050 = arith.addi %add3A_1049, %add3A_224 : i32
        %get3A_1051 = arith.constant 0 : i32
        %get3A_1052 = arith.index_cast %get3A_1051 : i32 to index
        %get3A_1053 = arith.index_cast %add3A_1050 : i32 to index
        %get3A_1054 = arith.constant 336 : index
        %get3A_1055 = tpu.vector_load %arg11[%get3A_1052, %get3A_1053, %get3A_1054] {strides = array<i32>} : memref<3x64x384xf32, #tpu.memory_space<vmem>>, vector<16xf32>,
        %mul3A_1056 = arith.mulf %gather3A_228, %get3A_1055 : vector<16xf32>
        %add3A_1057 = arith.addf %add3A_1048, %mul3A_1056 : vector<16xf32>
        %swap3A_1058 = arith.constant 0 : i32
        %swap3A_1059 = arith.index_cast %swap3A_1058 : i32 to index
        %swap3A_1060 = arith.index_cast %add3A_224 : i32 to index
        %swap3A_1061 = arith.constant 336 : index
        %swap3A_1062 = tpu.vector_load %arg12[%swap3A_1059, %swap3A_1060, %swap3A_1061] {strides = array<i32>} : memref<3x16x384xf32, #tpu.memory_space<vmem>>, vector<16xf32>,
        tpu.vector_store %arg12[%swap3A_1059, %swap3A_1060, %swap3A_1061], %add3A_1057 {strides = array<i32>} : memref<3x16x384xf32, #tpu.memory_space<vmem>>, vector<16xf32>,
        %get3A_1063 = arith.constant 0 : i32
        %get3A_1064 = arith.index_cast %get3A_1063 : i32 to index
        %get3A_1065 = arith.index_cast %add3A_224 : i32 to index
        %get3A_1066 = arith.constant 352 : index
        %get3A_1067 = tpu.vector_load %arg11[%get3A_1064, %get3A_1065, %get3A_1066] {strides = array<i32>} : memref<3x64x384xf32, #tpu.memory_space<vmem>>, vector<16xf32>,
        %mul3A_1068 = arith.mulf %gather3A, %get3A_1067 : vector<16xf32>
        %add3A_1069 = arith.constant 16 : i32
        %add3A_1070 = arith.addi %add3A_1069, %add3A_224 : i32
        %get3A_1071 = arith.constant 0 : i32
        %get3A_1072 = arith.index_cast %get3A_1071 : i32 to index
        %get3A_1073 = arith.index_cast %add3A_1070 : i32 to index
        %get3A_1074 = arith.constant 352 : index
        %get3A_1075 = tpu.vector_load %arg11[%get3A_1072, %get3A_1073, %get3A_1074] {strides = array<i32>} : memref<3x64x384xf32, #tpu.memory_space<vmem>>, vector<16xf32>,
        %mul3A_1076 = arith.mulf %gather3A_226, %get3A_1075 : vector<16xf32>
        %add3A_1077 = arith.addf %mul3A_1068, %mul3A_1076 : vector<16xf32>
        %add3A_1078 = arith.constant 32 : i32
        %add3A_1079 = arith.addi %add3A_1078, %add3A_224 : i32
        %get3A_1080 = arith.constant 0 : i32
        %get3A_1081 = arith.index_cast %get3A_1080 : i32 to index
        %get3A_1082 = arith.index_cast %add3A_1079 : i32 to index
        %get3A_1083 = arith.constant 352 : index
        %get3A_1084 = tpu.vector_load %arg11[%get3A_1081, %get3A_1082, %get3A_1083] {strides = array<i32>} : memref<3x64x384xf32, #tpu.memory_space<vmem>>, vector<16xf32>,
        %mul3A_1085 = arith.mulf %gather3A_227, %get3A_1084 : vector<16xf32>
        %add3A_1086 = arith.addf %add3A_1077, %mul3A_1085 : vector<16xf32>
        %add3A_1087 = arith.constant 48 : i32
        %add3A_1088 = arith.addi %add3A_1087, %add3A_224 : i32
        %get3A_1089 = arith.constant 0 : i32
        %get3A_1090 = arith.index_cast %get3A_1089 : i32 to index
        %get3A_1091 = arith.index_cast %add3A_1088 : i32 to index
        %get3A_1092 = arith.constant 352 : index
        %get3A_1093 = tpu.vector_load %arg11[%get3A_1090, %get3A_1091, %get3A_1092] {strides = array<i32>} : memref<3x64x384xf32, #tpu.memory_space<vmem>>, vector<16xf32>,
        %mul3A_1094 = arith.mulf %gather3A_228, %get3A_1093 : vector<16xf32>
        %add3A_1095 = arith.addf %add3A_1086, %mul3A_1094 : vector<16xf32>
        %swap3A_1096 = arith.constant 0 : i32
        %swap3A_1097 = arith.index_cast %swap3A_1096 : i32 to index
        %swap3A_1098 = arith.index_cast %add3A_224 : i32 to index
        %swap3A_1099 = arith.constant 352 : index
        %swap3A_1100 = tpu.vector_load %arg12[%swap3A_1097, %swap3A_1098, %swap3A_1099] {strides = array<i32>} : memref<3x16x384xf32, #tpu.memory_space<vmem>>, vector<16xf32>,
        tpu.vector_store %arg12[%swap3A_1097, %swap3A_1098, %swap3A_1099], %add3A_1095 {strides = array<i32>} : memref<3x16x384xf32, #tpu.memory_space<vmem>>, vector<16xf32>,
        %get3A_1101 = arith.constant 0 : i32
        %get3A_1102 = arith.index_cast %get3A_1101 : i32 to index
        %get3A_1103 = arith.index_cast %add3A_224 : i32 to index
        %get3A_1104 = arith.constant 368 : index
        %get3A_1105 = tpu.vector_load %arg11[%get3A_1102, %get3A_1103, %get3A_1104] {strides = array<i32>} : memref<3x64x384xf32, #tpu.memory_space<vmem>>, vector<16xf32>,
        %mul3A_1106 = arith.mulf %gather3A, %get3A_1105 : vector<16xf32>
        %add3A_1107 = arith.constant 16 : i32
        %add3A_1108 = arith.addi %add3A_1107, %add3A_224 : i32
        %get3A_1109 = arith.constant 0 : i32
        %get3A_1110 = arith.index_cast %get3A_1109 : i32 to index
        %get3A_1111 = arith.index_cast %add3A_1108 : i32 to index
        %get3A_1112 = arith.constant 368 : index
        %get3A_1113 = tpu.vector_load %arg11[%get3A_1110, %get3A_1111, %get3A_1112] {strides = array<i32>} : memref<3x64x384xf32, #tpu.memory_space<vmem>>, vector<16xf32>,
        %mul3A_1114 = arith.mulf %gather3A_226, %get3A_1113 : vector<16xf32>
        %add3A_1115 = arith.addf %mul3A_1106, %mul3A_1114 : vector<16xf32>
        %add3A_1116 = arith.constant 32 : i32
        %add3A_1117 = arith.addi %add3A_1116, %add3A_224 : i32
        %get3A_1118 = arith.constant 0 : i32
        %get3A_1119 = arith.index_cast %get3A_1118 : i32 to index
        %get3A_1120 = arith.index_cast %add3A_1117 : i32 to index
        %get3A_1121 = arith.constant 368 : index
        %get3A_1122 = tpu.vector_load %arg11[%get3A_1119, %get3A_1120, %get3A_1121] {strides = array<i32>} : memref<3x64x384xf32, #tpu.memory_space<vmem>>, vector<16xf32>,
        %mul3A_1123 = arith.mulf %gather3A_227, %get3A_1122 : vector<16xf32>
        %add3A_1124 = arith.addf %add3A_1115, %mul3A_1123 : vector<16xf32>
        %add3A_1125 = arith.constant 48 : i32
        %add3A_1126 = arith.addi %add3A_1125, %add3A_224 : i32
        %get3A_1127 = arith.constant 0 : i32
        %get3A_1128 = arith.index_cast %get3A_1127 : i32 to index
        %get3A_1129 = arith.index_cast %add3A_1126 : i32 to index
        %get3A_1130 = arith.constant 368 : index
        %get3A_1131 = tpu.vector_load %arg11[%get3A_1128, %get3A_1129, %get3A_1130] {strides = array<i32>} : memref<3x64x384xf32, #tpu.memory_space<vmem>>, vector<16xf32>,
        %mul3A_1132 = arith.mulf %gather3A_228, %get3A_1131 : vector<16xf32>
        %add3A_1133 = arith.addf %add3A_1124, %mul3A_1132 : vector<16xf32>
        %swap3A_1134 = arith.constant 0 : i32
        %swap3A_1135 = arith.index_cast %swap3A_1134 : i32 to index
        %swap3A_1136 = arith.index_cast %add3A_224 : i32 to index
        %swap3A_1137 = arith.constant 368 : index
        %swap3A_1138 = tpu.vector_load %arg12[%swap3A_1135, %swap3A_1136, %swap3A_1137] {strides = array<i32>} : memref<3x16x384xf32, #tpu.memory_space<vmem>>, vector<16xf32>,
        tpu.vector_store %arg12[%swap3A_1135, %swap3A_1136, %swap3A_1137], %add3A_1133 {strides = array<i32>} : memref<3x16x384xf32, #tpu.memory_space<vmem>>, vector<16xf32>,
      }
      %scan3A_103 = arith.constant 16 : i32
      %mul3A_104 = arith.constant 16 : i32
      %mul3A_105 = arith.muli %add3A_75, %mul3A_104 : i32
      %add3A_106 = arith.addi %mul3A_2, %mul3A_105 : i32
      %dma_start3A_107 = arith.constant 0 : i32
      %dma_start3A_108 = arith.constant 0 : i32
      %dma_start3A_109 = arith.constant 0 : i32
      %dma_start3A_110 = tpu.memref_slice %arg12[%dma_start3A_107, %dma_start3A_108, %dma_start3A_109] : memref<3x16x384xf32, #tpu.memory_space<vmem>> -> memref<1x16x384xf32, #tpu.memory_space<vmem>>
      %dma_start3A_111 = tpu.memref_squeeze %dma_start3A_110 : memref<1x16x384xf32, #tpu.memory_space<vmem>> -> memref<16x384xf32, #tpu.memory_space<vmem>>
      %dma_start3A_112 = arith.constant 0 : i32
      %dma_start3A_113 = tpu.memref_slice %arg5[%add3A_106, %dma_start3A_112] : memref<147456x384xf32, #tpu.memory_space<hbm>> -> memref<16x384xf32, #tpu.memory_space<hbm>>
      %dma_start3A_114 = arith.constant 0 : i32
      %dma_start3A_115 = tpu.memref_slice %arg5[%add3A_106, %dma_start3A_114] : memref<147456x384xf32, #tpu.memory_space<hbm>> -> memref<16x384xf32, #tpu.memory_space<hbm>>
      %dma_start3A_116 = arith.constant 0 : i32
      %dma_start3A_117 = arith.constant 0 : i32
      %dma_start3A_118 = tpu.memref_slice %arg12[%dma_start3A_107, %dma_start3A_116, %dma_start3A_117] : memref<3x16x384xf32, #tpu.memory_space<vmem>> -> memref<1x16x384xf32, #tpu.memory_space<vmem>>
      %dma_start3A_119 = tpu.memref_squeeze %dma_start3A_118 : memref<1x16x384xf32, #tpu.memory_space<vmem>> -> memref<16x384xf32, #tpu.memory_space<vmem>>
      tpu.enqueue_dma source(%dma_start3A_119 : memref<16x384xf32, #tpu.memory_space<vmem>>) target(%dma_start3A_115 : memref<16x384xf32, #tpu.memory_space<hbm>>) target_semaphore(%arg16 : memref<!tpu.dma_semaphore, #tpu.memory_space<semaphore_mem>>)
      %add3A_120 = arith.constant 1 : i32
      %add3A_121 = arith.addi %add3A_73, %add3A_120 : i32
      %add3A_122 = arith.constant 2 : i32
      %add3A_123 = arith.addi %add3A_121, %add3A_122 : i32
      %lt3A_124 = arith.constant 288 : i32
      %lt3A_125 = arith.cmpi slt, %add3A_123, %lt3A_124 : i32
      %convert_element_type3A_126 = arith.extui %lt3A_125 : i1 to i32
      %cond3A_127 = arith.constant 0 : i32
      %cond3A_128 = arith.cmpi ne, %convert_element_type3A_126, %cond3A_127 : i32
      scf.if %cond3A_128 {
        %add3A_220 = arith.constant 2 : i32
        %add3A_221 = arith.addi %add3A_121, %add3A_220 : i32
        %mul3A_222 = arith.constant 4 : i32
        %mul3A_223 = arith.muli %add3A_221, %mul3A_222 : i32
        %mul3A_224 = arith.constant 16 : i32
        %mul3A_225 = arith.muli %mul3A_223, %mul3A_224 : i32
        %dma_start3A_226 = arith.constant 0 : i32
        %dma_start3A_227 = arith.constant 0 : i32
        %dma_start3A_228 = arith.constant 0 : i32
        %dma_start3A_229 = tpu.memref_slice %arg11[%dma_start3A_226, %dma_start3A_227, %dma_start3A_228] : memref<3x64x384xf32, #tpu.memory_space<vmem>> -> memref<1x64x384xf32, #tpu.memory_space<vmem>>
        %dma_start3A_230 = tpu.memref_squeeze %dma_start3A_229 : memref<1x64x384xf32, #tpu.memory_space<vmem>> -> memref<64x384xf32, #tpu.memory_space<vmem>>
        %dma_start3A_231 = tpu.memref_slice %arg6[%mul3A_225] : memref<18432xi32, #tpu.memory_space<vmem>> -> memref<64xi32, #tpu.memory_space<vmem>>
        %dma_start3A_232 = arith.constant 0 : i32
        %dma_start3A_233 = arith.constant 0 : i32
        %dma_start3A_234 = tpu.memref_slice %arg2[%dma_start3A_232, %dma_start3A_233] : memref<147456x384xf32, #tpu.memory_space<hbm>> -> memref<147456x384xf32, #tpu.memory_space<hbm>>
        tpu.enqueue_indirect_dma source(%dma_start3A_234 : memref<147456x384xf32, #tpu.memory_space<hbm>>) target(%dma_start3A_230 : memref<64x384xf32, #tpu.memory_space<vmem>>) offsets(%dma_start3A_231 : memref<64xi32, #tpu.memory_space<vmem>>) semaphore(%arg13 : memref<!tpu.dma_semaphore, #tpu.memory_space<semaphore_mem>>)
      } else {
      }
      %mul3A_129 = arith.constant 4 : i32
      %mul3A_130 = arith.muli %add3A_121, %mul3A_129 : i32
      %mul3A_131 = arith.constant 16 : i32
      %mul3A_132 = arith.muli %mul3A_130, %mul3A_131 : i32
      %dma_wait3A_133 = arith.constant 1 : i32
      %dma_wait3A_134 = arith.constant 0 : i32
      %dma_wait3A_135 = arith.constant 0 : i32
      %dma_wait3A_136 = tpu.memref_slice %arg11[%dma_wait3A_133, %dma_wait3A_134, %dma_wait3A_135] : memref<3x64x384xf32, #tpu.memory_space<vmem>> -> memref<1x64x384xf32, #tpu.memory_space<vmem>>
      %dma_wait3A_137 = tpu.memref_squeeze %dma_wait3A_136 : memref<1x64x384xf32, #tpu.memory_space<vmem>> -> memref<64x384xf32, #tpu.memory_space<vmem>>
      %dma_wait3A_138 = tpu.memref_slice %arg6[%mul3A_132] : memref<18432xi32, #tpu.memory_space<vmem>> -> memref<64xi32, #tpu.memory_space<vmem>>
      %dma_wait3A_139 = arith.constant 0 : i32
      %dma_wait3A_140 = arith.constant 0 : i32
      %dma_wait3A_141 = tpu.memref_slice %arg2[%dma_wait3A_139, %dma_wait3A_140] : memref<147456x384xf32, #tpu.memory_space<hbm>> -> memref<147456x384xf32, #tpu.memory_space<hbm>>
      tpu.wait_indirect_dma semaphore(%arg14 : memref<!tpu.dma_semaphore, #tpu.memory_space<semaphore_mem>>) src(%dma_wait3A_141 : memref<147456x384xf32, #tpu.memory_space<hbm>>) dst(%dma_wait3A_137 : memref<64x384xf32, #tpu.memory_space<vmem>>)
      %ge3A_142 = arith.constant 3 : i32
      %ge3A_143 = arith.cmpi sge, %add3A_121, %ge3A_142 : i32
      %convert_element_type3A_144 = arith.extui %ge3A_143 : i1 to i32
      %cond3A_145 = arith.constant 0 : i32
      %cond3A_146 = arith.cmpi ne, %convert_element_type3A_144, %cond3A_145 : i32
      scf.if %cond3A_146 {
        %dma_wait3A_220 = arith.constant 1 : i32
        %dma_wait3A_221 = arith.constant 0 : i32
        %dma_wait3A_222 = arith.constant 0 : i32
        %dma_wait3A_223 = tpu.memref_slice %arg12[%dma_wait3A_220, %dma_wait3A_221, %dma_wait3A_222] : memref<3x16x384xf32, #tpu.memory_space<vmem>> -> memref<1x16x384xf32, #tpu.memory_space<vmem>>
        %dma_wait3A_224 = tpu.memref_squeeze %dma_wait3A_223 : memref<1x16x384xf32, #tpu.memory_space<vmem>> -> memref<16x384xf32, #tpu.memory_space<vmem>>
        %dma_wait3A_225 = arith.constant 0 : i32
        %dma_wait3A_226 = tpu.memref_slice %arg5[%mul3A_2, %dma_wait3A_225] : memref<147456x384xf32, #tpu.memory_space<hbm>> -> memref<16x384xf32, #tpu.memory_space<hbm>>
        %dma_wait3A_227 = arith.constant 0 : i32
        %dma_wait3A_228 = tpu.memref_slice %arg5[%mul3A_2, %dma_wait3A_227] : memref<147456x384xf32, #tpu.memory_space<hbm>> -> memref<16x384xf32, #tpu.memory_space<hbm>>
        %dma_wait3A_229 = arith.constant 0 : i32
        %dma_wait3A_230 = arith.constant 0 : i32
        %dma_wait3A_231 = tpu.memref_slice %arg12[%dma_wait3A_220, %dma_wait3A_229, %dma_wait3A_230] : memref<3x16x384xf32, #tpu.memory_space<vmem>> -> memref<1x16x384xf32, #tpu.memory_space<vmem>>
        %dma_wait3A_232 = tpu.memref_squeeze %dma_wait3A_231 : memref<1x16x384xf32, #tpu.memory_space<vmem>> -> memref<16x384xf32, #tpu.memory_space<vmem>>
        tpu.wait_dma2 semaphore(%arg17 : memref<!tpu.dma_semaphore, #tpu.memory_space<semaphore_mem>>) src(%dma_wait3A_232 : memref<16x384xf32, #tpu.memory_space<vmem>>) dst(%dma_wait3A_228 : memref<16x384xf32, #tpu.memory_space<hbm>>)
      } else {
      }
      %mul3A_147 = arith.constant 16 : i32
      %mul3A_148 = arith.muli %add3A_121, %mul3A_147 : i32
      %scan3A_149 = arith.constant 0 : i32
      %scan3A_150 = arith.constant 16 : i32
      %scan3A_151 = arith.addi %scan3A_149, %scan3A_150 : i32
      %scan3A_152 = arith.constant 1 : i32
      scf.for %scan3A_220 = %scan3A_149 to %scan3A_151 step %scan3A_152  : i32 {
        %mul3A_221 = arith.constant 1 : i32
        %mul3A_222 = arith.muli %scan3A_220, %mul3A_221 : i32
        %add3A_223 = arith.constant 0 : i32
        %add3A_224 = arith.addi %add3A_223, %mul3A_222 : i32
        %add3A_225 = arith.addi %mul3A_148, %add3A_224 : i32
        %broadcast_in_dim3A = vector.broadcast %add3A_225 : i32 to vector<16xi32>
        %gather3A = tpu.vector_load_idx %arg7[%broadcast_in_dim3A] : memref<4608xf32, #tpu.memory_space<vmem>>[vector<16xi32>], vector<16xf32>,
        %gather3A_226 = tpu.vector_load_idx %arg8[%broadcast_in_dim3A] : memref<4608xf32, #tpu.memory_space<vmem>>[vector<16xi32>], vector<16xf32>,
        %gather3A_227 = tpu.vector_load_idx %arg9[%broadcast_in_dim3A] : memref<4608xf32, #tpu.memory_space<vmem>>[vector<16xi32>], vector<16xf32>,
        %gather3A_228 = tpu.vector_load_idx %arg10[%broadcast_in_dim3A] : memref<4608xf32, #tpu.memory_space<vmem>>[vector<16xi32>], vector<16xf32>,
        %get3A = arith.constant 1 : i32
        %get3A_229 = arith.index_cast %get3A : i32 to index
        %get3A_230 = arith.index_cast %add3A_224 : i32 to index
        %get3A_231 = arith.constant 0 : index
        %get3A_232 = tpu.vector_load %arg11[%get3A_229, %get3A_230, %get3A_231] {strides = array<i32>} : memref<3x64x384xf32, #tpu.memory_space<vmem>>, vector<16xf32>,
        %mul3A_233 = arith.mulf %gather3A, %get3A_232 : vector<16xf32>
        %add3A_234 = arith.constant 16 : i32
        %add3A_235 = arith.addi %add3A_234, %add3A_224 : i32
        %get3A_236 = arith.constant 1 : i32
        %get3A_237 = arith.index_cast %get3A_236 : i32 to index
        %get3A_238 = arith.index_cast %add3A_235 : i32 to index
        %get3A_239 = arith.constant 0 : index
        %get3A_240 = tpu.vector_load %arg11[%get3A_237, %get3A_238, %get3A_239] {strides = array<i32>} : memref<3x64x384xf32, #tpu.memory_space<vmem>>, vector<16xf32>,
        %mul3A_241 = arith.mulf %gather3A_226, %get3A_240 : vector<16xf32>
        %add3A_242 = arith.addf %mul3A_233, %mul3A_241 : vector<16xf32>
        %add3A_243 = arith.constant 32 : i32
        %add3A_244 = arith.addi %add3A_243, %add3A_224 : i32
        %get3A_245 = arith.constant 1 : i32
        %get3A_246 = arith.index_cast %get3A_245 : i32 to index
        %get3A_247 = arith.index_cast %add3A_244 : i32 to index
        %get3A_248 = arith.constant 0 : index
        %get3A_249 = tpu.vector_load %arg11[%get3A_246, %get3A_247, %get3A_248] {strides = array<i32>} : memref<3x64x384xf32, #tpu.memory_space<vmem>>, vector<16xf32>,
        %mul3A_250 = arith.mulf %gather3A_227, %get3A_249 : vector<16xf32>
        %add3A_251 = arith.addf %add3A_242, %mul3A_250 : vector<16xf32>
        %add3A_252 = arith.constant 48 : i32
        %add3A_253 = arith.addi %add3A_252, %add3A_224 : i32
        %get3A_254 = arith.constant 1 : i32
        %get3A_255 = arith.index_cast %get3A_254 : i32 to index
        %get3A_256 = arith.index_cast %add3A_253 : i32 to index
        %get3A_257 = arith.constant 0 : index
        %get3A_258 = tpu.vector_load %arg11[%get3A_255, %get3A_256, %get3A_257] {strides = array<i32>} : memref<3x64x384xf32, #tpu.memory_space<vmem>>, vector<16xf32>,
        %mul3A_259 = arith.mulf %gather3A_228, %get3A_258 : vector<16xf32>
        %add3A_260 = arith.addf %add3A_251, %mul3A_259 : vector<16xf32>
        %swap3A = arith.constant 1 : i32
        %swap3A_261 = arith.index_cast %swap3A : i32 to index
        %swap3A_262 = arith.index_cast %add3A_224 : i32 to index
        %swap3A_263 = arith.constant 0 : index
        %swap3A_264 = tpu.vector_load %arg12[%swap3A_261, %swap3A_262, %swap3A_263] {strides = array<i32>} : memref<3x16x384xf32, #tpu.memory_space<vmem>>, vector<16xf32>,
        tpu.vector_store %arg12[%swap3A_261, %swap3A_262, %swap3A_263], %add3A_260 {strides = array<i32>} : memref<3x16x384xf32, #tpu.memory_space<vmem>>, vector<16xf32>,
        %get3A_265 = arith.constant 1 : i32
        %get3A_266 = arith.index_cast %get3A_265 : i32 to index
        %get3A_267 = arith.index_cast %add3A_224 : i32 to index
        %get3A_268 = arith.constant 16 : index
        %get3A_269 = tpu.vector_load %arg11[%get3A_266, %get3A_267, %get3A_268] {strides = array<i32>} : memref<3x64x384xf32, #tpu.memory_space<vmem>>, vector<16xf32>,
        %mul3A_270 = arith.mulf %gather3A, %get3A_269 : vector<16xf32>
        %add3A_271 = arith.constant 16 : i32
        %add3A_272 = arith.addi %add3A_271, %add3A_224 : i32
        %get3A_273 = arith.constant 1 : i32
        %get3A_274 = arith.index_cast %get3A_273 : i32 to index
        %get3A_275 = arith.index_cast %add3A_272 : i32 to index
        %get3A_276 = arith.constant 16 : index
        %get3A_277 = tpu.vector_load %arg11[%get3A_274, %get3A_275, %get3A_276] {strides = array<i32>} : memref<3x64x384xf32, #tpu.memory_space<vmem>>, vector<16xf32>,
        %mul3A_278 = arith.mulf %gather3A_226, %get3A_277 : vector<16xf32>
        %add3A_279 = arith.addf %mul3A_270, %mul3A_278 : vector<16xf32>
        %add3A_280 = arith.constant 32 : i32
        %add3A_281 = arith.addi %add3A_280, %add3A_224 : i32
        %get3A_282 = arith.constant 1 : i32
        %get3A_283 = arith.index_cast %get3A_282 : i32 to index
        %get3A_284 = arith.index_cast %add3A_281 : i32 to index
        %get3A_285 = arith.constant 16 : index
        %get3A_286 = tpu.vector_load %arg11[%get3A_283, %get3A_284, %get3A_285] {strides = array<i32>} : memref<3x64x384xf32, #tpu.memory_space<vmem>>, vector<16xf32>,
        %mul3A_287 = arith.mulf %gather3A_227, %get3A_286 : vector<16xf32>
        %add3A_288 = arith.addf %add3A_279, %mul3A_287 : vector<16xf32>
        %add3A_289 = arith.constant 48 : i32
        %add3A_290 = arith.addi %add3A_289, %add3A_224 : i32
        %get3A_291 = arith.constant 1 : i32
        %get3A_292 = arith.index_cast %get3A_291 : i32 to index
        %get3A_293 = arith.index_cast %add3A_290 : i32 to index
        %get3A_294 = arith.constant 16 : index
        %get3A_295 = tpu.vector_load %arg11[%get3A_292, %get3A_293, %get3A_294] {strides = array<i32>} : memref<3x64x384xf32, #tpu.memory_space<vmem>>, vector<16xf32>,
        %mul3A_296 = arith.mulf %gather3A_228, %get3A_295 : vector<16xf32>
        %add3A_297 = arith.addf %add3A_288, %mul3A_296 : vector<16xf32>
        %swap3A_298 = arith.constant 1 : i32
        %swap3A_299 = arith.index_cast %swap3A_298 : i32 to index
        %swap3A_300 = arith.index_cast %add3A_224 : i32 to index
        %swap3A_301 = arith.constant 16 : index
        %swap3A_302 = tpu.vector_load %arg12[%swap3A_299, %swap3A_300, %swap3A_301] {strides = array<i32>} : memref<3x16x384xf32, #tpu.memory_space<vmem>>, vector<16xf32>,
        tpu.vector_store %arg12[%swap3A_299, %swap3A_300, %swap3A_301], %add3A_297 {strides = array<i32>} : memref<3x16x384xf32, #tpu.memory_space<vmem>>, vector<16xf32>,
        %get3A_303 = arith.constant 1 : i32
        %get3A_304 = arith.index_cast %get3A_303 : i32 to index
        %get3A_305 = arith.index_cast %add3A_224 : i32 to index
        %get3A_306 = arith.constant 32 : index
        %get3A_307 = tpu.vector_load %arg11[%get3A_304, %get3A_305, %get3A_306] {strides = array<i32>} : memref<3x64x384xf32, #tpu.memory_space<vmem>>, vector<16xf32>,
        %mul3A_308 = arith.mulf %gather3A, %get3A_307 : vector<16xf32>
        %add3A_309 = arith.constant 16 : i32
        %add3A_310 = arith.addi %add3A_309, %add3A_224 : i32
        %get3A_311 = arith.constant 1 : i32
        %get3A_312 = arith.index_cast %get3A_311 : i32 to index
        %get3A_313 = arith.index_cast %add3A_310 : i32 to index
        %get3A_314 = arith.constant 32 : index
        %get3A_315 = tpu.vector_load %arg11[%get3A_312, %get3A_313, %get3A_314] {strides = array<i32>} : memref<3x64x384xf32, #tpu.memory_space<vmem>>, vector<16xf32>,
        %mul3A_316 = arith.mulf %gather3A_226, %get3A_315 : vector<16xf32>
        %add3A_317 = arith.addf %mul3A_308, %mul3A_316 : vector<16xf32>
        %add3A_318 = arith.constant 32 : i32
        %add3A_319 = arith.addi %add3A_318, %add3A_224 : i32
        %get3A_320 = arith.constant 1 : i32
        %get3A_321 = arith.index_cast %get3A_320 : i32 to index
        %get3A_322 = arith.index_cast %add3A_319 : i32 to index
        %get3A_323 = arith.constant 32 : index
        %get3A_324 = tpu.vector_load %arg11[%get3A_321, %get3A_322, %get3A_323] {strides = array<i32>} : memref<3x64x384xf32, #tpu.memory_space<vmem>>, vector<16xf32>,
        %mul3A_325 = arith.mulf %gather3A_227, %get3A_324 : vector<16xf32>
        %add3A_326 = arith.addf %add3A_317, %mul3A_325 : vector<16xf32>
        %add3A_327 = arith.constant 48 : i32
        %add3A_328 = arith.addi %add3A_327, %add3A_224 : i32
        %get3A_329 = arith.constant 1 : i32
        %get3A_330 = arith.index_cast %get3A_329 : i32 to index
        %get3A_331 = arith.index_cast %add3A_328 : i32 to index
        %get3A_332 = arith.constant 32 : index
        %get3A_333 = tpu.vector_load %arg11[%get3A_330, %get3A_331, %get3A_332] {strides = array<i32>} : memref<3x64x384xf32, #tpu.memory_space<vmem>>, vector<16xf32>,
        %mul3A_334 = arith.mulf %gather3A_228, %get3A_333 : vector<16xf32>
        %add3A_335 = arith.addf %add3A_326, %mul3A_334 : vector<16xf32>
        %swap3A_336 = arith.constant 1 : i32
        %swap3A_337 = arith.index_cast %swap3A_336 : i32 to index
        %swap3A_338 = arith.index_cast %add3A_224 : i32 to index
        %swap3A_339 = arith.constant 32 : index
        %swap3A_340 = tpu.vector_load %arg12[%swap3A_337, %swap3A_338, %swap3A_339] {strides = array<i32>} : memref<3x16x384xf32, #tpu.memory_space<vmem>>, vector<16xf32>,
        tpu.vector_store %arg12[%swap3A_337, %swap3A_338, %swap3A_339], %add3A_335 {strides = array<i32>} : memref<3x16x384xf32, #tpu.memory_space<vmem>>, vector<16xf32>,
        %get3A_341 = arith.constant 1 : i32
        %get3A_342 = arith.index_cast %get3A_341 : i32 to index
        %get3A_343 = arith.index_cast %add3A_224 : i32 to index
        %get3A_344 = arith.constant 48 : index
        %get3A_345 = tpu.vector_load %arg11[%get3A_342, %get3A_343, %get3A_344] {strides = array<i32>} : memref<3x64x384xf32, #tpu.memory_space<vmem>>, vector<16xf32>,
        %mul3A_346 = arith.mulf %gather3A, %get3A_345 : vector<16xf32>
        %add3A_347 = arith.constant 16 : i32
        %add3A_348 = arith.addi %add3A_347, %add3A_224 : i32
        %get3A_349 = arith.constant 1 : i32
        %get3A_350 = arith.index_cast %get3A_349 : i32 to index
        %get3A_351 = arith.index_cast %add3A_348 : i32 to index
        %get3A_352 = arith.constant 48 : index
        %get3A_353 = tpu.vector_load %arg11[%get3A_350, %get3A_351, %get3A_352] {strides = array<i32>} : memref<3x64x384xf32, #tpu.memory_space<vmem>>, vector<16xf32>,
        %mul3A_354 = arith.mulf %gather3A_226, %get3A_353 : vector<16xf32>
        %add3A_355 = arith.addf %mul3A_346, %mul3A_354 : vector<16xf32>
        %add3A_356 = arith.constant 32 : i32
        %add3A_357 = arith.addi %add3A_356, %add3A_224 : i32
        %get3A_358 = arith.constant 1 : i32
        %get3A_359 = arith.index_cast %get3A_358 : i32 to index
        %get3A_360 = arith.index_cast %add3A_357 : i32 to index
        %get3A_361 = arith.constant 48 : index
        %get3A_362 = tpu.vector_load %arg11[%get3A_359, %get3A_360, %get3A_361] {strides = array<i32>} : memref<3x64x384xf32, #tpu.memory_space<vmem>>, vector<16xf32>,
        %mul3A_363 = arith.mulf %gather3A_227, %get3A_362 : vector<16xf32>
        %add3A_364 = arith.addf %add3A_355, %mul3A_363 : vector<16xf32>
        %add3A_365 = arith.constant 48 : i32
        %add3A_366 = arith.addi %add3A_365, %add3A_224 : i32
        %get3A_367 = arith.constant 1 : i32
        %get3A_368 = arith.index_cast %get3A_367 : i32 to index
        %get3A_369 = arith.index_cast %add3A_366 : i32 to index
        %get3A_370 = arith.constant 48 : index
        %get3A_371 = tpu.vector_load %arg11[%get3A_368, %get3A_369, %get3A_370] {strides = array<i32>} : memref<3x64x384xf32, #tpu.memory_space<vmem>>, vector<16xf32>,
        %mul3A_372 = arith.mulf %gather3A_228, %get3A_371 : vector<16xf32>
        %add3A_373 = arith.addf %add3A_364, %mul3A_372 : vector<16xf32>
        %swap3A_374 = arith.constant 1 : i32
        %swap3A_375 = arith.index_cast %swap3A_374 : i32 to index
        %swap3A_376 = arith.index_cast %add3A_224 : i32 to index
        %swap3A_377 = arith.constant 48 : index
        %swap3A_378 = tpu.vector_load %arg12[%swap3A_375, %swap3A_376, %swap3A_377] {strides = array<i32>} : memref<3x16x384xf32, #tpu.memory_space<vmem>>, vector<16xf32>,
        tpu.vector_store %arg12[%swap3A_375, %swap3A_376, %swap3A_377], %add3A_373 {strides = array<i32>} : memref<3x16x384xf32, #tpu.memory_space<vmem>>, vector<16xf32>,
        %get3A_379 = arith.constant 1 : i32
        %get3A_380 = arith.index_cast %get3A_379 : i32 to index
        %get3A_381 = arith.index_cast %add3A_224 : i32 to index
        %get3A_382 = arith.constant 64 : index
        %get3A_383 = tpu.vector_load %arg11[%get3A_380, %get3A_381, %get3A_382] {strides = array<i32>} : memref<3x64x384xf32, #tpu.memory_space<vmem>>, vector<16xf32>,
        %mul3A_384 = arith.mulf %gather3A, %get3A_383 : vector<16xf32>
        %add3A_385 = arith.constant 16 : i32
        %add3A_386 = arith.addi %add3A_385, %add3A_224 : i32
        %get3A_387 = arith.constant 1 : i32
        %get3A_388 = arith.index_cast %get3A_387 : i32 to index
        %get3A_389 = arith.index_cast %add3A_386 : i32 to index
        %get3A_390 = arith.constant 64 : index
        %get3A_391 = tpu.vector_load %arg11[%get3A_388, %get3A_389, %get3A_390] {strides = array<i32>} : memref<3x64x384xf32, #tpu.memory_space<vmem>>, vector<16xf32>,
        %mul3A_392 = arith.mulf %gather3A_226, %get3A_391 : vector<16xf32>
        %add3A_393 = arith.addf %mul3A_384, %mul3A_392 : vector<16xf32>
        %add3A_394 = arith.constant 32 : i32
        %add3A_395 = arith.addi %add3A_394, %add3A_224 : i32
        %get3A_396 = arith.constant 1 : i32
        %get3A_397 = arith.index_cast %get3A_396 : i32 to index
        %get3A_398 = arith.index_cast %add3A_395 : i32 to index
        %get3A_399 = arith.constant 64 : index
        %get3A_400 = tpu.vector_load %arg11[%get3A_397, %get3A_398, %get3A_399] {strides = array<i32>} : memref<3x64x384xf32, #tpu.memory_space<vmem>>, vector<16xf32>,
        %mul3A_401 = arith.mulf %gather3A_227, %get3A_400 : vector<16xf32>
        %add3A_402 = arith.addf %add3A_393, %mul3A_401 : vector<16xf32>
        %add3A_403 = arith.constant 48 : i32
        %add3A_404 = arith.addi %add3A_403, %add3A_224 : i32
        %get3A_405 = arith.constant 1 : i32
        %get3A_406 = arith.index_cast %get3A_405 : i32 to index
        %get3A_407 = arith.index_cast %add3A_404 : i32 to index
        %get3A_408 = arith.constant 64 : index
        %get3A_409 = tpu.vector_load %arg11[%get3A_406, %get3A_407, %get3A_408] {strides = array<i32>} : memref<3x64x384xf32, #tpu.memory_space<vmem>>, vector<16xf32>,
        %mul3A_410 = arith.mulf %gather3A_228, %get3A_409 : vector<16xf32>
        %add3A_411 = arith.addf %add3A_402, %mul3A_410 : vector<16xf32>
        %swap3A_412 = arith.constant 1 : i32
        %swap3A_413 = arith.index_cast %swap3A_412 : i32 to index
        %swap3A_414 = arith.index_cast %add3A_224 : i32 to index
        %swap3A_415 = arith.constant 64 : index
        %swap3A_416 = tpu.vector_load %arg12[%swap3A_413, %swap3A_414, %swap3A_415] {strides = array<i32>} : memref<3x16x384xf32, #tpu.memory_space<vmem>>, vector<16xf32>,
        tpu.vector_store %arg12[%swap3A_413, %swap3A_414, %swap3A_415], %add3A_411 {strides = array<i32>} : memref<3x16x384xf32, #tpu.memory_space<vmem>>, vector<16xf32>,
        %get3A_417 = arith.constant 1 : i32
        %get3A_418 = arith.index_cast %get3A_417 : i32 to index
        %get3A_419 = arith.index_cast %add3A_224 : i32 to index
        %get3A_420 = arith.constant 80 : index
        %get3A_421 = tpu.vector_load %arg11[%get3A_418, %get3A_419, %get3A_420] {strides = array<i32>} : memref<3x64x384xf32, #tpu.memory_space<vmem>>, vector<16xf32>,
        %mul3A_422 = arith.mulf %gather3A, %get3A_421 : vector<16xf32>
        %add3A_423 = arith.constant 16 : i32
        %add3A_424 = arith.addi %add3A_423, %add3A_224 : i32
        %get3A_425 = arith.constant 1 : i32
        %get3A_426 = arith.index_cast %get3A_425 : i32 to index
        %get3A_427 = arith.index_cast %add3A_424 : i32 to index
        %get3A_428 = arith.constant 80 : index
        %get3A_429 = tpu.vector_load %arg11[%get3A_426, %get3A_427, %get3A_428] {strides = array<i32>} : memref<3x64x384xf32, #tpu.memory_space<vmem>>, vector<16xf32>,
        %mul3A_430 = arith.mulf %gather3A_226, %get3A_429 : vector<16xf32>
        %add3A_431 = arith.addf %mul3A_422, %mul3A_430 : vector<16xf32>
        %add3A_432 = arith.constant 32 : i32
        %add3A_433 = arith.addi %add3A_432, %add3A_224 : i32
        %get3A_434 = arith.constant 1 : i32
        %get3A_435 = arith.index_cast %get3A_434 : i32 to index
        %get3A_436 = arith.index_cast %add3A_433 : i32 to index
        %get3A_437 = arith.constant 80 : index
        %get3A_438 = tpu.vector_load %arg11[%get3A_435, %get3A_436, %get3A_437] {strides = array<i32>} : memref<3x64x384xf32, #tpu.memory_space<vmem>>, vector<16xf32>,
        %mul3A_439 = arith.mulf %gather3A_227, %get3A_438 : vector<16xf32>
        %add3A_440 = arith.addf %add3A_431, %mul3A_439 : vector<16xf32>
        %add3A_441 = arith.constant 48 : i32
        %add3A_442 = arith.addi %add3A_441, %add3A_224 : i32
        %get3A_443 = arith.constant 1 : i32
        %get3A_444 = arith.index_cast %get3A_443 : i32 to index
        %get3A_445 = arith.index_cast %add3A_442 : i32 to index
        %get3A_446 = arith.constant 80 : index
        %get3A_447 = tpu.vector_load %arg11[%get3A_444, %get3A_445, %get3A_446] {strides = array<i32>} : memref<3x64x384xf32, #tpu.memory_space<vmem>>, vector<16xf32>,
        %mul3A_448 = arith.mulf %gather3A_228, %get3A_447 : vector<16xf32>
        %add3A_449 = arith.addf %add3A_440, %mul3A_448 : vector<16xf32>
        %swap3A_450 = arith.constant 1 : i32
        %swap3A_451 = arith.index_cast %swap3A_450 : i32 to index
        %swap3A_452 = arith.index_cast %add3A_224 : i32 to index
        %swap3A_453 = arith.constant 80 : index
        %swap3A_454 = tpu.vector_load %arg12[%swap3A_451, %swap3A_452, %swap3A_453] {strides = array<i32>} : memref<3x16x384xf32, #tpu.memory_space<vmem>>, vector<16xf32>,
        tpu.vector_store %arg12[%swap3A_451, %swap3A_452, %swap3A_453], %add3A_449 {strides = array<i32>} : memref<3x16x384xf32, #tpu.memory_space<vmem>>, vector<16xf32>,
        %get3A_455 = arith.constant 1 : i32
        %get3A_456 = arith.index_cast %get3A_455 : i32 to index
        %get3A_457 = arith.index_cast %add3A_224 : i32 to index
        %get3A_458 = arith.constant 96 : index
        %get3A_459 = tpu.vector_load %arg11[%get3A_456, %get3A_457, %get3A_458] {strides = array<i32>} : memref<3x64x384xf32, #tpu.memory_space<vmem>>, vector<16xf32>,
        %mul3A_460 = arith.mulf %gather3A, %get3A_459 : vector<16xf32>
        %add3A_461 = arith.constant 16 : i32
        %add3A_462 = arith.addi %add3A_461, %add3A_224 : i32
        %get3A_463 = arith.constant 1 : i32
        %get3A_464 = arith.index_cast %get3A_463 : i32 to index
        %get3A_465 = arith.index_cast %add3A_462 : i32 to index
        %get3A_466 = arith.constant 96 : index
        %get3A_467 = tpu.vector_load %arg11[%get3A_464, %get3A_465, %get3A_466] {strides = array<i32>} : memref<3x64x384xf32, #tpu.memory_space<vmem>>, vector<16xf32>,
        %mul3A_468 = arith.mulf %gather3A_226, %get3A_467 : vector<16xf32>
        %add3A_469 = arith.addf %mul3A_460, %mul3A_468 : vector<16xf32>
        %add3A_470 = arith.constant 32 : i32
        %add3A_471 = arith.addi %add3A_470, %add3A_224 : i32
        %get3A_472 = arith.constant 1 : i32
        %get3A_473 = arith.index_cast %get3A_472 : i32 to index
        %get3A_474 = arith.index_cast %add3A_471 : i32 to index
        %get3A_475 = arith.constant 96 : index
        %get3A_476 = tpu.vector_load %arg11[%get3A_473, %get3A_474, %get3A_475] {strides = array<i32>} : memref<3x64x384xf32, #tpu.memory_space<vmem>>, vector<16xf32>,
        %mul3A_477 = arith.mulf %gather3A_227, %get3A_476 : vector<16xf32>
        %add3A_478 = arith.addf %add3A_469, %mul3A_477 : vector<16xf32>
        %add3A_479 = arith.constant 48 : i32
        %add3A_480 = arith.addi %add3A_479, %add3A_224 : i32
        %get3A_481 = arith.constant 1 : i32
        %get3A_482 = arith.index_cast %get3A_481 : i32 to index
        %get3A_483 = arith.index_cast %add3A_480 : i32 to index
        %get3A_484 = arith.constant 96 : index
        %get3A_485 = tpu.vector_load %arg11[%get3A_482, %get3A_483, %get3A_484] {strides = array<i32>} : memref<3x64x384xf32, #tpu.memory_space<vmem>>, vector<16xf32>,
        %mul3A_486 = arith.mulf %gather3A_228, %get3A_485 : vector<16xf32>
        %add3A_487 = arith.addf %add3A_478, %mul3A_486 : vector<16xf32>
        %swap3A_488 = arith.constant 1 : i32
        %swap3A_489 = arith.index_cast %swap3A_488 : i32 to index
        %swap3A_490 = arith.index_cast %add3A_224 : i32 to index
        %swap3A_491 = arith.constant 96 : index
        %swap3A_492 = tpu.vector_load %arg12[%swap3A_489, %swap3A_490, %swap3A_491] {strides = array<i32>} : memref<3x16x384xf32, #tpu.memory_space<vmem>>, vector<16xf32>,
        tpu.vector_store %arg12[%swap3A_489, %swap3A_490, %swap3A_491], %add3A_487 {strides = array<i32>} : memref<3x16x384xf32, #tpu.memory_space<vmem>>, vector<16xf32>,
        %get3A_493 = arith.constant 1 : i32
        %get3A_494 = arith.index_cast %get3A_493 : i32 to index
        %get3A_495 = arith.index_cast %add3A_224 : i32 to index
        %get3A_496 = arith.constant 112 : index
        %get3A_497 = tpu.vector_load %arg11[%get3A_494, %get3A_495, %get3A_496] {strides = array<i32>} : memref<3x64x384xf32, #tpu.memory_space<vmem>>, vector<16xf32>,
        %mul3A_498 = arith.mulf %gather3A, %get3A_497 : vector<16xf32>
        %add3A_499 = arith.constant 16 : i32
        %add3A_500 = arith.addi %add3A_499, %add3A_224 : i32
        %get3A_501 = arith.constant 1 : i32
        %get3A_502 = arith.index_cast %get3A_501 : i32 to index
        %get3A_503 = arith.index_cast %add3A_500 : i32 to index
        %get3A_504 = arith.constant 112 : index
        %get3A_505 = tpu.vector_load %arg11[%get3A_502, %get3A_503, %get3A_504] {strides = array<i32>} : memref<3x64x384xf32, #tpu.memory_space<vmem>>, vector<16xf32>,
        %mul3A_506 = arith.mulf %gather3A_226, %get3A_505 : vector<16xf32>
        %add3A_507 = arith.addf %mul3A_498, %mul3A_506 : vector<16xf32>
        %add3A_508 = arith.constant 32 : i32
        %add3A_509 = arith.addi %add3A_508, %add3A_224 : i32
        %get3A_510 = arith.constant 1 : i32
        %get3A_511 = arith.index_cast %get3A_510 : i32 to index
        %get3A_512 = arith.index_cast %add3A_509 : i32 to index
        %get3A_513 = arith.constant 112 : index
        %get3A_514 = tpu.vector_load %arg11[%get3A_511, %get3A_512, %get3A_513] {strides = array<i32>} : memref<3x64x384xf32, #tpu.memory_space<vmem>>, vector<16xf32>,
        %mul3A_515 = arith.mulf %gather3A_227, %get3A_514 : vector<16xf32>
        %add3A_516 = arith.addf %add3A_507, %mul3A_515 : vector<16xf32>
        %add3A_517 = arith.constant 48 : i32
        %add3A_518 = arith.addi %add3A_517, %add3A_224 : i32
        %get3A_519 = arith.constant 1 : i32
        %get3A_520 = arith.index_cast %get3A_519 : i32 to index
        %get3A_521 = arith.index_cast %add3A_518 : i32 to index
        %get3A_522 = arith.constant 112 : index
        %get3A_523 = tpu.vector_load %arg11[%get3A_520, %get3A_521, %get3A_522] {strides = array<i32>} : memref<3x64x384xf32, #tpu.memory_space<vmem>>, vector<16xf32>,
        %mul3A_524 = arith.mulf %gather3A_228, %get3A_523 : vector<16xf32>
        %add3A_525 = arith.addf %add3A_516, %mul3A_524 : vector<16xf32>
        %swap3A_526 = arith.constant 1 : i32
        %swap3A_527 = arith.index_cast %swap3A_526 : i32 to index
        %swap3A_528 = arith.index_cast %add3A_224 : i32 to index
        %swap3A_529 = arith.constant 112 : index
        %swap3A_530 = tpu.vector_load %arg12[%swap3A_527, %swap3A_528, %swap3A_529] {strides = array<i32>} : memref<3x16x384xf32, #tpu.memory_space<vmem>>, vector<16xf32>,
        tpu.vector_store %arg12[%swap3A_527, %swap3A_528, %swap3A_529], %add3A_525 {strides = array<i32>} : memref<3x16x384xf32, #tpu.memory_space<vmem>>, vector<16xf32>,
        %get3A_531 = arith.constant 1 : i32
        %get3A_532 = arith.index_cast %get3A_531 : i32 to index
        %get3A_533 = arith.index_cast %add3A_224 : i32 to index
        %get3A_534 = arith.constant 128 : index
        %get3A_535 = tpu.vector_load %arg11[%get3A_532, %get3A_533, %get3A_534] {strides = array<i32>} : memref<3x64x384xf32, #tpu.memory_space<vmem>>, vector<16xf32>,
        %mul3A_536 = arith.mulf %gather3A, %get3A_535 : vector<16xf32>
        %add3A_537 = arith.constant 16 : i32
        %add3A_538 = arith.addi %add3A_537, %add3A_224 : i32
        %get3A_539 = arith.constant 1 : i32
        %get3A_540 = arith.index_cast %get3A_539 : i32 to index
        %get3A_541 = arith.index_cast %add3A_538 : i32 to index
        %get3A_542 = arith.constant 128 : index
        %get3A_543 = tpu.vector_load %arg11[%get3A_540, %get3A_541, %get3A_542] {strides = array<i32>} : memref<3x64x384xf32, #tpu.memory_space<vmem>>, vector<16xf32>,
        %mul3A_544 = arith.mulf %gather3A_226, %get3A_543 : vector<16xf32>
        %add3A_545 = arith.addf %mul3A_536, %mul3A_544 : vector<16xf32>
        %add3A_546 = arith.constant 32 : i32
        %add3A_547 = arith.addi %add3A_546, %add3A_224 : i32
        %get3A_548 = arith.constant 1 : i32
        %get3A_549 = arith.index_cast %get3A_548 : i32 to index
        %get3A_550 = arith.index_cast %add3A_547 : i32 to index
        %get3A_551 = arith.constant 128 : index
        %get3A_552 = tpu.vector_load %arg11[%get3A_549, %get3A_550, %get3A_551] {strides = array<i32>} : memref<3x64x384xf32, #tpu.memory_space<vmem>>, vector<16xf32>,
        %mul3A_553 = arith.mulf %gather3A_227, %get3A_552 : vector<16xf32>
        %add3A_554 = arith.addf %add3A_545, %mul3A_553 : vector<16xf32>
        %add3A_555 = arith.constant 48 : i32
        %add3A_556 = arith.addi %add3A_555, %add3A_224 : i32
        %get3A_557 = arith.constant 1 : i32
        %get3A_558 = arith.index_cast %get3A_557 : i32 to index
        %get3A_559 = arith.index_cast %add3A_556 : i32 to index
        %get3A_560 = arith.constant 128 : index
        %get3A_561 = tpu.vector_load %arg11[%get3A_558, %get3A_559, %get3A_560] {strides = array<i32>} : memref<3x64x384xf32, #tpu.memory_space<vmem>>, vector<16xf32>,
        %mul3A_562 = arith.mulf %gather3A_228, %get3A_561 : vector<16xf32>
        %add3A_563 = arith.addf %add3A_554, %mul3A_562 : vector<16xf32>
        %swap3A_564 = arith.constant 1 : i32
        %swap3A_565 = arith.index_cast %swap3A_564 : i32 to index
        %swap3A_566 = arith.index_cast %add3A_224 : i32 to index
        %swap3A_567 = arith.constant 128 : index
        %swap3A_568 = tpu.vector_load %arg12[%swap3A_565, %swap3A_566, %swap3A_567] {strides = array<i32>} : memref<3x16x384xf32, #tpu.memory_space<vmem>>, vector<16xf32>,
        tpu.vector_store %arg12[%swap3A_565, %swap3A_566, %swap3A_567], %add3A_563 {strides = array<i32>} : memref<3x16x384xf32, #tpu.memory_space<vmem>>, vector<16xf32>,
        %get3A_569 = arith.constant 1 : i32
        %get3A_570 = arith.index_cast %get3A_569 : i32 to index
        %get3A_571 = arith.index_cast %add3A_224 : i32 to index
        %get3A_572 = arith.constant 144 : index
        %get3A_573 = tpu.vector_load %arg11[%get3A_570, %get3A_571, %get3A_572] {strides = array<i32>} : memref<3x64x384xf32, #tpu.memory_space<vmem>>, vector<16xf32>,
        %mul3A_574 = arith.mulf %gather3A, %get3A_573 : vector<16xf32>
        %add3A_575 = arith.constant 16 : i32
        %add3A_576 = arith.addi %add3A_575, %add3A_224 : i32
        %get3A_577 = arith.constant 1 : i32
        %get3A_578 = arith.index_cast %get3A_577 : i32 to index
        %get3A_579 = arith.index_cast %add3A_576 : i32 to index
        %get3A_580 = arith.constant 144 : index
        %get3A_581 = tpu.vector_load %arg11[%get3A_578, %get3A_579, %get3A_580] {strides = array<i32>} : memref<3x64x384xf32, #tpu.memory_space<vmem>>, vector<16xf32>,
        %mul3A_582 = arith.mulf %gather3A_226, %get3A_581 : vector<16xf32>
        %add3A_583 = arith.addf %mul3A_574, %mul3A_582 : vector<16xf32>
        %add3A_584 = arith.constant 32 : i32
        %add3A_585 = arith.addi %add3A_584, %add3A_224 : i32
        %get3A_586 = arith.constant 1 : i32
        %get3A_587 = arith.index_cast %get3A_586 : i32 to index
        %get3A_588 = arith.index_cast %add3A_585 : i32 to index
        %get3A_589 = arith.constant 144 : index
        %get3A_590 = tpu.vector_load %arg11[%get3A_587, %get3A_588, %get3A_589] {strides = array<i32>} : memref<3x64x384xf32, #tpu.memory_space<vmem>>, vector<16xf32>,
        %mul3A_591 = arith.mulf %gather3A_227, %get3A_590 : vector<16xf32>
        %add3A_592 = arith.addf %add3A_583, %mul3A_591 : vector<16xf32>
        %add3A_593 = arith.constant 48 : i32
        %add3A_594 = arith.addi %add3A_593, %add3A_224 : i32
        %get3A_595 = arith.constant 1 : i32
        %get3A_596 = arith.index_cast %get3A_595 : i32 to index
        %get3A_597 = arith.index_cast %add3A_594 : i32 to index
        %get3A_598 = arith.constant 144 : index
        %get3A_599 = tpu.vector_load %arg11[%get3A_596, %get3A_597, %get3A_598] {strides = array<i32>} : memref<3x64x384xf32, #tpu.memory_space<vmem>>, vector<16xf32>,
        %mul3A_600 = arith.mulf %gather3A_228, %get3A_599 : vector<16xf32>
        %add3A_601 = arith.addf %add3A_592, %mul3A_600 : vector<16xf32>
        %swap3A_602 = arith.constant 1 : i32
        %swap3A_603 = arith.index_cast %swap3A_602 : i32 to index
        %swap3A_604 = arith.index_cast %add3A_224 : i32 to index
        %swap3A_605 = arith.constant 144 : index
        %swap3A_606 = tpu.vector_load %arg12[%swap3A_603, %swap3A_604, %swap3A_605] {strides = array<i32>} : memref<3x16x384xf32, #tpu.memory_space<vmem>>, vector<16xf32>,
        tpu.vector_store %arg12[%swap3A_603, %swap3A_604, %swap3A_605], %add3A_601 {strides = array<i32>} : memref<3x16x384xf32, #tpu.memory_space<vmem>>, vector<16xf32>,
        %get3A_607 = arith.constant 1 : i32
        %get3A_608 = arith.index_cast %get3A_607 : i32 to index
        %get3A_609 = arith.index_cast %add3A_224 : i32 to index
        %get3A_610 = arith.constant 160 : index
        %get3A_611 = tpu.vector_load %arg11[%get3A_608, %get3A_609, %get3A_610] {strides = array<i32>} : memref<3x64x384xf32, #tpu.memory_space<vmem>>, vector<16xf32>,
        %mul3A_612 = arith.mulf %gather3A, %get3A_611 : vector<16xf32>
        %add3A_613 = arith.constant 16 : i32
        %add3A_614 = arith.addi %add3A_613, %add3A_224 : i32
        %get3A_615 = arith.constant 1 : i32
        %get3A_616 = arith.index_cast %get3A_615 : i32 to index
        %get3A_617 = arith.index_cast %add3A_614 : i32 to index
        %get3A_618 = arith.constant 160 : index
        %get3A_619 = tpu.vector_load %arg11[%get3A_616, %get3A_617, %get3A_618] {strides = array<i32>} : memref<3x64x384xf32, #tpu.memory_space<vmem>>, vector<16xf32>,
        %mul3A_620 = arith.mulf %gather3A_226, %get3A_619 : vector<16xf32>
        %add3A_621 = arith.addf %mul3A_612, %mul3A_620 : vector<16xf32>
        %add3A_622 = arith.constant 32 : i32
        %add3A_623 = arith.addi %add3A_622, %add3A_224 : i32
        %get3A_624 = arith.constant 1 : i32
        %get3A_625 = arith.index_cast %get3A_624 : i32 to index
        %get3A_626 = arith.index_cast %add3A_623 : i32 to index
        %get3A_627 = arith.constant 160 : index
        %get3A_628 = tpu.vector_load %arg11[%get3A_625, %get3A_626, %get3A_627] {strides = array<i32>} : memref<3x64x384xf32, #tpu.memory_space<vmem>>, vector<16xf32>,
        %mul3A_629 = arith.mulf %gather3A_227, %get3A_628 : vector<16xf32>
        %add3A_630 = arith.addf %add3A_621, %mul3A_629 : vector<16xf32>
        %add3A_631 = arith.constant 48 : i32
        %add3A_632 = arith.addi %add3A_631, %add3A_224 : i32
        %get3A_633 = arith.constant 1 : i32
        %get3A_634 = arith.index_cast %get3A_633 : i32 to index
        %get3A_635 = arith.index_cast %add3A_632 : i32 to index
        %get3A_636 = arith.constant 160 : index
        %get3A_637 = tpu.vector_load %arg11[%get3A_634, %get3A_635, %get3A_636] {strides = array<i32>} : memref<3x64x384xf32, #tpu.memory_space<vmem>>, vector<16xf32>,
        %mul3A_638 = arith.mulf %gather3A_228, %get3A_637 : vector<16xf32>
        %add3A_639 = arith.addf %add3A_630, %mul3A_638 : vector<16xf32>
        %swap3A_640 = arith.constant 1 : i32
        %swap3A_641 = arith.index_cast %swap3A_640 : i32 to index
        %swap3A_642 = arith.index_cast %add3A_224 : i32 to index
        %swap3A_643 = arith.constant 160 : index
        %swap3A_644 = tpu.vector_load %arg12[%swap3A_641, %swap3A_642, %swap3A_643] {strides = array<i32>} : memref<3x16x384xf32, #tpu.memory_space<vmem>>, vector<16xf32>,
        tpu.vector_store %arg12[%swap3A_641, %swap3A_642, %swap3A_643], %add3A_639 {strides = array<i32>} : memref<3x16x384xf32, #tpu.memory_space<vmem>>, vector<16xf32>,
        %get3A_645 = arith.constant 1 : i32
        %get3A_646 = arith.index_cast %get3A_645 : i32 to index
        %get3A_647 = arith.index_cast %add3A_224 : i32 to index
        %get3A_648 = arith.constant 176 : index
        %get3A_649 = tpu.vector_load %arg11[%get3A_646, %get3A_647, %get3A_648] {strides = array<i32>} : memref<3x64x384xf32, #tpu.memory_space<vmem>>, vector<16xf32>,
        %mul3A_650 = arith.mulf %gather3A, %get3A_649 : vector<16xf32>
        %add3A_651 = arith.constant 16 : i32
        %add3A_652 = arith.addi %add3A_651, %add3A_224 : i32
        %get3A_653 = arith.constant 1 : i32
        %get3A_654 = arith.index_cast %get3A_653 : i32 to index
        %get3A_655 = arith.index_cast %add3A_652 : i32 to index
        %get3A_656 = arith.constant 176 : index
        %get3A_657 = tpu.vector_load %arg11[%get3A_654, %get3A_655, %get3A_656] {strides = array<i32>} : memref<3x64x384xf32, #tpu.memory_space<vmem>>, vector<16xf32>,
        %mul3A_658 = arith.mulf %gather3A_226, %get3A_657 : vector<16xf32>
        %add3A_659 = arith.addf %mul3A_650, %mul3A_658 : vector<16xf32>
        %add3A_660 = arith.constant 32 : i32
        %add3A_661 = arith.addi %add3A_660, %add3A_224 : i32
        %get3A_662 = arith.constant 1 : i32
        %get3A_663 = arith.index_cast %get3A_662 : i32 to index
        %get3A_664 = arith.index_cast %add3A_661 : i32 to index
        %get3A_665 = arith.constant 176 : index
        %get3A_666 = tpu.vector_load %arg11[%get3A_663, %get3A_664, %get3A_665] {strides = array<i32>} : memref<3x64x384xf32, #tpu.memory_space<vmem>>, vector<16xf32>,
        %mul3A_667 = arith.mulf %gather3A_227, %get3A_666 : vector<16xf32>
        %add3A_668 = arith.addf %add3A_659, %mul3A_667 : vector<16xf32>
        %add3A_669 = arith.constant 48 : i32
        %add3A_670 = arith.addi %add3A_669, %add3A_224 : i32
        %get3A_671 = arith.constant 1 : i32
        %get3A_672 = arith.index_cast %get3A_671 : i32 to index
        %get3A_673 = arith.index_cast %add3A_670 : i32 to index
        %get3A_674 = arith.constant 176 : index
        %get3A_675 = tpu.vector_load %arg11[%get3A_672, %get3A_673, %get3A_674] {strides = array<i32>} : memref<3x64x384xf32, #tpu.memory_space<vmem>>, vector<16xf32>,
        %mul3A_676 = arith.mulf %gather3A_228, %get3A_675 : vector<16xf32>
        %add3A_677 = arith.addf %add3A_668, %mul3A_676 : vector<16xf32>
        %swap3A_678 = arith.constant 1 : i32
        %swap3A_679 = arith.index_cast %swap3A_678 : i32 to index
        %swap3A_680 = arith.index_cast %add3A_224 : i32 to index
        %swap3A_681 = arith.constant 176 : index
        %swap3A_682 = tpu.vector_load %arg12[%swap3A_679, %swap3A_680, %swap3A_681] {strides = array<i32>} : memref<3x16x384xf32, #tpu.memory_space<vmem>>, vector<16xf32>,
        tpu.vector_store %arg12[%swap3A_679, %swap3A_680, %swap3A_681], %add3A_677 {strides = array<i32>} : memref<3x16x384xf32, #tpu.memory_space<vmem>>, vector<16xf32>,
        %get3A_683 = arith.constant 1 : i32
        %get3A_684 = arith.index_cast %get3A_683 : i32 to index
        %get3A_685 = arith.index_cast %add3A_224 : i32 to index
        %get3A_686 = arith.constant 192 : index
        %get3A_687 = tpu.vector_load %arg11[%get3A_684, %get3A_685, %get3A_686] {strides = array<i32>} : memref<3x64x384xf32, #tpu.memory_space<vmem>>, vector<16xf32>,
        %mul3A_688 = arith.mulf %gather3A, %get3A_687 : vector<16xf32>
        %add3A_689 = arith.constant 16 : i32
        %add3A_690 = arith.addi %add3A_689, %add3A_224 : i32
        %get3A_691 = arith.constant 1 : i32
        %get3A_692 = arith.index_cast %get3A_691 : i32 to index
        %get3A_693 = arith.index_cast %add3A_690 : i32 to index
        %get3A_694 = arith.constant 192 : index
        %get3A_695 = tpu.vector_load %arg11[%get3A_692, %get3A_693, %get3A_694] {strides = array<i32>} : memref<3x64x384xf32, #tpu.memory_space<vmem>>, vector<16xf32>,
        %mul3A_696 = arith.mulf %gather3A_226, %get3A_695 : vector<16xf32>
        %add3A_697 = arith.addf %mul3A_688, %mul3A_696 : vector<16xf32>
        %add3A_698 = arith.constant 32 : i32
        %add3A_699 = arith.addi %add3A_698, %add3A_224 : i32
        %get3A_700 = arith.constant 1 : i32
        %get3A_701 = arith.index_cast %get3A_700 : i32 to index
        %get3A_702 = arith.index_cast %add3A_699 : i32 to index
        %get3A_703 = arith.constant 192 : index
        %get3A_704 = tpu.vector_load %arg11[%get3A_701, %get3A_702, %get3A_703] {strides = array<i32>} : memref<3x64x384xf32, #tpu.memory_space<vmem>>, vector<16xf32>,
        %mul3A_705 = arith.mulf %gather3A_227, %get3A_704 : vector<16xf32>
        %add3A_706 = arith.addf %add3A_697, %mul3A_705 : vector<16xf32>
        %add3A_707 = arith.constant 48 : i32
        %add3A_708 = arith.addi %add3A_707, %add3A_224 : i32
        %get3A_709 = arith.constant 1 : i32
        %get3A_710 = arith.index_cast %get3A_709 : i32 to index
        %get3A_711 = arith.index_cast %add3A_708 : i32 to index
        %get3A_712 = arith.constant 192 : index
        %get3A_713 = tpu.vector_load %arg11[%get3A_710, %get3A_711, %get3A_712] {strides = array<i32>} : memref<3x64x384xf32, #tpu.memory_space<vmem>>, vector<16xf32>,
        %mul3A_714 = arith.mulf %gather3A_228, %get3A_713 : vector<16xf32>
        %add3A_715 = arith.addf %add3A_706, %mul3A_714 : vector<16xf32>
        %swap3A_716 = arith.constant 1 : i32
        %swap3A_717 = arith.index_cast %swap3A_716 : i32 to index
        %swap3A_718 = arith.index_cast %add3A_224 : i32 to index
        %swap3A_719 = arith.constant 192 : index
        %swap3A_720 = tpu.vector_load %arg12[%swap3A_717, %swap3A_718, %swap3A_719] {strides = array<i32>} : memref<3x16x384xf32, #tpu.memory_space<vmem>>, vector<16xf32>,
        tpu.vector_store %arg12[%swap3A_717, %swap3A_718, %swap3A_719], %add3A_715 {strides = array<i32>} : memref<3x16x384xf32, #tpu.memory_space<vmem>>, vector<16xf32>,
        %get3A_721 = arith.constant 1 : i32
        %get3A_722 = arith.index_cast %get3A_721 : i32 to index
        %get3A_723 = arith.index_cast %add3A_224 : i32 to index
        %get3A_724 = arith.constant 208 : index
        %get3A_725 = tpu.vector_load %arg11[%get3A_722, %get3A_723, %get3A_724] {strides = array<i32>} : memref<3x64x384xf32, #tpu.memory_space<vmem>>, vector<16xf32>,
        %mul3A_726 = arith.mulf %gather3A, %get3A_725 : vector<16xf32>
        %add3A_727 = arith.constant 16 : i32
        %add3A_728 = arith.addi %add3A_727, %add3A_224 : i32
        %get3A_729 = arith.constant 1 : i32
        %get3A_730 = arith.index_cast %get3A_729 : i32 to index
        %get3A_731 = arith.index_cast %add3A_728 : i32 to index
        %get3A_732 = arith.constant 208 : index
        %get3A_733 = tpu.vector_load %arg11[%get3A_730, %get3A_731, %get3A_732] {strides = array<i32>} : memref<3x64x384xf32, #tpu.memory_space<vmem>>, vector<16xf32>,
        %mul3A_734 = arith.mulf %gather3A_226, %get3A_733 : vector<16xf32>
        %add3A_735 = arith.addf %mul3A_726, %mul3A_734 : vector<16xf32>
        %add3A_736 = arith.constant 32 : i32
        %add3A_737 = arith.addi %add3A_736, %add3A_224 : i32
        %get3A_738 = arith.constant 1 : i32
        %get3A_739 = arith.index_cast %get3A_738 : i32 to index
        %get3A_740 = arith.index_cast %add3A_737 : i32 to index
        %get3A_741 = arith.constant 208 : index
        %get3A_742 = tpu.vector_load %arg11[%get3A_739, %get3A_740, %get3A_741] {strides = array<i32>} : memref<3x64x384xf32, #tpu.memory_space<vmem>>, vector<16xf32>,
        %mul3A_743 = arith.mulf %gather3A_227, %get3A_742 : vector<16xf32>
        %add3A_744 = arith.addf %add3A_735, %mul3A_743 : vector<16xf32>
        %add3A_745 = arith.constant 48 : i32
        %add3A_746 = arith.addi %add3A_745, %add3A_224 : i32
        %get3A_747 = arith.constant 1 : i32
        %get3A_748 = arith.index_cast %get3A_747 : i32 to index
        %get3A_749 = arith.index_cast %add3A_746 : i32 to index
        %get3A_750 = arith.constant 208 : index
        %get3A_751 = tpu.vector_load %arg11[%get3A_748, %get3A_749, %get3A_750] {strides = array<i32>} : memref<3x64x384xf32, #tpu.memory_space<vmem>>, vector<16xf32>,
        %mul3A_752 = arith.mulf %gather3A_228, %get3A_751 : vector<16xf32>
        %add3A_753 = arith.addf %add3A_744, %mul3A_752 : vector<16xf32>
        %swap3A_754 = arith.constant 1 : i32
        %swap3A_755 = arith.index_cast %swap3A_754 : i32 to index
        %swap3A_756 = arith.index_cast %add3A_224 : i32 to index
        %swap3A_757 = arith.constant 208 : index
        %swap3A_758 = tpu.vector_load %arg12[%swap3A_755, %swap3A_756, %swap3A_757] {strides = array<i32>} : memref<3x16x384xf32, #tpu.memory_space<vmem>>, vector<16xf32>,
        tpu.vector_store %arg12[%swap3A_755, %swap3A_756, %swap3A_757], %add3A_753 {strides = array<i32>} : memref<3x16x384xf32, #tpu.memory_space<vmem>>, vector<16xf32>,
        %get3A_759 = arith.constant 1 : i32
        %get3A_760 = arith.index_cast %get3A_759 : i32 to index
        %get3A_761 = arith.index_cast %add3A_224 : i32 to index
        %get3A_762 = arith.constant 224 : index
        %get3A_763 = tpu.vector_load %arg11[%get3A_760, %get3A_761, %get3A_762] {strides = array<i32>} : memref<3x64x384xf32, #tpu.memory_space<vmem>>, vector<16xf32>,
        %mul3A_764 = arith.mulf %gather3A, %get3A_763 : vector<16xf32>
        %add3A_765 = arith.constant 16 : i32
        %add3A_766 = arith.addi %add3A_765, %add3A_224 : i32
        %get3A_767 = arith.constant 1 : i32
        %get3A_768 = arith.index_cast %get3A_767 : i32 to index
        %get3A_769 = arith.index_cast %add3A_766 : i32 to index
        %get3A_770 = arith.constant 224 : index
        %get3A_771 = tpu.vector_load %arg11[%get3A_768, %get3A_769, %get3A_770] {strides = array<i32>} : memref<3x64x384xf32, #tpu.memory_space<vmem>>, vector<16xf32>,
        %mul3A_772 = arith.mulf %gather3A_226, %get3A_771 : vector<16xf32>
        %add3A_773 = arith.addf %mul3A_764, %mul3A_772 : vector<16xf32>
        %add3A_774 = arith.constant 32 : i32
        %add3A_775 = arith.addi %add3A_774, %add3A_224 : i32
        %get3A_776 = arith.constant 1 : i32
        %get3A_777 = arith.index_cast %get3A_776 : i32 to index
        %get3A_778 = arith.index_cast %add3A_775 : i32 to index
        %get3A_779 = arith.constant 224 : index
        %get3A_780 = tpu.vector_load %arg11[%get3A_777, %get3A_778, %get3A_779] {strides = array<i32>} : memref<3x64x384xf32, #tpu.memory_space<vmem>>, vector<16xf32>,
        %mul3A_781 = arith.mulf %gather3A_227, %get3A_780 : vector<16xf32>
        %add3A_782 = arith.addf %add3A_773, %mul3A_781 : vector<16xf32>
        %add3A_783 = arith.constant 48 : i32
        %add3A_784 = arith.addi %add3A_783, %add3A_224 : i32
        %get3A_785 = arith.constant 1 : i32
        %get3A_786 = arith.index_cast %get3A_785 : i32 to index
        %get3A_787 = arith.index_cast %add3A_784 : i32 to index
        %get3A_788 = arith.constant 224 : index
        %get3A_789 = tpu.vector_load %arg11[%get3A_786, %get3A_787, %get3A_788] {strides = array<i32>} : memref<3x64x384xf32, #tpu.memory_space<vmem>>, vector<16xf32>,
        %mul3A_790 = arith.mulf %gather3A_228, %get3A_789 : vector<16xf32>
        %add3A_791 = arith.addf %add3A_782, %mul3A_790 : vector<16xf32>
        %swap3A_792 = arith.constant 1 : i32
        %swap3A_793 = arith.index_cast %swap3A_792 : i32 to index
        %swap3A_794 = arith.index_cast %add3A_224 : i32 to index
        %swap3A_795 = arith.constant 224 : index
        %swap3A_796 = tpu.vector_load %arg12[%swap3A_793, %swap3A_794, %swap3A_795] {strides = array<i32>} : memref<3x16x384xf32, #tpu.memory_space<vmem>>, vector<16xf32>,
        tpu.vector_store %arg12[%swap3A_793, %swap3A_794, %swap3A_795], %add3A_791 {strides = array<i32>} : memref<3x16x384xf32, #tpu.memory_space<vmem>>, vector<16xf32>,
        %get3A_797 = arith.constant 1 : i32
        %get3A_798 = arith.index_cast %get3A_797 : i32 to index
        %get3A_799 = arith.index_cast %add3A_224 : i32 to index
        %get3A_800 = arith.constant 240 : index
        %get3A_801 = tpu.vector_load %arg11[%get3A_798, %get3A_799, %get3A_800] {strides = array<i32>} : memref<3x64x384xf32, #tpu.memory_space<vmem>>, vector<16xf32>,
        %mul3A_802 = arith.mulf %gather3A, %get3A_801 : vector<16xf32>
        %add3A_803 = arith.constant 16 : i32
        %add3A_804 = arith.addi %add3A_803, %add3A_224 : i32
        %get3A_805 = arith.constant 1 : i32
        %get3A_806 = arith.index_cast %get3A_805 : i32 to index
        %get3A_807 = arith.index_cast %add3A_804 : i32 to index
        %get3A_808 = arith.constant 240 : index
        %get3A_809 = tpu.vector_load %arg11[%get3A_806, %get3A_807, %get3A_808] {strides = array<i32>} : memref<3x64x384xf32, #tpu.memory_space<vmem>>, vector<16xf32>,
        %mul3A_810 = arith.mulf %gather3A_226, %get3A_809 : vector<16xf32>
        %add3A_811 = arith.addf %mul3A_802, %mul3A_810 : vector<16xf32>
        %add3A_812 = arith.constant 32 : i32
        %add3A_813 = arith.addi %add3A_812, %add3A_224 : i32
        %get3A_814 = arith.constant 1 : i32
        %get3A_815 = arith.index_cast %get3A_814 : i32 to index
        %get3A_816 = arith.index_cast %add3A_813 : i32 to index
        %get3A_817 = arith.constant 240 : index
        %get3A_818 = tpu.vector_load %arg11[%get3A_815, %get3A_816, %get3A_817] {strides = array<i32>} : memref<3x64x384xf32, #tpu.memory_space<vmem>>, vector<16xf32>,
        %mul3A_819 = arith.mulf %gather3A_227, %get3A_818 : vector<16xf32>
        %add3A_820 = arith.addf %add3A_811, %mul3A_819 : vector<16xf32>
        %add3A_821 = arith.constant 48 : i32
        %add3A_822 = arith.addi %add3A_821, %add3A_224 : i32
        %get3A_823 = arith.constant 1 : i32
        %get3A_824 = arith.index_cast %get3A_823 : i32 to index
        %get3A_825 = arith.index_cast %add3A_822 : i32 to index
        %get3A_826 = arith.constant 240 : index
        %get3A_827 = tpu.vector_load %arg11[%get3A_824, %get3A_825, %get3A_826] {strides = array<i32>} : memref<3x64x384xf32, #tpu.memory_space<vmem>>, vector<16xf32>,
        %mul3A_828 = arith.mulf %gather3A_228, %get3A_827 : vector<16xf32>
        %add3A_829 = arith.addf %add3A_820, %mul3A_828 : vector<16xf32>
        %swap3A_830 = arith.constant 1 : i32
        %swap3A_831 = arith.index_cast %swap3A_830 : i32 to index
        %swap3A_832 = arith.index_cast %add3A_224 : i32 to index
        %swap3A_833 = arith.constant 240 : index
        %swap3A_834 = tpu.vector_load %arg12[%swap3A_831, %swap3A_832, %swap3A_833] {strides = array<i32>} : memref<3x16x384xf32, #tpu.memory_space<vmem>>, vector<16xf32>,
        tpu.vector_store %arg12[%swap3A_831, %swap3A_832, %swap3A_833], %add3A_829 {strides = array<i32>} : memref<3x16x384xf32, #tpu.memory_space<vmem>>, vector<16xf32>,
        %get3A_835 = arith.constant 1 : i32
        %get3A_836 = arith.index_cast %get3A_835 : i32 to index
        %get3A_837 = arith.index_cast %add3A_224 : i32 to index
        %get3A_838 = arith.constant 256 : index
        %get3A_839 = tpu.vector_load %arg11[%get3A_836, %get3A_837, %get3A_838] {strides = array<i32>} : memref<3x64x384xf32, #tpu.memory_space<vmem>>, vector<16xf32>,
        %mul3A_840 = arith.mulf %gather3A, %get3A_839 : vector<16xf32>
        %add3A_841 = arith.constant 16 : i32
        %add3A_842 = arith.addi %add3A_841, %add3A_224 : i32
        %get3A_843 = arith.constant 1 : i32
        %get3A_844 = arith.index_cast %get3A_843 : i32 to index
        %get3A_845 = arith.index_cast %add3A_842 : i32 to index
        %get3A_846 = arith.constant 256 : index
        %get3A_847 = tpu.vector_load %arg11[%get3A_844, %get3A_845, %get3A_846] {strides = array<i32>} : memref<3x64x384xf32, #tpu.memory_space<vmem>>, vector<16xf32>,
        %mul3A_848 = arith.mulf %gather3A_226, %get3A_847 : vector<16xf32>
        %add3A_849 = arith.addf %mul3A_840, %mul3A_848 : vector<16xf32>
        %add3A_850 = arith.constant 32 : i32
        %add3A_851 = arith.addi %add3A_850, %add3A_224 : i32
        %get3A_852 = arith.constant 1 : i32
        %get3A_853 = arith.index_cast %get3A_852 : i32 to index
        %get3A_854 = arith.index_cast %add3A_851 : i32 to index
        %get3A_855 = arith.constant 256 : index
        %get3A_856 = tpu.vector_load %arg11[%get3A_853, %get3A_854, %get3A_855] {strides = array<i32>} : memref<3x64x384xf32, #tpu.memory_space<vmem>>, vector<16xf32>,
        %mul3A_857 = arith.mulf %gather3A_227, %get3A_856 : vector<16xf32>
        %add3A_858 = arith.addf %add3A_849, %mul3A_857 : vector<16xf32>
        %add3A_859 = arith.constant 48 : i32
        %add3A_860 = arith.addi %add3A_859, %add3A_224 : i32
        %get3A_861 = arith.constant 1 : i32
        %get3A_862 = arith.index_cast %get3A_861 : i32 to index
        %get3A_863 = arith.index_cast %add3A_860 : i32 to index
        %get3A_864 = arith.constant 256 : index
        %get3A_865 = tpu.vector_load %arg11[%get3A_862, %get3A_863, %get3A_864] {strides = array<i32>} : memref<3x64x384xf32, #tpu.memory_space<vmem>>, vector<16xf32>,
        %mul3A_866 = arith.mulf %gather3A_228, %get3A_865 : vector<16xf32>
        %add3A_867 = arith.addf %add3A_858, %mul3A_866 : vector<16xf32>
        %swap3A_868 = arith.constant 1 : i32
        %swap3A_869 = arith.index_cast %swap3A_868 : i32 to index
        %swap3A_870 = arith.index_cast %add3A_224 : i32 to index
        %swap3A_871 = arith.constant 256 : index
        %swap3A_872 = tpu.vector_load %arg12[%swap3A_869, %swap3A_870, %swap3A_871] {strides = array<i32>} : memref<3x16x384xf32, #tpu.memory_space<vmem>>, vector<16xf32>,
        tpu.vector_store %arg12[%swap3A_869, %swap3A_870, %swap3A_871], %add3A_867 {strides = array<i32>} : memref<3x16x384xf32, #tpu.memory_space<vmem>>, vector<16xf32>,
        %get3A_873 = arith.constant 1 : i32
        %get3A_874 = arith.index_cast %get3A_873 : i32 to index
        %get3A_875 = arith.index_cast %add3A_224 : i32 to index
        %get3A_876 = arith.constant 272 : index
        %get3A_877 = tpu.vector_load %arg11[%get3A_874, %get3A_875, %get3A_876] {strides = array<i32>} : memref<3x64x384xf32, #tpu.memory_space<vmem>>, vector<16xf32>,
        %mul3A_878 = arith.mulf %gather3A, %get3A_877 : vector<16xf32>
        %add3A_879 = arith.constant 16 : i32
        %add3A_880 = arith.addi %add3A_879, %add3A_224 : i32
        %get3A_881 = arith.constant 1 : i32
        %get3A_882 = arith.index_cast %get3A_881 : i32 to index
        %get3A_883 = arith.index_cast %add3A_880 : i32 to index
        %get3A_884 = arith.constant 272 : index
        %get3A_885 = tpu.vector_load %arg11[%get3A_882, %get3A_883, %get3A_884] {strides = array<i32>} : memref<3x64x384xf32, #tpu.memory_space<vmem>>, vector<16xf32>,
        %mul3A_886 = arith.mulf %gather3A_226, %get3A_885 : vector<16xf32>
        %add3A_887 = arith.addf %mul3A_878, %mul3A_886 : vector<16xf32>
        %add3A_888 = arith.constant 32 : i32
        %add3A_889 = arith.addi %add3A_888, %add3A_224 : i32
        %get3A_890 = arith.constant 1 : i32
        %get3A_891 = arith.index_cast %get3A_890 : i32 to index
        %get3A_892 = arith.index_cast %add3A_889 : i32 to index
        %get3A_893 = arith.constant 272 : index
        %get3A_894 = tpu.vector_load %arg11[%get3A_891, %get3A_892, %get3A_893] {strides = array<i32>} : memref<3x64x384xf32, #tpu.memory_space<vmem>>, vector<16xf32>,
        %mul3A_895 = arith.mulf %gather3A_227, %get3A_894 : vector<16xf32>
        %add3A_896 = arith.addf %add3A_887, %mul3A_895 : vector<16xf32>
        %add3A_897 = arith.constant 48 : i32
        %add3A_898 = arith.addi %add3A_897, %add3A_224 : i32
        %get3A_899 = arith.constant 1 : i32
        %get3A_900 = arith.index_cast %get3A_899 : i32 to index
        %get3A_901 = arith.index_cast %add3A_898 : i32 to index
        %get3A_902 = arith.constant 272 : index
        %get3A_903 = tpu.vector_load %arg11[%get3A_900, %get3A_901, %get3A_902] {strides = array<i32>} : memref<3x64x384xf32, #tpu.memory_space<vmem>>, vector<16xf32>,
        %mul3A_904 = arith.mulf %gather3A_228, %get3A_903 : vector<16xf32>
        %add3A_905 = arith.addf %add3A_896, %mul3A_904 : vector<16xf32>
        %swap3A_906 = arith.constant 1 : i32
        %swap3A_907 = arith.index_cast %swap3A_906 : i32 to index
        %swap3A_908 = arith.index_cast %add3A_224 : i32 to index
        %swap3A_909 = arith.constant 272 : index
        %swap3A_910 = tpu.vector_load %arg12[%swap3A_907, %swap3A_908, %swap3A_909] {strides = array<i32>} : memref<3x16x384xf32, #tpu.memory_space<vmem>>, vector<16xf32>,
        tpu.vector_store %arg12[%swap3A_907, %swap3A_908, %swap3A_909], %add3A_905 {strides = array<i32>} : memref<3x16x384xf32, #tpu.memory_space<vmem>>, vector<16xf32>,
        %get3A_911 = arith.constant 1 : i32
        %get3A_912 = arith.index_cast %get3A_911 : i32 to index
        %get3A_913 = arith.index_cast %add3A_224 : i32 to index
        %get3A_914 = arith.constant 288 : index
        %get3A_915 = tpu.vector_load %arg11[%get3A_912, %get3A_913, %get3A_914] {strides = array<i32>} : memref<3x64x384xf32, #tpu.memory_space<vmem>>, vector<16xf32>,
        %mul3A_916 = arith.mulf %gather3A, %get3A_915 : vector<16xf32>
        %add3A_917 = arith.constant 16 : i32
        %add3A_918 = arith.addi %add3A_917, %add3A_224 : i32
        %get3A_919 = arith.constant 1 : i32
        %get3A_920 = arith.index_cast %get3A_919 : i32 to index
        %get3A_921 = arith.index_cast %add3A_918 : i32 to index
        %get3A_922 = arith.constant 288 : index
        %get3A_923 = tpu.vector_load %arg11[%get3A_920, %get3A_921, %get3A_922] {strides = array<i32>} : memref<3x64x384xf32, #tpu.memory_space<vmem>>, vector<16xf32>,
        %mul3A_924 = arith.mulf %gather3A_226, %get3A_923 : vector<16xf32>
        %add3A_925 = arith.addf %mul3A_916, %mul3A_924 : vector<16xf32>
        %add3A_926 = arith.constant 32 : i32
        %add3A_927 = arith.addi %add3A_926, %add3A_224 : i32
        %get3A_928 = arith.constant 1 : i32
        %get3A_929 = arith.index_cast %get3A_928 : i32 to index
        %get3A_930 = arith.index_cast %add3A_927 : i32 to index
        %get3A_931 = arith.constant 288 : index
        %get3A_932 = tpu.vector_load %arg11[%get3A_929, %get3A_930, %get3A_931] {strides = array<i32>} : memref<3x64x384xf32, #tpu.memory_space<vmem>>, vector<16xf32>,
        %mul3A_933 = arith.mulf %gather3A_227, %get3A_932 : vector<16xf32>
        %add3A_934 = arith.addf %add3A_925, %mul3A_933 : vector<16xf32>
        %add3A_935 = arith.constant 48 : i32
        %add3A_936 = arith.addi %add3A_935, %add3A_224 : i32
        %get3A_937 = arith.constant 1 : i32
        %get3A_938 = arith.index_cast %get3A_937 : i32 to index
        %get3A_939 = arith.index_cast %add3A_936 : i32 to index
        %get3A_940 = arith.constant 288 : index
        %get3A_941 = tpu.vector_load %arg11[%get3A_938, %get3A_939, %get3A_940] {strides = array<i32>} : memref<3x64x384xf32, #tpu.memory_space<vmem>>, vector<16xf32>,
        %mul3A_942 = arith.mulf %gather3A_228, %get3A_941 : vector<16xf32>
        %add3A_943 = arith.addf %add3A_934, %mul3A_942 : vector<16xf32>
        %swap3A_944 = arith.constant 1 : i32
        %swap3A_945 = arith.index_cast %swap3A_944 : i32 to index
        %swap3A_946 = arith.index_cast %add3A_224 : i32 to index
        %swap3A_947 = arith.constant 288 : index
        %swap3A_948 = tpu.vector_load %arg12[%swap3A_945, %swap3A_946, %swap3A_947] {strides = array<i32>} : memref<3x16x384xf32, #tpu.memory_space<vmem>>, vector<16xf32>,
        tpu.vector_store %arg12[%swap3A_945, %swap3A_946, %swap3A_947], %add3A_943 {strides = array<i32>} : memref<3x16x384xf32, #tpu.memory_space<vmem>>, vector<16xf32>,
        %get3A_949 = arith.constant 1 : i32
        %get3A_950 = arith.index_cast %get3A_949 : i32 to index
        %get3A_951 = arith.index_cast %add3A_224 : i32 to index
        %get3A_952 = arith.constant 304 : index
        %get3A_953 = tpu.vector_load %arg11[%get3A_950, %get3A_951, %get3A_952] {strides = array<i32>} : memref<3x64x384xf32, #tpu.memory_space<vmem>>, vector<16xf32>,
        %mul3A_954 = arith.mulf %gather3A, %get3A_953 : vector<16xf32>
        %add3A_955 = arith.constant 16 : i32
        %add3A_956 = arith.addi %add3A_955, %add3A_224 : i32
        %get3A_957 = arith.constant 1 : i32
        %get3A_958 = arith.index_cast %get3A_957 : i32 to index
        %get3A_959 = arith.index_cast %add3A_956 : i32 to index
        %get3A_960 = arith.constant 304 : index
        %get3A_961 = tpu.vector_load %arg11[%get3A_958, %get3A_959, %get3A_960] {strides = array<i32>} : memref<3x64x384xf32, #tpu.memory_space<vmem>>, vector<16xf32>,
        %mul3A_962 = arith.mulf %gather3A_226, %get3A_961 : vector<16xf32>
        %add3A_963 = arith.addf %mul3A_954, %mul3A_962 : vector<16xf32>
        %add3A_964 = arith.constant 32 : i32
        %add3A_965 = arith.addi %add3A_964, %add3A_224 : i32
        %get3A_966 = arith.constant 1 : i32
        %get3A_967 = arith.index_cast %get3A_966 : i32 to index
        %get3A_968 = arith.index_cast %add3A_965 : i32 to index
        %get3A_969 = arith.constant 304 : index
        %get3A_970 = tpu.vector_load %arg11[%get3A_967, %get3A_968, %get3A_969] {strides = array<i32>} : memref<3x64x384xf32, #tpu.memory_space<vmem>>, vector<16xf32>,
        %mul3A_971 = arith.mulf %gather3A_227, %get3A_970 : vector<16xf32>
        %add3A_972 = arith.addf %add3A_963, %mul3A_971 : vector<16xf32>
        %add3A_973 = arith.constant 48 : i32
        %add3A_974 = arith.addi %add3A_973, %add3A_224 : i32
        %get3A_975 = arith.constant 1 : i32
        %get3A_976 = arith.index_cast %get3A_975 : i32 to index
        %get3A_977 = arith.index_cast %add3A_974 : i32 to index
        %get3A_978 = arith.constant 304 : index
        %get3A_979 = tpu.vector_load %arg11[%get3A_976, %get3A_977, %get3A_978] {strides = array<i32>} : memref<3x64x384xf32, #tpu.memory_space<vmem>>, vector<16xf32>,
        %mul3A_980 = arith.mulf %gather3A_228, %get3A_979 : vector<16xf32>
        %add3A_981 = arith.addf %add3A_972, %mul3A_980 : vector<16xf32>
        %swap3A_982 = arith.constant 1 : i32
        %swap3A_983 = arith.index_cast %swap3A_982 : i32 to index
        %swap3A_984 = arith.index_cast %add3A_224 : i32 to index
        %swap3A_985 = arith.constant 304 : index
        %swap3A_986 = tpu.vector_load %arg12[%swap3A_983, %swap3A_984, %swap3A_985] {strides = array<i32>} : memref<3x16x384xf32, #tpu.memory_space<vmem>>, vector<16xf32>,
        tpu.vector_store %arg12[%swap3A_983, %swap3A_984, %swap3A_985], %add3A_981 {strides = array<i32>} : memref<3x16x384xf32, #tpu.memory_space<vmem>>, vector<16xf32>,
        %get3A_987 = arith.constant 1 : i32
        %get3A_988 = arith.index_cast %get3A_987 : i32 to index
        %get3A_989 = arith.index_cast %add3A_224 : i32 to index
        %get3A_990 = arith.constant 320 : index
        %get3A_991 = tpu.vector_load %arg11[%get3A_988, %get3A_989, %get3A_990] {strides = array<i32>} : memref<3x64x384xf32, #tpu.memory_space<vmem>>, vector<16xf32>,
        %mul3A_992 = arith.mulf %gather3A, %get3A_991 : vector<16xf32>
        %add3A_993 = arith.constant 16 : i32
        %add3A_994 = arith.addi %add3A_993, %add3A_224 : i32
        %get3A_995 = arith.constant 1 : i32
        %get3A_996 = arith.index_cast %get3A_995 : i32 to index
        %get3A_997 = arith.index_cast %add3A_994 : i32 to index
        %get3A_998 = arith.constant 320 : index
        %get3A_999 = tpu.vector_load %arg11[%get3A_996, %get3A_997, %get3A_998] {strides = array<i32>} : memref<3x64x384xf32, #tpu.memory_space<vmem>>, vector<16xf32>,
        %mul3A_1000 = arith.mulf %gather3A_226, %get3A_999 : vector<16xf32>
        %add3A_1001 = arith.addf %mul3A_992, %mul3A_1000 : vector<16xf32>
        %add3A_1002 = arith.constant 32 : i32
        %add3A_1003 = arith.addi %add3A_1002, %add3A_224 : i32
        %get3A_1004 = arith.constant 1 : i32
        %get3A_1005 = arith.index_cast %get3A_1004 : i32 to index
        %get3A_1006 = arith.index_cast %add3A_1003 : i32 to index
        %get3A_1007 = arith.constant 320 : index
        %get3A_1008 = tpu.vector_load %arg11[%get3A_1005, %get3A_1006, %get3A_1007] {strides = array<i32>} : memref<3x64x384xf32, #tpu.memory_space<vmem>>, vector<16xf32>,
        %mul3A_1009 = arith.mulf %gather3A_227, %get3A_1008 : vector<16xf32>
        %add3A_1010 = arith.addf %add3A_1001, %mul3A_1009 : vector<16xf32>
        %add3A_1011 = arith.constant 48 : i32
        %add3A_1012 = arith.addi %add3A_1011, %add3A_224 : i32
        %get3A_1013 = arith.constant 1 : i32
        %get3A_1014 = arith.index_cast %get3A_1013 : i32 to index
        %get3A_1015 = arith.index_cast %add3A_1012 : i32 to index
        %get3A_1016 = arith.constant 320 : index
        %get3A_1017 = tpu.vector_load %arg11[%get3A_1014, %get3A_1015, %get3A_1016] {strides = array<i32>} : memref<3x64x384xf32, #tpu.memory_space<vmem>>, vector<16xf32>,
        %mul3A_1018 = arith.mulf %gather3A_228, %get3A_1017 : vector<16xf32>
        %add3A_1019 = arith.addf %add3A_1010, %mul3A_1018 : vector<16xf32>
        %swap3A_1020 = arith.constant 1 : i32
        %swap3A_1021 = arith.index_cast %swap3A_1020 : i32 to index
        %swap3A_1022 = arith.index_cast %add3A_224 : i32 to index
        %swap3A_1023 = arith.constant 320 : index
        %swap3A_1024 = tpu.vector_load %arg12[%swap3A_1021, %swap3A_1022, %swap3A_1023] {strides = array<i32>} : memref<3x16x384xf32, #tpu.memory_space<vmem>>, vector<16xf32>,
        tpu.vector_store %arg12[%swap3A_1021, %swap3A_1022, %swap3A_1023], %add3A_1019 {strides = array<i32>} : memref<3x16x384xf32, #tpu.memory_space<vmem>>, vector<16xf32>,
        %get3A_1025 = arith.constant 1 : i32
        %get3A_1026 = arith.index_cast %get3A_1025 : i32 to index
        %get3A_1027 = arith.index_cast %add3A_224 : i32 to index
        %get3A_1028 = arith.constant 336 : index
        %get3A_1029 = tpu.vector_load %arg11[%get3A_1026, %get3A_1027, %get3A_1028] {strides = array<i32>} : memref<3x64x384xf32, #tpu.memory_space<vmem>>, vector<16xf32>,
        %mul3A_1030 = arith.mulf %gather3A, %get3A_1029 : vector<16xf32>
        %add3A_1031 = arith.constant 16 : i32
        %add3A_1032 = arith.addi %add3A_1031, %add3A_224 : i32
        %get3A_1033 = arith.constant 1 : i32
        %get3A_1034 = arith.index_cast %get3A_1033 : i32 to index
        %get3A_1035 = arith.index_cast %add3A_1032 : i32 to index
        %get3A_1036 = arith.constant 336 : index
        %get3A_1037 = tpu.vector_load %arg11[%get3A_1034, %get3A_1035, %get3A_1036] {strides = array<i32>} : memref<3x64x384xf32, #tpu.memory_space<vmem>>, vector<16xf32>,
        %mul3A_1038 = arith.mulf %gather3A_226, %get3A_1037 : vector<16xf32>
        %add3A_1039 = arith.addf %mul3A_1030, %mul3A_1038 : vector<16xf32>
        %add3A_1040 = arith.constant 32 : i32
        %add3A_1041 = arith.addi %add3A_1040, %add3A_224 : i32
        %get3A_1042 = arith.constant 1 : i32
        %get3A_1043 = arith.index_cast %get3A_1042 : i32 to index
        %get3A_1044 = arith.index_cast %add3A_1041 : i32 to index
        %get3A_1045 = arith.constant 336 : index
        %get3A_1046 = tpu.vector_load %arg11[%get3A_1043, %get3A_1044, %get3A_1045] {strides = array<i32>} : memref<3x64x384xf32, #tpu.memory_space<vmem>>, vector<16xf32>,
        %mul3A_1047 = arith.mulf %gather3A_227, %get3A_1046 : vector<16xf32>
        %add3A_1048 = arith.addf %add3A_1039, %mul3A_1047 : vector<16xf32>
        %add3A_1049 = arith.constant 48 : i32
        %add3A_1050 = arith.addi %add3A_1049, %add3A_224 : i32
        %get3A_1051 = arith.constant 1 : i32
        %get3A_1052 = arith.index_cast %get3A_1051 : i32 to index
        %get3A_1053 = arith.index_cast %add3A_1050 : i32 to index
        %get3A_1054 = arith.constant 336 : index
        %get3A_1055 = tpu.vector_load %arg11[%get3A_1052, %get3A_1053, %get3A_1054] {strides = array<i32>} : memref<3x64x384xf32, #tpu.memory_space<vmem>>, vector<16xf32>,
        %mul3A_1056 = arith.mulf %gather3A_228, %get3A_1055 : vector<16xf32>
        %add3A_1057 = arith.addf %add3A_1048, %mul3A_1056 : vector<16xf32>
        %swap3A_1058 = arith.constant 1 : i32
        %swap3A_1059 = arith.index_cast %swap3A_1058 : i32 to index
        %swap3A_1060 = arith.index_cast %add3A_224 : i32 to index
        %swap3A_1061 = arith.constant 336 : index
        %swap3A_1062 = tpu.vector_load %arg12[%swap3A_1059, %swap3A_1060, %swap3A_1061] {strides = array<i32>} : memref<3x16x384xf32, #tpu.memory_space<vmem>>, vector<16xf32>,
        tpu.vector_store %arg12[%swap3A_1059, %swap3A_1060, %swap3A_1061], %add3A_1057 {strides = array<i32>} : memref<3x16x384xf32, #tpu.memory_space<vmem>>, vector<16xf32>,
        %get3A_1063 = arith.constant 1 : i32
        %get3A_1064 = arith.index_cast %get3A_1063 : i32 to index
        %get3A_1065 = arith.index_cast %add3A_224 : i32 to index
        %get3A_1066 = arith.constant 352 : index
        %get3A_1067 = tpu.vector_load %arg11[%get3A_1064, %get3A_1065, %get3A_1066] {strides = array<i32>} : memref<3x64x384xf32, #tpu.memory_space<vmem>>, vector<16xf32>,
        %mul3A_1068 = arith.mulf %gather3A, %get3A_1067 : vector<16xf32>
        %add3A_1069 = arith.constant 16 : i32
        %add3A_1070 = arith.addi %add3A_1069, %add3A_224 : i32
        %get3A_1071 = arith.constant 1 : i32
        %get3A_1072 = arith.index_cast %get3A_1071 : i32 to index
        %get3A_1073 = arith.index_cast %add3A_1070 : i32 to index
        %get3A_1074 = arith.constant 352 : index
        %get3A_1075 = tpu.vector_load %arg11[%get3A_1072, %get3A_1073, %get3A_1074] {strides = array<i32>} : memref<3x64x384xf32, #tpu.memory_space<vmem>>, vector<16xf32>,
        %mul3A_1076 = arith.mulf %gather3A_226, %get3A_1075 : vector<16xf32>
        %add3A_1077 = arith.addf %mul3A_1068, %mul3A_1076 : vector<16xf32>
        %add3A_1078 = arith.constant 32 : i32
        %add3A_1079 = arith.addi %add3A_1078, %add3A_224 : i32
        %get3A_1080 = arith.constant 1 : i32
        %get3A_1081 = arith.index_cast %get3A_1080 : i32 to index
        %get3A_1082 = arith.index_cast %add3A_1079 : i32 to index
        %get3A_1083 = arith.constant 352 : index
        %get3A_1084 = tpu.vector_load %arg11[%get3A_1081, %get3A_1082, %get3A_1083] {strides = array<i32>} : memref<3x64x384xf32, #tpu.memory_space<vmem>>, vector<16xf32>,
        %mul3A_1085 = arith.mulf %gather3A_227, %get3A_1084 : vector<16xf32>
        %add3A_1086 = arith.addf %add3A_1077, %mul3A_1085 : vector<16xf32>
        %add3A_1087 = arith.constant 48 : i32
        %add3A_1088 = arith.addi %add3A_1087, %add3A_224 : i32
        %get3A_1089 = arith.constant 1 : i32
        %get3A_1090 = arith.index_cast %get3A_1089 : i32 to index
        %get3A_1091 = arith.index_cast %add3A_1088 : i32 to index
        %get3A_1092 = arith.constant 352 : index
        %get3A_1093 = tpu.vector_load %arg11[%get3A_1090, %get3A_1091, %get3A_1092] {strides = array<i32>} : memref<3x64x384xf32, #tpu.memory_space<vmem>>, vector<16xf32>,
        %mul3A_1094 = arith.mulf %gather3A_228, %get3A_1093 : vector<16xf32>
        %add3A_1095 = arith.addf %add3A_1086, %mul3A_1094 : vector<16xf32>
        %swap3A_1096 = arith.constant 1 : i32
        %swap3A_1097 = arith.index_cast %swap3A_1096 : i32 to index
        %swap3A_1098 = arith.index_cast %add3A_224 : i32 to index
        %swap3A_1099 = arith.constant 352 : index
        %swap3A_1100 = tpu.vector_load %arg12[%swap3A_1097, %swap3A_1098, %swap3A_1099] {strides = array<i32>} : memref<3x16x384xf32, #tpu.memory_space<vmem>>, vector<16xf32>,
        tpu.vector_store %arg12[%swap3A_1097, %swap3A_1098, %swap3A_1099], %add3A_1095 {strides = array<i32>} : memref<3x16x384xf32, #tpu.memory_space<vmem>>, vector<16xf32>,
        %get3A_1101 = arith.constant 1 : i32
        %get3A_1102 = arith.index_cast %get3A_1101 : i32 to index
        %get3A_1103 = arith.index_cast %add3A_224 : i32 to index
        %get3A_1104 = arith.constant 368 : index
        %get3A_1105 = tpu.vector_load %arg11[%get3A_1102, %get3A_1103, %get3A_1104] {strides = array<i32>} : memref<3x64x384xf32, #tpu.memory_space<vmem>>, vector<16xf32>,
        %mul3A_1106 = arith.mulf %gather3A, %get3A_1105 : vector<16xf32>
        %add3A_1107 = arith.constant 16 : i32
        %add3A_1108 = arith.addi %add3A_1107, %add3A_224 : i32
        %get3A_1109 = arith.constant 1 : i32
        %get3A_1110 = arith.index_cast %get3A_1109 : i32 to index
        %get3A_1111 = arith.index_cast %add3A_1108 : i32 to index
        %get3A_1112 = arith.constant 368 : index
        %get3A_1113 = tpu.vector_load %arg11[%get3A_1110, %get3A_1111, %get3A_1112] {strides = array<i32>} : memref<3x64x384xf32, #tpu.memory_space<vmem>>, vector<16xf32>,
        %mul3A_1114 = arith.mulf %gather3A_226, %get3A_1113 : vector<16xf32>
        %add3A_1115 = arith.addf %mul3A_1106, %mul3A_1114 : vector<16xf32>
        %add3A_1116 = arith.constant 32 : i32
        %add3A_1117 = arith.addi %add3A_1116, %add3A_224 : i32
        %get3A_1118 = arith.constant 1 : i32
        %get3A_1119 = arith.index_cast %get3A_1118 : i32 to index
        %get3A_1120 = arith.index_cast %add3A_1117 : i32 to index
        %get3A_1121 = arith.constant 368 : index
        %get3A_1122 = tpu.vector_load %arg11[%get3A_1119, %get3A_1120, %get3A_1121] {strides = array<i32>} : memref<3x64x384xf32, #tpu.memory_space<vmem>>, vector<16xf32>,
        %mul3A_1123 = arith.mulf %gather3A_227, %get3A_1122 : vector<16xf32>
        %add3A_1124 = arith.addf %add3A_1115, %mul3A_1123 : vector<16xf32>
        %add3A_1125 = arith.constant 48 : i32
        %add3A_1126 = arith.addi %add3A_1125, %add3A_224 : i32
        %get3A_1127 = arith.constant 1 : i32
        %get3A_1128 = arith.index_cast %get3A_1127 : i32 to index
        %get3A_1129 = arith.index_cast %add3A_1126 : i32 to index
        %get3A_1130 = arith.constant 368 : index
        %get3A_1131 = tpu.vector_load %arg11[%get3A_1128, %get3A_1129, %get3A_1130] {strides = array<i32>} : memref<3x64x384xf32, #tpu.memory_space<vmem>>, vector<16xf32>,
        %mul3A_1132 = arith.mulf %gather3A_228, %get3A_1131 : vector<16xf32>
        %add3A_1133 = arith.addf %add3A_1124, %mul3A_1132 : vector<16xf32>
        %swap3A_1134 = arith.constant 1 : i32
        %swap3A_1135 = arith.index_cast %swap3A_1134 : i32 to index
        %swap3A_1136 = arith.index_cast %add3A_224 : i32 to index
        %swap3A_1137 = arith.constant 368 : index
        %swap3A_1138 = tpu.vector_load %arg12[%swap3A_1135, %swap3A_1136, %swap3A_1137] {strides = array<i32>} : memref<3x16x384xf32, #tpu.memory_space<vmem>>, vector<16xf32>,
        tpu.vector_store %arg12[%swap3A_1135, %swap3A_1136, %swap3A_1137], %add3A_1133 {strides = array<i32>} : memref<3x16x384xf32, #tpu.memory_space<vmem>>, vector<16xf32>,
      }
      %scan3A_153 = arith.constant 16 : i32
      %mul3A_154 = arith.constant 16 : i32
      %mul3A_155 = arith.muli %add3A_121, %mul3A_154 : i32
      %add3A_156 = arith.addi %mul3A_2, %mul3A_155 : i32
      %dma_start3A_157 = arith.constant 1 : i32
      %dma_start3A_158 = arith.constant 0 : i32
      %dma_start3A_159 = arith.constant 0 : i32
      %dma_start3A_160 = tpu.memref_slice %arg12[%dma_start3A_157, %dma_start3A_158, %dma_start3A_159] : memref<3x16x384xf32, #tpu.memory_space<vmem>> -> memref<1x16x384xf32, #tpu.memory_space<vmem>>
      %dma_start3A_161 = tpu.memref_squeeze %dma_start3A_160 : memref<1x16x384xf32, #tpu.memory_space<vmem>> -> memref<16x384xf32, #tpu.memory_space<vmem>>
      %dma_start3A_162 = arith.constant 0 : i32
      %dma_start3A_163 = tpu.memref_slice %arg5[%add3A_156, %dma_start3A_162] : memref<147456x384xf32, #tpu.memory_space<hbm>> -> memref<16x384xf32, #tpu.memory_space<hbm>>
      %dma_start3A_164 = arith.constant 0 : i32
      %dma_start3A_165 = tpu.memref_slice %arg5[%add3A_156, %dma_start3A_164] : memref<147456x384xf32, #tpu.memory_space<hbm>> -> memref<16x384xf32, #tpu.memory_space<hbm>>
      %dma_start3A_166 = arith.constant 0 : i32
      %dma_start3A_167 = arith.constant 0 : i32
      %dma_start3A_168 = tpu.memref_slice %arg12[%dma_start3A_157, %dma_start3A_166, %dma_start3A_167] : memref<3x16x384xf32, #tpu.memory_space<vmem>> -> memref<1x16x384xf32, #tpu.memory_space<vmem>>
      %dma_start3A_169 = tpu.memref_squeeze %dma_start3A_168 : memref<1x16x384xf32, #tpu.memory_space<vmem>> -> memref<16x384xf32, #tpu.memory_space<vmem>>
      tpu.enqueue_dma source(%dma_start3A_169 : memref<16x384xf32, #tpu.memory_space<vmem>>) target(%dma_start3A_165 : memref<16x384xf32, #tpu.memory_space<hbm>>) target_semaphore(%arg17 : memref<!tpu.dma_semaphore, #tpu.memory_space<semaphore_mem>>)
      %add3A_170 = arith.constant 2 : i32
      %add3A_171 = arith.addi %add3A_73, %add3A_170 : i32
      %add3A_172 = arith.constant 2 : i32
      %add3A_173 = arith.addi %add3A_171, %add3A_172 : i32
      %lt3A_174 = arith.constant 288 : i32
      %lt3A_175 = arith.cmpi slt, %add3A_173, %lt3A_174 : i32
      %convert_element_type3A_176 = arith.extui %lt3A_175 : i1 to i32
      %cond3A_177 = arith.constant 0 : i32
      %cond3A_178 = arith.cmpi ne, %convert_element_type3A_176, %cond3A_177 : i32
      scf.if %cond3A_178 {
        %add3A_220 = arith.constant 2 : i32
        %add3A_221 = arith.addi %add3A_171, %add3A_220 : i32
        %mul3A_222 = arith.constant 4 : i32
        %mul3A_223 = arith.muli %add3A_221, %mul3A_222 : i32
        %mul3A_224 = arith.constant 16 : i32
        %mul3A_225 = arith.muli %mul3A_223, %mul3A_224 : i32
        %dma_start3A_226 = arith.constant 1 : i32
        %dma_start3A_227 = arith.constant 0 : i32
        %dma_start3A_228 = arith.constant 0 : i32
        %dma_start3A_229 = tpu.memref_slice %arg11[%dma_start3A_226, %dma_start3A_227, %dma_start3A_228] : memref<3x64x384xf32, #tpu.memory_space<vmem>> -> memref<1x64x384xf32, #tpu.memory_space<vmem>>
        %dma_start3A_230 = tpu.memref_squeeze %dma_start3A_229 : memref<1x64x384xf32, #tpu.memory_space<vmem>> -> memref<64x384xf32, #tpu.memory_space<vmem>>
        %dma_start3A_231 = tpu.memref_slice %arg6[%mul3A_225] : memref<18432xi32, #tpu.memory_space<vmem>> -> memref<64xi32, #tpu.memory_space<vmem>>
        %dma_start3A_232 = arith.constant 0 : i32
        %dma_start3A_233 = arith.constant 0 : i32
        %dma_start3A_234 = tpu.memref_slice %arg2[%dma_start3A_232, %dma_start3A_233] : memref<147456x384xf32, #tpu.memory_space<hbm>> -> memref<147456x384xf32, #tpu.memory_space<hbm>>
        tpu.enqueue_indirect_dma source(%dma_start3A_234 : memref<147456x384xf32, #tpu.memory_space<hbm>>) target(%dma_start3A_230 : memref<64x384xf32, #tpu.memory_space<vmem>>) offsets(%dma_start3A_231 : memref<64xi32, #tpu.memory_space<vmem>>) semaphore(%arg14 : memref<!tpu.dma_semaphore, #tpu.memory_space<semaphore_mem>>)
      } else {
      }
      %mul3A_179 = arith.constant 4 : i32
      %mul3A_180 = arith.muli %add3A_171, %mul3A_179 : i32
      %mul3A_181 = arith.constant 16 : i32
      %mul3A_182 = arith.muli %mul3A_180, %mul3A_181 : i32
      %dma_wait3A_183 = arith.constant 2 : i32
      %dma_wait3A_184 = arith.constant 0 : i32
      %dma_wait3A_185 = arith.constant 0 : i32
      %dma_wait3A_186 = tpu.memref_slice %arg11[%dma_wait3A_183, %dma_wait3A_184, %dma_wait3A_185] : memref<3x64x384xf32, #tpu.memory_space<vmem>> -> memref<1x64x384xf32, #tpu.memory_space<vmem>>
      %dma_wait3A_187 = tpu.memref_squeeze %dma_wait3A_186 : memref<1x64x384xf32, #tpu.memory_space<vmem>> -> memref<64x384xf32, #tpu.memory_space<vmem>>
      %dma_wait3A_188 = tpu.memref_slice %arg6[%mul3A_182] : memref<18432xi32, #tpu.memory_space<vmem>> -> memref<64xi32, #tpu.memory_space<vmem>>
      %dma_wait3A_189 = arith.constant 0 : i32
      %dma_wait3A_190 = arith.constant 0 : i32
      %dma_wait3A_191 = tpu.memref_slice %arg2[%dma_wait3A_189, %dma_wait3A_190] : memref<147456x384xf32, #tpu.memory_space<hbm>> -> memref<147456x384xf32, #tpu.memory_space<hbm>>
      tpu.wait_indirect_dma semaphore(%arg15 : memref<!tpu.dma_semaphore, #tpu.memory_space<semaphore_mem>>) src(%dma_wait3A_191 : memref<147456x384xf32, #tpu.memory_space<hbm>>) dst(%dma_wait3A_187 : memref<64x384xf32, #tpu.memory_space<vmem>>)
      %ge3A_192 = arith.constant 3 : i32
      %ge3A_193 = arith.cmpi sge, %add3A_171, %ge3A_192 : i32
      %convert_element_type3A_194 = arith.extui %ge3A_193 : i1 to i32
      %cond3A_195 = arith.constant 0 : i32
      %cond3A_196 = arith.cmpi ne, %convert_element_type3A_194, %cond3A_195 : i32
      scf.if %cond3A_196 {
        %dma_wait3A_220 = arith.constant 2 : i32
        %dma_wait3A_221 = arith.constant 0 : i32
        %dma_wait3A_222 = arith.constant 0 : i32
        %dma_wait3A_223 = tpu.memref_slice %arg12[%dma_wait3A_220, %dma_wait3A_221, %dma_wait3A_222] : memref<3x16x384xf32, #tpu.memory_space<vmem>> -> memref<1x16x384xf32, #tpu.memory_space<vmem>>
        %dma_wait3A_224 = tpu.memref_squeeze %dma_wait3A_223 : memref<1x16x384xf32, #tpu.memory_space<vmem>> -> memref<16x384xf32, #tpu.memory_space<vmem>>
        %dma_wait3A_225 = arith.constant 0 : i32
        %dma_wait3A_226 = tpu.memref_slice %arg5[%mul3A_2, %dma_wait3A_225] : memref<147456x384xf32, #tpu.memory_space<hbm>> -> memref<16x384xf32, #tpu.memory_space<hbm>>
        %dma_wait3A_227 = arith.constant 0 : i32
        %dma_wait3A_228 = tpu.memref_slice %arg5[%mul3A_2, %dma_wait3A_227] : memref<147456x384xf32, #tpu.memory_space<hbm>> -> memref<16x384xf32, #tpu.memory_space<hbm>>
        %dma_wait3A_229 = arith.constant 0 : i32
        %dma_wait3A_230 = arith.constant 0 : i32
        %dma_wait3A_231 = tpu.memref_slice %arg12[%dma_wait3A_220, %dma_wait3A_229, %dma_wait3A_230] : memref<3x16x384xf32, #tpu.memory_space<vmem>> -> memref<1x16x384xf32, #tpu.memory_space<vmem>>
        %dma_wait3A_232 = tpu.memref_squeeze %dma_wait3A_231 : memref<1x16x384xf32, #tpu.memory_space<vmem>> -> memref<16x384xf32, #tpu.memory_space<vmem>>
        tpu.wait_dma2 semaphore(%arg18 : memref<!tpu.dma_semaphore, #tpu.memory_space<semaphore_mem>>) src(%dma_wait3A_232 : memref<16x384xf32, #tpu.memory_space<vmem>>) dst(%dma_wait3A_228 : memref<16x384xf32, #tpu.memory_space<hbm>>)
      } else {
      }
      %mul3A_197 = arith.constant 16 : i32
      %mul3A_198 = arith.muli %add3A_171, %mul3A_197 : i32
      %scan3A_199 = arith.constant 0 : i32
      %scan3A_200 = arith.constant 16 : i32
      %scan3A_201 = arith.addi %scan3A_199, %scan3A_200 : i32
      %scan3A_202 = arith.constant 1 : i32
      scf.for %scan3A_220 = %scan3A_199 to %scan3A_201 step %scan3A_202  : i32 {
        %mul3A_221 = arith.constant 1 : i32
        %mul3A_222 = arith.muli %scan3A_220, %mul3A_221 : i32
        %add3A_223 = arith.constant 0 : i32
        %add3A_224 = arith.addi %add3A_223, %mul3A_222 : i32
        %add3A_225 = arith.addi %mul3A_198, %add3A_224 : i32
        %broadcast_in_dim3A = vector.broadcast %add3A_225 : i32 to vector<16xi32>
        %gather3A = tpu.vector_load_idx %arg7[%broadcast_in_dim3A] : memref<4608xf32, #tpu.memory_space<vmem>>[vector<16xi32>], vector<16xf32>,
        %gather3A_226 = tpu.vector_load_idx %arg8[%broadcast_in_dim3A] : memref<4608xf32, #tpu.memory_space<vmem>>[vector<16xi32>], vector<16xf32>,
        %gather3A_227 = tpu.vector_load_idx %arg9[%broadcast_in_dim3A] : memref<4608xf32, #tpu.memory_space<vmem>>[vector<16xi32>], vector<16xf32>,
        %gather3A_228 = tpu.vector_load_idx %arg10[%broadcast_in_dim3A] : memref<4608xf32, #tpu.memory_space<vmem>>[vector<16xi32>], vector<16xf32>,
        %get3A = arith.constant 2 : i32
        %get3A_229 = arith.index_cast %get3A : i32 to index
        %get3A_230 = arith.index_cast %add3A_224 : i32 to index
        %get3A_231 = arith.constant 0 : index
        %get3A_232 = tpu.vector_load %arg11[%get3A_229, %get3A_230, %get3A_231] {strides = array<i32>} : memref<3x64x384xf32, #tpu.memory_space<vmem>>, vector<16xf32>,
        %mul3A_233 = arith.mulf %gather3A, %get3A_232 : vector<16xf32>
        %add3A_234 = arith.constant 16 : i32
        %add3A_235 = arith.addi %add3A_234, %add3A_224 : i32
        %get3A_236 = arith.constant 2 : i32
        %get3A_237 = arith.index_cast %get3A_236 : i32 to index
        %get3A_238 = arith.index_cast %add3A_235 : i32 to index
        %get3A_239 = arith.constant 0 : index
        %get3A_240 = tpu.vector_load %arg11[%get3A_237, %get3A_238, %get3A_239] {strides = array<i32>} : memref<3x64x384xf32, #tpu.memory_space<vmem>>, vector<16xf32>,
        %mul3A_241 = arith.mulf %gather3A_226, %get3A_240 : vector<16xf32>
        %add3A_242 = arith.addf %mul3A_233, %mul3A_241 : vector<16xf32>
        %add3A_243 = arith.constant 32 : i32
        %add3A_244 = arith.addi %add3A_243, %add3A_224 : i32
        %get3A_245 = arith.constant 2 : i32
        %get3A_246 = arith.index_cast %get3A_245 : i32 to index
        %get3A_247 = arith.index_cast %add3A_244 : i32 to index
        %get3A_248 = arith.constant 0 : index
        %get3A_249 = tpu.vector_load %arg11[%get3A_246, %get3A_247, %get3A_248] {strides = array<i32>} : memref<3x64x384xf32, #tpu.memory_space<vmem>>, vector<16xf32>,
        %mul3A_250 = arith.mulf %gather3A_227, %get3A_249 : vector<16xf32>
        %add3A_251 = arith.addf %add3A_242, %mul3A_250 : vector<16xf32>
        %add3A_252 = arith.constant 48 : i32
        %add3A_253 = arith.addi %add3A_252, %add3A_224 : i32
        %get3A_254 = arith.constant 2 : i32
        %get3A_255 = arith.index_cast %get3A_254 : i32 to index
        %get3A_256 = arith.index_cast %add3A_253 : i32 to index
        %get3A_257 = arith.constant 0 : index
        %get3A_258 = tpu.vector_load %arg11[%get3A_255, %get3A_256, %get3A_257] {strides = array<i32>} : memref<3x64x384xf32, #tpu.memory_space<vmem>>, vector<16xf32>,
        %mul3A_259 = arith.mulf %gather3A_228, %get3A_258 : vector<16xf32>
        %add3A_260 = arith.addf %add3A_251, %mul3A_259 : vector<16xf32>
        %swap3A = arith.constant 2 : i32
        %swap3A_261 = arith.index_cast %swap3A : i32 to index
        %swap3A_262 = arith.index_cast %add3A_224 : i32 to index
        %swap3A_263 = arith.constant 0 : index
        %swap3A_264 = tpu.vector_load %arg12[%swap3A_261, %swap3A_262, %swap3A_263] {strides = array<i32>} : memref<3x16x384xf32, #tpu.memory_space<vmem>>, vector<16xf32>,
        tpu.vector_store %arg12[%swap3A_261, %swap3A_262, %swap3A_263], %add3A_260 {strides = array<i32>} : memref<3x16x384xf32, #tpu.memory_space<vmem>>, vector<16xf32>,
        %get3A_265 = arith.constant 2 : i32
        %get3A_266 = arith.index_cast %get3A_265 : i32 to index
        %get3A_267 = arith.index_cast %add3A_224 : i32 to index
        %get3A_268 = arith.constant 16 : index
        %get3A_269 = tpu.vector_load %arg11[%get3A_266, %get3A_267, %get3A_268] {strides = array<i32>} : memref<3x64x384xf32, #tpu.memory_space<vmem>>, vector<16xf32>,
        %mul3A_270 = arith.mulf %gather3A, %get3A_269 : vector<16xf32>
        %add3A_271 = arith.constant 16 : i32
        %add3A_272 = arith.addi %add3A_271, %add3A_224 : i32
        %get3A_273 = arith.constant 2 : i32
        %get3A_274 = arith.index_cast %get3A_273 : i32 to index
        %get3A_275 = arith.index_cast %add3A_272 : i32 to index
        %get3A_276 = arith.constant 16 : index
        %get3A_277 = tpu.vector_load %arg11[%get3A_274, %get3A_275, %get3A_276] {strides = array<i32>} : memref<3x64x384xf32, #tpu.memory_space<vmem>>, vector<16xf32>,
        %mul3A_278 = arith.mulf %gather3A_226, %get3A_277 : vector<16xf32>
        %add3A_279 = arith.addf %mul3A_270, %mul3A_278 : vector<16xf32>
        %add3A_280 = arith.constant 32 : i32
        %add3A_281 = arith.addi %add3A_280, %add3A_224 : i32
        %get3A_282 = arith.constant 2 : i32
        %get3A_283 = arith.index_cast %get3A_282 : i32 to index
        %get3A_284 = arith.index_cast %add3A_281 : i32 to index
        %get3A_285 = arith.constant 16 : index
        %get3A_286 = tpu.vector_load %arg11[%get3A_283, %get3A_284, %get3A_285] {strides = array<i32>} : memref<3x64x384xf32, #tpu.memory_space<vmem>>, vector<16xf32>,
        %mul3A_287 = arith.mulf %gather3A_227, %get3A_286 : vector<16xf32>
        %add3A_288 = arith.addf %add3A_279, %mul3A_287 : vector<16xf32>
        %add3A_289 = arith.constant 48 : i32
        %add3A_290 = arith.addi %add3A_289, %add3A_224 : i32
        %get3A_291 = arith.constant 2 : i32
        %get3A_292 = arith.index_cast %get3A_291 : i32 to index
        %get3A_293 = arith.index_cast %add3A_290 : i32 to index
        %get3A_294 = arith.constant 16 : index
        %get3A_295 = tpu.vector_load %arg11[%get3A_292, %get3A_293, %get3A_294] {strides = array<i32>} : memref<3x64x384xf32, #tpu.memory_space<vmem>>, vector<16xf32>,
        %mul3A_296 = arith.mulf %gather3A_228, %get3A_295 : vector<16xf32>
        %add3A_297 = arith.addf %add3A_288, %mul3A_296 : vector<16xf32>
        %swap3A_298 = arith.constant 2 : i32
        %swap3A_299 = arith.index_cast %swap3A_298 : i32 to index
        %swap3A_300 = arith.index_cast %add3A_224 : i32 to index
        %swap3A_301 = arith.constant 16 : index
        %swap3A_302 = tpu.vector_load %arg12[%swap3A_299, %swap3A_300, %swap3A_301] {strides = array<i32>} : memref<3x16x384xf32, #tpu.memory_space<vmem>>, vector<16xf32>,
        tpu.vector_store %arg12[%swap3A_299, %swap3A_300, %swap3A_301], %add3A_297 {strides = array<i32>} : memref<3x16x384xf32, #tpu.memory_space<vmem>>, vector<16xf32>,
        %get3A_303 = arith.constant 2 : i32
        %get3A_304 = arith.index_cast %get3A_303 : i32 to index
        %get3A_305 = arith.index_cast %add3A_224 : i32 to index
        %get3A_306 = arith.constant 32 : index
        %get3A_307 = tpu.vector_load %arg11[%get3A_304, %get3A_305, %get3A_306] {strides = array<i32>} : memref<3x64x384xf32, #tpu.memory_space<vmem>>, vector<16xf32>,
        %mul3A_308 = arith.mulf %gather3A, %get3A_307 : vector<16xf32>
        %add3A_309 = arith.constant 16 : i32
        %add3A_310 = arith.addi %add3A_309, %add3A_224 : i32
        %get3A_311 = arith.constant 2 : i32
        %get3A_312 = arith.index_cast %get3A_311 : i32 to index
        %get3A_313 = arith.index_cast %add3A_310 : i32 to index
        %get3A_314 = arith.constant 32 : index
        %get3A_315 = tpu.vector_load %arg11[%get3A_312, %get3A_313, %get3A_314] {strides = array<i32>} : memref<3x64x384xf32, #tpu.memory_space<vmem>>, vector<16xf32>,
        %mul3A_316 = arith.mulf %gather3A_226, %get3A_315 : vector<16xf32>
        %add3A_317 = arith.addf %mul3A_308, %mul3A_316 : vector<16xf32>
        %add3A_318 = arith.constant 32 : i32
        %add3A_319 = arith.addi %add3A_318, %add3A_224 : i32
        %get3A_320 = arith.constant 2 : i32
        %get3A_321 = arith.index_cast %get3A_320 : i32 to index
        %get3A_322 = arith.index_cast %add3A_319 : i32 to index
        %get3A_323 = arith.constant 32 : index
        %get3A_324 = tpu.vector_load %arg11[%get3A_321, %get3A_322, %get3A_323] {strides = array<i32>} : memref<3x64x384xf32, #tpu.memory_space<vmem>>, vector<16xf32>,
        %mul3A_325 = arith.mulf %gather3A_227, %get3A_324 : vector<16xf32>
        %add3A_326 = arith.addf %add3A_317, %mul3A_325 : vector<16xf32>
        %add3A_327 = arith.constant 48 : i32
        %add3A_328 = arith.addi %add3A_327, %add3A_224 : i32
        %get3A_329 = arith.constant 2 : i32
        %get3A_330 = arith.index_cast %get3A_329 : i32 to index
        %get3A_331 = arith.index_cast %add3A_328 : i32 to index
        %get3A_332 = arith.constant 32 : index
        %get3A_333 = tpu.vector_load %arg11[%get3A_330, %get3A_331, %get3A_332] {strides = array<i32>} : memref<3x64x384xf32, #tpu.memory_space<vmem>>, vector<16xf32>,
        %mul3A_334 = arith.mulf %gather3A_228, %get3A_333 : vector<16xf32>
        %add3A_335 = arith.addf %add3A_326, %mul3A_334 : vector<16xf32>
        %swap3A_336 = arith.constant 2 : i32
        %swap3A_337 = arith.index_cast %swap3A_336 : i32 to index
        %swap3A_338 = arith.index_cast %add3A_224 : i32 to index
        %swap3A_339 = arith.constant 32 : index
        %swap3A_340 = tpu.vector_load %arg12[%swap3A_337, %swap3A_338, %swap3A_339] {strides = array<i32>} : memref<3x16x384xf32, #tpu.memory_space<vmem>>, vector<16xf32>,
        tpu.vector_store %arg12[%swap3A_337, %swap3A_338, %swap3A_339], %add3A_335 {strides = array<i32>} : memref<3x16x384xf32, #tpu.memory_space<vmem>>, vector<16xf32>,
        %get3A_341 = arith.constant 2 : i32
        %get3A_342 = arith.index_cast %get3A_341 : i32 to index
        %get3A_343 = arith.index_cast %add3A_224 : i32 to index
        %get3A_344 = arith.constant 48 : index
        %get3A_345 = tpu.vector_load %arg11[%get3A_342, %get3A_343, %get3A_344] {strides = array<i32>} : memref<3x64x384xf32, #tpu.memory_space<vmem>>, vector<16xf32>,
        %mul3A_346 = arith.mulf %gather3A, %get3A_345 : vector<16xf32>
        %add3A_347 = arith.constant 16 : i32
        %add3A_348 = arith.addi %add3A_347, %add3A_224 : i32
        %get3A_349 = arith.constant 2 : i32
        %get3A_350 = arith.index_cast %get3A_349 : i32 to index
        %get3A_351 = arith.index_cast %add3A_348 : i32 to index
        %get3A_352 = arith.constant 48 : index
        %get3A_353 = tpu.vector_load %arg11[%get3A_350, %get3A_351, %get3A_352] {strides = array<i32>} : memref<3x64x384xf32, #tpu.memory_space<vmem>>, vector<16xf32>,
        %mul3A_354 = arith.mulf %gather3A_226, %get3A_353 : vector<16xf32>
        %add3A_355 = arith.addf %mul3A_346, %mul3A_354 : vector<16xf32>
        %add3A_356 = arith.constant 32 : i32
        %add3A_357 = arith.addi %add3A_356, %add3A_224 : i32
        %get3A_358 = arith.constant 2 : i32
        %get3A_359 = arith.index_cast %get3A_358 : i32 to index
        %get3A_360 = arith.index_cast %add3A_357 : i32 to index
        %get3A_361 = arith.constant 48 : index
        %get3A_362 = tpu.vector_load %arg11[%get3A_359, %get3A_360, %get3A_361] {strides = array<i32>} : memref<3x64x384xf32, #tpu.memory_space<vmem>>, vector<16xf32>,
        %mul3A_363 = arith.mulf %gather3A_227, %get3A_362 : vector<16xf32>
        %add3A_364 = arith.addf %add3A_355, %mul3A_363 : vector<16xf32>
        %add3A_365 = arith.constant 48 : i32
        %add3A_366 = arith.addi %add3A_365, %add3A_224 : i32
        %get3A_367 = arith.constant 2 : i32
        %get3A_368 = arith.index_cast %get3A_367 : i32 to index
        %get3A_369 = arith.index_cast %add3A_366 : i32 to index
        %get3A_370 = arith.constant 48 : index
        %get3A_371 = tpu.vector_load %arg11[%get3A_368, %get3A_369, %get3A_370] {strides = array<i32>} : memref<3x64x384xf32, #tpu.memory_space<vmem>>, vector<16xf32>,
        %mul3A_372 = arith.mulf %gather3A_228, %get3A_371 : vector<16xf32>
        %add3A_373 = arith.addf %add3A_364, %mul3A_372 : vector<16xf32>
        %swap3A_374 = arith.constant 2 : i32
        %swap3A_375 = arith.index_cast %swap3A_374 : i32 to index
        %swap3A_376 = arith.index_cast %add3A_224 : i32 to index
        %swap3A_377 = arith.constant 48 : index
        %swap3A_378 = tpu.vector_load %arg12[%swap3A_375, %swap3A_376, %swap3A_377] {strides = array<i32>} : memref<3x16x384xf32, #tpu.memory_space<vmem>>, vector<16xf32>,
        tpu.vector_store %arg12[%swap3A_375, %swap3A_376, %swap3A_377], %add3A_373 {strides = array<i32>} : memref<3x16x384xf32, #tpu.memory_space<vmem>>, vector<16xf32>,
        %get3A_379 = arith.constant 2 : i32
        %get3A_380 = arith.index_cast %get3A_379 : i32 to index
        %get3A_381 = arith.index_cast %add3A_224 : i32 to index
        %get3A_382 = arith.constant 64 : index
        %get3A_383 = tpu.vector_load %arg11[%get3A_380, %get3A_381, %get3A_382] {strides = array<i32>} : memref<3x64x384xf32, #tpu.memory_space<vmem>>, vector<16xf32>,
        %mul3A_384 = arith.mulf %gather3A, %get3A_383 : vector<16xf32>
        %add3A_385 = arith.constant 16 : i32
        %add3A_386 = arith.addi %add3A_385, %add3A_224 : i32
        %get3A_387 = arith.constant 2 : i32
        %get3A_388 = arith.index_cast %get3A_387 : i32 to index
        %get3A_389 = arith.index_cast %add3A_386 : i32 to index
        %get3A_390 = arith.constant 64 : index
        %get3A_391 = tpu.vector_load %arg11[%get3A_388, %get3A_389, %get3A_390] {strides = array<i32>} : memref<3x64x384xf32, #tpu.memory_space<vmem>>, vector<16xf32>,
        %mul3A_392 = arith.mulf %gather3A_226, %get3A_391 : vector<16xf32>
        %add3A_393 = arith.addf %mul3A_384, %mul3A_392 : vector<16xf32>
        %add3A_394 = arith.constant 32 : i32
        %add3A_395 = arith.addi %add3A_394, %add3A_224 : i32
        %get3A_396 = arith.constant 2 : i32
        %get3A_397 = arith.index_cast %get3A_396 : i32 to index
        %get3A_398 = arith.index_cast %add3A_395 : i32 to index
        %get3A_399 = arith.constant 64 : index
        %get3A_400 = tpu.vector_load %arg11[%get3A_397, %get3A_398, %get3A_399] {strides = array<i32>} : memref<3x64x384xf32, #tpu.memory_space<vmem>>, vector<16xf32>,
        %mul3A_401 = arith.mulf %gather3A_227, %get3A_400 : vector<16xf32>
        %add3A_402 = arith.addf %add3A_393, %mul3A_401 : vector<16xf32>
        %add3A_403 = arith.constant 48 : i32
        %add3A_404 = arith.addi %add3A_403, %add3A_224 : i32
        %get3A_405 = arith.constant 2 : i32
        %get3A_406 = arith.index_cast %get3A_405 : i32 to index
        %get3A_407 = arith.index_cast %add3A_404 : i32 to index
        %get3A_408 = arith.constant 64 : index
        %get3A_409 = tpu.vector_load %arg11[%get3A_406, %get3A_407, %get3A_408] {strides = array<i32>} : memref<3x64x384xf32, #tpu.memory_space<vmem>>, vector<16xf32>,
        %mul3A_410 = arith.mulf %gather3A_228, %get3A_409 : vector<16xf32>
        %add3A_411 = arith.addf %add3A_402, %mul3A_410 : vector<16xf32>
        %swap3A_412 = arith.constant 2 : i32
        %swap3A_413 = arith.index_cast %swap3A_412 : i32 to index
        %swap3A_414 = arith.index_cast %add3A_224 : i32 to index
        %swap3A_415 = arith.constant 64 : index
        %swap3A_416 = tpu.vector_load %arg12[%swap3A_413, %swap3A_414, %swap3A_415] {strides = array<i32>} : memref<3x16x384xf32, #tpu.memory_space<vmem>>, vector<16xf32>,
        tpu.vector_store %arg12[%swap3A_413, %swap3A_414, %swap3A_415], %add3A_411 {strides = array<i32>} : memref<3x16x384xf32, #tpu.memory_space<vmem>>, vector<16xf32>,
        %get3A_417 = arith.constant 2 : i32
        %get3A_418 = arith.index_cast %get3A_417 : i32 to index
        %get3A_419 = arith.index_cast %add3A_224 : i32 to index
        %get3A_420 = arith.constant 80 : index
        %get3A_421 = tpu.vector_load %arg11[%get3A_418, %get3A_419, %get3A_420] {strides = array<i32>} : memref<3x64x384xf32, #tpu.memory_space<vmem>>, vector<16xf32>,
        %mul3A_422 = arith.mulf %gather3A, %get3A_421 : vector<16xf32>
        %add3A_423 = arith.constant 16 : i32
        %add3A_424 = arith.addi %add3A_423, %add3A_224 : i32
        %get3A_425 = arith.constant 2 : i32
        %get3A_426 = arith.index_cast %get3A_425 : i32 to index
        %get3A_427 = arith.index_cast %add3A_424 : i32 to index
        %get3A_428 = arith.constant 80 : index
        %get3A_429 = tpu.vector_load %arg11[%get3A_426, %get3A_427, %get3A_428] {strides = array<i32>} : memref<3x64x384xf32, #tpu.memory_space<vmem>>, vector<16xf32>,
        %mul3A_430 = arith.mulf %gather3A_226, %get3A_429 : vector<16xf32>
        %add3A_431 = arith.addf %mul3A_422, %mul3A_430 : vector<16xf32>
        %add3A_432 = arith.constant 32 : i32
        %add3A_433 = arith.addi %add3A_432, %add3A_224 : i32
        %get3A_434 = arith.constant 2 : i32
        %get3A_435 = arith.index_cast %get3A_434 : i32 to index
        %get3A_436 = arith.index_cast %add3A_433 : i32 to index
        %get3A_437 = arith.constant 80 : index
        %get3A_438 = tpu.vector_load %arg11[%get3A_435, %get3A_436, %get3A_437] {strides = array<i32>} : memref<3x64x384xf32, #tpu.memory_space<vmem>>, vector<16xf32>,
        %mul3A_439 = arith.mulf %gather3A_227, %get3A_438 : vector<16xf32>
        %add3A_440 = arith.addf %add3A_431, %mul3A_439 : vector<16xf32>
        %add3A_441 = arith.constant 48 : i32
        %add3A_442 = arith.addi %add3A_441, %add3A_224 : i32
        %get3A_443 = arith.constant 2 : i32
        %get3A_444 = arith.index_cast %get3A_443 : i32 to index
        %get3A_445 = arith.index_cast %add3A_442 : i32 to index
        %get3A_446 = arith.constant 80 : index
        %get3A_447 = tpu.vector_load %arg11[%get3A_444, %get3A_445, %get3A_446] {strides = array<i32>} : memref<3x64x384xf32, #tpu.memory_space<vmem>>, vector<16xf32>,
        %mul3A_448 = arith.mulf %gather3A_228, %get3A_447 : vector<16xf32>
        %add3A_449 = arith.addf %add3A_440, %mul3A_448 : vector<16xf32>
        %swap3A_450 = arith.constant 2 : i32
        %swap3A_451 = arith.index_cast %swap3A_450 : i32 to index
        %swap3A_452 = arith.index_cast %add3A_224 : i32 to index
        %swap3A_453 = arith.constant 80 : index
        %swap3A_454 = tpu.vector_load %arg12[%swap3A_451, %swap3A_452, %swap3A_453] {strides = array<i32>} : memref<3x16x384xf32, #tpu.memory_space<vmem>>, vector<16xf32>,
        tpu.vector_store %arg12[%swap3A_451, %swap3A_452, %swap3A_453], %add3A_449 {strides = array<i32>} : memref<3x16x384xf32, #tpu.memory_space<vmem>>, vector<16xf32>,
        %get3A_455 = arith.constant 2 : i32
        %get3A_456 = arith.index_cast %get3A_455 : i32 to index
        %get3A_457 = arith.index_cast %add3A_224 : i32 to index
        %get3A_458 = arith.constant 96 : index
        %get3A_459 = tpu.vector_load %arg11[%get3A_456, %get3A_457, %get3A_458] {strides = array<i32>} : memref<3x64x384xf32, #tpu.memory_space<vmem>>, vector<16xf32>,
        %mul3A_460 = arith.mulf %gather3A, %get3A_459 : vector<16xf32>
        %add3A_461 = arith.constant 16 : i32
        %add3A_462 = arith.addi %add3A_461, %add3A_224 : i32
        %get3A_463 = arith.constant 2 : i32
        %get3A_464 = arith.index_cast %get3A_463 : i32 to index
        %get3A_465 = arith.index_cast %add3A_462 : i32 to index
        %get3A_466 = arith.constant 96 : index
        %get3A_467 = tpu.vector_load %arg11[%get3A_464, %get3A_465, %get3A_466] {strides = array<i32>} : memref<3x64x384xf32, #tpu.memory_space<vmem>>, vector<16xf32>,
        %mul3A_468 = arith.mulf %gather3A_226, %get3A_467 : vector<16xf32>
        %add3A_469 = arith.addf %mul3A_460, %mul3A_468 : vector<16xf32>
        %add3A_470 = arith.constant 32 : i32
        %add3A_471 = arith.addi %add3A_470, %add3A_224 : i32
        %get3A_472 = arith.constant 2 : i32
        %get3A_473 = arith.index_cast %get3A_472 : i32 to index
        %get3A_474 = arith.index_cast %add3A_471 : i32 to index
        %get3A_475 = arith.constant 96 : index
        %get3A_476 = tpu.vector_load %arg11[%get3A_473, %get3A_474, %get3A_475] {strides = array<i32>} : memref<3x64x384xf32, #tpu.memory_space<vmem>>, vector<16xf32>,
        %mul3A_477 = arith.mulf %gather3A_227, %get3A_476 : vector<16xf32>
        %add3A_478 = arith.addf %add3A_469, %mul3A_477 : vector<16xf32>
        %add3A_479 = arith.constant 48 : i32
        %add3A_480 = arith.addi %add3A_479, %add3A_224 : i32
        %get3A_481 = arith.constant 2 : i32
        %get3A_482 = arith.index_cast %get3A_481 : i32 to index
        %get3A_483 = arith.index_cast %add3A_480 : i32 to index
        %get3A_484 = arith.constant 96 : index
        %get3A_485 = tpu.vector_load %arg11[%get3A_482, %get3A_483, %get3A_484] {strides = array<i32>} : memref<3x64x384xf32, #tpu.memory_space<vmem>>, vector<16xf32>,
        %mul3A_486 = arith.mulf %gather3A_228, %get3A_485 : vector<16xf32>
        %add3A_487 = arith.addf %add3A_478, %mul3A_486 : vector<16xf32>
        %swap3A_488 = arith.constant 2 : i32
        %swap3A_489 = arith.index_cast %swap3A_488 : i32 to index
        %swap3A_490 = arith.index_cast %add3A_224 : i32 to index
        %swap3A_491 = arith.constant 96 : index
        %swap3A_492 = tpu.vector_load %arg12[%swap3A_489, %swap3A_490, %swap3A_491] {strides = array<i32>} : memref<3x16x384xf32, #tpu.memory_space<vmem>>, vector<16xf32>,
        tpu.vector_store %arg12[%swap3A_489, %swap3A_490, %swap3A_491], %add3A_487 {strides = array<i32>} : memref<3x16x384xf32, #tpu.memory_space<vmem>>, vector<16xf32>,
        %get3A_493 = arith.constant 2 : i32
        %get3A_494 = arith.index_cast %get3A_493 : i32 to index
        %get3A_495 = arith.index_cast %add3A_224 : i32 to index
        %get3A_496 = arith.constant 112 : index
        %get3A_497 = tpu.vector_load %arg11[%get3A_494, %get3A_495, %get3A_496] {strides = array<i32>} : memref<3x64x384xf32, #tpu.memory_space<vmem>>, vector<16xf32>,
        %mul3A_498 = arith.mulf %gather3A, %get3A_497 : vector<16xf32>
        %add3A_499 = arith.constant 16 : i32
        %add3A_500 = arith.addi %add3A_499, %add3A_224 : i32
        %get3A_501 = arith.constant 2 : i32
        %get3A_502 = arith.index_cast %get3A_501 : i32 to index
        %get3A_503 = arith.index_cast %add3A_500 : i32 to index
        %get3A_504 = arith.constant 112 : index
        %get3A_505 = tpu.vector_load %arg11[%get3A_502, %get3A_503, %get3A_504] {strides = array<i32>} : memref<3x64x384xf32, #tpu.memory_space<vmem>>, vector<16xf32>,
        %mul3A_506 = arith.mulf %gather3A_226, %get3A_505 : vector<16xf32>
        %add3A_507 = arith.addf %mul3A_498, %mul3A_506 : vector<16xf32>
        %add3A_508 = arith.constant 32 : i32
        %add3A_509 = arith.addi %add3A_508, %add3A_224 : i32
        %get3A_510 = arith.constant 2 : i32
        %get3A_511 = arith.index_cast %get3A_510 : i32 to index
        %get3A_512 = arith.index_cast %add3A_509 : i32 to index
        %get3A_513 = arith.constant 112 : index
        %get3A_514 = tpu.vector_load %arg11[%get3A_511, %get3A_512, %get3A_513] {strides = array<i32>} : memref<3x64x384xf32, #tpu.memory_space<vmem>>, vector<16xf32>,
        %mul3A_515 = arith.mulf %gather3A_227, %get3A_514 : vector<16xf32>
        %add3A_516 = arith.addf %add3A_507, %mul3A_515 : vector<16xf32>
        %add3A_517 = arith.constant 48 : i32
        %add3A_518 = arith.addi %add3A_517, %add3A_224 : i32
        %get3A_519 = arith.constant 2 : i32
        %get3A_520 = arith.index_cast %get3A_519 : i32 to index
        %get3A_521 = arith.index_cast %add3A_518 : i32 to index
        %get3A_522 = arith.constant 112 : index
        %get3A_523 = tpu.vector_load %arg11[%get3A_520, %get3A_521, %get3A_522] {strides = array<i32>} : memref<3x64x384xf32, #tpu.memory_space<vmem>>, vector<16xf32>,
        %mul3A_524 = arith.mulf %gather3A_228, %get3A_523 : vector<16xf32>
        %add3A_525 = arith.addf %add3A_516, %mul3A_524 : vector<16xf32>
        %swap3A_526 = arith.constant 2 : i32
        %swap3A_527 = arith.index_cast %swap3A_526 : i32 to index
        %swap3A_528 = arith.index_cast %add3A_224 : i32 to index
        %swap3A_529 = arith.constant 112 : index
        %swap3A_530 = tpu.vector_load %arg12[%swap3A_527, %swap3A_528, %swap3A_529] {strides = array<i32>} : memref<3x16x384xf32, #tpu.memory_space<vmem>>, vector<16xf32>,
        tpu.vector_store %arg12[%swap3A_527, %swap3A_528, %swap3A_529], %add3A_525 {strides = array<i32>} : memref<3x16x384xf32, #tpu.memory_space<vmem>>, vector<16xf32>,
        %get3A_531 = arith.constant 2 : i32
        %get3A_532 = arith.index_cast %get3A_531 : i32 to index
        %get3A_533 = arith.index_cast %add3A_224 : i32 to index
        %get3A_534 = arith.constant 128 : index
        %get3A_535 = tpu.vector_load %arg11[%get3A_532, %get3A_533, %get3A_534] {strides = array<i32>} : memref<3x64x384xf32, #tpu.memory_space<vmem>>, vector<16xf32>,
        %mul3A_536 = arith.mulf %gather3A, %get3A_535 : vector<16xf32>
        %add3A_537 = arith.constant 16 : i32
        %add3A_538 = arith.addi %add3A_537, %add3A_224 : i32
        %get3A_539 = arith.constant 2 : i32
        %get3A_540 = arith.index_cast %get3A_539 : i32 to index
        %get3A_541 = arith.index_cast %add3A_538 : i32 to index
        %get3A_542 = arith.constant 128 : index
        %get3A_543 = tpu.vector_load %arg11[%get3A_540, %get3A_541, %get3A_542] {strides = array<i32>} : memref<3x64x384xf32, #tpu.memory_space<vmem>>, vector<16xf32>,
        %mul3A_544 = arith.mulf %gather3A_226, %get3A_543 : vector<16xf32>
        %add3A_545 = arith.addf %mul3A_536, %mul3A_544 : vector<16xf32>
        %add3A_546 = arith.constant 32 : i32
        %add3A_547 = arith.addi %add3A_546, %add3A_224 : i32
        %get3A_548 = arith.constant 2 : i32
        %get3A_549 = arith.index_cast %get3A_548 : i32 to index
        %get3A_550 = arith.index_cast %add3A_547 : i32 to index
        %get3A_551 = arith.constant 128 : index
        %get3A_552 = tpu.vector_load %arg11[%get3A_549, %get3A_550, %get3A_551] {strides = array<i32>} : memref<3x64x384xf32, #tpu.memory_space<vmem>>, vector<16xf32>,
        %mul3A_553 = arith.mulf %gather3A_227, %get3A_552 : vector<16xf32>
        %add3A_554 = arith.addf %add3A_545, %mul3A_553 : vector<16xf32>
        %add3A_555 = arith.constant 48 : i32
        %add3A_556 = arith.addi %add3A_555, %add3A_224 : i32
        %get3A_557 = arith.constant 2 : i32
        %get3A_558 = arith.index_cast %get3A_557 : i32 to index
        %get3A_559 = arith.index_cast %add3A_556 : i32 to index
        %get3A_560 = arith.constant 128 : index
        %get3A_561 = tpu.vector_load %arg11[%get3A_558, %get3A_559, %get3A_560] {strides = array<i32>} : memref<3x64x384xf32, #tpu.memory_space<vmem>>, vector<16xf32>,
        %mul3A_562 = arith.mulf %gather3A_228, %get3A_561 : vector<16xf32>
        %add3A_563 = arith.addf %add3A_554, %mul3A_562 : vector<16xf32>
        %swap3A_564 = arith.constant 2 : i32
        %swap3A_565 = arith.index_cast %swap3A_564 : i32 to index
        %swap3A_566 = arith.index_cast %add3A_224 : i32 to index
        %swap3A_567 = arith.constant 128 : index
        %swap3A_568 = tpu.vector_load %arg12[%swap3A_565, %swap3A_566, %swap3A_567] {strides = array<i32>} : memref<3x16x384xf32, #tpu.memory_space<vmem>>, vector<16xf32>,
        tpu.vector_store %arg12[%swap3A_565, %swap3A_566, %swap3A_567], %add3A_563 {strides = array<i32>} : memref<3x16x384xf32, #tpu.memory_space<vmem>>, vector<16xf32>,
        %get3A_569 = arith.constant 2 : i32
        %get3A_570 = arith.index_cast %get3A_569 : i32 to index
        %get3A_571 = arith.index_cast %add3A_224 : i32 to index
        %get3A_572 = arith.constant 144 : index
        %get3A_573 = tpu.vector_load %arg11[%get3A_570, %get3A_571, %get3A_572] {strides = array<i32>} : memref<3x64x384xf32, #tpu.memory_space<vmem>>, vector<16xf32>,
        %mul3A_574 = arith.mulf %gather3A, %get3A_573 : vector<16xf32>
        %add3A_575 = arith.constant 16 : i32
        %add3A_576 = arith.addi %add3A_575, %add3A_224 : i32
        %get3A_577 = arith.constant 2 : i32
        %get3A_578 = arith.index_cast %get3A_577 : i32 to index
        %get3A_579 = arith.index_cast %add3A_576 : i32 to index
        %get3A_580 = arith.constant 144 : index
        %get3A_581 = tpu.vector_load %arg11[%get3A_578, %get3A_579, %get3A_580] {strides = array<i32>} : memref<3x64x384xf32, #tpu.memory_space<vmem>>, vector<16xf32>,
        %mul3A_582 = arith.mulf %gather3A_226, %get3A_581 : vector<16xf32>
        %add3A_583 = arith.addf %mul3A_574, %mul3A_582 : vector<16xf32>
        %add3A_584 = arith.constant 32 : i32
        %add3A_585 = arith.addi %add3A_584, %add3A_224 : i32
        %get3A_586 = arith.constant 2 : i32
        %get3A_587 = arith.index_cast %get3A_586 : i32 to index
        %get3A_588 = arith.index_cast %add3A_585 : i32 to index
        %get3A_589 = arith.constant 144 : index
        %get3A_590 = tpu.vector_load %arg11[%get3A_587, %get3A_588, %get3A_589] {strides = array<i32>} : memref<3x64x384xf32, #tpu.memory_space<vmem>>, vector<16xf32>,
        %mul3A_591 = arith.mulf %gather3A_227, %get3A_590 : vector<16xf32>
        %add3A_592 = arith.addf %add3A_583, %mul3A_591 : vector<16xf32>
        %add3A_593 = arith.constant 48 : i32
        %add3A_594 = arith.addi %add3A_593, %add3A_224 : i32
        %get3A_595 = arith.constant 2 : i32
        %get3A_596 = arith.index_cast %get3A_595 : i32 to index
        %get3A_597 = arith.index_cast %add3A_594 : i32 to index
        %get3A_598 = arith.constant 144 : index
        %get3A_599 = tpu.vector_load %arg11[%get3A_596, %get3A_597, %get3A_598] {strides = array<i32>} : memref<3x64x384xf32, #tpu.memory_space<vmem>>, vector<16xf32>,
        %mul3A_600 = arith.mulf %gather3A_228, %get3A_599 : vector<16xf32>
        %add3A_601 = arith.addf %add3A_592, %mul3A_600 : vector<16xf32>
        %swap3A_602 = arith.constant 2 : i32
        %swap3A_603 = arith.index_cast %swap3A_602 : i32 to index
        %swap3A_604 = arith.index_cast %add3A_224 : i32 to index
        %swap3A_605 = arith.constant 144 : index
        %swap3A_606 = tpu.vector_load %arg12[%swap3A_603, %swap3A_604, %swap3A_605] {strides = array<i32>} : memref<3x16x384xf32, #tpu.memory_space<vmem>>, vector<16xf32>,
        tpu.vector_store %arg12[%swap3A_603, %swap3A_604, %swap3A_605], %add3A_601 {strides = array<i32>} : memref<3x16x384xf32, #tpu.memory_space<vmem>>, vector<16xf32>,
        %get3A_607 = arith.constant 2 : i32
        %get3A_608 = arith.index_cast %get3A_607 : i32 to index
        %get3A_609 = arith.index_cast %add3A_224 : i32 to index
        %get3A_610 = arith.constant 160 : index
        %get3A_611 = tpu.vector_load %arg11[%get3A_608, %get3A_609, %get3A_610] {strides = array<i32>} : memref<3x64x384xf32, #tpu.memory_space<vmem>>, vector<16xf32>,
        %mul3A_612 = arith.mulf %gather3A, %get3A_611 : vector<16xf32>
        %add3A_613 = arith.constant 16 : i32
        %add3A_614 = arith.addi %add3A_613, %add3A_224 : i32
        %get3A_615 = arith.constant 2 : i32
        %get3A_616 = arith.index_cast %get3A_615 : i32 to index
        %get3A_617 = arith.index_cast %add3A_614 : i32 to index
        %get3A_618 = arith.constant 160 : index
        %get3A_619 = tpu.vector_load %arg11[%get3A_616, %get3A_617, %get3A_618] {strides = array<i32>} : memref<3x64x384xf32, #tpu.memory_space<vmem>>, vector<16xf32>,
        %mul3A_620 = arith.mulf %gather3A_226, %get3A_619 : vector<16xf32>
        %add3A_621 = arith.addf %mul3A_612, %mul3A_620 : vector<16xf32>
        %add3A_622 = arith.constant 32 : i32
        %add3A_623 = arith.addi %add3A_622, %add3A_224 : i32
        %get3A_624 = arith.constant 2 : i32
        %get3A_625 = arith.index_cast %get3A_624 : i32 to index
        %get3A_626 = arith.index_cast %add3A_623 : i32 to index
        %get3A_627 = arith.constant 160 : index
        %get3A_628 = tpu.vector_load %arg11[%get3A_625, %get3A_626, %get3A_627] {strides = array<i32>} : memref<3x64x384xf32, #tpu.memory_space<vmem>>, vector<16xf32>,
        %mul3A_629 = arith.mulf %gather3A_227, %get3A_628 : vector<16xf32>
        %add3A_630 = arith.addf %add3A_621, %mul3A_629 : vector<16xf32>
        %add3A_631 = arith.constant 48 : i32
        %add3A_632 = arith.addi %add3A_631, %add3A_224 : i32
        %get3A_633 = arith.constant 2 : i32
        %get3A_634 = arith.index_cast %get3A_633 : i32 to index
        %get3A_635 = arith.index_cast %add3A_632 : i32 to index
        %get3A_636 = arith.constant 160 : index
        %get3A_637 = tpu.vector_load %arg11[%get3A_634, %get3A_635, %get3A_636] {strides = array<i32>} : memref<3x64x384xf32, #tpu.memory_space<vmem>>, vector<16xf32>,
        %mul3A_638 = arith.mulf %gather3A_228, %get3A_637 : vector<16xf32>
        %add3A_639 = arith.addf %add3A_630, %mul3A_638 : vector<16xf32>
        %swap3A_640 = arith.constant 2 : i32
        %swap3A_641 = arith.index_cast %swap3A_640 : i32 to index
        %swap3A_642 = arith.index_cast %add3A_224 : i32 to index
        %swap3A_643 = arith.constant 160 : index
        %swap3A_644 = tpu.vector_load %arg12[%swap3A_641, %swap3A_642, %swap3A_643] {strides = array<i32>} : memref<3x16x384xf32, #tpu.memory_space<vmem>>, vector<16xf32>,
        tpu.vector_store %arg12[%swap3A_641, %swap3A_642, %swap3A_643], %add3A_639 {strides = array<i32>} : memref<3x16x384xf32, #tpu.memory_space<vmem>>, vector<16xf32>,
        %get3A_645 = arith.constant 2 : i32
        %get3A_646 = arith.index_cast %get3A_645 : i32 to index
        %get3A_647 = arith.index_cast %add3A_224 : i32 to index
        %get3A_648 = arith.constant 176 : index
        %get3A_649 = tpu.vector_load %arg11[%get3A_646, %get3A_647, %get3A_648] {strides = array<i32>} : memref<3x64x384xf32, #tpu.memory_space<vmem>>, vector<16xf32>,
        %mul3A_650 = arith.mulf %gather3A, %get3A_649 : vector<16xf32>
        %add3A_651 = arith.constant 16 : i32
        %add3A_652 = arith.addi %add3A_651, %add3A_224 : i32
        %get3A_653 = arith.constant 2 : i32
        %get3A_654 = arith.index_cast %get3A_653 : i32 to index
        %get3A_655 = arith.index_cast %add3A_652 : i32 to index
        %get3A_656 = arith.constant 176 : index
        %get3A_657 = tpu.vector_load %arg11[%get3A_654, %get3A_655, %get3A_656] {strides = array<i32>} : memref<3x64x384xf32, #tpu.memory_space<vmem>>, vector<16xf32>,
        %mul3A_658 = arith.mulf %gather3A_226, %get3A_657 : vector<16xf32>
        %add3A_659 = arith.addf %mul3A_650, %mul3A_658 : vector<16xf32>
        %add3A_660 = arith.constant 32 : i32
        %add3A_661 = arith.addi %add3A_660, %add3A_224 : i32
        %get3A_662 = arith.constant 2 : i32
        %get3A_663 = arith.index_cast %get3A_662 : i32 to index
        %get3A_664 = arith.index_cast %add3A_661 : i32 to index
        %get3A_665 = arith.constant 176 : index
        %get3A_666 = tpu.vector_load %arg11[%get3A_663, %get3A_664, %get3A_665] {strides = array<i32>} : memref<3x64x384xf32, #tpu.memory_space<vmem>>, vector<16xf32>,
        %mul3A_667 = arith.mulf %gather3A_227, %get3A_666 : vector<16xf32>
        %add3A_668 = arith.addf %add3A_659, %mul3A_667 : vector<16xf32>
        %add3A_669 = arith.constant 48 : i32
        %add3A_670 = arith.addi %add3A_669, %add3A_224 : i32
        %get3A_671 = arith.constant 2 : i32
        %get3A_672 = arith.index_cast %get3A_671 : i32 to index
        %get3A_673 = arith.index_cast %add3A_670 : i32 to index
        %get3A_674 = arith.constant 176 : index
        %get3A_675 = tpu.vector_load %arg11[%get3A_672, %get3A_673, %get3A_674] {strides = array<i32>} : memref<3x64x384xf32, #tpu.memory_space<vmem>>, vector<16xf32>,
        %mul3A_676 = arith.mulf %gather3A_228, %get3A_675 : vector<16xf32>
        %add3A_677 = arith.addf %add3A_668, %mul3A_676 : vector<16xf32>
        %swap3A_678 = arith.constant 2 : i32
        %swap3A_679 = arith.index_cast %swap3A_678 : i32 to index
        %swap3A_680 = arith.index_cast %add3A_224 : i32 to index
        %swap3A_681 = arith.constant 176 : index
        %swap3A_682 = tpu.vector_load %arg12[%swap3A_679, %swap3A_680, %swap3A_681] {strides = array<i32>} : memref<3x16x384xf32, #tpu.memory_space<vmem>>, vector<16xf32>,
        tpu.vector_store %arg12[%swap3A_679, %swap3A_680, %swap3A_681], %add3A_677 {strides = array<i32>} : memref<3x16x384xf32, #tpu.memory_space<vmem>>, vector<16xf32>,
        %get3A_683 = arith.constant 2 : i32
        %get3A_684 = arith.index_cast %get3A_683 : i32 to index
        %get3A_685 = arith.index_cast %add3A_224 : i32 to index
        %get3A_686 = arith.constant 192 : index
        %get3A_687 = tpu.vector_load %arg11[%get3A_684, %get3A_685, %get3A_686] {strides = array<i32>} : memref<3x64x384xf32, #tpu.memory_space<vmem>>, vector<16xf32>,
        %mul3A_688 = arith.mulf %gather3A, %get3A_687 : vector<16xf32>
        %add3A_689 = arith.constant 16 : i32
        %add3A_690 = arith.addi %add3A_689, %add3A_224 : i32
        %get3A_691 = arith.constant 2 : i32
        %get3A_692 = arith.index_cast %get3A_691 : i32 to index
        %get3A_693 = arith.index_cast %add3A_690 : i32 to index
        %get3A_694 = arith.constant 192 : index
        %get3A_695 = tpu.vector_load %arg11[%get3A_692, %get3A_693, %get3A_694] {strides = array<i32>} : memref<3x64x384xf32, #tpu.memory_space<vmem>>, vector<16xf32>,
        %mul3A_696 = arith.mulf %gather3A_226, %get3A_695 : vector<16xf32>
        %add3A_697 = arith.addf %mul3A_688, %mul3A_696 : vector<16xf32>
        %add3A_698 = arith.constant 32 : i32
        %add3A_699 = arith.addi %add3A_698, %add3A_224 : i32
        %get3A_700 = arith.constant 2 : i32
        %get3A_701 = arith.index_cast %get3A_700 : i32 to index
        %get3A_702 = arith.index_cast %add3A_699 : i32 to index
        %get3A_703 = arith.constant 192 : index
        %get3A_704 = tpu.vector_load %arg11[%get3A_701, %get3A_702, %get3A_703] {strides = array<i32>} : memref<3x64x384xf32, #tpu.memory_space<vmem>>, vector<16xf32>,
        %mul3A_705 = arith.mulf %gather3A_227, %get3A_704 : vector<16xf32>
        %add3A_706 = arith.addf %add3A_697, %mul3A_705 : vector<16xf32>
        %add3A_707 = arith.constant 48 : i32
        %add3A_708 = arith.addi %add3A_707, %add3A_224 : i32
        %get3A_709 = arith.constant 2 : i32
        %get3A_710 = arith.index_cast %get3A_709 : i32 to index
        %get3A_711 = arith.index_cast %add3A_708 : i32 to index
        %get3A_712 = arith.constant 192 : index
        %get3A_713 = tpu.vector_load %arg11[%get3A_710, %get3A_711, %get3A_712] {strides = array<i32>} : memref<3x64x384xf32, #tpu.memory_space<vmem>>, vector<16xf32>,
        %mul3A_714 = arith.mulf %gather3A_228, %get3A_713 : vector<16xf32>
        %add3A_715 = arith.addf %add3A_706, %mul3A_714 : vector<16xf32>
        %swap3A_716 = arith.constant 2 : i32
        %swap3A_717 = arith.index_cast %swap3A_716 : i32 to index
        %swap3A_718 = arith.index_cast %add3A_224 : i32 to index
        %swap3A_719 = arith.constant 192 : index
        %swap3A_720 = tpu.vector_load %arg12[%swap3A_717, %swap3A_718, %swap3A_719] {strides = array<i32>} : memref<3x16x384xf32, #tpu.memory_space<vmem>>, vector<16xf32>,
        tpu.vector_store %arg12[%swap3A_717, %swap3A_718, %swap3A_719], %add3A_715 {strides = array<i32>} : memref<3x16x384xf32, #tpu.memory_space<vmem>>, vector<16xf32>,
        %get3A_721 = arith.constant 2 : i32
        %get3A_722 = arith.index_cast %get3A_721 : i32 to index
        %get3A_723 = arith.index_cast %add3A_224 : i32 to index
        %get3A_724 = arith.constant 208 : index
        %get3A_725 = tpu.vector_load %arg11[%get3A_722, %get3A_723, %get3A_724] {strides = array<i32>} : memref<3x64x384xf32, #tpu.memory_space<vmem>>, vector<16xf32>,
        %mul3A_726 = arith.mulf %gather3A, %get3A_725 : vector<16xf32>
        %add3A_727 = arith.constant 16 : i32
        %add3A_728 = arith.addi %add3A_727, %add3A_224 : i32
        %get3A_729 = arith.constant 2 : i32
        %get3A_730 = arith.index_cast %get3A_729 : i32 to index
        %get3A_731 = arith.index_cast %add3A_728 : i32 to index
        %get3A_732 = arith.constant 208 : index
        %get3A_733 = tpu.vector_load %arg11[%get3A_730, %get3A_731, %get3A_732] {strides = array<i32>} : memref<3x64x384xf32, #tpu.memory_space<vmem>>, vector<16xf32>,
        %mul3A_734 = arith.mulf %gather3A_226, %get3A_733 : vector<16xf32>
        %add3A_735 = arith.addf %mul3A_726, %mul3A_734 : vector<16xf32>
        %add3A_736 = arith.constant 32 : i32
        %add3A_737 = arith.addi %add3A_736, %add3A_224 : i32
        %get3A_738 = arith.constant 2 : i32
        %get3A_739 = arith.index_cast %get3A_738 : i32 to index
        %get3A_740 = arith.index_cast %add3A_737 : i32 to index
        %get3A_741 = arith.constant 208 : index
        %get3A_742 = tpu.vector_load %arg11[%get3A_739, %get3A_740, %get3A_741] {strides = array<i32>} : memref<3x64x384xf32, #tpu.memory_space<vmem>>, vector<16xf32>,
        %mul3A_743 = arith.mulf %gather3A_227, %get3A_742 : vector<16xf32>
        %add3A_744 = arith.addf %add3A_735, %mul3A_743 : vector<16xf32>
        %add3A_745 = arith.constant 48 : i32
        %add3A_746 = arith.addi %add3A_745, %add3A_224 : i32
        %get3A_747 = arith.constant 2 : i32
        %get3A_748 = arith.index_cast %get3A_747 : i32 to index
        %get3A_749 = arith.index_cast %add3A_746 : i32 to index
        %get3A_750 = arith.constant 208 : index
        %get3A_751 = tpu.vector_load %arg11[%get3A_748, %get3A_749, %get3A_750] {strides = array<i32>} : memref<3x64x384xf32, #tpu.memory_space<vmem>>, vector<16xf32>,
        %mul3A_752 = arith.mulf %gather3A_228, %get3A_751 : vector<16xf32>
        %add3A_753 = arith.addf %add3A_744, %mul3A_752 : vector<16xf32>
        %swap3A_754 = arith.constant 2 : i32
        %swap3A_755 = arith.index_cast %swap3A_754 : i32 to index
        %swap3A_756 = arith.index_cast %add3A_224 : i32 to index
        %swap3A_757 = arith.constant 208 : index
        %swap3A_758 = tpu.vector_load %arg12[%swap3A_755, %swap3A_756, %swap3A_757] {strides = array<i32>} : memref<3x16x384xf32, #tpu.memory_space<vmem>>, vector<16xf32>,
        tpu.vector_store %arg12[%swap3A_755, %swap3A_756, %swap3A_757], %add3A_753 {strides = array<i32>} : memref<3x16x384xf32, #tpu.memory_space<vmem>>, vector<16xf32>,
        %get3A_759 = arith.constant 2 : i32
        %get3A_760 = arith.index_cast %get3A_759 : i32 to index
        %get3A_761 = arith.index_cast %add3A_224 : i32 to index
        %get3A_762 = arith.constant 224 : index
        %get3A_763 = tpu.vector_load %arg11[%get3A_760, %get3A_761, %get3A_762] {strides = array<i32>} : memref<3x64x384xf32, #tpu.memory_space<vmem>>, vector<16xf32>,
        %mul3A_764 = arith.mulf %gather3A, %get3A_763 : vector<16xf32>
        %add3A_765 = arith.constant 16 : i32
        %add3A_766 = arith.addi %add3A_765, %add3A_224 : i32
        %get3A_767 = arith.constant 2 : i32
        %get3A_768 = arith.index_cast %get3A_767 : i32 to index
        %get3A_769 = arith.index_cast %add3A_766 : i32 to index
        %get3A_770 = arith.constant 224 : index
        %get3A_771 = tpu.vector_load %arg11[%get3A_768, %get3A_769, %get3A_770] {strides = array<i32>} : memref<3x64x384xf32, #tpu.memory_space<vmem>>, vector<16xf32>,
        %mul3A_772 = arith.mulf %gather3A_226, %get3A_771 : vector<16xf32>
        %add3A_773 = arith.addf %mul3A_764, %mul3A_772 : vector<16xf32>
        %add3A_774 = arith.constant 32 : i32
        %add3A_775 = arith.addi %add3A_774, %add3A_224 : i32
        %get3A_776 = arith.constant 2 : i32
        %get3A_777 = arith.index_cast %get3A_776 : i32 to index
        %get3A_778 = arith.index_cast %add3A_775 : i32 to index
        %get3A_779 = arith.constant 224 : index
        %get3A_780 = tpu.vector_load %arg11[%get3A_777, %get3A_778, %get3A_779] {strides = array<i32>} : memref<3x64x384xf32, #tpu.memory_space<vmem>>, vector<16xf32>,
        %mul3A_781 = arith.mulf %gather3A_227, %get3A_780 : vector<16xf32>
        %add3A_782 = arith.addf %add3A_773, %mul3A_781 : vector<16xf32>
        %add3A_783 = arith.constant 48 : i32
        %add3A_784 = arith.addi %add3A_783, %add3A_224 : i32
        %get3A_785 = arith.constant 2 : i32
        %get3A_786 = arith.index_cast %get3A_785 : i32 to index
        %get3A_787 = arith.index_cast %add3A_784 : i32 to index
        %get3A_788 = arith.constant 224 : index
        %get3A_789 = tpu.vector_load %arg11[%get3A_786, %get3A_787, %get3A_788] {strides = array<i32>} : memref<3x64x384xf32, #tpu.memory_space<vmem>>, vector<16xf32>,
        %mul3A_790 = arith.mulf %gather3A_228, %get3A_789 : vector<16xf32>
        %add3A_791 = arith.addf %add3A_782, %mul3A_790 : vector<16xf32>
        %swap3A_792 = arith.constant 2 : i32
        %swap3A_793 = arith.index_cast %swap3A_792 : i32 to index
        %swap3A_794 = arith.index_cast %add3A_224 : i32 to index
        %swap3A_795 = arith.constant 224 : index
        %swap3A_796 = tpu.vector_load %arg12[%swap3A_793, %swap3A_794, %swap3A_795] {strides = array<i32>} : memref<3x16x384xf32, #tpu.memory_space<vmem>>, vector<16xf32>,
        tpu.vector_store %arg12[%swap3A_793, %swap3A_794, %swap3A_795], %add3A_791 {strides = array<i32>} : memref<3x16x384xf32, #tpu.memory_space<vmem>>, vector<16xf32>,
        %get3A_797 = arith.constant 2 : i32
        %get3A_798 = arith.index_cast %get3A_797 : i32 to index
        %get3A_799 = arith.index_cast %add3A_224 : i32 to index
        %get3A_800 = arith.constant 240 : index
        %get3A_801 = tpu.vector_load %arg11[%get3A_798, %get3A_799, %get3A_800] {strides = array<i32>} : memref<3x64x384xf32, #tpu.memory_space<vmem>>, vector<16xf32>,
        %mul3A_802 = arith.mulf %gather3A, %get3A_801 : vector<16xf32>
        %add3A_803 = arith.constant 16 : i32
        %add3A_804 = arith.addi %add3A_803, %add3A_224 : i32
        %get3A_805 = arith.constant 2 : i32
        %get3A_806 = arith.index_cast %get3A_805 : i32 to index
        %get3A_807 = arith.index_cast %add3A_804 : i32 to index
        %get3A_808 = arith.constant 240 : index
        %get3A_809 = tpu.vector_load %arg11[%get3A_806, %get3A_807, %get3A_808] {strides = array<i32>} : memref<3x64x384xf32, #tpu.memory_space<vmem>>, vector<16xf32>,
        %mul3A_810 = arith.mulf %gather3A_226, %get3A_809 : vector<16xf32>
        %add3A_811 = arith.addf %mul3A_802, %mul3A_810 : vector<16xf32>
        %add3A_812 = arith.constant 32 : i32
        %add3A_813 = arith.addi %add3A_812, %add3A_224 : i32
        %get3A_814 = arith.constant 2 : i32
        %get3A_815 = arith.index_cast %get3A_814 : i32 to index
        %get3A_816 = arith.index_cast %add3A_813 : i32 to index
        %get3A_817 = arith.constant 240 : index
        %get3A_818 = tpu.vector_load %arg11[%get3A_815, %get3A_816, %get3A_817] {strides = array<i32>} : memref<3x64x384xf32, #tpu.memory_space<vmem>>, vector<16xf32>,
        %mul3A_819 = arith.mulf %gather3A_227, %get3A_818 : vector<16xf32>
        %add3A_820 = arith.addf %add3A_811, %mul3A_819 : vector<16xf32>
        %add3A_821 = arith.constant 48 : i32
        %add3A_822 = arith.addi %add3A_821, %add3A_224 : i32
        %get3A_823 = arith.constant 2 : i32
        %get3A_824 = arith.index_cast %get3A_823 : i32 to index
        %get3A_825 = arith.index_cast %add3A_822 : i32 to index
        %get3A_826 = arith.constant 240 : index
        %get3A_827 = tpu.vector_load %arg11[%get3A_824, %get3A_825, %get3A_826] {strides = array<i32>} : memref<3x64x384xf32, #tpu.memory_space<vmem>>, vector<16xf32>,
        %mul3A_828 = arith.mulf %gather3A_228, %get3A_827 : vector<16xf32>
        %add3A_829 = arith.addf %add3A_820, %mul3A_828 : vector<16xf32>
        %swap3A_830 = arith.constant 2 : i32
        %swap3A_831 = arith.index_cast %swap3A_830 : i32 to index
        %swap3A_832 = arith.index_cast %add3A_224 : i32 to index
        %swap3A_833 = arith.constant 240 : index
        %swap3A_834 = tpu.vector_load %arg12[%swap3A_831, %swap3A_832, %swap3A_833] {strides = array<i32>} : memref<3x16x384xf32, #tpu.memory_space<vmem>>, vector<16xf32>,
        tpu.vector_store %arg12[%swap3A_831, %swap3A_832, %swap3A_833], %add3A_829 {strides = array<i32>} : memref<3x16x384xf32, #tpu.memory_space<vmem>>, vector<16xf32>,
        %get3A_835 = arith.constant 2 : i32
        %get3A_836 = arith.index_cast %get3A_835 : i32 to index
        %get3A_837 = arith.index_cast %add3A_224 : i32 to index
        %get3A_838 = arith.constant 256 : index
        %get3A_839 = tpu.vector_load %arg11[%get3A_836, %get3A_837, %get3A_838] {strides = array<i32>} : memref<3x64x384xf32, #tpu.memory_space<vmem>>, vector<16xf32>,
        %mul3A_840 = arith.mulf %gather3A, %get3A_839 : vector<16xf32>
        %add3A_841 = arith.constant 16 : i32
        %add3A_842 = arith.addi %add3A_841, %add3A_224 : i32
        %get3A_843 = arith.constant 2 : i32
        %get3A_844 = arith.index_cast %get3A_843 : i32 to index
        %get3A_845 = arith.index_cast %add3A_842 : i32 to index
        %get3A_846 = arith.constant 256 : index
        %get3A_847 = tpu.vector_load %arg11[%get3A_844, %get3A_845, %get3A_846] {strides = array<i32>} : memref<3x64x384xf32, #tpu.memory_space<vmem>>, vector<16xf32>,
        %mul3A_848 = arith.mulf %gather3A_226, %get3A_847 : vector<16xf32>
        %add3A_849 = arith.addf %mul3A_840, %mul3A_848 : vector<16xf32>
        %add3A_850 = arith.constant 32 : i32
        %add3A_851 = arith.addi %add3A_850, %add3A_224 : i32
        %get3A_852 = arith.constant 2 : i32
        %get3A_853 = arith.index_cast %get3A_852 : i32 to index
        %get3A_854 = arith.index_cast %add3A_851 : i32 to index
        %get3A_855 = arith.constant 256 : index
        %get3A_856 = tpu.vector_load %arg11[%get3A_853, %get3A_854, %get3A_855] {strides = array<i32>} : memref<3x64x384xf32, #tpu.memory_space<vmem>>, vector<16xf32>,
        %mul3A_857 = arith.mulf %gather3A_227, %get3A_856 : vector<16xf32>
        %add3A_858 = arith.addf %add3A_849, %mul3A_857 : vector<16xf32>
        %add3A_859 = arith.constant 48 : i32
        %add3A_860 = arith.addi %add3A_859, %add3A_224 : i32
        %get3A_861 = arith.constant 2 : i32
        %get3A_862 = arith.index_cast %get3A_861 : i32 to index
        %get3A_863 = arith.index_cast %add3A_860 : i32 to index
        %get3A_864 = arith.constant 256 : index
        %get3A_865 = tpu.vector_load %arg11[%get3A_862, %get3A_863, %get3A_864] {strides = array<i32>} : memref<3x64x384xf32, #tpu.memory_space<vmem>>, vector<16xf32>,
        %mul3A_866 = arith.mulf %gather3A_228, %get3A_865 : vector<16xf32>
        %add3A_867 = arith.addf %add3A_858, %mul3A_866 : vector<16xf32>
        %swap3A_868 = arith.constant 2 : i32
        %swap3A_869 = arith.index_cast %swap3A_868 : i32 to index
        %swap3A_870 = arith.index_cast %add3A_224 : i32 to index
        %swap3A_871 = arith.constant 256 : index
        %swap3A_872 = tpu.vector_load %arg12[%swap3A_869, %swap3A_870, %swap3A_871] {strides = array<i32>} : memref<3x16x384xf32, #tpu.memory_space<vmem>>, vector<16xf32>,
        tpu.vector_store %arg12[%swap3A_869, %swap3A_870, %swap3A_871], %add3A_867 {strides = array<i32>} : memref<3x16x384xf32, #tpu.memory_space<vmem>>, vector<16xf32>,
        %get3A_873 = arith.constant 2 : i32
        %get3A_874 = arith.index_cast %get3A_873 : i32 to index
        %get3A_875 = arith.index_cast %add3A_224 : i32 to index
        %get3A_876 = arith.constant 272 : index
        %get3A_877 = tpu.vector_load %arg11[%get3A_874, %get3A_875, %get3A_876] {strides = array<i32>} : memref<3x64x384xf32, #tpu.memory_space<vmem>>, vector<16xf32>,
        %mul3A_878 = arith.mulf %gather3A, %get3A_877 : vector<16xf32>
        %add3A_879 = arith.constant 16 : i32
        %add3A_880 = arith.addi %add3A_879, %add3A_224 : i32
        %get3A_881 = arith.constant 2 : i32
        %get3A_882 = arith.index_cast %get3A_881 : i32 to index
        %get3A_883 = arith.index_cast %add3A_880 : i32 to index
        %get3A_884 = arith.constant 272 : index
        %get3A_885 = tpu.vector_load %arg11[%get3A_882, %get3A_883, %get3A_884] {strides = array<i32>} : memref<3x64x384xf32, #tpu.memory_space<vmem>>, vector<16xf32>,
        %mul3A_886 = arith.mulf %gather3A_226, %get3A_885 : vector<16xf32>
        %add3A_887 = arith.addf %mul3A_878, %mul3A_886 : vector<16xf32>
        %add3A_888 = arith.constant 32 : i32
        %add3A_889 = arith.addi %add3A_888, %add3A_224 : i32
        %get3A_890 = arith.constant 2 : i32
        %get3A_891 = arith.index_cast %get3A_890 : i32 to index
        %get3A_892 = arith.index_cast %add3A_889 : i32 to index
        %get3A_893 = arith.constant 272 : index
        %get3A_894 = tpu.vector_load %arg11[%get3A_891, %get3A_892, %get3A_893] {strides = array<i32>} : memref<3x64x384xf32, #tpu.memory_space<vmem>>, vector<16xf32>,
        %mul3A_895 = arith.mulf %gather3A_227, %get3A_894 : vector<16xf32>
        %add3A_896 = arith.addf %add3A_887, %mul3A_895 : vector<16xf32>
        %add3A_897 = arith.constant 48 : i32
        %add3A_898 = arith.addi %add3A_897, %add3A_224 : i32
        %get3A_899 = arith.constant 2 : i32
        %get3A_900 = arith.index_cast %get3A_899 : i32 to index
        %get3A_901 = arith.index_cast %add3A_898 : i32 to index
        %get3A_902 = arith.constant 272 : index
        %get3A_903 = tpu.vector_load %arg11[%get3A_900, %get3A_901, %get3A_902] {strides = array<i32>} : memref<3x64x384xf32, #tpu.memory_space<vmem>>, vector<16xf32>,
        %mul3A_904 = arith.mulf %gather3A_228, %get3A_903 : vector<16xf32>
        %add3A_905 = arith.addf %add3A_896, %mul3A_904 : vector<16xf32>
        %swap3A_906 = arith.constant 2 : i32
        %swap3A_907 = arith.index_cast %swap3A_906 : i32 to index
        %swap3A_908 = arith.index_cast %add3A_224 : i32 to index
        %swap3A_909 = arith.constant 272 : index
        %swap3A_910 = tpu.vector_load %arg12[%swap3A_907, %swap3A_908, %swap3A_909] {strides = array<i32>} : memref<3x16x384xf32, #tpu.memory_space<vmem>>, vector<16xf32>,
        tpu.vector_store %arg12[%swap3A_907, %swap3A_908, %swap3A_909], %add3A_905 {strides = array<i32>} : memref<3x16x384xf32, #tpu.memory_space<vmem>>, vector<16xf32>,
        %get3A_911 = arith.constant 2 : i32
        %get3A_912 = arith.index_cast %get3A_911 : i32 to index
        %get3A_913 = arith.index_cast %add3A_224 : i32 to index
        %get3A_914 = arith.constant 288 : index
        %get3A_915 = tpu.vector_load %arg11[%get3A_912, %get3A_913, %get3A_914] {strides = array<i32>} : memref<3x64x384xf32, #tpu.memory_space<vmem>>, vector<16xf32>,
        %mul3A_916 = arith.mulf %gather3A, %get3A_915 : vector<16xf32>
        %add3A_917 = arith.constant 16 : i32
        %add3A_918 = arith.addi %add3A_917, %add3A_224 : i32
        %get3A_919 = arith.constant 2 : i32
        %get3A_920 = arith.index_cast %get3A_919 : i32 to index
        %get3A_921 = arith.index_cast %add3A_918 : i32 to index
        %get3A_922 = arith.constant 288 : index
        %get3A_923 = tpu.vector_load %arg11[%get3A_920, %get3A_921, %get3A_922] {strides = array<i32>} : memref<3x64x384xf32, #tpu.memory_space<vmem>>, vector<16xf32>,
        %mul3A_924 = arith.mulf %gather3A_226, %get3A_923 : vector<16xf32>
        %add3A_925 = arith.addf %mul3A_916, %mul3A_924 : vector<16xf32>
        %add3A_926 = arith.constant 32 : i32
        %add3A_927 = arith.addi %add3A_926, %add3A_224 : i32
        %get3A_928 = arith.constant 2 : i32
        %get3A_929 = arith.index_cast %get3A_928 : i32 to index
        %get3A_930 = arith.index_cast %add3A_927 : i32 to index
        %get3A_931 = arith.constant 288 : index
        %get3A_932 = tpu.vector_load %arg11[%get3A_929, %get3A_930, %get3A_931] {strides = array<i32>} : memref<3x64x384xf32, #tpu.memory_space<vmem>>, vector<16xf32>,
        %mul3A_933 = arith.mulf %gather3A_227, %get3A_932 : vector<16xf32>
        %add3A_934 = arith.addf %add3A_925, %mul3A_933 : vector<16xf32>
        %add3A_935 = arith.constant 48 : i32
        %add3A_936 = arith.addi %add3A_935, %add3A_224 : i32
        %get3A_937 = arith.constant 2 : i32
        %get3A_938 = arith.index_cast %get3A_937 : i32 to index
        %get3A_939 = arith.index_cast %add3A_936 : i32 to index
        %get3A_940 = arith.constant 288 : index
        %get3A_941 = tpu.vector_load %arg11[%get3A_938, %get3A_939, %get3A_940] {strides = array<i32>} : memref<3x64x384xf32, #tpu.memory_space<vmem>>, vector<16xf32>,
        %mul3A_942 = arith.mulf %gather3A_228, %get3A_941 : vector<16xf32>
        %add3A_943 = arith.addf %add3A_934, %mul3A_942 : vector<16xf32>
        %swap3A_944 = arith.constant 2 : i32
        %swap3A_945 = arith.index_cast %swap3A_944 : i32 to index
        %swap3A_946 = arith.index_cast %add3A_224 : i32 to index
        %swap3A_947 = arith.constant 288 : index
        %swap3A_948 = tpu.vector_load %arg12[%swap3A_945, %swap3A_946, %swap3A_947] {strides = array<i32>} : memref<3x16x384xf32, #tpu.memory_space<vmem>>, vector<16xf32>,
        tpu.vector_store %arg12[%swap3A_945, %swap3A_946, %swap3A_947], %add3A_943 {strides = array<i32>} : memref<3x16x384xf32, #tpu.memory_space<vmem>>, vector<16xf32>,
        %get3A_949 = arith.constant 2 : i32
        %get3A_950 = arith.index_cast %get3A_949 : i32 to index
        %get3A_951 = arith.index_cast %add3A_224 : i32 to index
        %get3A_952 = arith.constant 304 : index
        %get3A_953 = tpu.vector_load %arg11[%get3A_950, %get3A_951, %get3A_952] {strides = array<i32>} : memref<3x64x384xf32, #tpu.memory_space<vmem>>, vector<16xf32>,
        %mul3A_954 = arith.mulf %gather3A, %get3A_953 : vector<16xf32>
        %add3A_955 = arith.constant 16 : i32
        %add3A_956 = arith.addi %add3A_955, %add3A_224 : i32
        %get3A_957 = arith.constant 2 : i32
        %get3A_958 = arith.index_cast %get3A_957 : i32 to index
        %get3A_959 = arith.index_cast %add3A_956 : i32 to index
        %get3A_960 = arith.constant 304 : index
        %get3A_961 = tpu.vector_load %arg11[%get3A_958, %get3A_959, %get3A_960] {strides = array<i32>} : memref<3x64x384xf32, #tpu.memory_space<vmem>>, vector<16xf32>,
        %mul3A_962 = arith.mulf %gather3A_226, %get3A_961 : vector<16xf32>
        %add3A_963 = arith.addf %mul3A_954, %mul3A_962 : vector<16xf32>
        %add3A_964 = arith.constant 32 : i32
        %add3A_965 = arith.addi %add3A_964, %add3A_224 : i32
        %get3A_966 = arith.constant 2 : i32
        %get3A_967 = arith.index_cast %get3A_966 : i32 to index
        %get3A_968 = arith.index_cast %add3A_965 : i32 to index
        %get3A_969 = arith.constant 304 : index
        %get3A_970 = tpu.vector_load %arg11[%get3A_967, %get3A_968, %get3A_969] {strides = array<i32>} : memref<3x64x384xf32, #tpu.memory_space<vmem>>, vector<16xf32>,
        %mul3A_971 = arith.mulf %gather3A_227, %get3A_970 : vector<16xf32>
        %add3A_972 = arith.addf %add3A_963, %mul3A_971 : vector<16xf32>
        %add3A_973 = arith.constant 48 : i32
        %add3A_974 = arith.addi %add3A_973, %add3A_224 : i32
        %get3A_975 = arith.constant 2 : i32
        %get3A_976 = arith.index_cast %get3A_975 : i32 to index
        %get3A_977 = arith.index_cast %add3A_974 : i32 to index
        %get3A_978 = arith.constant 304 : index
        %get3A_979 = tpu.vector_load %arg11[%get3A_976, %get3A_977, %get3A_978] {strides = array<i32>} : memref<3x64x384xf32, #tpu.memory_space<vmem>>, vector<16xf32>,
        %mul3A_980 = arith.mulf %gather3A_228, %get3A_979 : vector<16xf32>
        %add3A_981 = arith.addf %add3A_972, %mul3A_980 : vector<16xf32>
        %swap3A_982 = arith.constant 2 : i32
        %swap3A_983 = arith.index_cast %swap3A_982 : i32 to index
        %swap3A_984 = arith.index_cast %add3A_224 : i32 to index
        %swap3A_985 = arith.constant 304 : index
        %swap3A_986 = tpu.vector_load %arg12[%swap3A_983, %swap3A_984, %swap3A_985] {strides = array<i32>} : memref<3x16x384xf32, #tpu.memory_space<vmem>>, vector<16xf32>,
        tpu.vector_store %arg12[%swap3A_983, %swap3A_984, %swap3A_985], %add3A_981 {strides = array<i32>} : memref<3x16x384xf32, #tpu.memory_space<vmem>>, vector<16xf32>,
        %get3A_987 = arith.constant 2 : i32
        %get3A_988 = arith.index_cast %get3A_987 : i32 to index
        %get3A_989 = arith.index_cast %add3A_224 : i32 to index
        %get3A_990 = arith.constant 320 : index
        %get3A_991 = tpu.vector_load %arg11[%get3A_988, %get3A_989, %get3A_990] {strides = array<i32>} : memref<3x64x384xf32, #tpu.memory_space<vmem>>, vector<16xf32>,
        %mul3A_992 = arith.mulf %gather3A, %get3A_991 : vector<16xf32>
        %add3A_993 = arith.constant 16 : i32
        %add3A_994 = arith.addi %add3A_993, %add3A_224 : i32
        %get3A_995 = arith.constant 2 : i32
        %get3A_996 = arith.index_cast %get3A_995 : i32 to index
        %get3A_997 = arith.index_cast %add3A_994 : i32 to index
        %get3A_998 = arith.constant 320 : index
        %get3A_999 = tpu.vector_load %arg11[%get3A_996, %get3A_997, %get3A_998] {strides = array<i32>} : memref<3x64x384xf32, #tpu.memory_space<vmem>>, vector<16xf32>,
        %mul3A_1000 = arith.mulf %gather3A_226, %get3A_999 : vector<16xf32>
        %add3A_1001 = arith.addf %mul3A_992, %mul3A_1000 : vector<16xf32>
        %add3A_1002 = arith.constant 32 : i32
        %add3A_1003 = arith.addi %add3A_1002, %add3A_224 : i32
        %get3A_1004 = arith.constant 2 : i32
        %get3A_1005 = arith.index_cast %get3A_1004 : i32 to index
        %get3A_1006 = arith.index_cast %add3A_1003 : i32 to index
        %get3A_1007 = arith.constant 320 : index
        %get3A_1008 = tpu.vector_load %arg11[%get3A_1005, %get3A_1006, %get3A_1007] {strides = array<i32>} : memref<3x64x384xf32, #tpu.memory_space<vmem>>, vector<16xf32>,
        %mul3A_1009 = arith.mulf %gather3A_227, %get3A_1008 : vector<16xf32>
        %add3A_1010 = arith.addf %add3A_1001, %mul3A_1009 : vector<16xf32>
        %add3A_1011 = arith.constant 48 : i32
        %add3A_1012 = arith.addi %add3A_1011, %add3A_224 : i32
        %get3A_1013 = arith.constant 2 : i32
        %get3A_1014 = arith.index_cast %get3A_1013 : i32 to index
        %get3A_1015 = arith.index_cast %add3A_1012 : i32 to index
        %get3A_1016 = arith.constant 320 : index
        %get3A_1017 = tpu.vector_load %arg11[%get3A_1014, %get3A_1015, %get3A_1016] {strides = array<i32>} : memref<3x64x384xf32, #tpu.memory_space<vmem>>, vector<16xf32>,
        %mul3A_1018 = arith.mulf %gather3A_228, %get3A_1017 : vector<16xf32>
        %add3A_1019 = arith.addf %add3A_1010, %mul3A_1018 : vector<16xf32>
        %swap3A_1020 = arith.constant 2 : i32
        %swap3A_1021 = arith.index_cast %swap3A_1020 : i32 to index
        %swap3A_1022 = arith.index_cast %add3A_224 : i32 to index
        %swap3A_1023 = arith.constant 320 : index
        %swap3A_1024 = tpu.vector_load %arg12[%swap3A_1021, %swap3A_1022, %swap3A_1023] {strides = array<i32>} : memref<3x16x384xf32, #tpu.memory_space<vmem>>, vector<16xf32>,
        tpu.vector_store %arg12[%swap3A_1021, %swap3A_1022, %swap3A_1023], %add3A_1019 {strides = array<i32>} : memref<3x16x384xf32, #tpu.memory_space<vmem>>, vector<16xf32>,
        %get3A_1025 = arith.constant 2 : i32
        %get3A_1026 = arith.index_cast %get3A_1025 : i32 to index
        %get3A_1027 = arith.index_cast %add3A_224 : i32 to index
        %get3A_1028 = arith.constant 336 : index
        %get3A_1029 = tpu.vector_load %arg11[%get3A_1026, %get3A_1027, %get3A_1028] {strides = array<i32>} : memref<3x64x384xf32, #tpu.memory_space<vmem>>, vector<16xf32>,
        %mul3A_1030 = arith.mulf %gather3A, %get3A_1029 : vector<16xf32>
        %add3A_1031 = arith.constant 16 : i32
        %add3A_1032 = arith.addi %add3A_1031, %add3A_224 : i32
        %get3A_1033 = arith.constant 2 : i32
        %get3A_1034 = arith.index_cast %get3A_1033 : i32 to index
        %get3A_1035 = arith.index_cast %add3A_1032 : i32 to index
        %get3A_1036 = arith.constant 336 : index
        %get3A_1037 = tpu.vector_load %arg11[%get3A_1034, %get3A_1035, %get3A_1036] {strides = array<i32>} : memref<3x64x384xf32, #tpu.memory_space<vmem>>, vector<16xf32>,
        %mul3A_1038 = arith.mulf %gather3A_226, %get3A_1037 : vector<16xf32>
        %add3A_1039 = arith.addf %mul3A_1030, %mul3A_1038 : vector<16xf32>
        %add3A_1040 = arith.constant 32 : i32
        %add3A_1041 = arith.addi %add3A_1040, %add3A_224 : i32
        %get3A_1042 = arith.constant 2 : i32
        %get3A_1043 = arith.index_cast %get3A_1042 : i32 to index
        %get3A_1044 = arith.index_cast %add3A_1041 : i32 to index
        %get3A_1045 = arith.constant 336 : index
        %get3A_1046 = tpu.vector_load %arg11[%get3A_1043, %get3A_1044, %get3A_1045] {strides = array<i32>} : memref<3x64x384xf32, #tpu.memory_space<vmem>>, vector<16xf32>,
        %mul3A_1047 = arith.mulf %gather3A_227, %get3A_1046 : vector<16xf32>
        %add3A_1048 = arith.addf %add3A_1039, %mul3A_1047 : vector<16xf32>
        %add3A_1049 = arith.constant 48 : i32
        %add3A_1050 = arith.addi %add3A_1049, %add3A_224 : i32
        %get3A_1051 = arith.constant 2 : i32
        %get3A_1052 = arith.index_cast %get3A_1051 : i32 to index
        %get3A_1053 = arith.index_cast %add3A_1050 : i32 to index
        %get3A_1054 = arith.constant 336 : index
        %get3A_1055 = tpu.vector_load %arg11[%get3A_1052, %get3A_1053, %get3A_1054] {strides = array<i32>} : memref<3x64x384xf32, #tpu.memory_space<vmem>>, vector<16xf32>,
        %mul3A_1056 = arith.mulf %gather3A_228, %get3A_1055 : vector<16xf32>
        %add3A_1057 = arith.addf %add3A_1048, %mul3A_1056 : vector<16xf32>
        %swap3A_1058 = arith.constant 2 : i32
        %swap3A_1059 = arith.index_cast %swap3A_1058 : i32 to index
        %swap3A_1060 = arith.index_cast %add3A_224 : i32 to index
        %swap3A_1061 = arith.constant 336 : index
        %swap3A_1062 = tpu.vector_load %arg12[%swap3A_1059, %swap3A_1060, %swap3A_1061] {strides = array<i32>} : memref<3x16x384xf32, #tpu.memory_space<vmem>>, vector<16xf32>,
        tpu.vector_store %arg12[%swap3A_1059, %swap3A_1060, %swap3A_1061], %add3A_1057 {strides = array<i32>} : memref<3x16x384xf32, #tpu.memory_space<vmem>>, vector<16xf32>,
        %get3A_1063 = arith.constant 2 : i32
        %get3A_1064 = arith.index_cast %get3A_1063 : i32 to index
        %get3A_1065 = arith.index_cast %add3A_224 : i32 to index
        %get3A_1066 = arith.constant 352 : index
        %get3A_1067 = tpu.vector_load %arg11[%get3A_1064, %get3A_1065, %get3A_1066] {strides = array<i32>} : memref<3x64x384xf32, #tpu.memory_space<vmem>>, vector<16xf32>,
        %mul3A_1068 = arith.mulf %gather3A, %get3A_1067 : vector<16xf32>
        %add3A_1069 = arith.constant 16 : i32
        %add3A_1070 = arith.addi %add3A_1069, %add3A_224 : i32
        %get3A_1071 = arith.constant 2 : i32
        %get3A_1072 = arith.index_cast %get3A_1071 : i32 to index
        %get3A_1073 = arith.index_cast %add3A_1070 : i32 to index
        %get3A_1074 = arith.constant 352 : index
        %get3A_1075 = tpu.vector_load %arg11[%get3A_1072, %get3A_1073, %get3A_1074] {strides = array<i32>} : memref<3x64x384xf32, #tpu.memory_space<vmem>>, vector<16xf32>,
        %mul3A_1076 = arith.mulf %gather3A_226, %get3A_1075 : vector<16xf32>
        %add3A_1077 = arith.addf %mul3A_1068, %mul3A_1076 : vector<16xf32>
        %add3A_1078 = arith.constant 32 : i32
        %add3A_1079 = arith.addi %add3A_1078, %add3A_224 : i32
        %get3A_1080 = arith.constant 2 : i32
        %get3A_1081 = arith.index_cast %get3A_1080 : i32 to index
        %get3A_1082 = arith.index_cast %add3A_1079 : i32 to index
        %get3A_1083 = arith.constant 352 : index
        %get3A_1084 = tpu.vector_load %arg11[%get3A_1081, %get3A_1082, %get3A_1083] {strides = array<i32>} : memref<3x64x384xf32, #tpu.memory_space<vmem>>, vector<16xf32>,
        %mul3A_1085 = arith.mulf %gather3A_227, %get3A_1084 : vector<16xf32>
        %add3A_1086 = arith.addf %add3A_1077, %mul3A_1085 : vector<16xf32>
        %add3A_1087 = arith.constant 48 : i32
        %add3A_1088 = arith.addi %add3A_1087, %add3A_224 : i32
        %get3A_1089 = arith.constant 2 : i32
        %get3A_1090 = arith.index_cast %get3A_1089 : i32 to index
        %get3A_1091 = arith.index_cast %add3A_1088 : i32 to index
        %get3A_1092 = arith.constant 352 : index
        %get3A_1093 = tpu.vector_load %arg11[%get3A_1090, %get3A_1091, %get3A_1092] {strides = array<i32>} : memref<3x64x384xf32, #tpu.memory_space<vmem>>, vector<16xf32>,
        %mul3A_1094 = arith.mulf %gather3A_228, %get3A_1093 : vector<16xf32>
        %add3A_1095 = arith.addf %add3A_1086, %mul3A_1094 : vector<16xf32>
        %swap3A_1096 = arith.constant 2 : i32
        %swap3A_1097 = arith.index_cast %swap3A_1096 : i32 to index
        %swap3A_1098 = arith.index_cast %add3A_224 : i32 to index
        %swap3A_1099 = arith.constant 352 : index
        %swap3A_1100 = tpu.vector_load %arg12[%swap3A_1097, %swap3A_1098, %swap3A_1099] {strides = array<i32>} : memref<3x16x384xf32, #tpu.memory_space<vmem>>, vector<16xf32>,
        tpu.vector_store %arg12[%swap3A_1097, %swap3A_1098, %swap3A_1099], %add3A_1095 {strides = array<i32>} : memref<3x16x384xf32, #tpu.memory_space<vmem>>, vector<16xf32>,
        %get3A_1101 = arith.constant 2 : i32
        %get3A_1102 = arith.index_cast %get3A_1101 : i32 to index
        %get3A_1103 = arith.index_cast %add3A_224 : i32 to index
        %get3A_1104 = arith.constant 368 : index
        %get3A_1105 = tpu.vector_load %arg11[%get3A_1102, %get3A_1103, %get3A_1104] {strides = array<i32>} : memref<3x64x384xf32, #tpu.memory_space<vmem>>, vector<16xf32>,
        %mul3A_1106 = arith.mulf %gather3A, %get3A_1105 : vector<16xf32>
        %add3A_1107 = arith.constant 16 : i32
        %add3A_1108 = arith.addi %add3A_1107, %add3A_224 : i32
        %get3A_1109 = arith.constant 2 : i32
        %get3A_1110 = arith.index_cast %get3A_1109 : i32 to index
        %get3A_1111 = arith.index_cast %add3A_1108 : i32 to index
        %get3A_1112 = arith.constant 368 : index
        %get3A_1113 = tpu.vector_load %arg11[%get3A_1110, %get3A_1111, %get3A_1112] {strides = array<i32>} : memref<3x64x384xf32, #tpu.memory_space<vmem>>, vector<16xf32>,
        %mul3A_1114 = arith.mulf %gather3A_226, %get3A_1113 : vector<16xf32>
        %add3A_1115 = arith.addf %mul3A_1106, %mul3A_1114 : vector<16xf32>
        %add3A_1116 = arith.constant 32 : i32
        %add3A_1117 = arith.addi %add3A_1116, %add3A_224 : i32
        %get3A_1118 = arith.constant 2 : i32
        %get3A_1119 = arith.index_cast %get3A_1118 : i32 to index
        %get3A_1120 = arith.index_cast %add3A_1117 : i32 to index
        %get3A_1121 = arith.constant 368 : index
        %get3A_1122 = tpu.vector_load %arg11[%get3A_1119, %get3A_1120, %get3A_1121] {strides = array<i32>} : memref<3x64x384xf32, #tpu.memory_space<vmem>>, vector<16xf32>,
        %mul3A_1123 = arith.mulf %gather3A_227, %get3A_1122 : vector<16xf32>
        %add3A_1124 = arith.addf %add3A_1115, %mul3A_1123 : vector<16xf32>
        %add3A_1125 = arith.constant 48 : i32
        %add3A_1126 = arith.addi %add3A_1125, %add3A_224 : i32
        %get3A_1127 = arith.constant 2 : i32
        %get3A_1128 = arith.index_cast %get3A_1127 : i32 to index
        %get3A_1129 = arith.index_cast %add3A_1126 : i32 to index
        %get3A_1130 = arith.constant 368 : index
        %get3A_1131 = tpu.vector_load %arg11[%get3A_1128, %get3A_1129, %get3A_1130] {strides = array<i32>} : memref<3x64x384xf32, #tpu.memory_space<vmem>>, vector<16xf32>,
        %mul3A_1132 = arith.mulf %gather3A_228, %get3A_1131 : vector<16xf32>
        %add3A_1133 = arith.addf %add3A_1124, %mul3A_1132 : vector<16xf32>
        %swap3A_1134 = arith.constant 2 : i32
        %swap3A_1135 = arith.index_cast %swap3A_1134 : i32 to index
        %swap3A_1136 = arith.index_cast %add3A_224 : i32 to index
        %swap3A_1137 = arith.constant 368 : index
        %swap3A_1138 = tpu.vector_load %arg12[%swap3A_1135, %swap3A_1136, %swap3A_1137] {strides = array<i32>} : memref<3x16x384xf32, #tpu.memory_space<vmem>>, vector<16xf32>,
        tpu.vector_store %arg12[%swap3A_1135, %swap3A_1136, %swap3A_1137], %add3A_1133 {strides = array<i32>} : memref<3x16x384xf32, #tpu.memory_space<vmem>>, vector<16xf32>,
      }
      %scan3A_203 = arith.constant 16 : i32
      %mul3A_204 = arith.constant 16 : i32
      %mul3A_205 = arith.muli %add3A_171, %mul3A_204 : i32
      %add3A_206 = arith.addi %mul3A_2, %mul3A_205 : i32
      %dma_start3A_207 = arith.constant 2 : i32
      %dma_start3A_208 = arith.constant 0 : i32
      %dma_start3A_209 = arith.constant 0 : i32
      %dma_start3A_210 = tpu.memref_slice %arg12[%dma_start3A_207, %dma_start3A_208, %dma_start3A_209] : memref<3x16x384xf32, #tpu.memory_space<vmem>> -> memref<1x16x384xf32, #tpu.memory_space<vmem>>
      %dma_start3A_211 = tpu.memref_squeeze %dma_start3A_210 : memref<1x16x384xf32, #tpu.memory_space<vmem>> -> memref<16x384xf32, #tpu.memory_space<vmem>>
      %dma_start3A_212 = arith.constant 0 : i32
      %dma_start3A_213 = tpu.memref_slice %arg5[%add3A_206, %dma_start3A_212] : memref<147456x384xf32, #tpu.memory_space<hbm>> -> memref<16x384xf32, #tpu.memory_space<hbm>>
      %dma_start3A_214 = arith.constant 0 : i32
      %dma_start3A_215 = tpu.memref_slice %arg5[%add3A_206, %dma_start3A_214] : memref<147456x384xf32, #tpu.memory_space<hbm>> -> memref<16x384xf32, #tpu.memory_space<hbm>>
      %dma_start3A_216 = arith.constant 0 : i32
      %dma_start3A_217 = arith.constant 0 : i32
      %dma_start3A_218 = tpu.memref_slice %arg12[%dma_start3A_207, %dma_start3A_216, %dma_start3A_217] : memref<3x16x384xf32, #tpu.memory_space<vmem>> -> memref<1x16x384xf32, #tpu.memory_space<vmem>>
      %dma_start3A_219 = tpu.memref_squeeze %dma_start3A_218 : memref<1x16x384xf32, #tpu.memory_space<vmem>> -> memref<16x384xf32, #tpu.memory_space<vmem>>
      tpu.enqueue_dma source(%dma_start3A_219 : memref<16x384xf32, #tpu.memory_space<vmem>>) target(%dma_start3A_215 : memref<16x384xf32, #tpu.memory_space<hbm>>) target_semaphore(%arg18 : memref<!tpu.dma_semaphore, #tpu.memory_space<semaphore_mem>>)
    }
    %scan3A_30 = arith.constant 96 : i32
    %dma_wait3A = arith.constant 0 : i32
    %dma_wait3A_31 = arith.constant 0 : i32
    %dma_wait3A_32 = arith.constant 0 : i32
    %dma_wait3A_33 = tpu.memref_slice %arg12[%dma_wait3A, %dma_wait3A_31, %dma_wait3A_32] : memref<3x16x384xf32, #tpu.memory_space<vmem>> -> memref<1x16x384xf32, #tpu.memory_space<vmem>>
    %dma_wait3A_34 = tpu.memref_squeeze %dma_wait3A_33 : memref<1x16x384xf32, #tpu.memory_space<vmem>> -> memref<16x384xf32, #tpu.memory_space<vmem>>
    %dma_wait3A_35 = arith.constant 0 : i32
    %dma_wait3A_36 = tpu.memref_slice %arg5[%mul3A_2, %dma_wait3A_35] : memref<147456x384xf32, #tpu.memory_space<hbm>> -> memref<16x384xf32, #tpu.memory_space<hbm>>
    %dma_wait3A_37 = arith.constant 0 : i32
    %dma_wait3A_38 = tpu.memref_slice %arg5[%mul3A_2, %dma_wait3A_37] : memref<147456x384xf32, #tpu.memory_space<hbm>> -> memref<16x384xf32, #tpu.memory_space<hbm>>
    %dma_wait3A_39 = arith.constant 0 : i32
    %dma_wait3A_40 = arith.constant 0 : i32
    %dma_wait3A_41 = tpu.memref_slice %arg12[%dma_wait3A, %dma_wait3A_39, %dma_wait3A_40] : memref<3x16x384xf32, #tpu.memory_space<vmem>> -> memref<1x16x384xf32, #tpu.memory_space<vmem>>
    %dma_wait3A_42 = tpu.memref_squeeze %dma_wait3A_41 : memref<1x16x384xf32, #tpu.memory_space<vmem>> -> memref<16x384xf32, #tpu.memory_space<vmem>>
    tpu.wait_dma2 semaphore(%arg16 : memref<!tpu.dma_semaphore, #tpu.memory_space<semaphore_mem>>) src(%dma_wait3A_42 : memref<16x384xf32, #tpu.memory_space<vmem>>) dst(%dma_wait3A_38 : memref<16x384xf32, #tpu.memory_space<hbm>>)
    %dma_wait3A_43 = arith.constant 1 : i32
    %dma_wait3A_44 = arith.constant 0 : i32
    %dma_wait3A_45 = arith.constant 0 : i32
    %dma_wait3A_46 = tpu.memref_slice %arg12[%dma_wait3A_43, %dma_wait3A_44, %dma_wait3A_45] : memref<3x16x384xf32, #tpu.memory_space<vmem>> -> memref<1x16x384xf32, #tpu.memory_space<vmem>>
    %dma_wait3A_47 = tpu.memref_squeeze %dma_wait3A_46 : memref<1x16x384xf32, #tpu.memory_space<vmem>> -> memref<16x384xf32, #tpu.memory_space<vmem>>
    %dma_wait3A_48 = arith.constant 0 : i32
    %dma_wait3A_49 = tpu.memref_slice %arg5[%mul3A_2, %dma_wait3A_48] : memref<147456x384xf32, #tpu.memory_space<hbm>> -> memref<16x384xf32, #tpu.memory_space<hbm>>
    %dma_wait3A_50 = arith.constant 0 : i32
    %dma_wait3A_51 = tpu.memref_slice %arg5[%mul3A_2, %dma_wait3A_50] : memref<147456x384xf32, #tpu.memory_space<hbm>> -> memref<16x384xf32, #tpu.memory_space<hbm>>
    %dma_wait3A_52 = arith.constant 0 : i32
    %dma_wait3A_53 = arith.constant 0 : i32
    %dma_wait3A_54 = tpu.memref_slice %arg12[%dma_wait3A_43, %dma_wait3A_52, %dma_wait3A_53] : memref<3x16x384xf32, #tpu.memory_space<vmem>> -> memref<1x16x384xf32, #tpu.memory_space<vmem>>
    %dma_wait3A_55 = tpu.memref_squeeze %dma_wait3A_54 : memref<1x16x384xf32, #tpu.memory_space<vmem>> -> memref<16x384xf32, #tpu.memory_space<vmem>>
    tpu.wait_dma2 semaphore(%arg17 : memref<!tpu.dma_semaphore, #tpu.memory_space<semaphore_mem>>) src(%dma_wait3A_55 : memref<16x384xf32, #tpu.memory_space<vmem>>) dst(%dma_wait3A_51 : memref<16x384xf32, #tpu.memory_space<hbm>>)
    %dma_wait3A_56 = arith.constant 2 : i32
    %dma_wait3A_57 = arith.constant 0 : i32
    %dma_wait3A_58 = arith.constant 0 : i32
    %dma_wait3A_59 = tpu.memref_slice %arg12[%dma_wait3A_56, %dma_wait3A_57, %dma_wait3A_58] : memref<3x16x384xf32, #tpu.memory_space<vmem>> -> memref<1x16x384xf32, #tpu.memory_space<vmem>>
    %dma_wait3A_60 = tpu.memref_squeeze %dma_wait3A_59 : memref<1x16x384xf32, #tpu.memory_space<vmem>> -> memref<16x384xf32, #tpu.memory_space<vmem>>
    %dma_wait3A_61 = arith.constant 0 : i32
    %dma_wait3A_62 = tpu.memref_slice %arg5[%mul3A_2, %dma_wait3A_61] : memref<147456x384xf32, #tpu.memory_space<hbm>> -> memref<16x384xf32, #tpu.memory_space<hbm>>
    %dma_wait3A_63 = arith.constant 0 : i32
    %dma_wait3A_64 = tpu.memref_slice %arg5[%mul3A_2, %dma_wait3A_63] : memref<147456x384xf32, #tpu.memory_space<hbm>> -> memref<16x384xf32, #tpu.memory_space<hbm>>
    %dma_wait3A_65 = arith.constant 0 : i32
    %dma_wait3A_66 = arith.constant 0 : i32
    %dma_wait3A_67 = tpu.memref_slice %arg12[%dma_wait3A_56, %dma_wait3A_65, %dma_wait3A_66] : memref<3x16x384xf32, #tpu.memory_space<vmem>> -> memref<1x16x384xf32, #tpu.memory_space<vmem>>
    %dma_wait3A_68 = tpu.memref_squeeze %dma_wait3A_67 : memref<1x16x384xf32, #tpu.memory_space<vmem>> -> memref<16x384xf32, #tpu.memory_space<vmem>>
    tpu.wait_dma2 semaphore(%arg18 : memref<!tpu.dma_semaphore, #tpu.memory_space<semaphore_mem>>) src(%dma_wait3A_68 : memref<16x384xf32, #tpu.memory_space<vmem>>) dst(%dma_wait3A_64 : memref<16x384xf32, #tpu.memory_space<hbm>>)
    return
  }
}

</mosaic_0001>

<sc_bundles>
// kernel: kernel.3.cloned.1.call-start
scs
__scs_entry_jumppad:
0x0: {  	(pc) =	sbr.rel $0x88, $3  }
0x1: {  	(tag) =	ssettag $0x0;
	lr =	simm.s32 $0x1  }
0x2: {  	[smem:$0x3F9F] =	sst lr;
	_ =	strace $0xD0000000  }
0x3: {  	_ = 	snop  }
0x4: {  	_ = 	snop  }
0x5: {  	_ = 	snop  }
0x6: {  	_ = 	snop  }
0x7: {  	_ = 	snop  }
__scs_overlays_trampoline_lowered:
0x8: {  	[smem:$0x3FAE] =	sst s0  }
0x9: {  	[smem:$0x3FAF] =	sst s1  }
0xa: {  	[smem:$0x3FB0] =	sst s2  }
0xb: {  	[smem:$0x3FB1] =	sst s3  }
0xc: {  	[smem:$0x3FB2] =	sst s4  }
0xd: {  	[smem:$0x3FB3] =	sst s5  }
0xe: {  	[smem:$0x3FB4] =	sst s6  }
0xf: {  	[smem:$0x3FB5] =	sst s7  }
0x10: {  	[smem:$0x3FB6] =	sst s8  }
0x11: {  	[smem:$0x3FB7] =	sst s9;
	s0 =	simm.s32 @!p0 $0x0  }
0x12: {  	s1 =	sld [smem:$0x3F9D];
	s0 =	simm.s32 @p0 $0x1  }
0x13: {  	[smem:$0x3FB8] =	sst s0;
	s0 =	simm.s32 @!p1 $0x0  }
0x14: {  	s2 =	sld [smem:$0x3F9C];
	s0 =	simm.s32 @p1 $0x1  }
0x15: {  	[smem:$0x3FB9] =	sst s0;
	s0 =	simm.s32 @!p2 $0x0  }
0x16: {  	s3 =	sld [smem:$0x3FDB];
	s0 =	simm.s32 @p2 $0x1  }
0x17: {  	s4 =	simm.s32 $0x1BF5;
	[smem:$0x3FBB] =	sst s0  }
0x18: {  	s0 =	sld [smem:$0x3F9E];
	_ =	swait.ge [sflag:s4], $0x0  }
0x19: {  	s7 =	sld [smem:$0x3F9F]  }
0x1a: {  	s8 =	sadd.s32 $0xFFFFE003, lr  }
0x1b: {  	s9 =	sadd.s32 $0xFFFFFEF7, lr;
	s5 =	simm.s32 $0xFFFFFFFF;
	p2 =	slt.u32 s8, $0xFFFFF086  }
0x1c: {  	p1 =	slt.u32 s9, $0xF7A;
	s5 =	simm.s32 @!p2 $0x0  }
0x1d: {  	s5 =	simm.s32 @p1 $0x1;
	p0 =	seq.s32 s7, s2  }
0x1e: {  	s7 =	smul.u32 @!p0 $0xF7A, s2;
	p2 =	seq.s32 @!p0 s5, $0x0  }
0x1f: {  	s9 =	smul.u32 $0xF7A, s1;
	s8 =	simm.s32 @!p0 $0x1BF5;
	p2 =	por !p2, p0  }
0x20: {  	[sflag:s8] =	ssyncset.s32 @!p0 $0xFFFFF086;
	s6 =	sadd.s32 @!p0 s3, s7;
	s7 =	simm.s32 @!p0 $0x108  }
0x21: {  	s3 =	sadd.s32 s3, s9;
	s6 =	sadd.s32 @!p0 $0x88, s6;
	s7 =	simm.s32 @p2 $0x1082  }
0x22: {  	[simem:s7], [sflag:s8] =	dma.local @!p0 [hbm:s6], $0xF7A  }
0x23: {  	s9 =	sor.u32 $0xD0000000, s2;
	s6 =	simm.s32 $0x108;
	_ =	swait.ge @!p0 [sflag:s8], $0x0  }
0x24: {  	s3 =	sadd.s32 $0x88, s3;
	s6 =	simm.s32 @!p1 $0x1082;
	[sflag:s4] =	ssyncset.s32 $0xFFFFF086  }
0x25: {  	[simem:s6], [sflag:s4] =	dma.local [hbm:s3], $0xF7A  }
0x26: {  	[smem:$0x3F9F] =	sst s1;
	(tag) =	ssettag s2;
	_ =	strace s9  }
0x27: {  	s1 =	sld [smem:$0x3FAF]  }
0x28: {  	s2 =	sld [smem:$0x3FB0]  }
0x29: {  	s4 =	sld [smem:$0x3FB2]  }
0x2a: {  	p0 =	seq.s32 s5, $0x0;
	s5 =	sld [smem:$0x3FB3]  }
0x2b: {  	s6 =	sld [smem:$0x3FB4]  }
0x2c: {  	s7 =	sld [smem:$0x3FB5]  }
0x2d: {  	s3 =	simm.s32 $0x108;
	s8 =	sld [smem:$0x3FB6]  }
0x2e: {  	s3 =	simm.s32 @!p0 $0x1082;
	s9 =	sld [smem:$0x3FB7]  }
0x2f: {  	lr =	sadd.s32 s0, s3;
	s0 =	sld [smem:$0x3FAE]  }
0x30: {  	s3 =	sld [smem:$0x3FB1]  }
0x31: {  	[smem:$0x3FBA] =	sst s10  }
0x32: {  	s10 =	sld [smem:$0x3FB8];
	_ =	sdelay $0x3  }
0x33: {  	p0 =	seq.s32 s10, $0x1;
	s10 =	sld [smem:$0x3FBA];
	_ =	sdelay $0x3  }
0x34: {  	[smem:$0x3FBA] =	sst s10  }
0x35: {  	s10 =	sld [smem:$0x3FB9];
	_ =	sdelay $0x3  }
0x36: {  	p1 =	seq.s32 s10, $0x1;
	s10 =	sld [smem:$0x3FBA];
	_ =	sdelay $0x3  }
0x37: {  	[smem:$0x3FBA] =	sst s10  }
0x38: {  	s10 =	sld [smem:$0x3FBB]  }
0x39: {  	_ = 	snop;
	(pc) =	sbr.ind lr, $3  }
0x3a: {  	_ = 	snop  }
0x3b: {  	_ = 	snop  }
0x3c: {  	p2 =	seq.s32 s10, $0x1;
	s10 =	sld [smem:$0x3FBA]  }
0x3d: {  	_ =	shalt  }
0x3e: {  	_ =	shalt  }
0x3f: {  	_ =	shalt  }
0x40: {  	_ =	shalt  }
0x41: {  	_ =	shalt  }
0x42: {  	_ =	shalt  }
0x43: {  	_ =	shalt  }
0x44: {  	_ =	shalt  }
0x45: {  	_ =	shalt  }
0x46: {  	_ =	shalt  }
0x47: {  	_ =	shalt  }
0x48: {  	_ =	shalt  }
0x49: {  	_ =	shalt  }
0x4a: {  	_ =	shalt  }
0x4b: {  	_ =	shalt  }
0x4c: {  	_ =	shalt  }
0x4d: {  	_ =	shalt  }
0x4e: {  	_ =	shalt  }
0x4f: {  	_ =	shalt  }
0x50: {  	_ =	shalt  }
0x51: {  	_ =	shalt  }
0x52: {  	_ =	shalt  }
0x53: {  	_ =	shalt  }
0x54: {  	_ =	shalt  }
0x55: {  	_ =	shalt  }
0x56: {  	_ =	shalt  }
0x57: {  	_ =	shalt  }
0x58: {  	_ =	shalt  }
0x59: {  	_ =	shalt  }
0x5a: {  	_ =	shalt  }
0x5b: {  	_ =	shalt  }
0x5c: {  	_ =	shalt  }
0x5d: {  	_ =	shalt  }
0x5e: {  	_ =	shalt  }
0x5f: {  	_ =	shalt  }
0x60: {  	_ =	shalt  }
0x61: {  	_ =	shalt  }
0x62: {  	_ =	shalt  }
0x63: {  	_ =	shalt  }
0x64: {  	_ =	shalt  }
0x65: {  	_ =	shalt  }
0x66: {  	_ =	shalt  }
0x67: {  	_ =	shalt  }
0x68: {  	_ =	shalt  }
0x69: {  	_ =	shalt  }
0x6a: {  	_ =	shalt  }
0x6b: {  	_ =	shalt  }
0x6c: {  	_ =	shalt  }
0x6d: {  	_ =	shalt  }
0x6e: {  	_ =	shalt  }
0x6f: {  	_ =	shalt  }
0x70: {  	_ =	shalt  }
0x71: {  	_ =	shalt  }
0x72: {  	_ =	shalt  }
0x73: {  	_ =	shalt  }
0x74: {  	_ =	shalt  }
0x75: {  	_ =	shalt  }
0x76: {  	_ =	shalt  }
0x77: {  	_ =	shalt  }
0x78: {  	_ =	shalt  }
0x79: {  	_ =	shalt  }
0x7a: {  	_ =	shalt  }
0x7b: {  	_ =	shalt  }
0x7c: {  	_ =	shalt  }
0x7d: {  	_ =	shalt  }
0x7e: {  	_ =	shalt  }
0x7f: {  	_ =	shalt  }
0x80: {  	_ =	shalt  }
0x81: {  	_ =	shalt  }
0x82: {  	_ =	shalt  }
0x83: {  	_ =	shalt  }
0x84: {  	_ =	shalt  }
0x85: {  	_ =	shalt  }
0x86: {  	_ =	shalt  }
0x87: {  	_ =	shalt  }
.Lfunc_end0:
.L_simem_size_0:
called_computation.4_lowered:
.L_overlay_start_0:
0x88: {  	s2 =	sld [smem:$0x3FD9]  }
0x89: {  	s3 =	sld [smem:$0x3FFE];
	_ =	sdelay $0x1  }
0x8a: {  	s1 =	srdreg.scid  }
0x8b: {  	s0 =	sand.u32 $0x1, s1  }
0x8c: {  	s17 =	sshll.u32 s0, $0xA;
	s2 =	sadd.s32 s3, s2  }
0x8d: {  	s2 =	sadd.s32 s2, s17  }
0x8e: {  	[smem:$0x3FC6] =	sst s2  }
0x8f: {  	_ = 	snop  }
0x90: {  	s2 =	sld [smem:$0x3FD0];
	(tm) =	ssettm $0x1  }
0x91: {  	s18 =	sld [smem:$0x3FFB];
	_ =	sdelay $0x3  }
0x92: {  	_ =	strace s18  }
0x93: {  	s3 =	sld [smem:$0x3FFC];
	_ =	sdelay $0x3  }
0x94: {  	_ =	strace s3  }
0x95: {  	s3 =	sld [smem:$0x3FFD];
	_ =	sdelay $0x3  }
0x96: {  	_ =	strace s3  }
0x97: {  	_ =	strace $0x8FFFFFFF  }
0x98: {  	s19 =	sld [smem:$0x3FDB];
	_ =	sdelay $0x1  }
0x99: {  	s4 =	simm.s32 $_scs_section_size  }
0x9a: {  	s5 =	simm.s32 $_size__tile_overlayer_lowered;
	s6 =	simm.s32 $_tile_overlayer_lowered  }
0x9b: {  	s22 =	simm.s32 $0x1BFF;
	s21 =	sshll.u32 s6, $0x1;
	s3 =	sadd.s32 s4, s19  }
0x9c: {  	s7 =	simm.s32 $0x0;
	s20 =	sshll.u32 s5, $0x1;
	s5 =	sadd.s32 s21, s3  }
0x9d: {  	[timem:s7], [sflag:s22] =	dma.local [hbm:s5], s20  }
0x9e: {  	_ =	swait.ge [sflag:s22], s20  }
0x9f: {  	s4 =	ssub.s32 $0x0, s20;
	[sflag:s22] =	ssyncset.done $0x0  }
0xa0: {  	[sflag:s22] =	ssyncadd.s32 s4;
	_ =	sdelay $0x1  }
0xa1: {  	s23 =	simm.s32 $0x1B8B  }
0xa2: {  	_ =	swait.ge [sflag:s23], $0x1  }
0xa3: {  	[sflag:s23] =	ssyncset.done $0x0  }
0xa4: {  	s25 =	simm.s32 $0x1B8E;
	s24 =	sld [smem:$0x3FFE];
	[sflag:s23] =	ssyncadd.s32 $0xFFFFFFFF  }
0xa5: {  	s26 =	simm.s32 $execute0_lowered;
	[smem:$0x3FD2] =	sst s25  }
0xa6: {  	s5 =	sshll.u32 s26, $0x1;
	_ =	strace $0x8000004C;
	[dreg:$0x1] =	wrdreg $0xFFFFFFFF  }
0xa7: {  	s28 =	simm.s32 $_size_execute0_lowered;
	s3 =	sadd.s32 s3, s5;
	[dreg:$0x0] =	wrdreg $0x0  }
0xa8: {  	s5 =	sshll.u32 s28, $0x1;
	[dreg:$0x2] =	wrdreg s3  }
0xa9: {  	[dreg:$0x3] =	wrdreg s5  }
0xaa: {  	[dreg:$0x4] =	wrdreg $0xC0  }
0xab: {  	_ =	task [dreg:s7], $0x5FFFF  }
0xac: {  	[dreg:$0x1] =	wrdreg $0xFFFFFFFF  }
0xad: {  	[dreg:$0x0] =	wrdreg $0x60  }
0xae: {  	[dreg:$0x2] =	wrdreg s24  }
0xaf: {  	[dreg:$0x3] =	wrdreg s2  }
0xb0: {  	[dreg:$0x4] =	wrdreg $0x9  }
0xb1: {  	_ =	task.clear_ibuf [dreg:s7], $0x5FFFF;
	_ =	strace $0x9000004C  }
0xb2: {  	s29 =	simm.s32 $0x9;
	_ =	strace $0x8000004E  }
0xb3: {  	_ =	swait.ge [sflag:s29], $0x1  }
0xb4: {  	[sflag:s29] =	ssyncadd.s32 $0xFFFFFFFF  }
0xb5: {  	_ =	strace $0x9000004E  }
0xb6: {  	_ =	sfence  }
0xb7: {  	s30 =	sld [smem:$0x0];
	_ =	sdelay $0x2  }
0xb8: {  	s31 =	sshll.u32 s1, $0xD;
	s1 =	sshrl.u32 s1, $0x2  }
0xb9: {  	s3 =	sand.u32 $0x4000, s31;
	s1 =	sadd.s32 s1, s30  }
0xba: {  	s0 =	sor.u32 s3, s0;
	s1 =	sshll.u32 s1, $0x11  }
0xbb: {  	s0 =	sor.u32 s1, s0  }
0xbc: {  	s0 =	sadd.s32 $0x8F2B, s0  }
0xbd: {  	[sflag:s0] =	ssyncadd.remote.s32 $0x1  }
0xbe: {  	_ =	sfence.sel $0xFFFF  }
0xbf: {  	[dreg:$0x0] =	wrdreg $0xFFFFFFFF;
	(pc) =	sbr.abs _section_cstart, $3  }
0xc0: {  	[dreg:$0x1] =	wrdreg $0xFFFFFFFF  }
0xc1: {  	_ =	task.clear_ibuf [dreg:s7], $0x2FFFF;
	_ =	strace $0x9FFFFFFF  }
0xc2: {  	(tm) =	ssettm $0x7FFFFFFF  }
0xc3: {  	_ =	shalt  }
tec
execute0_lowered:
.L_overlay_start_1:
0x0: {  	(tag) =	ssettag $0x1  }
0x1: {  	s0 =	rddreg [dreg:$0x0];
	s1 =	srdreg.scid  }
0x2: {  	s3 =	stileid.u32;
	s2 =	rddreg [dreg:$0x1];
	s16 =	simm.s32 $0x4800  }
0x3: {  	s17 =	simm.s32 $0x5A00;
	s18 =	simm.s32 $0x6C00;
	s19 =	simm.s32 $0x7E00  }
0x4: {  	s28 =	simm.s32 $0x5;
	s1 =	sand.u32 $0x1, s1;
	s4 =	sshll.u32 s3, $0x1  }
0x5: {  	s29 =	simm.s32 $0x1C800;
	s5 =	sor.u32 s1, s4;
	s1 =	ssub.s32 $0x2, s1  }
0x6: {  	s30 =	simm.s32 $0x3;
	s6 =	smul.u32 $0x900, s5;
	s7 =	sshrl.u32 s1, $0x1  }
0x7: {  	s31 =	simm.s32 $0x6;
	s3 =	simm.s32 $0x0;
	s1 =	ssub.s32 s1, s7  }
0x8: {  	[smem:$0x7FF] =	sst s3;
	s6 =	sadd.s32 s6, s0;
	s26 =	smax.u32 s1, $0x1  }
0x9: {  	_ =	strace $0x8000004D;
	s22 =	sadd.s32 $0x14A00, s6;
	[dreg:$0x8] =	wrdreg s26  }
0xa: {  	s11 =	sadd.s32 $0x26B00, s0;
	s23 =	sadd.s32 $0x2600, s6;
	[dreg:$0x3] =	wrdreg s22  }
0xb: {  	s4 =	sadd.s32 $0x26A00, s0;
	s24 =	sadd.s32 $0x2610, s6;
	[dreg:$0x4] =	wrdreg s23  }
0xc: {  	s5 =	smul.u32 $0x1200, s5;
	s25 =	sadd.s32 $0x2620, s6;
	[dreg:$0x5] =	wrdreg s24  }
0xd: {  	v2 =	vlaneseq.u32;
	s1 =	simm.s32 $0x1E000;
	s6 =	sadd.s32 $0x2630, s6;
	[dreg:$0x6] =	wrdreg s25  }
0xe: {  	vm0 =	vmmov $0xffff;
	vm1 =	vmmov $0xff;
	v1 =	vshrl.u32 v2, $0x3;
	s26 =	simm.s32 $0x2;
	[dreg:$0x7] =	wrdreg s6;
	s23 =	simm.s32 $0x1AC00  }
0xf: {  	v0 =	vand.u32 $0x7, v2;
	v2 =	vor.u32 $0x8, v2;
	v1 =	vmul.u32 $0x8, v1;
	s24 =	simm.s32 $0x1;
	s25 =	simm.s32 $0x1B000;
	s6 =	simm.s32 $0x0  }
.LBB2_1:
0x10: {  	[dreg:$0x9] =	wrdreg s6  }
0x11: {  	s0 =	rddreg [dreg:$0x3];
	s15 =	simm.s32 $0x7  }
0x12: {  	[tilespmem:s3], [sflag:$0x7] =	stream.linear.gather [hbm4b:s0+s3], $0x4800, $0x38;
	[tilespmem:$0x1F800] =	vst v63  }
0x13: {  	_ =	swait.ge [sflag:s15], $0x4800  }
0x14: {  	s7 =	simm.s32 $0x80;
	[sflag:s15] =	ssyncset.done $0x0  }
0x15: {  	s8 =	simm.s32 $0x200;
	s20 =	rddreg [dreg:$0x4];
	[sflag:s15] =	ssyncadd.s32 $0xFFFFB800  }
0x16: {  	[tilespmem:s16], [sflag:$0x7] =	stream.strided.gather [hbm4b:s20+s7], $0x1200, s8, s7, $0x38;
	[tilespmem:$0x1F800] =	vst v63  }
0x17: {  	_ =	swait.ge [sflag:s15], $0x1200  }
0x18: {  	[sflag:s15] =	ssyncset.done $0x0  }
0x19: {  	s21 =	rddreg [dreg:$0x5];
	[sflag:s15] =	ssyncadd.s32 $0xFFFFEE00  }
0x1a: {  	[tilespmem:s17], [sflag:$0x7] =	stream.strided.gather [hbm4b:s21+s7], $0x1200, s8, s7, $0x38;
	[tilespmem:$0x1F800] =	vst v63  }
0x1b: {  	_ =	swait.ge [sflag:s15], $0x1200  }
0x1c: {  	[sflag:s15] =	ssyncset.done $0x0  }
0x1d: {  	s22 =	rddreg [dreg:$0x6];
	[sflag:s15] =	ssyncadd.s32 $0xFFFFEE00  }
0x1e: {  	[tilespmem:s18], [sflag:$0x7] =	stream.strided.gather [hbm4b:s22+s7], $0x1200, s8, s7, $0x38;
	[tilespmem:$0x1F800] =	vst v63  }
0x1f: {  	_ =	swait.ge [sflag:s15], $0x1200  }
0x20: {  	[sflag:s15] =	ssyncset.done $0x0  }
0x21: {  	s9 =	rddreg [dreg:$0x7];
	[sflag:s15] =	ssyncadd.s32 $0xFFFFEE00  }
0x22: {  	[tilespmem:s19], [sflag:$0x7] =	stream.strided.gather [hbm4b:s9+s7], $0x1200, s8, s7, $0x38;
	[tilespmem:$0x1F800] =	vst v63  }
0x23: {  	_ =	swait.ge [sflag:s15], $0x1200  }
0x24: {  	[sflag:s15] =	ssyncset.done $0x0  }
0x25: {  	[sflag:s15] =	ssyncadd.s32 $0xFFFFEE00  }
0x26: {  	v3 =	vld [tilespmem:$0x0];
	_ =	sdelay $0x4  }
0x27: {  	v4 =	vshrl.u32 v3, $0x3  }
0x28: {  	v4 =	vmul.u32 $0x18, v4  }
0x29: {  	v3 =	vand.u32 $0x7, v3  }
0x2a: {  	v3 =	vor.u32 v3, v4  }
0x2b: {  	v4 =	vperm.xlane v3, v0;
	_ =	sdelay $0x1  }
0x2c: {  	v4 =	vadd.s32 v1, v4;
	_ =	sdelay $0x1  }
0x2d: {  	v3 =	vperm.xlane v3, v2;
	_ =	sdelay $0x1  }
0x2e: {  	s10 =	simm.s32 $0x9000;
	v3 =	vadd.s32 v1, v3  }
0x2f: {  	[tilespmem:s10], [sflag:$0x1] =	stream.indirect_vreg.gather [hbm4b:s4+s3], $0x80, v4, vm0, $0xb8;
	[tilespmem:$0x1F800] =	vst v63  }
0x30: {  	s12 =	simm.s32 $0x9800  }
0x31: {  	[tilespmem:s12], [sflag:$0x1] =	stream.indirect_vreg.gather [hbm4b:s11+s3], $0x80, v4, vm1, $0xb8;
	[tilespmem:$0x1F800] =	vst v63  }
0x32: {  	s13 =	simm.s32 $0x9C00  }
0x33: {  	[tilespmem:s13], [sflag:$0x1] =	stream.indirect_vreg.gather [hbm4b:s4+s3], $0x80, v3, vm0, $0xb8;
	[tilespmem:$0x1F800] =	vst v63  }
0x34: {  	s14 =	simm.s32 $0xA400  }
0x35: {  	[tilespmem:s14], [sflag:$0x1] =	stream.indirect_vreg.gather [hbm4b:s11+s3], $0x80, v3, vm1, $0xb8;
	[tilespmem:$0x1F800] =	vst v63  }
0x36: {  	v3 =	vld [tilespmem:$0x10];
	_ =	sdelay $0x4  }
0x37: {  	v57 =	vshrl.u32 v3, $0x3  }
0x38: {  	v4 =	vmul.u32 $0x18, v57  }
0x39: {  	v3 =	vand.u32 $0x7, v3  }
0x3a: {  	v3 =	vor.u32 v3, v4  }
0x3b: {  	v4 =	vperm.xlane v3, v0;
	_ =	sdelay $0x1  }
0x3c: {  	v4 =	vadd.s32 v1, v4;
	_ =	sdelay $0x1  }
0x3d: {  	v3 =	vperm.xlane v3, v2;
	_ =	sdelay $0x1  }
0x3e: {  	s15 =	simm.s32 $0xA800;
	v3 =	vadd.s32 v1, v3  }
0x3f: {  	[tilespmem:s15], [sflag:$0x1] =	stream.indirect_vreg.gather [hbm4b:s4+s3], $0x80, v4, vm0, $0xb8;
	[tilespmem:$0x1F800] =	vst v63  }
0x40: {  	s20 =	simm.s32 $0xB000  }
0x41: {  	[tilespmem:s20], [sflag:$0x1] =	stream.indirect_vreg.gather [hbm4b:s11+s3], $0x80, v4, vm1, $0xb8;
	[tilespmem:$0x1F800] =	vst v63  }
0x42: {  	s21 =	simm.s32 $0xB400  }
0x43: {  	[tilespmem:s21], [sflag:$0x1] =	stream.indirect_vreg.gather [hbm4b:s4+s3], $0x80, v3, vm0, $0xb8;
	[tilespmem:$0x1F800] =	vst v63  }
0x44: {  	s22 =	simm.s32 $0xBC00  }
0x45: {  	[tilespmem:s22], [sflag:$0x1] =	stream.indirect_vreg.gather [hbm4b:s11+s3], $0x80, v3, vm1, $0xb8;
	[tilespmem:$0x1F800] =	vst v63  }
0x46: {  	v3 =	vld [tilespmem:$0x20];
	_ =	sdelay $0x4  }
0x47: {  	v58 =	vshrl.u32 v3, $0x3  }
0x48: {  	v4 =	vmul.u32 $0x18, v58  }
0x49: {  	v3 =	vand.u32 $0x7, v3  }
0x4a: {  	v3 =	vor.u32 v3, v4  }
0x4b: {  	v4 =	vperm.xlane v3, v0;
	_ =	sdelay $0x1  }
0x4c: {  	v4 =	vadd.s32 v1, v4;
	_ =	sdelay $0x1  }
0x4d: {  	v3 =	vperm.xlane v3, v2;
	_ =	sdelay $0x1  }
0x4e: {  	s6 =	simm.s32 $0xC000;
	v3 =	vadd.s32 v1, v3  }
0x4f: {  	[tilespmem:s6], [sflag:$0x1] =	stream.indirect_vreg.gather [hbm4b:s4+s3], $0x80, v4, vm0, $0xb8;
	[tilespmem:$0x1F800] =	vst v63  }
0x50: {  	s7 =	simm.s32 $0xC800  }
0x51: {  	[tilespmem:s7], [sflag:$0x1] =	stream.indirect_vreg.gather [hbm4b:s11+s3], $0x80, v4, vm1, $0xb8;
	[tilespmem:$0x1F800] =	vst v63  }
0x52: {  	s8 =	simm.s32 $0xCC00  }
0x53: {  	[tilespmem:s8], [sflag:$0x1] =	stream.indirect_vreg.gather [hbm4b:s4+s3], $0x80, v3, vm0, $0xb8;
	[tilespmem:$0x1F800] =	vst v63  }
0x54: {  	s9 =	simm.s32 $0xD400  }
0x55: {  	[tilespmem:s9], [sflag:$0x1] =	stream.indirect_vreg.gather [hbm4b:s11+s3], $0x80, v3, vm1, $0xb8;
	[tilespmem:$0x1F800] =	vst v63  }
0x56: {  	v3 =	vld [tilespmem:$0x30];
	_ =	sdelay $0x4  }
0x57: {  	v59 =	vshrl.u32 v3, $0x3  }
0x58: {  	v4 =	vmul.u32 $0x18, v59  }
0x59: {  	v3 =	vand.u32 $0x7, v3  }
0x5a: {  	v3 =	vor.u32 v3, v4  }
0x5b: {  	v4 =	vperm.xlane v3, v0;
	_ =	sdelay $0x1  }
0x5c: {  	v4 =	vadd.s32 v1, v4;
	_ =	sdelay $0x1  }
0x5d: {  	v3 =	vperm.xlane v3, v2;
	_ =	sdelay $0x1  }
0x5e: {  	s10 =	simm.s32 $0xD800;
	v3 =	vadd.s32 v1, v3  }
0x5f: {  	[tilespmem:s10], [sflag:$0x1] =	stream.indirect_vreg.gather [hbm4b:s4+s3], $0x80, v4, vm0, $0xb8;
	[tilespmem:$0x1F800] =	vst v63  }
0x60: {  	s12 =	simm.s32 $0xE000  }
0x61: {  	[tilespmem:s12], [sflag:$0x1] =	stream.indirect_vreg.gather [hbm4b:s11+s3], $0x80, v4, vm1, $0xb8;
	[tilespmem:$0x1F800] =	vst v63  }
0x62: {  	s13 =	simm.s32 $0xE400  }
0x63: {  	[tilespmem:s13], [sflag:$0x1] =	stream.indirect_vreg.gather [hbm4b:s4+s3], $0x80, v3, vm0, $0xb8;
	[tilespmem:$0x1F800] =	vst v63  }
0x64: {  	s14 =	simm.s32 $0xEC00  }
0x65: {  	[tilespmem:s14], [sflag:$0x1] =	stream.indirect_vreg.gather [hbm4b:s11+s3], $0x80, v3, vm1, $0xb8;
	[tilespmem:$0x1F800] =	vst v63  }
0x66: {  	v3 =	vld [tilespmem:$0x40];
	_ =	sdelay $0x4  }
0x67: {  	v60 =	vshrl.u32 v3, $0x3  }
0x68: {  	v4 =	vmul.u32 $0x18, v60  }
0x69: {  	v3 =	vand.u32 $0x7, v3  }
0x6a: {  	v3 =	vor.u32 v3, v4  }
0x6b: {  	v4 =	vperm.xlane v3, v0;
	_ =	sdelay $0x1  }
0x6c: {  	v4 =	vadd.s32 v1, v4;
	_ =	sdelay $0x1  }
0x6d: {  	v3 =	vperm.xlane v3, v2;
	_ =	sdelay $0x1  }
0x6e: {  	s15 =	simm.s32 $0xF000;
	v3 =	vadd.s32 v1, v3  }
0x6f: {  	[tilespmem:s15], [sflag:$0x2] =	stream.indirect_vreg.gather [hbm4b:s4+s3], $0x80, v4, vm0, $0xb8;
	[tilespmem:$0x1F800] =	vst v63  }
0x70: {  	s20 =	simm.s32 $0xF800  }
0x71: {  	[tilespmem:s20], [sflag:$0x2] =	stream.indirect_vreg.gather [hbm4b:s11+s3], $0x80, v4, vm1, $0xb8;
	[tilespmem:$0x1F800] =	vst v63  }
0x72: {  	s21 =	simm.s32 $0xFC00  }
0x73: {  	[tilespmem:s21], [sflag:$0x2] =	stream.indirect_vreg.gather [hbm4b:s4+s3], $0x80, v3, vm0, $0xb8;
	[tilespmem:$0x1F800] =	vst v63  }
0x74: {  	s22 =	simm.s32 $0x10400  }
0x75: {  	[tilespmem:s22], [sflag:$0x2] =	stream.indirect_vreg.gather [hbm4b:s11+s3], $0x80, v3, vm1, $0xb8;
	[tilespmem:$0x1F800] =	vst v63  }
0x76: {  	v3 =	vld [tilespmem:$0x50];
	_ =	sdelay $0x4  }
0x77: {  	v61 =	vshrl.u32 v3, $0x3  }
0x78: {  	v4 =	vmul.u32 $0x18, v61  }
0x79: {  	v3 =	vand.u32 $0x7, v3  }
0x7a: {  	v3 =	vor.u32 v3, v4  }
0x7b: {  	v4 =	vperm.xlane v3, v0;
	_ =	sdelay $0x1  }
0x7c: {  	v4 =	vadd.s32 v1, v4;
	_ =	sdelay $0x1  }
0x7d: {  	v3 =	vperm.xlane v3, v2;
	_ =	sdelay $0x1  }
0x7e: {  	s6 =	simm.s32 $0x10800;
	v3 =	vadd.s32 v1, v3  }
0x7f: {  	[tilespmem:s6], [sflag:$0x2] =	stream.indirect_vreg.gather [hbm4b:s4+s3], $0x80, v4, vm0, $0xb8;
	[tilespmem:$0x1F800] =	vst v63  }
0x80: {  	s7 =	simm.s32 $0x11000  }
0x81: {  	[tilespmem:s7], [sflag:$0x2] =	stream.indirect_vreg.gather [hbm4b:s11+s3], $0x80, v4, vm1, $0xb8;
	[tilespmem:$0x1F800] =	vst v63  }
0x82: {  	s8 =	simm.s32 $0x11400  }
0x83: {  	[tilespmem:s8], [sflag:$0x2] =	stream.indirect_vreg.gather [hbm4b:s4+s3], $0x80, v3, vm0, $0xb8;
	[tilespmem:$0x1F800] =	vst v63  }
0x84: {  	s9 =	simm.s32 $0x11C00  }
0x85: {  	[tilespmem:s9], [sflag:$0x2] =	stream.indirect_vreg.gather [hbm4b:s11+s3], $0x80, v3, vm1, $0xb8;
	[tilespmem:$0x1F800] =	vst v63  }
0x86: {  	v3 =	vld [tilespmem:$0x60];
	_ =	sdelay $0x4  }
0x87: {  	v62 =	vshrl.u32 v3, $0x3  }
0x88: {  	v4 =	vmul.u32 $0x18, v62  }
0x89: {  	v3 =	vand.u32 $0x7, v3  }
0x8a: {  	v3 =	vor.u32 v3, v4  }
0x8b: {  	v4 =	vperm.xlane v3, v0;
	_ =	sdelay $0x1  }
0x8c: {  	v4 =	vadd.s32 v1, v4;
	_ =	sdelay $0x1  }
0x8d: {  	v3 =	vperm.xlane v3, v2;
	_ =	sdelay $0x1  }
0x8e: {  	s10 =	simm.s32 $0x12000;
	v3 =	vadd.s32 v1, v3  }
0x8f: {  	[tilespmem:s10], [sflag:$0x2] =	stream.indirect_vreg.gather [hbm4b:s4+s3], $0x80, v4, vm0, $0xb8;
	[tilespmem:$0x1F800] =	vst v63  }
0x90: {  	s12 =	simm.s32 $0x12800  }
0x91: {  	[tilespmem:s12], [sflag:$0x2] =	stream.indirect_vreg.gather [hbm4b:s11+s3], $0x80, v4, vm1, $0xb8;
	[tilespmem:$0x1F800] =	vst v63  }
0x92: {  	s13 =	simm.s32 $0x12C00  }
0x93: {  	[tilespmem:s13], [sflag:$0x2] =	stream.indirect_vreg.gather [hbm4b:s4+s3], $0x80, v3, vm0, $0xb8;
	[tilespmem:$0x1F800] =	vst v63  }
0x94: {  	s14 =	simm.s32 $0x13400  }
0x95: {  	[tilespmem:s14], [sflag:$0x2] =	stream.indirect_vreg.gather [hbm4b:s11+s3], $0x80, v3, vm1, $0xb8;
	[tilespmem:$0x1F800] =	vst v63  }
0x96: {  	v3 =	vld [tilespmem:$0x70];
	_ =	sdelay $0x4  }
0x97: {  	v63 =	vshrl.u32 v3, $0x3  }
0x98: {  	v4 =	vmul.u32 $0x18, v63  }
0x99: {  	v3 =	vand.u32 $0x7, v3  }
0x9a: {  	v3 =	vor.u32 v3, v4  }
0x9b: {  	v4 =	vperm.xlane v3, v0;
	_ =	sdelay $0x1  }
0x9c: {  	v4 =	vadd.s32 v1, v4;
	_ =	sdelay $0x1  }
0x9d: {  	v3 =	vperm.xlane v3, v2;
	_ =	sdelay $0x1  }
0x9e: {  	s15 =	simm.s32 $0x13800;
	v3 =	vadd.s32 v1, v3  }
0x9f: {  	[tilespmem:s15], [sflag:$0x2] =	stream.indirect_vreg.gather [hbm4b:s4+s3], $0x80, v4, vm0, $0xb8;
	[tilespmem:$0x1F800] =	vst v63  }
0xa0: {  	s20 =	simm.s32 $0x14000  }
0xa1: {  	[tilespmem:s20], [sflag:$0x2] =	stream.indirect_vreg.gather [hbm4b:s11+s3], $0x80, v4, vm1, $0xb8;
	[tilespmem:$0x1F800] =	vst v63  }
0xa2: {  	s0 =	simm.s32 $0x10;
	s21 =	simm.s32 $0x14400;
	s22 =	simm.s32 $0x14C00  }
0xa3: {  	[tilespmem:s21], [sflag:$0x2] =	stream.indirect_vreg.gather [hbm4b:s4+s3], $0x80, v3, vm0, $0xb8;
	[tilespmem:$0x1F800] =	vst v63  }
0xa4: {  	s6 =	simm.s32 $0x20;
	s7 =	simm.s32 $0x0;
	s8 =	simm.s32 $0x0  }
0xa5: {  	[tilespmem:s22], [sflag:$0x2] =	stream.indirect_vreg.gather [hbm4b:s11+s3], $0x80, v3, vm1, $0xb8;
	[tilespmem:$0x1F800] =	vst v63  }
.LBB2_2:
0xa6: {  	s9 =	smul.u32 $0x3, s8;
	_ =	sdelay $0x1  }
0xa7: {  	s9 =	sadd.s32 $0x2, s9  }
0xa8: {  	s10 =	sshll.u32 s9, $0x6  }
0xa9: {  	s10 =	sand.u32 $0x3FFFFFC0, s10  }
0xaa: {  	v3 =	vld [tilespmem:s10+$0x0];
	_ =	sdelay $0x4  }
0xab: {  	v4 =	vshrl.u32 v3, $0x3  }
0xac: {  	v4 =	vmul.u32 $0x18, v4  }
0xad: {  	v3 =	vand.u32 $0x7, v3  }
0xae: {  	v3 =	vor.u32 v3, v4  }
0xaf: {  	v4 =	vperm.xlane v3, v0;
	_ =	sdelay $0x1  }
0xb0: {  	v4 =	vadd.s32 v1, v4;
	_ =	sdelay $0x1  }
0xb1: {  	v3 =	vperm.xlane v3, v2;
	_ =	sdelay $0x1  }
0xb2: {  	s12 =	simm.s32 $0x15000;
	v3 =	vadd.s32 v1, v3  }
0xb3: {  	[tilespmem:s12], [sflag:$0x3] =	stream.indirect_vreg.gather [hbm4b:s4+s3], $0x80, v4, vm0, $0xb8;
	[tilespmem:$0x1F800] =	vst v63  }
0xb4: {  	s21 =	simm.s32 $0x15800  }
0xb5: {  	[tilespmem:s21], [sflag:$0x3] =	stream.indirect_vreg.gather [hbm4b:s11+s3], $0x80, v4, vm1, $0xb8;
	[tilespmem:$0x1F800] =	vst v63  }
0xb6: {  	s22 =	simm.s32 $0x15C00  }
0xb7: {  	[tilespmem:s22], [sflag:$0x3] =	stream.indirect_vreg.gather [hbm4b:s4+s3], $0x80, v3, vm0, $0xb8;
	[tilespmem:$0x1F800] =	vst v63  }
0xb8: {  	s13 =	simm.s32 $0x16400  }
0xb9: {  	[tilespmem:s13], [sflag:$0x3] =	stream.indirect_vreg.gather [hbm4b:s11+s3], $0x80, v3, vm1, $0xb8;
	[tilespmem:$0x1F800] =	vst v63  }
0xba: {  	v3 =	vld [tilespmem:s10+$0x10];
	_ =	sdelay $0x4  }
0xbb: {  	v61 =	vshrl.u32 v3, $0x3  }
0xbc: {  	v4 =	vmul.u32 $0x18, v61  }
0xbd: {  	v3 =	vand.u32 $0x7, v3  }
0xbe: {  	v3 =	vor.u32 v3, v4  }
0xbf: {  	v4 =	vperm.xlane v3, v0;
	_ =	sdelay $0x1  }
0xc0: {  	v4 =	vadd.s32 v1, v4;
	_ =	sdelay $0x1  }
0xc1: {  	v3 =	vperm.xlane v3, v2;
	_ =	sdelay $0x1  }
0xc2: {  	s14 =	simm.s32 $0x16800;
	v3 =	vadd.s32 v1, v3  }
0xc3: {  	[tilespmem:s14], [sflag:$0x3] =	stream.indirect_vreg.gather [hbm4b:s4+s3], $0x80, v4, vm0, $0xb8;
	[tilespmem:$0x1F800] =	vst v63  }
0xc4: {  	s15 =	simm.s32 $0x17000  }
0xc5: {  	[tilespmem:s15], [sflag:$0x3] =	stream.indirect_vreg.gather [hbm4b:s11+s3], $0x80, v4, vm1, $0xb8;
	[tilespmem:$0x1F800] =	vst v63  }
0xc6: {  	s20 =	simm.s32 $0x17400  }
0xc7: {  	[tilespmem:s20], [sflag:$0x3] =	stream.indirect_vreg.gather [hbm4b:s4+s3], $0x80, v3, vm0, $0xb8;
	[tilespmem:$0x1F800] =	vst v63  }
0xc8: {  	s21 =	simm.s32 $0x17C00  }
0xc9: {  	[tilespmem:s21], [sflag:$0x3] =	stream.indirect_vreg.gather [hbm4b:s11+s3], $0x80, v3, vm1, $0xb8;
	[tilespmem:$0x1F800] =	vst v63  }
0xca: {  	v3 =	vld [tilespmem:s10+$0x20];
	_ =	sdelay $0x4  }
0xcb: {  	v62 =	vshrl.u32 v3, $0x3  }
0xcc: {  	v4 =	vmul.u32 $0x18, v62  }
0xcd: {  	v3 =	vand.u32 $0x7, v3  }
0xce: {  	v3 =	vor.u32 v3, v4  }
0xcf: {  	v4 =	vperm.xlane v3, v0;
	_ =	sdelay $0x1  }
0xd0: {  	v4 =	vadd.s32 v1, v4;
	_ =	sdelay $0x1  }
0xd1: {  	v3 =	vperm.xlane v3, v2;
	_ =	sdelay $0x1  }
0xd2: {  	s22 =	simm.s32 $0x18000;
	v3 =	vadd.s32 v1, v3  }
0xd3: {  	[tilespmem:s22], [sflag:$0x3] =	stream.indirect_vreg.gather [hbm4b:s4+s3], $0x80, v4, vm0, $0xb8;
	[tilespmem:$0x1F800] =	vst v63  }
0xd4: {  	s13 =	simm.s32 $0x18800  }
0xd5: {  	[tilespmem:s13], [sflag:$0x3] =	stream.indirect_vreg.gather [hbm4b:s11+s3], $0x80, v4, vm1, $0xb8;
	[tilespmem:$0x1F800] =	vst v63  }
0xd6: {  	s14 =	simm.s32 $0x18C00  }
0xd7: {  	[tilespmem:s14], [sflag:$0x3] =	stream.indirect_vreg.gather [hbm4b:s4+s3], $0x80, v3, vm0, $0xb8;
	[tilespmem:$0x1F800] =	vst v63  }
0xd8: {  	s15 =	simm.s32 $0x19400  }
0xd9: {  	[tilespmem:s15], [sflag:$0x3] =	stream.indirect_vreg.gather [hbm4b:s11+s3], $0x80, v3, vm1, $0xb8;
	[tilespmem:$0x1F800] =	vst v63  }
0xda: {  	v3 =	vld [tilespmem:s10+$0x30];
	_ =	sdelay $0x4  }
0xdb: {  	v63 =	vshrl.u32 v3, $0x3  }
0xdc: {  	v4 =	vmul.u32 $0x18, v63  }
0xdd: {  	v3 =	vand.u32 $0x7, v3  }
0xde: {  	v3 =	vor.u32 v3, v4  }
0xdf: {  	v4 =	vperm.xlane v3, v0;
	_ =	sdelay $0x1  }
0xe0: {  	v4 =	vadd.s32 v1, v4;
	_ =	sdelay $0x1  }
0xe1: {  	v3 =	vperm.xlane v3, v2;
	_ =	sdelay $0x1  }
0xe2: {  	s20 =	simm.s32 $0x19800;
	v3 =	vadd.s32 v1, v3  }
0xe3: {  	[tilespmem:s20], [sflag:$0x3] =	stream.indirect_vreg.gather [hbm4b:s4+s3], $0x80, v4, vm0, $0xb8;
	[tilespmem:$0x1F800] =	vst v63  }
0xe4: {  	s21 =	simm.s32 $0x1A000  }
0xe5: {  	[tilespmem:s21], [sflag:$0x3] =	stream.indirect_vreg.gather [hbm4b:s11+s3], $0x80, v4, vm1, $0xb8;
	[tilespmem:$0x1F800] =	vst v63  }
0xe6: {  	s22 =	simm.s32 $0x1A400  }
0xe7: {  	[tilespmem:s22], [sflag:$0x3] =	stream.indirect_vreg.gather [hbm4b:s4+s3], $0x80, v3, vm0, $0xb8;
	[tilespmem:$0x1F800] =	vst v63  }
0xe8: {  	_ = 	snop  }
0xe9: {  	[tilespmem:s23], [sflag:$0x3] =	stream.indirect_vreg.gather [hbm4b:s11+s3], $0x80, v3, vm1, $0xb8;
	[tilespmem:$0x1F800] =	vst v63  }
0xea: {  	_ =	swait.ge [sflag:s24], $0x6000  }
0xeb: {  	p0 =	seq.s32 s8, $0x0;
	[sflag:s24] =	ssyncset.done $0x0  }
0xec: {  	s10 =	simm.s32 @!p0 $0x4;
	[sflag:s24] =	ssyncadd.s32 $0xFFFFA000  }
0xed: {  	_ =	swait.ge @!p0 [sflag:s10], $0x1800  }
0xee: {  	s12 =	simm.s32 $0x0;
	[sflag:s10] =	ssyncset.done @!p0 $0x0  }
0xef: {  	s14 =	smul.u32 $0x30, s8;
	[sflag:s10] =	ssyncadd.s32 @!p0 $0xFFFFE800;
	s10 =	simm.s32 $0x0  }
.LBB2_3:
0xf0: {  	s13 =	sadd.s32 s12, s7;
	s22 =	sshrl.u32 s12, $0x3  }
0xf1: {  	v3 =	vmov s13;
	s13 =	smul.u32 $0xC00, s22  }
0xf2: {  	s15 =	sand.u32 $0x380, s10  }
0xf3: {  	s15 =	sor.u32 s15, s13  }
0xf4: {  	v7 =	vld [tilespmem:s15+$0x9000]  }
0xf5: {  	v8 =	vld [tilespmem:s15+$0xA800]  }
0xf6: {  	v9 =	vld [tilespmem:s15+$0xC000]  }
0xf7: {  	v10 =	vld [tilespmem:s15+$0xD800]  }
0xf8: {  	v11 =	vld [tilespmem:s15+$0x9010]  }
0xf9: {  	v12 =	vld [tilespmem:s15+$0xA810]  }
0xfa: {  	v13 =	vld [tilespmem:s15+$0xC010]  }
0xfb: {  	v14 =	vld [tilespmem:s15+$0xD810]  }
0xfc: {  	v15 =	vld [tilespmem:s15+$0x9020]  }
0xfd: {  	v16 =	vld [tilespmem:s15+$0xA820]  }
0xfe: {  	v17 =	vld [tilespmem:s15+$0xC020]  }
0xff: {  	v18 =	vld [tilespmem:s15+$0xD820]  }
0x100: {  	v19 =	vld [tilespmem:s15+$0x9030]  }
0x101: {  	v20 =	vld [tilespmem:s15+$0xA830]  }
0x102: {  	v21 =	vld [tilespmem:s15+$0xC030]  }
0x103: {  	v22 =	vld [tilespmem:s15+$0xD830]  }
0x104: {  	v23 =	vld [tilespmem:s15+$0x9040]  }
0x105: {  	v24 =	vld [tilespmem:s15+$0xA840]  }
0x106: {  	v25 =	vld [tilespmem:s15+$0xC040]  }
0x107: {  	v26 =	vld [tilespmem:s15+$0xD840]  }
0x108: {  	v27 =	vld [tilespmem:s15+$0x9050]  }
0x109: {  	v28 =	vld [tilespmem:s15+$0xA850]  }
0x10a: {  	v29 =	vld [tilespmem:s15+$0xC050]  }
0x10b: {  	v30 =	vld [tilespmem:s15+$0xD850]  }
0x10c: {  	v31 =	vld [tilespmem:s15+$0x9060]  }
0x10d: {  	v32 =	vld [tilespmem:s15+$0xA860]  }
0x10e: {  	v33 =	vld [tilespmem:s15+$0xC060]  }
0x10f: {  	v34 =	vld [tilespmem:s15+$0xD860]  }
0x110: {  	v35 =	vld [tilespmem:s15+$0x9070]  }
0x111: {  	v36 =	vld [tilespmem:s15+$0xA870]  }
0x112: {  	v37 =	vld [tilespmem:s15+$0xC070]  }
0x113: {  	v38 =	vld [tilespmem:s15+$0xD870]  }
0x114: {  	v39 =	vld [tilespmem:s15+$0x9400]  }
0x115: {  	v40 =	vld [tilespmem:s15+$0xAC00]  }
0x116: {  	v41 =	vld [tilespmem:s15+$0xC400]  }
0x117: {  	v42 =	vld [tilespmem:s15+$0xDC00]  }
0x118: {  	v43 =	vld [tilespmem:s15+$0x9410]  }
0x119: {  	v44 =	vld [tilespmem:s15+$0xAC10]  }
0x11a: {  	v45 =	vld [tilespmem:s15+$0xC410]  }
0x11b: {  	v46 =	vld [tilespmem:s15+$0xDC10]  }
0x11c: {  	v5 =	vld.idx.msk [tilespmem:v3+s16+$0x0], $0xffff  }
0x11d: {  	v6 =	vld.idx.msk [tilespmem:v3+s17+$0x0], $0xffff  }
0x11e: {  	v4 =	vld.idx.msk [tilespmem:v3+s18+$0x0], $0xffff  }
0x11f: {  	v3 =	vld.idx.msk [tilespmem:v3+s19+$0x0], $0xffff  }
0x120: {  	v47 =	vld [tilespmem:s15+$0x9420]  }
0x121: {  	v48 =	vld [tilespmem:s15+$0xAC20]  }
0x122: {  	v49 =	vld [tilespmem:s15+$0xC420];
	v7 =	vmul.f32 v7, v5;
	v8 =	vmul.f32 v8, v6  }
0x123: {  	v50 =	vld [tilespmem:s15+$0xDC20];
	v11 =	vmul.f32 v11, v5;
	v12 =	vmul.f32 v12, v6  }
0x124: {  	v51 =	vld [tilespmem:s15+$0x9430];
	v58 =	vmul.f32 v9, v4;
	v59 =	vmul.f32 v10, v3  }
0x125: {  	v52 =	vld [tilespmem:s15+$0xAC30];
	v60 =	vmul.f32 v13, v4;
	v61 =	vmul.f32 v14, v3  }
0x126: {  	v53 =	vld [tilespmem:s15+$0xC430];
	v62 =	vmul.f32 v15, v5;
	v63 =	vmul.f32 v16, v6  }
0x127: {  	v10 =	vld [tilespmem:s15+$0xDC30];
	v54 =	vmul.f32 v19, v5;
	v55 =	vmul.f32 v20, v6  }
0x128: {  	v14 =	vld [tilespmem:s15+$0x9440];
	v56 =	vmul.f32 v17, v4;
	v57 =	vmul.f32 v21, v4  }
0x129: {  	v16 =	vld [tilespmem:s15+$0xAC40];
	v18 =	vmul.f32 v18, v3;
	v22 =	vmul.f32 v22, v3  }
0x12a: {  	v20 =	vld [tilespmem:s15+$0xC440];
	v42 =	vmul.f32 v42, v3;
	v7 =	vadd.f32 v8, v7;
	v11 =	vadd.f32 v12, v11  }
0x12b: {  	v15 =	vld [tilespmem:s15+$0xDC40];
	v8 =	vadd.f32 v63, v62;
	v62 =	vmul.f32 v25, v4;
	v63 =	vmul.f32 v29, v4  }
0x12c: {  	v17 =	vld [tilespmem:s15+$0x9450];
	v12 =	vadd.f32 v55, v54;
	v29 =	vmul.f32 v26, v3;
	v54 =	vmul.f32 v30, v3  }
0x12d: {  	v21 =	vld [tilespmem:s15+$0xAC50];
	v55 =	vmul.f32 v31, v5;
	v7 =	vadd.f32 v58, v7;
	v11 =	vadd.f32 v60, v11  }
0x12e: {  	v19 =	vld [tilespmem:s15+$0xAC60];
	v8 =	vadd.f32 v56, v8;
	v58 =	vmul.f32 v23, v5;
	v60 =	vmul.f32 v27, v5  }
0x12f: {  	v25 =	vld [tilespmem:s15+$0xDC50];
	v12 =	vadd.f32 v57, v12;
	v56 =	vmul.f32 v32, v6;
	v57 =	vmul.f32 v35, v5  }
0x130: {  	v30 =	vld [tilespmem:s15+$0x9470];
	v10 =	vmul.f32 v10, v3;
	v14 =	vmul.f32 v14, v5  }
0x131: {  	v27 =	vld [tilespmem:s15+$0x9460];
	v16 =	vmul.f32 v16, v6;
	v17 =	vmul.f32 v17, v5  }
0x132: {  	v23 =	vld [tilespmem:s15+$0xC460];
	v21 =	vmul.f32 v21, v6;
	v15 =	vmul.f32 v15, v3  }
0x133: {  	v32 =	vld [tilespmem:s15+$0xAC70];
	v19 =	vmul.f32 v19, v6;
	v7 =	vadd.f32 v59, v7;
	v11 =	vadd.f32 v61, v11  }
0x134: {  	v35 =	vld [tilespmem:s15+$0xB000];
	v59 =	vmul.f32 v24, v6;
	v61 =	vmul.f32 v28, v6;
	v8 =	vadd.f32 v18, v8  }
0x135: {  	v24 =	vld [tilespmem:s15+$0xC450];
	v12 =	vadd.f32 v22, v12;
	v18 =	vadd.f32 v56, v55;
	v55 =	vmul.f32 v43, v5  }
0x136: {  	v28 =	vld [tilespmem:s15+$0xDC60];
	v56 =	vmul.f32 v44, v6;
	v14 =	vadd.f32 v16, v14;
	v9 =	vadd.f32 v59, v58  }
0x137: {  	v43 =	vld [tilespmem:s15+$0x9810];
	v13 =	vadd.f32 v61, v60;
	v58 =	vmul.f32 v36, v6;
	v59 =	vmul.f32 v33, v4  }
0x138: {  	v17 =	vadd.f32 v21, v17;
	v60 =	vmul.f32 v34, v3;
	v61 =	vmul.f32 v37, v4;
	v34 =	vld [tilespmem:s15+$0xC470]  }
0x139: {  	v36 =	vld [tilespmem:s15+$0xDC70];
	v9 =	vadd.f32 v62, v9;
	v13 =	vadd.f32 v63, v13;
	v62 =	vmul.f32 v38, v3  }
0x13a: {  	v37 =	vld [tilespmem:s15+$0xC800];
	v22 =	vadd.f32 v58, v57;
	v63 =	vmul.f32 v39, v5;
	v57 =	vmul.f32 v41, v4  }
0x13b: {  	v18 =	vadd.f32 v59, v18;
	v38 =	vld [tilespmem:s15+$0x9800];
	v58 =	vmul.f32 v45, v4;
	v59 =	vmul.f32 v47, v5  }
0x13c: {  	v41 =	vld [tilespmem:s15+$0x9820];
	v47 =	vmul.f32 v43, v5;
	v9 =	vadd.f32 v29, v9;
	v13 =	vadd.f32 v54, v13  }
0x13d: {  	v39 =	vld [tilespmem:s15+$0xB020];
	v54 =	vmul.f32 v40, v6;
	v18 =	vadd.f32 v60, v18;
	v60 =	vmul.f32 v48, v6  }
0x13e: {  	v22 =	vadd.f32 v61, v22;
	v40 =	vld [tilespmem:s15+$0xE000];
	v61 =	vmul.f32 v51, v5;
	v51 =	vmul.f32 v53, v4  }
0x13f: {  	v29 =	vadd.f32 v56, v55;
	v48 =	vld [tilespmem:s15+$0xB010];
	v53 =	vmul.f32 v20, v4;
	v55 =	vmul.f32 v25, v3  }
0x140: {  	v20 =	vld [tilespmem:s15+$0xE020];
	v56 =	vmul.f32 v27, v5;
	v26 =	vadd.f32 v54, v63;
	v22 =	vadd.f32 v62, v22  }
0x141: {  	v25 =	vld [tilespmem:s15+$0x9830];
	v29 =	vadd.f32 v58, v29;
	v62 =	vmul.f32 v52, v6;
	v63 =	vmul.f32 v49, v4  }
0x142: {  	v27 =	vld [tilespmem:s15+$0xB030];
	v31 =	vadd.f32 v60, v59;
	v49 =	vmul.f32 v46, v3;
	v52 =	vmul.f32 v50, v3  }
0x143: {  	v46 =	vld [tilespmem:s15+$0xC810];
	v54 =	vmul.f32 v24, v4;
	v14 =	vadd.f32 v53, v14;
	v58 =	vmul.f32 v32, v6  }
0x144: {  	v32 =	vld [tilespmem:s15+$0xC830];
	v59 =	vadd.f32 v19, v56;
	v60 =	vmul.f32 v23, v4;
	v26 =	vadd.f32 v57, v26  }
0x145: {  	v19 =	vld [tilespmem:s15+$0xE030];
	v50 =	vmul.f32 v37, v4;
	v33 =	vadd.f32 v62, v61;
	v31 =	vadd.f32 v63, v31  }
0x146: {  	v24 =	vld [tilespmem:s15+$0x9840];
	v29 =	vadd.f32 v49, v29;
	v17 =	vadd.f32 v54, v17;
	v57 =	vmul.f32 v30, v5  }
0x147: {  	v53 =	vld [tilespmem:s15+$0x9850];
	v14 =	vadd.f32 v15, v14;
	v61 =	vmul.f32 v34, v4;
	v63 =	vmul.f32 v38, v5  }
0x148: {  	v56 =	vld [tilespmem:s15+$0xB050];
	v62 =	vadd.f32 v60, v59;
	v38 =	vmul.f32 v35, v6;
	v49 =	vmul.f32 v28, v3  }
0x149: {  	[tilespmem:s15+$0x1B000] =	vst v7;
	v37 =	vld [tilespmem:s15+$0x9860];
	v60 =	vmul.f32 v41, v5;
	v48 =	vmul.f32 v48, v6;
	v26 =	vadd.f32 v42, v26  }
0x14a: {  	[tilespmem:s15+$0x1B010] =	vst v11;
	v30 =	vld [tilespmem:s15+$0xB040];
	v20 =	vmul.f32 v20, v3;
	v33 =	vadd.f32 v51, v33;
	v31 =	vadd.f32 v52, v31  }
0x14b: {  	[tilespmem:s15+$0x1B020] =	vst v8;
	v34 =	vld [tilespmem:s15+$0xC840];
	v17 =	vadd.f32 v55, v17;
	v21 =	vadd.f32 v58, v57;
	v51 =	vmul.f32 v36, v3  }
0x14c: {  	[tilespmem:s15+$0x1B030] =	vst v12;
	v28 =	vld [tilespmem:s15+$0xE040];
	v15 =	vadd.f32 v38, v63;
	v55 =	vmul.f32 v40, v3;
	v63 =	vmul.f32 v25, v5  }
0x14d: {  	[tilespmem:s15+$0x1B040] =	vst v9;
	v59 =	vld [tilespmem:s15+$0xC850];
	v7 =	vadd.f32 v49, v62;
	v36 =	vmul.f32 v27, v6;
	v52 =	vmul.f32 v46, v4  }
0x14e: {  	[tilespmem:s15+$0x1B050] =	vst v13;
	v41 =	vld [tilespmem:s15+$0x9870];
	v40 =	vmul.f32 v32, v4;
	v19 =	vmul.f32 v19, v3;
	v10 =	vadd.f32 v10, v33  }
0x14f: {  	[tilespmem:s15+$0x1B060] =	vst v18;
	v42 =	vld [tilespmem:s15+$0xE010];
	v46 =	vmul.f32 v53, v5;
	v45 =	vadd.f32 v61, v21;
	v21 =	vadd.f32 v48, v47  }
0x150: {  	[tilespmem:s15+$0x1B070] =	vst v22;
	v62 =	vld [tilespmem:s15+$0xE050];
	v54 =	vadd.f32 v50, v15;
	v61 =	vmul.f32 v39, v6;
	v13 =	vadd.f32 v36, v63  }
0x151: {  	[tilespmem:s15+$0x1B410] =	vst v29;
	v33 =	vld [tilespmem:s15+$0xC820];
	v15 =	vmul.f32 v56, v6;
	v43 =	vmul.f32 v30, v6;
	v11 =	vadd.f32 v51, v45  }
0x152: {  	[tilespmem:s15+$0x1B440] =	vst v14;
	v39 =	vld [tilespmem:s15+$0xB060];
	v49 =	vmul.f32 v34, v4;
	v57 =	vadd.f32 v52, v21;
	v8 =	vadd.f32 v55, v54  }
0x153: {  	v44 =	vld [tilespmem:s15+$0xB070];
	[tilespmem:s15+$0x1B400] =	vst v26;
	v9 =	vadd.f32 v61, v60;
	v51 =	vmul.f32 v59, v4;
	v54 =	vmul.f32 v37, v5  }
0x154: {  	[tilespmem:s15+$0x1B420] =	vst v31;
	v47 =	vld [tilespmem:s15+$0xC860];
	v45 =	vadd.f32 v40, v13;
	v59 =	vmul.f32 v28, v3;
	v58 =	vmul.f32 v42, v3  }
0x155: {  	v50 =	vld [tilespmem:s15+$0xC870];
	[tilespmem:s15+$0x1B450] =	vst v17;
	v13 =	vadd.f32 v15, v46;
	v42 =	vmul.f32 v24, v5;
	v5 =	vmul.f32 v41, v5  }
0x156: {  	[tilespmem:s15+$0x1B430] =	vst v10;
	v52 =	vld [tilespmem:s15+$0xE060];
	v61 =	vmul.f32 v62, v3;
	v10 =	vadd.f32 v19, v45;
	v38 =	vmul.f32 v33, v4  }
0x157: {  	[tilespmem:s15+$0x1B460] =	vst v7;
	v56 =	vld [tilespmem:s15+$0xE070];
	v12 =	vadd.f32 v58, v57;
	v48 =	vadd.f32 v43, v42;
	v55 =	vmul.f32 v39, v6  }
0x158: {  	[tilespmem:s15+$0x1B470] =	vst v11;
	v57 =	vadd.f32 v51, v13;
	v6 =	vmul.f32 v44, v6;
	v9 =	vadd.f32 v38, v9  }
0x159: {  	[tilespmem:s15+$0x1B800] =	vst v8;
	v60 =	vmul.f32 v47, v4;
	v53 =	vadd.f32 v49, v48;
	v58 =	vadd.f32 v55, v54  }
0x15a: {  	v4 =	vmul.f32 v50, v4;
	[tilespmem:s15+$0x1B830] =	vst v10;
	v5 =	vadd.f32 v6, v5;
	v6 =	vadd.f32 v61, v57  }
0x15b: {  	p1 =	sne.s32 s12, $0xF;
	[tilespmem:s15+$0x1B810] =	vst v12;
	v62 =	vmul.f32 v52, v3;
	v9 =	vadd.f32 v20, v9;
	v8 =	vadd.f32 v60, v58  }
.Ltmp0:
0x15c: {  	v3 =	vmul.f32 v56, v3;
	v7 =	vadd.f32 v59, v53;
	v4 =	vadd.f32 v4, v5;
	[tilespmem:s15+$0x1B850] =	vst v6;
	(pc) =	sbr.rel @p1 .LBB2_3-.Ltmp0, $4  }
0x15d: {  	[tilespmem:s15+$0x1B820] =	vst v9;
	v63 =	vadd.f32 v62, v8  }
0x15e: {  	[tilespmem:s15+$0x1B840] =	vst v7;
	v3 =	vadd.f32 v3, v4  }
0x15f: {  	[tilespmem:s15+$0x1B860] =	vst v63  }
0x160: {  	s10 =	sadd.s32 $0x80, s10;
	s12 =	sadd.s32 $0x1, s12;
	[tilespmem:s15+$0x1B870] =	vst v3  }
0x161: {  	s10 =	sadd.s32 s5, s14;
	p1 =	sne.s32 s8, $0x5F  }
.Ltmp1:
0x162: {  	s10 =	sshrl.u32 s10, $0x3;
	(pc) =	sbr.rel @p1 .LBB2_6-.Ltmp1, $3  }
0x163: {  	s10 =	smul.u32 $0x180, s10;
	_ =	sdelay $0x1  }
0x164: {  	s10 =	sadd.s32 s2, s10  }
0x165: {  	[hbm4b:s10+s3] =	stream.linear.scatter [tilespmem:s25], [sflag:$0x4], $0x1800, $0x38;
	[tilespmem:$0x1F800] =	vst v63  }
.Ltmp2:
0x166: {  	(pc) =	sbr.rel .LBB2_7-.Ltmp2, $4  }
0x167: {  	_ = 	snop  }
0x168: {  	_ =	swait.ge [sflag:s26], $0x6000  }
0x169: {  	[sflag:s26] =	ssyncset.done $0x0  }
0x16a: {  	[sflag:s26] =	ssyncadd.s32 $0xFFFFA000  }
.LBB2_6:
0x16b: {  	s10 =	smul.u32 $0x300, s8;
	_ =	sdelay $0x1  }
0x16c: {  	s10 =	sshra.s32 s10, $0x2  }
0x16d: {  	v3 =	vld [tilespmem:s10+$0xC0];
	_ =	sdelay $0x4  }
0x16e: {  	v4 =	vshrl.u32 v3, $0x3  }
0x16f: {  	v4 =	vmul.u32 $0x18, v4  }
0x170: {  	v3 =	vand.u32 $0x7, v3  }
0x171: {  	v3 =	vor.u32 v3, v4  }
0x172: {  	v4 =	vperm.xlane v3, v0;
	_ =	sdelay $0x1  }
0x173: {  	v4 =	vadd.s32 v1, v4;
	_ =	sdelay $0x1  }
0x174: {  	v3 =	vperm.xlane v3, v2;
	_ =	sdelay $0x1  }
0x175: {  	s12 =	simm.s32 $0x9000;
	v3 =	vadd.s32 v1, v3  }
0x176: {  	[tilespmem:s12], [sflag:$0x1] =	stream.indirect_vreg.gather [hbm4b:s4+s3], $0x80, v4, vm0, $0xb8;
	[tilespmem:$0x1F800] =	vst v63  }
0x177: {  	s13 =	simm.s32 $0x9800  }
0x178: {  	[tilespmem:s13], [sflag:$0x1] =	stream.indirect_vreg.gather [hbm4b:s11+s3], $0x80, v4, vm1, $0xb8;
	[tilespmem:$0x1F800] =	vst v63  }
0x179: {  	s15 =	simm.s32 $0x9C00  }
0x17a: {  	[tilespmem:s15], [sflag:$0x1] =	stream.indirect_vreg.gather [hbm4b:s4+s3], $0x80, v3, vm0, $0xb8;
	[tilespmem:$0x1F800] =	vst v63  }
0x17b: {  	s20 =	simm.s32 $0xA400  }
0x17c: {  	[tilespmem:s20], [sflag:$0x1] =	stream.indirect_vreg.gather [hbm4b:s11+s3], $0x80, v3, vm1, $0xb8;
	[tilespmem:$0x1F800] =	vst v63  }
0x17d: {  	v3 =	vld [tilespmem:s10+$0xD0];
	_ =	sdelay $0x4  }
0x17e: {  	v61 =	vshrl.u32 v3, $0x3  }
0x17f: {  	v4 =	vmul.u32 $0x18, v61  }
0x180: {  	v3 =	vand.u32 $0x7, v3  }
0x181: {  	v3 =	vor.u32 v3, v4  }
0x182: {  	v4 =	vperm.xlane v3, v0;
	_ =	sdelay $0x1  }
0x183: {  	v4 =	vadd.s32 v1, v4;
	_ =	sdelay $0x1  }
0x184: {  	v3 =	vperm.xlane v3, v2;
	_ =	sdelay $0x1  }
0x185: {  	s21 =	simm.s32 $0xA800;
	v3 =	vadd.s32 v1, v3  }
0x186: {  	[tilespmem:s21], [sflag:$0x1] =	stream.indirect_vreg.gather [hbm4b:s4+s3], $0x80, v4, vm0, $0xb8;
	[tilespmem:$0x1F800] =	vst v63  }
0x187: {  	s22 =	simm.s32 $0xB000  }
0x188: {  	[tilespmem:s22], [sflag:$0x1] =	stream.indirect_vreg.gather [hbm4b:s11+s3], $0x80, v4, vm1, $0xb8;
	[tilespmem:$0x1F800] =	vst v63  }
0x189: {  	s13 =	simm.s32 $0xB400  }
0x18a: {  	[tilespmem:s13], [sflag:$0x1] =	stream.indirect_vreg.gather [hbm4b:s4+s3], $0x80, v3, vm0, $0xb8;
	[tilespmem:$0x1F800] =	vst v63  }
0x18b: {  	s15 =	simm.s32 $0xBC00  }
0x18c: {  	[tilespmem:s15], [sflag:$0x1] =	stream.indirect_vreg.gather [hbm4b:s11+s3], $0x80, v3, vm1, $0xb8;
	[tilespmem:$0x1F800] =	vst v63  }
0x18d: {  	v3 =	vld [tilespmem:s10+$0xE0];
	_ =	sdelay $0x4  }
0x18e: {  	v62 =	vshrl.u32 v3, $0x3  }
0x18f: {  	v4 =	vmul.u32 $0x18, v62  }
0x190: {  	v3 =	vand.u32 $0x7, v3  }
0x191: {  	v3 =	vor.u32 v3, v4  }
0x192: {  	v4 =	vperm.xlane v3, v0;
	_ =	sdelay $0x1  }
0x193: {  	v4 =	vadd.s32 v1, v4;
	_ =	sdelay $0x1  }
0x194: {  	v3 =	vperm.xlane v3, v2;
	_ =	sdelay $0x1  }
0x195: {  	s20 =	simm.s32 $0xC000;
	v3 =	vadd.s32 v1, v3  }
0x196: {  	[tilespmem:s20], [sflag:$0x1] =	stream.indirect_vreg.gather [hbm4b:s4+s3], $0x80, v4, vm0, $0xb8;
	[tilespmem:$0x1F800] =	vst v63  }
0x197: {  	s21 =	simm.s32 $0xC800  }
0x198: {  	[tilespmem:s21], [sflag:$0x1] =	stream.indirect_vreg.gather [hbm4b:s11+s3], $0x80, v4, vm1, $0xb8;
	[tilespmem:$0x1F800] =	vst v63  }
0x199: {  	s22 =	simm.s32 $0xCC00  }
0x19a: {  	[tilespmem:s22], [sflag:$0x1] =	stream.indirect_vreg.gather [hbm4b:s4+s3], $0x80, v3, vm0, $0xb8;
	[tilespmem:$0x1F800] =	vst v63  }
0x19b: {  	s13 =	simm.s32 $0xD400  }
0x19c: {  	[tilespmem:s13], [sflag:$0x1] =	stream.indirect_vreg.gather [hbm4b:s11+s3], $0x80, v3, vm1, $0xb8;
	[tilespmem:$0x1F800] =	vst v63  }
0x19d: {  	v3 =	vld [tilespmem:s10+$0xF0];
	_ =	sdelay $0x4  }
0x19e: {  	v63 =	vshrl.u32 v3, $0x3  }
0x19f: {  	v4 =	vmul.u32 $0x18, v63  }
0x1a0: {  	v3 =	vand.u32 $0x7, v3  }
0x1a1: {  	v3 =	vor.u32 v3, v4  }
0x1a2: {  	v4 =	vperm.xlane v3, v0;
	_ =	sdelay $0x1  }
0x1a3: {  	v4 =	vadd.s32 v1, v4;
	_ =	sdelay $0x1  }
0x1a4: {  	v3 =	vperm.xlane v3, v2;
	_ =	sdelay $0x1  }
0x1a5: {  	s15 =	simm.s32 $0xD800;
	v3 =	vadd.s32 v1, v3  }
0x1a6: {  	[tilespmem:s15], [sflag:$0x1] =	stream.indirect_vreg.gather [hbm4b:s4+s3], $0x80, v4, vm0, $0xb8;
	[tilespmem:$0x1F800] =	vst v63  }
0x1a7: {  	s20 =	simm.s32 $0xE000  }
0x1a8: {  	[tilespmem:s20], [sflag:$0x1] =	stream.indirect_vreg.gather [hbm4b:s11+s3], $0x80, v4, vm1, $0xb8;
	[tilespmem:$0x1F800] =	vst v63  }
0x1a9: {  	s21 =	simm.s32 $0xE400  }
0x1aa: {  	[tilespmem:s21], [sflag:$0x1] =	stream.indirect_vreg.gather [hbm4b:s4+s3], $0x80, v3, vm0, $0xb8;
	[tilespmem:$0x1F800] =	vst v63  }
.Ltmp3:
0x1ab: {  	s22 =	simm.s32 $0xEC00;
	(pc) =	sbr.rel @p0 .LBB2_8-.Ltmp3, $4  }
0x1ac: {  	[tilespmem:s22], [sflag:$0x1] =	stream.indirect_vreg.gather [hbm4b:s11+s3], $0x80, v3, vm1, $0xb8;
	[tilespmem:$0x1F800] =	vst v63  }
0x1ad: {  	_ =	swait.ge [sflag:s26], $0x6000  }
0x1ae: {  	[sflag:s26] =	ssyncset.done $0x0  }
0x1af: {  	[sflag:s26] =	ssyncadd.s32 $0xFFFFA000  }
.LBB2_7:
0x1b0: {  	_ =	swait.ge [sflag:s28], $0x1800  }
0x1b1: {  	[sflag:s28] =	ssyncset.done $0x0  }
0x1b2: {  	[sflag:s28] =	ssyncadd.s32 $0xFFFFE800  }
.LBB2_8:
0x1b3: {  	s10 =	sadd.s32 $0x0, s0;
	s13 =	simm.s32 $0x0  }
0x1b4: {  	s12 =	simm.s32 $0x0;
	v4 =	vmov s10;
	s21 =	smul.u32 $0xC00, s13  }
0x1b5: {  	s22 =	sand.u32 $0x380, s12  }
0x1b6: {  	s10 =	sor.u32 s22, s21  }
0x1b7: {  	v7 =	vld [tilespmem:s10+$0x10800]  }
0x1b8: {  	v8 =	vld [tilespmem:s10+$0xF000]  }
0x1b9: {  	v5 =	vld.idx.msk [tilespmem:v4+s16+$0x0], $0xffff  }
0x1ba: {  	v6 =	vld.idx.msk [tilespmem:v4+s17+$0x0], $0xffff  }
0x1bb: {  	v9 =	vld [tilespmem:s10+$0x12000]  }
0x1bc: {  	v3 =	vld.idx.msk [tilespmem:v4+s18+$0x0], $0xffff  }
0x1bd: {  	v10 =	vld [tilespmem:s10+$0x13800]  }
0x1be: {  	v4 =	vld.idx.msk [tilespmem:v4+s19+$0x0], $0xffff  }
0x1bf: {  	v8 =	vmul.f32 v8, v5;
	v7 =	vmul.f32 v7, v6;
	_ =	sdelay $0x1  }
0x1c0: {  	v7 =	vadd.f32 v7, v8;
	v8 =	vmul.f32 v9, v3;
	_ =	sdelay $0x1  }
0x1c1: {  	v9 =	vmul.f32 v10, v4;
	v7 =	vadd.f32 v8, v7;
	_ =	sdelay $0x1  }
0x1c2: {  	v7 =	vadd.f32 v9, v7;
	_ =	sdelay $0x1  }
0x1c3: {  	s13 =	sadd.s32 $0x10800, s10;
	[tilespmem:s10+$0x1C800] =	vst v7;
	v7 =	vld [tilespmem:s10+$0xF010]  }
0x1c4: {  	v8 =	vld [tilespmem:s13+$0x10];
	_ =	sdelay $0x1  }
0x1c5: {  	v9 =	vld [tilespmem:s10+$0x12010]  }
0x1c6: {  	s15 =	sadd.s32 $0x13800, s10  }
0x1c7: {  	v10 =	vld [tilespmem:s15+$0x10]  }
0x1c8: {  	v7 =	vmul.f32 v7, v5;
	v8 =	vmul.f32 v8, v6;
	_ =	sdelay $0x1  }
0x1c9: {  	v7 =	vadd.f32 v8, v7;
	v8 =	vmul.f32 v9, v3;
	_ =	sdelay $0x1  }
0x1ca: {  	v7 =	vadd.f32 v8, v7;
	v8 =	vmul.f32 v10, v4;
	_ =	sdelay $0x1  }
0x1cb: {  	v7 =	vadd.f32 v8, v7  }
0x1cc: {  	s20 =	sadd.s32 $0x1C800, s10  }
0x1cd: {  	[tilespmem:s20+$0x10] =	vst v7  }
0x1ce: {  	v7 =	vld [tilespmem:s10+$0xF020]  }
0x1cf: {  	v8 =	vld [tilespmem:s13+$0x20];
	_ =	sdelay $0x1  }
0x1d0: {  	v9 =	vld [tilespmem:s10+$0x12020];
	_ =	sdelay $0x1  }
0x1d1: {  	v10 =	vld [tilespmem:s15+$0x20]  }
0x1d2: {  	v7 =	vmul.f32 v7, v5;
	v8 =	vmul.f32 v8, v6;
	_ =	sdelay $0x1  }
0x1d3: {  	v9 =	vmul.f32 v9, v3;
	v7 =	vadd.f32 v8, v7;
	_ =	sdelay $0x1  }
0x1d4: {  	v8 =	vmul.f32 v10, v4;
	v7 =	vadd.f32 v9, v7;
	_ =	sdelay $0x1  }
0x1d5: {  	v7 =	vadd.f32 v8, v7;
	_ =	sdelay $0x1  }
0x1d6: {  	[tilespmem:s20+$0x20] =	vst v7  }
0x1d7: {  	v7 =	vld [tilespmem:s10+$0xF030]  }
0x1d8: {  	v8 =	vld [tilespmem:s13+$0x30];
	_ =	sdelay $0x1  }
0x1d9: {  	v9 =	vld [tilespmem:s10+$0x12030];
	_ =	sdelay $0x1  }
0x1da: {  	v10 =	vld [tilespmem:s15+$0x30]  }
0x1db: {  	v7 =	vmul.f32 v7, v5;
	v8 =	vmul.f32 v8, v6;
	_ =	sdelay $0x1  }
0x1dc: {  	v7 =	vadd.f32 v8, v7;
	v8 =	vmul.f32 v9, v3;
	_ =	sdelay $0x1  }
0x1dd: {  	v7 =	vadd.f32 v8, v7;
	v8 =	vmul.f32 v10, v4;
	_ =	sdelay $0x1  }
0x1de: {  	v7 =	vadd.f32 v8, v7;
	_ =	sdelay $0x1  }
0x1df: {  	[tilespmem:s20+$0x30] =	vst v7  }
0x1e0: {  	v7 =	vld [tilespmem:s10+$0xF040]  }
0x1e1: {  	v8 =	vld [tilespmem:s13+$0x40];
	_ =	sdelay $0x1  }
0x1e2: {  	v9 =	vld [tilespmem:s10+$0x12040];
	_ =	sdelay $0x1  }
0x1e3: {  	v10 =	vld [tilespmem:s15+$0x40]  }
0x1e4: {  	v7 =	vmul.f32 v7, v5;
	v8 =	vmul.f32 v8, v6;
	_ =	sdelay $0x1  }
0x1e5: {  	v9 =	vmul.f32 v9, v3;
	v7 =	vadd.f32 v8, v7;
	_ =	sdelay $0x1  }
0x1e6: {  	v8 =	vmul.f32 v10, v4;
	v7 =	vadd.f32 v9, v7;
	_ =	sdelay $0x1  }
0x1e7: {  	v7 =	vadd.f32 v8, v7;
	_ =	sdelay $0x1  }
0x1e8: {  	[tilespmem:s20+$0x40] =	vst v7  }
0x1e9: {  	v7 =	vld [tilespmem:s10+$0xF050]  }
0x1ea: {  	v8 =	vld [tilespmem:s13+$0x50];
	_ =	sdelay $0x1  }
0x1eb: {  	v9 =	vld [tilespmem:s10+$0x12050];
	_ =	sdelay $0x1  }
0x1ec: {  	v10 =	vld [tilespmem:s15+$0x50]  }
0x1ed: {  	v7 =	vmul.f32 v7, v5;
	v8 =	vmul.f32 v8, v6;
	_ =	sdelay $0x1  }
0x1ee: {  	v9 =	vmul.f32 v9, v3;
	v7 =	vadd.f32 v8, v7;
	_ =	sdelay $0x1  }
0x1ef: {  	v8 =	vmul.f32 v10, v4;
	v7 =	vadd.f32 v9, v7;
	_ =	sdelay $0x1  }
0x1f0: {  	v7 =	vadd.f32 v8, v7;
	_ =	sdelay $0x1  }
0x1f1: {  	[tilespmem:s20+$0x50] =	vst v7  }
0x1f2: {  	v7 =	vld [tilespmem:s10+$0xF060]  }
0x1f3: {  	v8 =	vld [tilespmem:s13+$0x60];
	_ =	sdelay $0x1  }
0x1f4: {  	v9 =	vld [tilespmem:s10+$0x12060];
	_ =	sdelay $0x1  }
0x1f5: {  	v10 =	vld [tilespmem:s15+$0x60]  }
0x1f6: {  	v7 =	vmul.f32 v7, v5;
	v8 =	vmul.f32 v8, v6;
	_ =	sdelay $0x1  }
0x1f7: {  	v9 =	vmul.f32 v9, v3;
	v7 =	vadd.f32 v8, v7;
	_ =	sdelay $0x1  }
0x1f8: {  	v8 =	vmul.f32 v10, v4;
	v7 =	vadd.f32 v9, v7;
	_ =	sdelay $0x1  }
0x1f9: {  	v7 =	vadd.f32 v8, v7;
	_ =	sdelay $0x1  }
0x1fa: {  	[tilespmem:s20+$0x60] =	vst v7  }
0x1fb: {  	v7 =	vld [tilespmem:s10+$0xF070]  }
0x1fc: {  	v8 =	vld [tilespmem:s13+$0x70];
	_ =	sdelay $0x1  }
0x1fd: {  	v9 =	vld [tilespmem:s10+$0x12070];
	_ =	sdelay $0x1  }
0x1fe: {  	v10 =	vld [tilespmem:s15+$0x70]  }
0x1ff: {  	v7 =	vmul.f32 v7, v5;
	v8 =	vmul.f32 v8, v6;
	_ =	sdelay $0x1  }
0x200: {  	v7 =	vadd.f32 v8, v7;
	v8 =	vmul.f32 v9, v3;
	_ =	sdelay $0x1  }
0x201: {  	v9 =	vmul.f32 v10, v4;
	v7 =	vadd.f32 v8, v7;
	_ =	sdelay $0x1  }
0x202: {  	v7 =	vadd.f32 v9, v7;
	_ =	sdelay $0x1  }
0x203: {  	[tilespmem:s20+$0x70] =	vst v7  }
0x204: {  	v7 =	vld [tilespmem:s10+$0x10C00]  }
0x205: {  	v8 =	vld [tilespmem:s10+$0xF400];
	_ =	sdelay $0x1  }
0x206: {  	v9 =	vld [tilespmem:s10+$0x12400];
	_ =	sdelay $0x1  }
0x207: {  	v10 =	vld [tilespmem:s10+$0x13C00]  }
0x208: {  	v7 =	vmul.f32 v7, v6;
	v8 =	vmul.f32 v8, v5;
	_ =	sdelay $0x1  }
0x209: {  	v9 =	vmul.f32 v9, v3;
	v7 =	vadd.f32 v7, v8;
	_ =	sdelay $0x1  }
0x20a: {  	v8 =	vmul.f32 v10, v4;
	v7 =	vadd.f32 v9, v7;
	_ =	sdelay $0x1  }
0x20b: {  	v7 =	vadd.f32 v8, v7;
	_ =	sdelay $0x1  }
0x20c: {  	s15 =	sadd.s32 $0x10C00, s10;
	v8 =	vld [tilespmem:s10+$0xF410];
	[tilespmem:s10+$0x1CC00] =	vst v7  }
0x20d: {  	v7 =	vld [tilespmem:s15+$0x10]  }
0x20e: {  	s20 =	sadd.s32 $0x12400, s10  }
0x20f: {  	v9 =	vld [tilespmem:s20+$0x10]  }
0x210: {  	s22 =	sadd.s32 $0x13C00, s10  }
0x211: {  	v10 =	vld [tilespmem:s22+$0x10]  }
0x212: {  	v8 =	vmul.f32 v8, v5;
	v7 =	vmul.f32 v7, v6;
	_ =	sdelay $0x1  }
0x213: {  	v9 =	vmul.f32 v9, v3;
	v7 =	vadd.f32 v7, v8;
	_ =	sdelay $0x1  }
0x214: {  	v8 =	vmul.f32 v10, v4;
	v7 =	vadd.f32 v9, v7;
	_ =	sdelay $0x1  }
0x215: {  	v7 =	vadd.f32 v8, v7  }
0x216: {  	s21 =	sadd.s32 $0x1CC00, s10  }
0x217: {  	[tilespmem:s21+$0x10] =	vst v7  }
0x218: {  	v7 =	vld [tilespmem:s10+$0xF420]  }
0x219: {  	v8 =	vld [tilespmem:s15+$0x20];
	_ =	sdelay $0x1  }
0x21a: {  	v9 =	vld [tilespmem:s20+$0x20];
	_ =	sdelay $0x1  }
0x21b: {  	v10 =	vld [tilespmem:s22+$0x20]  }
0x21c: {  	v7 =	vmul.f32 v7, v5;
	v8 =	vmul.f32 v8, v6;
	_ =	sdelay $0x1  }
0x21d: {  	v9 =	vmul.f32 v9, v3;
	v7 =	vadd.f32 v8, v7;
	_ =	sdelay $0x1  }
0x21e: {  	v8 =	vmul.f32 v10, v4;
	v7 =	vadd.f32 v9, v7;
	_ =	sdelay $0x1  }
0x21f: {  	v7 =	vadd.f32 v8, v7;
	_ =	sdelay $0x1  }
0x220: {  	[tilespmem:s21+$0x20] =	vst v7  }
0x221: {  	v7 =	vld [tilespmem:s15+$0x30]  }
0x222: {  	v8 =	vld [tilespmem:s10+$0xF430];
	_ =	sdelay $0x1  }
0x223: {  	v9 =	vld [tilespmem:s20+$0x30];
	_ =	sdelay $0x1  }
0x224: {  	v10 =	vld [tilespmem:s22+$0x30]  }
0x225: {  	v7 =	vmul.f32 v7, v6;
	v8 =	vmul.f32 v8, v5;
	_ =	sdelay $0x1  }
0x226: {  	v9 =	vmul.f32 v9, v3;
	v7 =	vadd.f32 v7, v8;
	_ =	sdelay $0x1  }
0x227: {  	v8 =	vmul.f32 v10, v4;
	v7 =	vadd.f32 v9, v7;
	_ =	sdelay $0x1  }
0x228: {  	v7 =	vadd.f32 v8, v7;
	_ =	sdelay $0x1  }
0x229: {  	[tilespmem:s21+$0x30] =	vst v7  }
0x22a: {  	v7 =	vld [tilespmem:s10+$0xF440]  }
0x22b: {  	v8 =	vld [tilespmem:s15+$0x40];
	_ =	sdelay $0x1  }
0x22c: {  	v9 =	vld [tilespmem:s20+$0x40];
	_ =	sdelay $0x1  }
0x22d: {  	v10 =	vld [tilespmem:s22+$0x40]  }
0x22e: {  	v7 =	vmul.f32 v7, v5;
	v8 =	vmul.f32 v8, v6;
	_ =	sdelay $0x1  }
0x22f: {  	v7 =	vadd.f32 v8, v7;
	v8 =	vmul.f32 v9, v3;
	_ =	sdelay $0x1  }
0x230: {  	v7 =	vadd.f32 v8, v7;
	v8 =	vmul.f32 v10, v4;
	_ =	sdelay $0x1  }
0x231: {  	v7 =	vadd.f32 v8, v7;
	_ =	sdelay $0x1  }
0x232: {  	[tilespmem:s21+$0x40] =	vst v7  }
0x233: {  	v7 =	vld [tilespmem:s10+$0xF450]  }
0x234: {  	v8 =	vld [tilespmem:s15+$0x50];
	_ =	sdelay $0x1  }
0x235: {  	v9 =	vld [tilespmem:s20+$0x50];
	_ =	sdelay $0x1  }
0x236: {  	v10 =	vld [tilespmem:s22+$0x50]  }
0x237: {  	v7 =	vmul.f32 v7, v5;
	v8 =	vmul.f32 v8, v6;
	_ =	sdelay $0x1  }
0x238: {  	v9 =	vmul.f32 v9, v3;
	v7 =	vadd.f32 v8, v7;
	_ =	sdelay $0x1  }
0x239: {  	v8 =	vmul.f32 v10, v4;
	v7 =	vadd.f32 v9, v7;
	_ =	sdelay $0x1  }
0x23a: {  	v7 =	vadd.f32 v8, v7;
	_ =	sdelay $0x1  }
0x23b: {  	[tilespmem:s21+$0x50] =	vst v7  }
0x23c: {  	v7 =	vld [tilespmem:s15+$0x60]  }
0x23d: {  	v8 =	vld [tilespmem:s10+$0xF460];
	_ =	sdelay $0x1  }
0x23e: {  	v9 =	vld [tilespmem:s20+$0x60];
	_ =	sdelay $0x1  }
0x23f: {  	v10 =	vld [tilespmem:s22+$0x60]  }
0x240: {  	v7 =	vmul.f32 v7, v6;
	v8 =	vmul.f32 v8, v5;
	_ =	sdelay $0x1  }
0x241: {  	v9 =	vmul.f32 v9, v3;
	v7 =	vadd.f32 v7, v8;
	_ =	sdelay $0x1  }
0x242: {  	v8 =	vmul.f32 v10, v4;
	v7 =	vadd.f32 v9, v7;
	_ =	sdelay $0x1  }
0x243: {  	v7 =	vadd.f32 v8, v7;
	_ =	sdelay $0x1  }
0x244: {  	[tilespmem:s21+$0x60] =	vst v7  }
0x245: {  	v7 =	vld [tilespmem:s10+$0xF470]  }
0x246: {  	v8 =	vld [tilespmem:s15+$0x70];
	_ =	sdelay $0x1  }
0x247: {  	v9 =	vld [tilespmem:s20+$0x70];
	_ =	sdelay $0x1  }
0x248: {  	v10 =	vld [tilespmem:s22+$0x70]  }
0x249: {  	v7 =	vmul.f32 v7, v5;
	v8 =	vmul.f32 v8, v6;
	_ =	sdelay $0x1  }
0x24a: {  	v9 =	vmul.f32 v9, v3;
	v7 =	vadd.f32 v8, v7;
	_ =	sdelay $0x1  }
0x24b: {  	v8 =	vmul.f32 v10, v4;
	v7 =	vadd.f32 v9, v7;
	_ =	sdelay $0x1  }
0x24c: {  	v7 =	vadd.f32 v8, v7;
	_ =	sdelay $0x1  }
0x24d: {  	[tilespmem:s21+$0x70] =	vst v7  }
0x24e: {  	v7 =	vld [tilespmem:s10+$0xF800]  }
0x24f: {  	v8 =	vld [tilespmem:s10+$0x11000];
	_ =	sdelay $0x1  }
0x250: {  	v9 =	vld [tilespmem:s10+$0x12800];
	_ =	sdelay $0x1  }
0x251: {  	v10 =	vld [tilespmem:s10+$0x14000]  }
0x252: {  	v7 =	vmul.f32 v7, v5;
	v8 =	vmul.f32 v8, v6;
	_ =	sdelay $0x1  }
0x253: {  	v9 =	vmul.f32 v9, v3;
	v7 =	vadd.f32 v8, v7;
	_ =	sdelay $0x1  }
0x254: {  	v10 =	vmul.f32 v10, v4;
	v7 =	vadd.f32 v9, v7;
	_ =	sdelay $0x1  }
0x255: {  	v11 =	vld [tilespmem:s10+$0xF810];
	v7 =	vadd.f32 v10, v7  }
0x256: {  	v12 =	vld [tilespmem:s10+$0x11010]  }
0x257: {  	s13 =	sadd.s32 $0x12800, s10;
	[tilespmem:s10+$0x1D000] =	vst v7  }
0x258: {  	v18 =	vld [tilespmem:s13+$0x10];
	_ =	sdelay $0x1  }
0x259: {  	v13 =	vld [tilespmem:s10+$0x14010]  }
0x25a: {  	v11 =	vmul.f32 v11, v5;
	v12 =	vmul.f32 v12, v6;
	_ =	sdelay $0x1  }
0x25b: {  	v11 =	vadd.f32 v12, v11;
	v12 =	vmul.f32 v18, v3;
	_ =	sdelay $0x1  }
0x25c: {  	v13 =	vmul.f32 v13, v4;
	v11 =	vadd.f32 v12, v11;
	_ =	sdelay $0x1  }
0x25d: {  	v14 =	vld [tilespmem:s10+$0xF820];
	v11 =	vadd.f32 v13, v11  }
0x25e: {  	v8 =	vld [tilespmem:s10+$0x11020]  }
0x25f: {  	[tilespmem:s10+$0x1D010] =	vst v11  }
0x260: {  	v11 =	vld [tilespmem:s13+$0x20];
	_ =	sdelay $0x1  }
0x261: {  	v15 =	vld [tilespmem:s10+$0x14020]  }
0x262: {  	v8 =	vmul.f32 v8, v6;
	v12 =	vmul.f32 v14, v5  }
0x263: {  	v16 =	vld [tilespmem:s10+$0x11030]  }
0x264: {  	v17 =	vld [tilespmem:s10+$0xF840];
	v8 =	vadd.f32 v8, v12;
	v11 =	vmul.f32 v11, v3  }
0x265: {  	v19 =	vld [tilespmem:s10+$0x14040]  }
0x266: {  	v20 =	vld [tilespmem:s10+$0xF850];
	v8 =	vadd.f32 v11, v8;
	v11 =	vmul.f32 v15, v4  }
0x267: {  	v21 =	vld [tilespmem:s10+$0x11050]  }
0x268: {  	v22 =	vld [tilespmem:s10+$0x14050];
	v8 =	vadd.f32 v11, v8  }
0x269: {  	v9 =	vld [tilespmem:s10+$0xF830]  }
0x26a: {  	v25 =	vld [tilespmem:s10+$0xF870];
	[tilespmem:s10+$0x1D020] =	vst v8  }
0x26b: {  	v8 =	vld [tilespmem:s13+$0x30]  }
0x26c: {  	v26 =	vld [tilespmem:s10+$0x11070]  }
0x26d: {  	v10 =	vld [tilespmem:s10+$0x14030]  }
0x26e: {  	v7 =	vld [tilespmem:s10+$0x11040];
	v9 =	vmul.f32 v9, v5;
	v11 =	vmul.f32 v16, v6  }
0x26f: {  	v61 =	vld [tilespmem:s10+$0xF860]  }
0x270: {  	v24 =	vld [tilespmem:s10+$0x14060];
	v9 =	vadd.f32 v11, v9;
	v8 =	vmul.f32 v8, v3  }
0x271: {  	v27 =	vld [tilespmem:s10+$0x14070];
	v62 =	vmul.f32 v25, v5  }
0x272: {  	v23 =	vld [tilespmem:s10+$0x11060];
	v63 =	vmul.f32 v26, v6;
	v10 =	vmul.f32 v10, v4;
	v9 =	vadd.f32 v8, v9  }
0x273: {  	v7 =	vmul.f32 v7, v6;
	v14 =	vmul.f32 v17, v5  }
0x274: {  	v12 =	vmul.f32 v19, v4;
	v13 =	vmul.f32 v21, v6;
	v15 =	vadd.f32 v10, v9  }
0x275: {  	v14 =	vadd.f32 v7, v14;
	v7 =	vmul.f32 v24, v4;
	v11 =	vmul.f32 v20, v5  }
0x276: {  	v8 =	vmul.f32 v22, v4;
	v4 =	vmul.f32 v27, v4;
	[tilespmem:s10+$0x1D030] =	vst v15  }
0x277: {  	s14 =	sadd.s32 $0x10, s14;
	s15 =	simm.s32 $0x1;
	v9 =	vmul.f32 v61, v5;
	v10 =	vmul.f32 v23, v6;
	v5 =	vadd.f32 v63, v62;
	v6 =	vld [tilespmem:s13+$0x40]  }
.LBB2_9:
0x278: {  	_ =	sdelay $0x2  }
0x279: {  	p2 =	sne.s32 s15, $0xF  }
0x27a: {  	s12 =	sadd.s32 $0x80, s12;
	s20 =	smov.u32 s15;
	s15 =	sadd.s32 $0x1, s15;
	v6 =	vmul.f32 v6, v3  }
0x27b: {  	_ = 	snop  }
0x27c: {  	v6 =	vadd.f32 v6, v14;
	_ =	sdelay $0x1  }
0x27d: {  	v6 =	vadd.f32 v12, v6;
	_ =	sdelay $0x1  }
0x27e: {  	[tilespmem:s10+$0x1D040] =	vst v6  }
0x27f: {  	v6 =	vadd.f32 v13, v11;
	v11 =	vld [tilespmem:s13+$0x50];
	_ =	sdelay $0x4  }
0x280: {  	s21 =	sadd.s32 s20, s0;
	v11 =	vmul.f32 v11, v3  }
0x281: {  	v12 =	vmov s21  }
0x282: {  	v6 =	vadd.f32 v11, v6;
	_ =	sdelay $0x1  }
0x283: {  	v6 =	vadd.f32 v8, v6;
	_ =	sdelay $0x1  }
0x284: {  	[tilespmem:s10+$0x1D050] =	vst v6  }
0x285: {  	v6 =	vadd.f32 v10, v9;
	v8 =	vld [tilespmem:s13+$0x60];
	_ =	sdelay $0x2  }
0x286: {  	s20 =	sshrl.u32 s20, $0x3  }
0x287: {  	s20 =	smul.u32 $0xC00, s20  }
0x288: {  	s21 =	sand.u32 $0x380, s12;
	v8 =	vmul.f32 v8, v3  }
0x289: {  	s20 =	sor.u32 s21, s20  }
0x28a: {  	v9 =	vld [tilespmem:s20+$0x12000];
	v6 =	vadd.f32 v8, v6  }
0x28b: {  	v8 =	vld [tilespmem:s20+$0x10800]  }
0x28c: {  	v10 =	vld [tilespmem:s20+$0xF000];
	v6 =	vadd.f32 v7, v6;
	_ =	sdelay $0x1  }
0x28d: {  	[tilespmem:s10+$0x1D060] =	vst v6  }
0x28e: {  	v6 =	vld [tilespmem:s13+$0x70]  }
0x28f: {  	v7 =	vld [tilespmem:s20+$0x13800];
	_ =	sdelay $0x3  }
0x290: {  	v3 =	vmul.f32 v6, v3;
	_ =	sdelay $0x1  }
0x291: {  	v3 =	vadd.f32 v3, v5;
	_ =	sdelay $0x1  }
0x292: {  	v3 =	vadd.f32 v4, v3;
	_ =	sdelay $0x1  }
0x293: {  	[tilespmem:s10+$0x1D070] =	vst v3;
	s10 =	smov.u32 s20  }
0x294: {  	v4 =	vld.idx.msk [tilespmem:v12+s16+$0x0], $0xffff  }
0x295: {  	v5 =	vld.idx.msk [tilespmem:v12+s17+$0x0], $0xffff  }
0x296: {  	v6 =	vld.idx.msk [tilespmem:v12+s19+$0x0], $0xffff  }
0x297: {  	v3 =	vld.idx.msk [tilespmem:v12+s18+$0x0], $0xffff;
	_ =	sdelay $0x2  }
0x298: {  	v10 =	vmul.f32 v10, v4  }
0x299: {  	v8 =	vmul.f32 v8, v5  }
0x29a: {  	v7 =	vmul.f32 v7, v6  }
0x29b: {  	v8 =	vadd.f32 v8, v10;
	v9 =	vmul.f32 v9, v3;
	_ =	sdelay $0x1  }
0x29c: {  	v8 =	vadd.f32 v9, v8;
	_ =	sdelay $0x1  }
0x29d: {  	v7 =	vadd.f32 v7, v8;
	_ =	sdelay $0x1  }
0x29e: {  	s13 =	sadd.s32 $0x10800, s10;
	[tilespmem:s10+$0x1C800] =	vst v7;
	v7 =	vld [tilespmem:s10+$0xF010]  }
0x29f: {  	v8 =	vld [tilespmem:s13+$0x10];
	_ =	sdelay $0x1  }
0x2a0: {  	v9 =	vld [tilespmem:s10+$0x12010]  }
0x2a1: {  	s21 =	sadd.s32 $0x13800, s10  }
0x2a2: {  	v10 =	vld [tilespmem:s21+$0x10]  }
0x2a3: {  	v7 =	vmul.f32 v7, v4;
	v8 =	vmul.f32 v8, v5;
	_ =	sdelay $0x1  }
0x2a4: {  	v7 =	vadd.f32 v8, v7;
	v8 =	vmul.f32 v9, v3;
	_ =	sdelay $0x1  }
0x2a5: {  	v7 =	vadd.f32 v8, v7;
	v8 =	vmul.f32 v10, v6;
	_ =	sdelay $0x1  }
0x2a6: {  	v7 =	vadd.f32 v8, v7  }
0x2a7: {  	s20 =	sadd.s32 $0x1C800, s10  }
0x2a8: {  	[tilespmem:s20+$0x10] =	vst v7  }
0x2a9: {  	v7 =	vld [tilespmem:s10+$0xF020]  }
0x2aa: {  	v8 =	vld [tilespmem:s10+$0x12020]  }
0x2ab: {  	v9 =	vld [tilespmem:s13+$0x20];
	_ =	sdelay $0x2  }
0x2ac: {  	v7 =	vmul.f32 v7, v4  }
0x2ad: {  	v8 =	vmul.f32 v8, v3;
	v10 =	vld [tilespmem:s21+$0x20]  }
0x2ae: {  	v9 =	vmul.f32 v9, v5;
	_ =	sdelay $0x1  }
0x2af: {  	v7 =	vadd.f32 v9, v7;
	_ =	sdelay $0x1  }
0x2b0: {  	v7 =	vadd.f32 v8, v7;
	v8 =	vmul.f32 v10, v6;
	_ =	sdelay $0x1  }
0x2b1: {  	v7 =	vadd.f32 v8, v7;
	_ =	sdelay $0x1  }
0x2b2: {  	[tilespmem:s20+$0x20] =	vst v7  }
0x2b3: {  	v7 =	vld [tilespmem:s10+$0xF030]  }
0x2b4: {  	v8 =	vld [tilespmem:s13+$0x30];
	_ =	sdelay $0x1  }
0x2b5: {  	v9 =	vld [tilespmem:s10+$0x12030];
	_ =	sdelay $0x1  }
0x2b6: {  	v7 =	vmul.f32 v7, v4;
	v10 =	vld [tilespmem:s21+$0x30]  }
0x2b7: {  	v8 =	vmul.f32 v8, v5;
	_ =	sdelay $0x1  }
0x2b8: {  	v7 =	vadd.f32 v8, v7;
	v8 =	vmul.f32 v9, v3;
	_ =	sdelay $0x1  }
0x2b9: {  	v7 =	vadd.f32 v8, v7;
	v8 =	vmul.f32 v10, v6;
	_ =	sdelay $0x1  }
0x2ba: {  	v7 =	vadd.f32 v8, v7;
	_ =	sdelay $0x1  }
0x2bb: {  	[tilespmem:s20+$0x30] =	vst v7  }
0x2bc: {  	v7 =	vld [tilespmem:s10+$0xF040]  }
0x2bd: {  	v8 =	vld [tilespmem:s13+$0x40]  }
0x2be: {  	v9 =	vld [tilespmem:s10+$0x12040]  }
0x2bf: {  	v10 =	vld [tilespmem:s21+$0x40];
	_ =	sdelay $0x1  }
0x2c0: {  	v7 =	vmul.f32 v7, v4  }
0x2c1: {  	v8 =	vmul.f32 v8, v5  }
0x2c2: {  	v9 =	vmul.f32 v9, v3  }
0x2c3: {  	v7 =	vadd.f32 v8, v7;
	v8 =	vmul.f32 v10, v6;
	_ =	sdelay $0x1  }
0x2c4: {  	v7 =	vadd.f32 v9, v7;
	_ =	sdelay $0x1  }
0x2c5: {  	v7 =	vadd.f32 v8, v7;
	_ =	sdelay $0x1  }
0x2c6: {  	[tilespmem:s20+$0x40] =	vst v7  }
0x2c7: {  	v7 =	vld [tilespmem:s10+$0xF050]  }
0x2c8: {  	v8 =	vld [tilespmem:s13+$0x50]  }
0x2c9: {  	v9 =	vld [tilespmem:s10+$0x12050]  }
0x2ca: {  	v10 =	vld [tilespmem:s21+$0x50];
	_ =	sdelay $0x1  }
0x2cb: {  	v7 =	vmul.f32 v7, v4  }
0x2cc: {  	v8 =	vmul.f32 v8, v5  }
0x2cd: {  	v9 =	vmul.f32 v9, v3  }
0x2ce: {  	v7 =	vadd.f32 v8, v7;
	v8 =	vmul.f32 v10, v6;
	_ =	sdelay $0x1  }
0x2cf: {  	v7 =	vadd.f32 v9, v7;
	_ =	sdelay $0x1  }
0x2d0: {  	v7 =	vadd.f32 v8, v7;
	_ =	sdelay $0x1  }
0x2d1: {  	[tilespmem:s20+$0x50] =	vst v7  }
0x2d2: {  	v7 =	vld [tilespmem:s10+$0xF060]  }
0x2d3: {  	v8 =	vld [tilespmem:s13+$0x60]  }
0x2d4: {  	v9 =	vld [tilespmem:s10+$0x12060]  }
0x2d5: {  	v10 =	vld [tilespmem:s21+$0x60];
	_ =	sdelay $0x1  }
0x2d6: {  	v7 =	vmul.f32 v7, v4  }
0x2d7: {  	v8 =	vmul.f32 v8, v5  }
0x2d8: {  	v9 =	vmul.f32 v9, v3  }
0x2d9: {  	v7 =	vadd.f32 v8, v7;
	v8 =	vmul.f32 v10, v6;
	_ =	sdelay $0x1  }
0x2da: {  	v7 =	vadd.f32 v9, v7;
	_ =	sdelay $0x1  }
0x2db: {  	v7 =	vadd.f32 v8, v7;
	_ =	sdelay $0x1  }
0x2dc: {  	[tilespmem:s20+$0x60] =	vst v7  }
0x2dd: {  	v7 =	vld [tilespmem:s10+$0xF070]  }
0x2de: {  	v8 =	vld [tilespmem:s13+$0x70]  }
0x2df: {  	v9 =	vld [tilespmem:s21+$0x70]  }
0x2e0: {  	v10 =	vld [tilespmem:s10+$0x12070];
	_ =	sdelay $0x1  }
0x2e1: {  	v7 =	vmul.f32 v7, v4  }
0x2e2: {  	v8 =	vmul.f32 v8, v5  }
0x2e3: {  	v9 =	vmul.f32 v9, v6  }
0x2e4: {  	v7 =	vadd.f32 v8, v7;
	v8 =	vmul.f32 v10, v3;
	_ =	sdelay $0x1  }
0x2e5: {  	v7 =	vadd.f32 v8, v7;
	_ =	sdelay $0x1  }
0x2e6: {  	v7 =	vadd.f32 v9, v7;
	_ =	sdelay $0x1  }
0x2e7: {  	[tilespmem:s20+$0x70] =	vst v7  }
0x2e8: {  	v7 =	vld [tilespmem:s10+$0x10C00]  }
0x2e9: {  	v8 =	vld [tilespmem:s10+$0xF400]  }
0x2ea: {  	v9 =	vld [tilespmem:s10+$0x12400]  }
0x2eb: {  	v10 =	vld [tilespmem:s10+$0x13C00]  }
0x2ec: {  	v11 =	vld [tilespmem:s10+$0xF410]  }
0x2ed: {  	v7 =	vmul.f32 v7, v5  }
0x2ee: {  	v8 =	vmul.f32 v8, v4  }
0x2ef: {  	v9 =	vmul.f32 v9, v3  }
0x2f0: {  	v7 =	vadd.f32 v7, v8;
	v8 =	vmul.f32 v10, v6  }
0x2f1: {  	v10 =	vmul.f32 v11, v4  }
0x2f2: {  	v7 =	vadd.f32 v9, v7;
	_ =	sdelay $0x1  }
0x2f3: {  	v7 =	vadd.f32 v8, v7;
	_ =	sdelay $0x1  }
0x2f4: {  	s13 =	sadd.s32 $0x10C00, s10;
	[tilespmem:s10+$0x1CC00] =	vst v7  }
0x2f5: {  	s20 =	sadd.s32 $0x12400, s10;
	v7 =	vld [tilespmem:s13+$0x10]  }
0x2f6: {  	s21 =	sadd.s32 $0x13C00, s10;
	v8 =	vld [tilespmem:s20+$0x10]  }
0x2f7: {  	v9 =	vld [tilespmem:s21+$0x10];
	_ =	sdelay $0x2  }
0x2f8: {  	v7 =	vmul.f32 v7, v5  }
0x2f9: {  	v8 =	vmul.f32 v8, v3  }
0x2fa: {  	v7 =	vadd.f32 v7, v10;
	v9 =	vmul.f32 v9, v6;
	_ =	sdelay $0x1  }
0x2fb: {  	v7 =	vadd.f32 v8, v7;
	_ =	sdelay $0x1  }
0x2fc: {  	v7 =	vadd.f32 v9, v7  }
0x2fd: {  	s22 =	sadd.s32 $0x1CC00, s10  }
0x2fe: {  	[tilespmem:s22+$0x10] =	vst v7  }
0x2ff: {  	v7 =	vld [tilespmem:s10+$0xF420]  }
0x300: {  	v8 =	vld [tilespmem:s13+$0x20]  }
0x301: {  	v9 =	vld [tilespmem:s20+$0x20]  }
0x302: {  	v10 =	vld [tilespmem:s21+$0x20];
	_ =	sdelay $0x1  }
0x303: {  	v7 =	vmul.f32 v7, v4  }
0x304: {  	v8 =	vmul.f32 v8, v5  }
0x305: {  	v9 =	vmul.f32 v9, v3  }
0x306: {  	v7 =	vadd.f32 v8, v7;
	v8 =	vmul.f32 v10, v6;
	_ =	sdelay $0x1  }
0x307: {  	v7 =	vadd.f32 v9, v7;
	_ =	sdelay $0x1  }
0x308: {  	v7 =	vadd.f32 v8, v7;
	_ =	sdelay $0x1  }
0x309: {  	[tilespmem:s22+$0x20] =	vst v7  }
0x30a: {  	v7 =	vld [tilespmem:s20+$0x30]  }
0x30b: {  	v8 =	vld [tilespmem:s13+$0x30]  }
0x30c: {  	v9 =	vld [tilespmem:s10+$0xF430];
	_ =	sdelay $0x3  }
0x30d: {  	v7 =	vmul.f32 v7, v3;
	v8 =	vmul.f32 v8, v5;
	v10 =	vld [tilespmem:s21+$0x30]  }
0x30e: {  	v9 =	vmul.f32 v9, v4;
	_ =	sdelay $0x1  }
0x30f: {  	v8 =	vadd.f32 v8, v9;
	_ =	sdelay $0x1  }
0x310: {  	v7 =	vadd.f32 v7, v8;
	v8 =	vmul.f32 v10, v6;
	_ =	sdelay $0x1  }
0x311: {  	v7 =	vadd.f32 v8, v7;
	_ =	sdelay $0x1  }
0x312: {  	[tilespmem:s22+$0x30] =	vst v7  }
0x313: {  	v7 =	vld [tilespmem:s10+$0xF440]  }
0x314: {  	v8 =	vld [tilespmem:s13+$0x40];
	_ =	sdelay $0x1  }
0x315: {  	v9 =	vld [tilespmem:s20+$0x40];
	_ =	sdelay $0x1  }
0x316: {  	v7 =	vmul.f32 v7, v4;
	v10 =	vld [tilespmem:s21+$0x40]  }
0x317: {  	v8 =	vmul.f32 v8, v5;
	_ =	sdelay $0x1  }
0x318: {  	v7 =	vadd.f32 v8, v7;
	v8 =	vmul.f32 v9, v3;
	_ =	sdelay $0x1  }
0x319: {  	v7 =	vadd.f32 v8, v7;
	v8 =	vmul.f32 v10, v6;
	_ =	sdelay $0x1  }
0x31a: {  	v7 =	vadd.f32 v8, v7;
	_ =	sdelay $0x1  }
0x31b: {  	[tilespmem:s22+$0x40] =	vst v7  }
0x31c: {  	v7 =	vld [tilespmem:s10+$0xF450]  }
0x31d: {  	v8 =	vld [tilespmem:s13+$0x50]  }
0x31e: {  	v9 =	vld [tilespmem:s20+$0x50]  }
0x31f: {  	v10 =	vld [tilespmem:s21+$0x50];
	_ =	sdelay $0x1  }
0x320: {  	v7 =	vmul.f32 v7, v4  }
0x321: {  	v8 =	vmul.f32 v8, v5  }
0x322: {  	v9 =	vmul.f32 v9, v3  }
0x323: {  	v7 =	vadd.f32 v8, v7;
	v8 =	vmul.f32 v10, v6;
	_ =	sdelay $0x1  }
0x324: {  	v7 =	vadd.f32 v9, v7;
	_ =	sdelay $0x1  }
0x325: {  	v7 =	vadd.f32 v8, v7;
	_ =	sdelay $0x1  }
0x326: {  	[tilespmem:s22+$0x50] =	vst v7  }
0x327: {  	v7 =	vld [tilespmem:s13+$0x60]  }
0x328: {  	v8 =	vld [tilespmem:s10+$0xF460]  }
0x329: {  	v9 =	vld [tilespmem:s20+$0x60]  }
0x32a: {  	v10 =	vld [tilespmem:s21+$0x60];
	_ =	sdelay $0x1  }
0x32b: {  	v7 =	vmul.f32 v7, v5  }
0x32c: {  	v8 =	vmul.f32 v8, v4  }
0x32d: {  	v9 =	vmul.f32 v9, v3  }
0x32e: {  	v7 =	vadd.f32 v7, v8;
	v8 =	vmul.f32 v10, v6;
	_ =	sdelay $0x1  }
0x32f: {  	v7 =	vadd.f32 v9, v7;
	_ =	sdelay $0x1  }
0x330: {  	v7 =	vadd.f32 v8, v7;
	_ =	sdelay $0x1  }
0x331: {  	[tilespmem:s22+$0x60] =	vst v7  }
0x332: {  	v7 =	vld [tilespmem:s10+$0xF470]  }
0x333: {  	v8 =	vld [tilespmem:s13+$0x70]  }
0x334: {  	v9 =	vld [tilespmem:s20+$0x70]  }
0x335: {  	v10 =	vld [tilespmem:s21+$0x70];
	_ =	sdelay $0x1  }
0x336: {  	v7 =	vmul.f32 v7, v4  }
0x337: {  	v8 =	vmul.f32 v8, v5  }
0x338: {  	v9 =	vmul.f32 v9, v3  }
0x339: {  	v7 =	vadd.f32 v8, v7;
	v8 =	vmul.f32 v10, v6;
	_ =	sdelay $0x1  }
0x33a: {  	v7 =	vadd.f32 v9, v7;
	_ =	sdelay $0x1  }
0x33b: {  	v7 =	vadd.f32 v8, v7;
	_ =	sdelay $0x1  }
0x33c: {  	[tilespmem:s22+$0x70] =	vst v7  }
0x33d: {  	v7 =	vld [tilespmem:s10+$0xF800]  }
0x33e: {  	v8 =	vld [tilespmem:s10+$0x11000]  }
0x33f: {  	v9 =	vld [tilespmem:s10+$0x12800]  }
0x340: {  	v10 =	vld [tilespmem:s10+$0x14000]  }
0x341: {  	v11 =	vld [tilespmem:s10+$0xF810]  }
0x342: {  	v7 =	vmul.f32 v7, v4;
	v12 =	vld [tilespmem:s10+$0x11010]  }
0x343: {  	v8 =	vmul.f32 v8, v5;
	v13 =	vld [tilespmem:s10+$0x14010]  }
0x344: {  	v9 =	vmul.f32 v9, v3;
	v14 =	vld [tilespmem:s10+$0xF820]  }
0x345: {  	v7 =	vadd.f32 v8, v7;
	v8 =	vmul.f32 v10, v6;
	v10 =	vld [tilespmem:s10+$0x11020]  }
0x346: {  	v11 =	vmul.f32 v11, v4;
	v15 =	vld [tilespmem:s10+$0x14020]  }
0x347: {  	v7 =	vadd.f32 v9, v7;
	v9 =	vmul.f32 v12, v5;
	v12 =	vld [tilespmem:s10+$0xF830]  }
0x348: {  	v16 =	vmul.f32 v13, v6;
	v13 =	vld [tilespmem:s10+$0x11030]  }
0x349: {  	v7 =	vadd.f32 v8, v7;
	v8 =	vadd.f32 v9, v11;
	v17 =	vmul.f32 v14, v4;
	v9 =	vld [tilespmem:s10+$0x14030]  }
0x34a: {  	s13 =	sadd.s32 $0x12800, s10;
	v18 =	vmul.f32 v10, v5;
	v10 =	vld [tilespmem:s10+$0xF840]  }
0x34b: {  	[tilespmem:s10+$0x1D000] =	vst v7;
	v15 =	vmul.f32 v15, v6;
	v7 =	vld [tilespmem:s10+$0x11040]  }
0x34c: {  	v11 =	vld [tilespmem:s13+$0x10];
	v12 =	vmul.f32 v12, v4  }
0x34d: {  	v13 =	vmul.f32 v13, v5;
	v19 =	vld [tilespmem:s10+$0x14040]  }
0x34e: {  	v20 =	vmul.f32 v9, v6;
	v9 =	vld [tilespmem:s10+$0xF850]  }
0x34f: {  	v21 =	vadd.f32 v13, v12;
	v10 =	vmul.f32 v10, v4;
	v13 =	vld [tilespmem:s10+$0x11050]  }
0x350: {  	v7 =	vmul.f32 v7, v5;
	v22 =	vld [tilespmem:s10+$0x14050]  }
0x351: {  	v11 =	vmul.f32 v11, v3;
	v23 =	vld [tilespmem:s10+$0xF860]  }
0x352: {  	v14 =	vadd.f32 v7, v10;
	v12 =	vmul.f32 v19, v6;
	v7 =	vld [tilespmem:s10+$0x11060]  }
0x353: {  	v8 =	vadd.f32 v11, v8;
	v11 =	vmul.f32 v9, v4;
	v19 =	vld [tilespmem:s10+$0x14060]  }
0x354: {  	v13 =	vmul.f32 v13, v5;
	v24 =	vld [tilespmem:s10+$0xF870]  }
0x355: {  	v10 =	vadd.f32 v16, v8;
	v8 =	vmul.f32 v22, v6;
	v16 =	vld [tilespmem:s10+$0x11070]  }
0x356: {  	v9 =	vmul.f32 v23, v4;
	v22 =	vld [tilespmem:s10+$0x14070]  }
0x357: {  	[tilespmem:s10+$0x1D010] =	vst v10;
	v10 =	vmul.f32 v7, v5  }
0x358: {  	v17 =	vadd.f32 v18, v17;
	v18 =	vld [tilespmem:s13+$0x20];
	v7 =	vmul.f32 v19, v6  }
0x359: {  	v19 =	vmul.f32 v24, v4  }
0x35a: {  	v5 =	vmul.f32 v16, v5  }
0x35b: {  	v4 =	vmul.f32 v22, v6  }
0x35c: {  	v5 =	vadd.f32 v5, v19  }
0x35d: {  	v6 =	vmul.f32 v18, v3;
	_ =	sdelay $0x1  }
0x35e: {  	v6 =	vadd.f32 v6, v17;
	_ =	sdelay $0x1  }
0x35f: {  	v6 =	vadd.f32 v15, v6;
	_ =	sdelay $0x1  }
0x360: {  	[tilespmem:s10+$0x1D020] =	vst v6  }
0x361: {  	v6 =	vld [tilespmem:s13+$0x30];
	_ =	sdelay $0x4  }
0x362: {  	v6 =	vmul.f32 v6, v3;
	_ =	sdelay $0x1  }
0x363: {  	v6 =	vadd.f32 v6, v21  }
.Ltmp4:
0x364: {  	(pc) =	sbr.rel @p2 .LBB2_9-.Ltmp4, $3  }
0x365: {  	v6 =	vadd.f32 v20, v6;
	_ =	sdelay $0x1  }
0x366: {  	[tilespmem:s10+$0x1D030] =	vst v6  }
0x367: {  	v6 =	vld [tilespmem:s13+$0x40]  }
0x368: {  	_ =	sdelay $0x3  }
0x369: {  	v6 =	vmul.f32 v6, v3;
	_ =	sdelay $0x1  }
0x36a: {  	v6 =	vadd.f32 v6, v14;
	_ =	sdelay $0x1  }
0x36b: {  	v6 =	vadd.f32 v12, v6;
	_ =	sdelay $0x1  }
0x36c: {  	[tilespmem:s10+$0x1D040] =	vst v6  }
0x36d: {  	v6 =	vld [tilespmem:s13+$0x50];
	_ =	sdelay $0x4  }
0x36e: {  	v11 =	vadd.f32 v13, v11;
	v6 =	vmul.f32 v6, v3;
	_ =	sdelay $0x1  }
0x36f: {  	v6 =	vadd.f32 v6, v11;
	_ =	sdelay $0x1  }
0x370: {  	v6 =	vadd.f32 v8, v6;
	_ =	sdelay $0x1  }
0x371: {  	[tilespmem:s10+$0x1D050] =	vst v6  }
0x372: {  	v6 =	vld [tilespmem:s13+$0x60];
	_ =	sdelay $0x4  }
0x373: {  	v63 =	vadd.f32 v10, v9;
	v6 =	vmul.f32 v6, v3;
	_ =	sdelay $0x1  }
0x374: {  	v6 =	vadd.f32 v6, v63;
	_ =	sdelay $0x1  }
0x375: {  	v6 =	vadd.f32 v7, v6;
	_ =	sdelay $0x1  }
0x376: {  	[tilespmem:s10+$0x1D060] =	vst v6  }
0x377: {  	v6 =	vld [tilespmem:s13+$0x70];
	_ =	sdelay $0x4  }
0x378: {  	v3 =	vmul.f32 v6, v3;
	_ =	sdelay $0x1  }
0x379: {  	s12 =	sadd.s32 s5, s14;
	v3 =	vadd.f32 v3, v5  }
.Ltmp5:
0x37a: {  	s12 =	sshrl.u32 s12, $0x3;
	(pc) =	sbr.rel @p1 .LBB2_12-.Ltmp5, $3  }
0x37b: {  	s12 =	smul.u32 $0x180, s12;
	v3 =	vadd.f32 v4, v3;
	_ =	sdelay $0x1  }
0x37c: {  	s22 =	sadd.s32 s2, s12;
	[tilespmem:s10+$0x1D070] =	vst v3  }
0x37d: {  	[hbm4b:s22+s3] =	stream.linear.scatter [tilespmem:s29], [sflag:$0x5], $0x1800, $0x38;
	[tilespmem:$0x1F800] =	vst v63  }
.Ltmp6:
0x37e: {  	(pc) =	sbr.rel .LBB2_13-.Ltmp6, $4  }
0x37f: {  	_ = 	snop  }
0x380: {  	_ =	swait.ge [sflag:s30], $0x6000  }
0x381: {  	[sflag:s30] =	ssyncset.done $0x0  }
0x382: {  	[sflag:s30] =	ssyncadd.s32 $0xFFFFA000  }
.LBB2_12:
0x383: {  	s10 =	smul.u32 $0x300, s8;
	_ =	sdelay $0x1  }
0x384: {  	s10 =	sshra.s32 s10, $0x2  }
0x385: {  	v3 =	vld [tilespmem:s10+$0x100];
	_ =	sdelay $0x4  }
0x386: {  	v4 =	vshrl.u32 v3, $0x3  }
0x387: {  	v4 =	vmul.u32 $0x18, v4  }
0x388: {  	v3 =	vand.u32 $0x7, v3  }
0x389: {  	v3 =	vor.u32 v3, v4  }
0x38a: {  	v4 =	vperm.xlane v3, v0;
	_ =	sdelay $0x1  }
0x38b: {  	v4 =	vadd.s32 v1, v4;
	_ =	sdelay $0x1  }
0x38c: {  	v3 =	vperm.xlane v3, v2;
	_ =	sdelay $0x1  }
0x38d: {  	s12 =	simm.s32 $0xF000;
	v3 =	vadd.s32 v1, v3  }
0x38e: {  	[tilespmem:s12], [sflag:$0x2] =	stream.indirect_vreg.gather [hbm4b:s4+s3], $0x80, v4, vm0, $0xb8;
	[tilespmem:$0x1F800] =	vst v63  }
0x38f: {  	s20 =	simm.s32 $0xF800  }
0x390: {  	[tilespmem:s20], [sflag:$0x2] =	stream.indirect_vreg.gather [hbm4b:s11+s3], $0x80, v4, vm1, $0xb8;
	[tilespmem:$0x1F800] =	vst v63  }
0x391: {  	s21 =	simm.s32 $0xFC00  }
0x392: {  	[tilespmem:s21], [sflag:$0x2] =	stream.indirect_vreg.gather [hbm4b:s4+s3], $0x80, v3, vm0, $0xb8;
	[tilespmem:$0x1F800] =	vst v63  }
0x393: {  	s22 =	simm.s32 $0x10400  }
0x394: {  	[tilespmem:s22], [sflag:$0x2] =	stream.indirect_vreg.gather [hbm4b:s11+s3], $0x80, v3, vm1, $0xb8;
	[tilespmem:$0x1F800] =	vst v63  }
0x395: {  	v3 =	vld [tilespmem:s10+$0x110];
	_ =	sdelay $0x4  }
0x396: {  	v61 =	vshrl.u32 v3, $0x3  }
0x397: {  	v4 =	vmul.u32 $0x18, v61  }
0x398: {  	v3 =	vand.u32 $0x7, v3  }
0x399: {  	v3 =	vor.u32 v3, v4  }
0x39a: {  	v4 =	vperm.xlane v3, v0;
	_ =	sdelay $0x1  }
0x39b: {  	v4 =	vadd.s32 v1, v4;
	_ =	sdelay $0x1  }
0x39c: {  	v3 =	vperm.xlane v3, v2;
	_ =	sdelay $0x1  }
0x39d: {  	s13 =	simm.s32 $0x10800;
	v3 =	vadd.s32 v1, v3  }
0x39e: {  	[tilespmem:s13], [sflag:$0x2] =	stream.indirect_vreg.gather [hbm4b:s4+s3], $0x80, v4, vm0, $0xb8;
	[tilespmem:$0x1F800] =	vst v63  }
0x39f: {  	s14 =	simm.s32 $0x11000  }
0x3a0: {  	[tilespmem:s14], [sflag:$0x2] =	stream.indirect_vreg.gather [hbm4b:s11+s3], $0x80, v4, vm1, $0xb8;
	[tilespmem:$0x1F800] =	vst v63  }
0x3a1: {  	s15 =	simm.s32 $0x11400  }
0x3a2: {  	[tilespmem:s15], [sflag:$0x2] =	stream.indirect_vreg.gather [hbm4b:s4+s3], $0x80, v3, vm0, $0xb8;
	[tilespmem:$0x1F800] =	vst v63  }
0x3a3: {  	s20 =	simm.s32 $0x11C00  }
0x3a4: {  	[tilespmem:s20], [sflag:$0x2] =	stream.indirect_vreg.gather [hbm4b:s11+s3], $0x80, v3, vm1, $0xb8;
	[tilespmem:$0x1F800] =	vst v63  }
0x3a5: {  	v3 =	vld [tilespmem:s10+$0x120];
	_ =	sdelay $0x4  }
0x3a6: {  	v62 =	vshrl.u32 v3, $0x3  }
0x3a7: {  	v4 =	vmul.u32 $0x18, v62  }
0x3a8: {  	v3 =	vand.u32 $0x7, v3  }
0x3a9: {  	v3 =	vor.u32 v3, v4  }
0x3aa: {  	v4 =	vperm.xlane v3, v0;
	_ =	sdelay $0x1  }
0x3ab: {  	v4 =	vadd.s32 v1, v4;
	_ =	sdelay $0x1  }
0x3ac: {  	v3 =	vperm.xlane v3, v2;
	_ =	sdelay $0x1  }
0x3ad: {  	s21 =	simm.s32 $0x12000;
	v3 =	vadd.s32 v1, v3  }
0x3ae: {  	[tilespmem:s21], [sflag:$0x2] =	stream.indirect_vreg.gather [hbm4b:s4+s3], $0x80, v4, vm0, $0xb8;
	[tilespmem:$0x1F800] =	vst v63  }
0x3af: {  	s22 =	simm.s32 $0x12800  }
0x3b0: {  	[tilespmem:s22], [sflag:$0x2] =	stream.indirect_vreg.gather [hbm4b:s11+s3], $0x80, v4, vm1, $0xb8;
	[tilespmem:$0x1F800] =	vst v63  }
0x3b1: {  	s13 =	simm.s32 $0x12C00  }
0x3b2: {  	[tilespmem:s13], [sflag:$0x2] =	stream.indirect_vreg.gather [hbm4b:s4+s3], $0x80, v3, vm0, $0xb8;
	[tilespmem:$0x1F800] =	vst v63  }
0x3b3: {  	s14 =	simm.s32 $0x13400  }
0x3b4: {  	[tilespmem:s14], [sflag:$0x2] =	stream.indirect_vreg.gather [hbm4b:s11+s3], $0x80, v3, vm1, $0xb8;
	[tilespmem:$0x1F800] =	vst v63  }
0x3b5: {  	v3 =	vld [tilespmem:s10+$0x130];
	_ =	sdelay $0x4  }
0x3b6: {  	v63 =	vshrl.u32 v3, $0x3  }
0x3b7: {  	v4 =	vmul.u32 $0x18, v63  }
0x3b8: {  	v3 =	vand.u32 $0x7, v3  }
0x3b9: {  	v3 =	vor.u32 v3, v4  }
0x3ba: {  	v4 =	vperm.xlane v3, v0;
	_ =	sdelay $0x1  }
0x3bb: {  	v4 =	vadd.s32 v1, v4;
	_ =	sdelay $0x1  }
0x3bc: {  	v3 =	vperm.xlane v3, v2;
	_ =	sdelay $0x1  }
0x3bd: {  	s15 =	simm.s32 $0x13800;
	v3 =	vadd.s32 v1, v3  }
0x3be: {  	[tilespmem:s15], [sflag:$0x2] =	stream.indirect_vreg.gather [hbm4b:s4+s3], $0x80, v4, vm0, $0xb8;
	[tilespmem:$0x1F800] =	vst v63  }
0x3bf: {  	s20 =	simm.s32 $0x14000  }
0x3c0: {  	[tilespmem:s20], [sflag:$0x2] =	stream.indirect_vreg.gather [hbm4b:s11+s3], $0x80, v4, vm1, $0xb8;
	[tilespmem:$0x1F800] =	vst v63  }
0x3c1: {  	s21 =	simm.s32 $0x14400  }
0x3c2: {  	[tilespmem:s21], [sflag:$0x2] =	stream.indirect_vreg.gather [hbm4b:s4+s3], $0x80, v3, vm0, $0xb8;
	[tilespmem:$0x1F800] =	vst v63  }
.Ltmp7:
0x3c3: {  	s22 =	simm.s32 $0x14C00;
	(pc) =	sbr.rel @p0 .LBB2_14-.Ltmp7, $4  }
0x3c4: {  	[tilespmem:s22], [sflag:$0x2] =	stream.indirect_vreg.gather [hbm4b:s11+s3], $0x80, v3, vm1, $0xb8;
	[tilespmem:$0x1F800] =	vst v63  }
0x3c5: {  	_ =	swait.ge [sflag:s30], $0x6000  }
0x3c6: {  	[sflag:s30] =	ssyncset.done $0x0  }
0x3c7: {  	[sflag:s30] =	ssyncadd.s32 $0xFFFFA000  }
.LBB2_13:
0x3c8: {  	_ =	swait.ge [sflag:s31], $0x1800  }
0x3c9: {  	[sflag:s31] =	ssyncset.done $0x0  }
0x3ca: {  	[sflag:s31] =	ssyncadd.s32 $0xFFFFE800  }
.LBB2_14:
0x3cb: {  	s12 =	sadd.s32 $0x0, s6;
	s13 =	simm.s32 $0x0  }
0x3cc: {  	s10 =	simm.s32 $0x0;
	v3 =	vmov s12;
	s21 =	smul.u32 $0xC00, s13  }
0x3cd: {  	s22 =	sand.u32 $0x380, s10  }
0x3ce: {  	s12 =	sor.u32 s22, s21  }
0x3cf: {  	v7 =	vld [tilespmem:s12+$0x15000]  }
0x3d0: {  	v8 =	vld [tilespmem:s12+$0x16800]  }
0x3d1: {  	v5 =	vld.idx.msk [tilespmem:v3+s16+$0x0], $0xffff  }
0x3d2: {  	v6 =	vld.idx.msk [tilespmem:v3+s17+$0x0], $0xffff  }
0x3d3: {  	v9 =	vld [tilespmem:s12+$0x18000]  }
0x3d4: {  	v4 =	vld.idx.msk [tilespmem:v3+s18+$0x0], $0xffff  }
0x3d5: {  	v10 =	vld [tilespmem:s12+$0x19800]  }
0x3d6: {  	v3 =	vld.idx.msk [tilespmem:v3+s19+$0x0], $0xffff  }
0x3d7: {  	v7 =	vmul.f32 v7, v5;
	v8 =	vmul.f32 v8, v6;
	_ =	sdelay $0x1  }
0x3d8: {  	v9 =	vmul.f32 v9, v4;
	v7 =	vadd.f32 v8, v7;
	_ =	sdelay $0x1  }
0x3d9: {  	v10 =	vmul.f32 v10, v3;
	v7 =	vadd.f32 v9, v7;
	_ =	sdelay $0x1  }
0x3da: {  	v7 =	vadd.f32 v10, v7;
	_ =	sdelay $0x1  }
0x3db: {  	v12 =	vld [tilespmem:s12+$0x15010];
	s14 =	sadd.s32 $0x16800, s12;
	[tilespmem:s12+$0x1E000] =	vst v7  }
0x3dc: {  	v7 =	vld [tilespmem:s14+$0x10];
	_ =	sdelay $0x1  }
0x3dd: {  	v10 =	vld [tilespmem:s12+$0x18010]  }
0x3de: {  	s13 =	sadd.s32 $0x19800, s12  }
0x3df: {  	v13 =	vld [tilespmem:s13+$0x10]  }
0x3e0: {  	v12 =	vmul.f32 v12, v5;
	v7 =	vmul.f32 v7, v6;
	_ =	sdelay $0x1  }
0x3e1: {  	v10 =	vmul.f32 v10, v4;
	v7 =	vadd.f32 v7, v12;
	_ =	sdelay $0x1  }
0x3e2: {  	v7 =	vadd.f32 v10, v7;
	v10 =	vmul.f32 v13, v3;
	_ =	sdelay $0x1  }
0x3e3: {  	v7 =	vadd.f32 v10, v7;
	_ =	sdelay $0x1  }
0x3e4: {  	v51 =	vld [tilespmem:s12+$0x15020];
	[tilespmem:s12+$0x1E010] =	vst v7  }
0x3e5: {  	v7 =	vld [tilespmem:s14+$0x20];
	_ =	sdelay $0x1  }
0x3e6: {  	v10 =	vld [tilespmem:s12+$0x18020];
	_ =	sdelay $0x1  }
0x3e7: {  	v52 =	vld [tilespmem:s13+$0x20]  }
0x3e8: {  	v12 =	vmul.f32 v51, v5;
	v7 =	vmul.f32 v7, v6;
	_ =	sdelay $0x1  }
0x3e9: {  	v10 =	vmul.f32 v10, v4;
	v7 =	vadd.f32 v7, v12;
	_ =	sdelay $0x1  }
0x3ea: {  	v7 =	vadd.f32 v10, v7;
	v10 =	vmul.f32 v52, v3;
	_ =	sdelay $0x1  }
0x3eb: {  	v7 =	vadd.f32 v10, v7;
	_ =	sdelay $0x1  }
0x3ec: {  	v53 =	vld [tilespmem:s12+$0x15030];
	[tilespmem:s12+$0x1E020] =	vst v7  }
0x3ed: {  	v7 =	vld [tilespmem:s14+$0x30];
	_ =	sdelay $0x1  }
0x3ee: {  	v10 =	vld [tilespmem:s12+$0x18030];
	_ =	sdelay $0x1  }
0x3ef: {  	v54 =	vld [tilespmem:s13+$0x30]  }
0x3f0: {  	v12 =	vmul.f32 v53, v5;
	v7 =	vmul.f32 v7, v6;
	_ =	sdelay $0x1  }
0x3f1: {  	v10 =	vmul.f32 v10, v4;
	v7 =	vadd.f32 v7, v12;
	_ =	sdelay $0x1  }
0x3f2: {  	v7 =	vadd.f32 v10, v7;
	v10 =	vmul.f32 v54, v3;
	_ =	sdelay $0x1  }
0x3f3: {  	v7 =	vadd.f32 v10, v7;
	_ =	sdelay $0x1  }
0x3f4: {  	v55 =	vld [tilespmem:s12+$0x15040];
	[tilespmem:s12+$0x1E030] =	vst v7  }
0x3f5: {  	v7 =	vld [tilespmem:s14+$0x40];
	_ =	sdelay $0x1  }
0x3f6: {  	v10 =	vld [tilespmem:s12+$0x18040];
	_ =	sdelay $0x1  }
0x3f7: {  	v56 =	vld [tilespmem:s13+$0x40]  }
0x3f8: {  	v12 =	vmul.f32 v55, v5;
	v7 =	vmul.f32 v7, v6;
	_ =	sdelay $0x1  }
0x3f9: {  	v10 =	vmul.f32 v10, v4;
	v7 =	vadd.f32 v7, v12;
	_ =	sdelay $0x1  }
0x3fa: {  	v7 =	vadd.f32 v10, v7;
	v10 =	vmul.f32 v56, v3;
	_ =	sdelay $0x1  }
0x3fb: {  	v7 =	vadd.f32 v10, v7;
	_ =	sdelay $0x1  }
0x3fc: {  	v57 =	vld [tilespmem:s12+$0x15050];
	[tilespmem:s12+$0x1E040] =	vst v7  }
0x3fd: {  	v7 =	vld [tilespmem:s14+$0x50];
	_ =	sdelay $0x1  }
0x3fe: {  	v10 =	vld [tilespmem:s12+$0x18050];
	_ =	sdelay $0x1  }
0x3ff: {  	v58 =	vld [tilespmem:s13+$0x50]  }
0x400: {  	v12 =	vmul.f32 v57, v5;
	v7 =	vmul.f32 v7, v6;
	_ =	sdelay $0x1  }
0x401: {  	v10 =	vmul.f32 v10, v4;
	v7 =	vadd.f32 v7, v12;
	_ =	sdelay $0x1  }
0x402: {  	v59 =	vmul.f32 v58, v3;
	v7 =	vadd.f32 v10, v7;
	_ =	sdelay $0x1  }
0x403: {  	v7 =	vadd.f32 v59, v7;
	_ =	sdelay $0x1  }
0x404: {  	v10 =	vld [tilespmem:s12+$0x15060];
	[tilespmem:s12+$0x1E050] =	vst v7  }
0x405: {  	v7 =	vld [tilespmem:s14+$0x60];
	_ =	sdelay $0x1  }
0x406: {  	v60 =	vld [tilespmem:s12+$0x18060];
	_ =	sdelay $0x1  }
0x407: {  	v61 =	vld [tilespmem:s13+$0x60]  }
0x408: {  	v10 =	vmul.f32 v10, v5;
	v7 =	vmul.f32 v7, v6;
	_ =	sdelay $0x1  }
0x409: {  	v12 =	vmul.f32 v60, v4;
	v7 =	vadd.f32 v7, v10;
	_ =	sdelay $0x1  }
0x40a: {  	v10 =	vmul.f32 v61, v3;
	v7 =	vadd.f32 v12, v7;
	_ =	sdelay $0x1  }
0x40b: {  	v8 =	vld [tilespmem:s12+$0x16C00];
	v7 =	vadd.f32 v10, v7  }
0x40c: {  	v9 =	vld [tilespmem:s12+$0x15400]  }
0x40d: {  	[tilespmem:s12+$0x1E060] =	vst v7;
	v7 =	vld [tilespmem:s12+$0x15070]  }
0x40e: {  	v62 =	vld [tilespmem:s14+$0x70]  }
0x40f: {  	v11 =	vld [tilespmem:s12+$0x18400]  }
0x410: {  	v63 =	vld [tilespmem:s12+$0x18070]  }
0x411: {  	v10 =	vld [tilespmem:s12+$0x19C00]  }
0x412: {  	v8 =	vmul.f32 v8, v6;
	v9 =	vmul.f32 v9, v5;
	v14 =	vld [tilespmem:s13+$0x70]  }
0x413: {  	v7 =	vmul.f32 v7, v5;
	v12 =	vmul.f32 v62, v6  }
0x414: {  	v8 =	vadd.f32 v8, v9;
	v9 =	vmul.f32 v11, v4  }
0x415: {  	v11 =	vmul.f32 v63, v4;
	v7 =	vadd.f32 v12, v7  }
0x416: {  	v8 =	vadd.f32 v9, v8;
	v9 =	vmul.f32 v10, v3  }
0x417: {  	v10 =	vmul.f32 v14, v3;
	v7 =	vadd.f32 v11, v7  }
0x418: {  	v8 =	vadd.f32 v9, v8  }
0x419: {  	v7 =	vadd.f32 v10, v7  }
0x41a: {  	[tilespmem:s12+$0x1E400] =	vst v8  }
0x41b: {  	s14 =	sadd.s32 $0x15400, s12;
	[tilespmem:s12+$0x1E070] =	vst v7  }
0x41c: {  	s22 =	sadd.s32 $0x16C00, s12;
	v7 =	vld [tilespmem:s14+$0x10]  }
0x41d: {  	v8 =	vld [tilespmem:s22+$0x10]  }
0x41e: {  	s15 =	sadd.s32 $0x18400, s12  }
0x41f: {  	v9 =	vld [tilespmem:s15+$0x10]  }
0x420: {  	s20 =	sadd.s32 $0x19C00, s12  }
0x421: {  	v10 =	vld [tilespmem:s20+$0x10]  }
0x422: {  	v7 =	vmul.f32 v7, v5;
	v8 =	vmul.f32 v8, v6;
	_ =	sdelay $0x1  }
0x423: {  	v9 =	vmul.f32 v9, v4;
	v7 =	vadd.f32 v8, v7;
	_ =	sdelay $0x1  }
0x424: {  	v8 =	vmul.f32 v10, v3;
	v7 =	vadd.f32 v9, v7;
	_ =	sdelay $0x1  }
0x425: {  	v7 =	vadd.f32 v8, v7  }
0x426: {  	s21 =	sadd.s32 $0x1E400, s12  }
0x427: {  	[tilespmem:s21+$0x10] =	vst v7  }
0x428: {  	v7 =	vld [tilespmem:s22+$0x20]  }
0x429: {  	v8 =	vld [tilespmem:s14+$0x20];
	_ =	sdelay $0x1  }
0x42a: {  	v9 =	vld [tilespmem:s15+$0x20];
	_ =	sdelay $0x1  }
0x42b: {  	v10 =	vld [tilespmem:s20+$0x20]  }
0x42c: {  	v7 =	vmul.f32 v7, v6;
	v8 =	vmul.f32 v8, v5;
	_ =	sdelay $0x1  }
0x42d: {  	v9 =	vmul.f32 v9, v4;
	v7 =	vadd.f32 v7, v8;
	_ =	sdelay $0x1  }
0x42e: {  	v8 =	vmul.f32 v10, v3;
	v7 =	vadd.f32 v9, v7;
	_ =	sdelay $0x1  }
0x42f: {  	v7 =	vadd.f32 v8, v7;
	_ =	sdelay $0x1  }
0x430: {  	[tilespmem:s21+$0x20] =	vst v7  }
0x431: {  	v7 =	vld [tilespmem:s14+$0x30]  }
0x432: {  	v8 =	vld [tilespmem:s22+$0x30];
	_ =	sdelay $0x1  }
0x433: {  	v9 =	vld [tilespmem:s15+$0x30];
	_ =	sdelay $0x1  }
0x434: {  	v10 =	vld [tilespmem:s20+$0x30]  }
0x435: {  	v7 =	vmul.f32 v7, v5;
	v8 =	vmul.f32 v8, v6;
	_ =	sdelay $0x1  }
0x436: {  	v9 =	vmul.f32 v9, v4;
	v7 =	vadd.f32 v8, v7;
	_ =	sdelay $0x1  }
0x437: {  	v8 =	vmul.f32 v10, v3;
	v7 =	vadd.f32 v9, v7;
	_ =	sdelay $0x1  }
0x438: {  	v7 =	vadd.f32 v8, v7;
	_ =	sdelay $0x1  }
0x439: {  	[tilespmem:s21+$0x30] =	vst v7  }
0x43a: {  	v7 =	vld [tilespmem:s14+$0x40]  }
0x43b: {  	v8 =	vld [tilespmem:s22+$0x40];
	_ =	sdelay $0x1  }
0x43c: {  	v9 =	vld [tilespmem:s15+$0x40];
	_ =	sdelay $0x1  }
0x43d: {  	v10 =	vld [tilespmem:s20+$0x40]  }
0x43e: {  	v7 =	vmul.f32 v7, v5;
	v8 =	vmul.f32 v8, v6;
	_ =	sdelay $0x1  }
0x43f: {  	v9 =	vmul.f32 v9, v4;
	v7 =	vadd.f32 v8, v7;
	_ =	sdelay $0x1  }
0x440: {  	v8 =	vmul.f32 v10, v3;
	v7 =	vadd.f32 v9, v7;
	_ =	sdelay $0x1  }
0x441: {  	v7 =	vadd.f32 v8, v7;
	_ =	sdelay $0x1  }
0x442: {  	[tilespmem:s21+$0x40] =	vst v7  }
0x443: {  	v7 =	vld [tilespmem:s14+$0x50]  }
0x444: {  	v8 =	vld [tilespmem:s22+$0x50];
	_ =	sdelay $0x1  }
0x445: {  	v9 =	vld [tilespmem:s15+$0x50];
	_ =	sdelay $0x1  }
0x446: {  	v10 =	vld [tilespmem:s20+$0x50]  }
0x447: {  	v7 =	vmul.f32 v7, v5;
	v8 =	vmul.f32 v8, v6;
	_ =	sdelay $0x1  }
0x448: {  	v7 =	vadd.f32 v8, v7;
	v8 =	vmul.f32 v9, v4;
	_ =	sdelay $0x1  }
0x449: {  	v9 =	vmul.f32 v10, v3;
	v7 =	vadd.f32 v8, v7;
	_ =	sdelay $0x1  }
0x44a: {  	v7 =	vadd.f32 v9, v7;
	_ =	sdelay $0x1  }
0x44b: {  	[tilespmem:s21+$0x50] =	vst v7  }
0x44c: {  	v7 =	vld [tilespmem:s14+$0x60]  }
0x44d: {  	v8 =	vld [tilespmem:s22+$0x60];
	_ =	sdelay $0x1  }
0x44e: {  	v9 =	vld [tilespmem:s15+$0x60];
	_ =	sdelay $0x1  }
0x44f: {  	v10 =	vld [tilespmem:s20+$0x60]  }
0x450: {  	v7 =	vmul.f32 v7, v5;
	v8 =	vmul.f32 v8, v6;
	_ =	sdelay $0x1  }
0x451: {  	v9 =	vmul.f32 v9, v4;
	v7 =	vadd.f32 v8, v7;
	_ =	sdelay $0x1  }
0x452: {  	v8 =	vmul.f32 v10, v3;
	v7 =	vadd.f32 v9, v7;
	_ =	sdelay $0x1  }
0x453: {  	v7 =	vadd.f32 v8, v7;
	_ =	sdelay $0x1  }
0x454: {  	[tilespmem:s21+$0x60] =	vst v7  }
0x455: {  	v7 =	vld [tilespmem:s14+$0x70]  }
0x456: {  	v8 =	vld [tilespmem:s22+$0x70];
	_ =	sdelay $0x1  }
0x457: {  	v9 =	vld [tilespmem:s15+$0x70];
	_ =	sdelay $0x1  }
0x458: {  	v10 =	vld [tilespmem:s20+$0x70]  }
0x459: {  	v7 =	vmul.f32 v7, v5;
	v8 =	vmul.f32 v8, v6;
	_ =	sdelay $0x1  }
0x45a: {  	v9 =	vmul.f32 v9, v4;
	v7 =	vadd.f32 v8, v7;
	_ =	sdelay $0x1  }
0x45b: {  	v8 =	vmul.f32 v10, v3;
	v7 =	vadd.f32 v9, v7;
	_ =	sdelay $0x1  }
0x45c: {  	v7 =	vadd.f32 v8, v7;
	_ =	sdelay $0x1  }
0x45d: {  	[tilespmem:s21+$0x70] =	vst v7  }
0x45e: {  	v7 =	vld [tilespmem:s12+$0x15800]  }
0x45f: {  	v8 =	vld [tilespmem:s12+$0x17000];
	_ =	sdelay $0x1  }
0x460: {  	v9 =	vld [tilespmem:s12+$0x18800];
	_ =	sdelay $0x1  }
0x461: {  	v10 =	vld [tilespmem:s12+$0x1A000]  }
0x462: {  	v7 =	vmul.f32 v7, v5;
	v8 =	vmul.f32 v8, v6;
	_ =	sdelay $0x1  }
0x463: {  	v9 =	vmul.f32 v9, v4;
	v7 =	vadd.f32 v8, v7;
	_ =	sdelay $0x1  }
0x464: {  	v8 =	vmul.f32 v10, v3;
	v7 =	vadd.f32 v9, v7;
	_ =	sdelay $0x1  }
0x465: {  	v7 =	vadd.f32 v8, v7;
	_ =	sdelay $0x1  }
0x466: {  	s13 =	sadd.s32 $0x15800, s12;
	v9 =	vld [tilespmem:s12+$0x17010];
	[tilespmem:s12+$0x1E800] =	vst v7  }
0x467: {  	v7 =	vld [tilespmem:s13+$0x10]  }
0x468: {  	s20 =	sadd.s32 $0x18800, s12  }
0x469: {  	v10 =	vld [tilespmem:s20+$0x10];
	_ =	sdelay $0x1  }
0x46a: {  	v8 =	vld [tilespmem:s12+$0x1A010]  }
0x46b: {  	v9 =	vmul.f32 v9, v6;
	v7 =	vmul.f32 v7, v5;
	_ =	sdelay $0x1  }
0x46c: {  	v10 =	vmul.f32 v10, v4;
	v7 =	vadd.f32 v9, v7;
	_ =	sdelay $0x1  }
0x46d: {  	v8 =	vmul.f32 v8, v3;
	v7 =	vadd.f32 v10, v7;
	_ =	sdelay $0x1  }
0x46e: {  	v7 =	vadd.f32 v8, v7  }
0x46f: {  	s15 =	sadd.s32 $0x1E800, s12  }
0x470: {  	[tilespmem:s15+$0x10] =	vst v7  }
0x471: {  	v7 =	vld [tilespmem:s13+$0x20]  }
0x472: {  	v8 =	vld [tilespmem:s12+$0x17020];
	_ =	sdelay $0x1  }
0x473: {  	v9 =	vld [tilespmem:s20+$0x20];
	_ =	sdelay $0x1  }
0x474: {  	v10 =	vld [tilespmem:s12+$0x1A020]  }
0x475: {  	v7 =	vmul.f32 v7, v5;
	v8 =	vmul.f32 v8, v6;
	_ =	sdelay $0x1  }
0x476: {  	v7 =	vadd.f32 v8, v7;
	v8 =	vmul.f32 v9, v4;
	_ =	sdelay $0x1  }
0x477: {  	v9 =	vmul.f32 v10, v3;
	v7 =	vadd.f32 v8, v7;
	_ =	sdelay $0x1  }
0x478: {  	v7 =	vadd.f32 v9, v7;
	_ =	sdelay $0x1  }
0x479: {  	[tilespmem:s15+$0x20] =	vst v7  }
0x47a: {  	v7 =	vld [tilespmem:s13+$0x30]  }
0x47b: {  	v8 =	vld [tilespmem:s12+$0x17030];
	_ =	sdelay $0x1  }
0x47c: {  	v9 =	vld [tilespmem:s20+$0x30];
	_ =	sdelay $0x1  }
0x47d: {  	v10 =	vld [tilespmem:s12+$0x1A030]  }
0x47e: {  	v7 =	vmul.f32 v7, v5;
	v8 =	vmul.f32 v8, v6;
	_ =	sdelay $0x1  }
0x47f: {  	v9 =	vmul.f32 v9, v4;
	v7 =	vadd.f32 v8, v7;
	_ =	sdelay $0x1  }
0x480: {  	v8 =	vmul.f32 v10, v3;
	v7 =	vadd.f32 v9, v7;
	_ =	sdelay $0x1  }
0x481: {  	v7 =	vadd.f32 v8, v7;
	_ =	sdelay $0x1  }
0x482: {  	[tilespmem:s15+$0x30] =	vst v7  }
0x483: {  	v7 =	vld [tilespmem:s12+$0x17040]  }
0x484: {  	v8 =	vld [tilespmem:s13+$0x40];
	_ =	sdelay $0x1  }
0x485: {  	v9 =	vld [tilespmem:s20+$0x40];
	_ =	sdelay $0x1  }
0x486: {  	v10 =	vld [tilespmem:s12+$0x1A040]  }
0x487: {  	v7 =	vmul.f32 v7, v6;
	v8 =	vmul.f32 v8, v5;
	_ =	sdelay $0x1  }
0x488: {  	v9 =	vmul.f32 v9, v4;
	v7 =	vadd.f32 v7, v8;
	_ =	sdelay $0x1  }
0x489: {  	v8 =	vmul.f32 v10, v3;
	v7 =	vadd.f32 v9, v7;
	_ =	sdelay $0x1  }
0x48a: {  	v7 =	vadd.f32 v8, v7;
	_ =	sdelay $0x1  }
0x48b: {  	[tilespmem:s15+$0x40] =	vst v7  }
0x48c: {  	v7 =	vld [tilespmem:s13+$0x50]  }
0x48d: {  	v8 =	vld [tilespmem:s12+$0x17050];
	_ =	sdelay $0x1  }
0x48e: {  	v9 =	vld [tilespmem:s20+$0x50];
	_ =	sdelay $0x1  }
0x48f: {  	v10 =	vld [tilespmem:s12+$0x1A050]  }
0x490: {  	v7 =	vmul.f32 v7, v5;
	v8 =	vmul.f32 v8, v6;
	_ =	sdelay $0x1  }
0x491: {  	v9 =	vmul.f32 v9, v4;
	v7 =	vadd.f32 v8, v7;
	_ =	sdelay $0x1  }
0x492: {  	v8 =	vmul.f32 v10, v3;
	v7 =	vadd.f32 v9, v7;
	_ =	sdelay $0x1  }
0x493: {  	v7 =	vadd.f32 v8, v7;
	_ =	sdelay $0x1  }
0x494: {  	[tilespmem:s15+$0x50] =	vst v7  }
0x495: {  	v7 =	vld [tilespmem:s13+$0x60]  }
0x496: {  	v8 =	vld [tilespmem:s12+$0x17060]  }
0x497: {  	v9 =	vld [tilespmem:s20+$0x60]  }
0x498: {  	v10 =	vld [tilespmem:s12+$0x1A060];
	_ =	sdelay $0x2  }
0x499: {  	v11 =	vmul.f32 v7, v5;
	v8 =	vmul.f32 v8, v6;
	_ =	sdelay $0x1  }
0x49a: {  	s9 =	sshll.u32 s9, $0x4;
	s14 =	simm.s32 $0x1;
	v7 =	vmul.f32 v9, v4;
	v9 =	vadd.f32 v8, v11;
	v8 =	vmul.f32 v10, v3  }
.LBB2_15:
0x49b: {  	p0 =	sne.s32 s14, $0xF  }
0x49c: {  	s10 =	sadd.s32 $0x80, s10;
	s21 =	smov.u32 s14;
	s14 =	sadd.s32 $0x1, s14  }
0x49d: {  	v7 =	vadd.f32 v7, v9;
	_ =	sdelay $0x1  }
0x49e: {  	v7 =	vadd.f32 v8, v7;
	_ =	sdelay $0x1  }
0x49f: {  	[tilespmem:s15+$0x60] =	vst v7  }
0x4a0: {  	v7 =	vld [tilespmem:s13+$0x70]  }
0x4a1: {  	v8 =	vld [tilespmem:s12+$0x17070]  }
0x4a2: {  	v9 =	vld [tilespmem:s20+$0x70]  }
0x4a3: {  	v10 =	vld [tilespmem:s12+$0x1A070];
	_ =	sdelay $0x1  }
0x4a4: {  	v5 =	vmul.f32 v7, v5  }
0x4a5: {  	v6 =	vmul.f32 v8, v6  }
0x4a6: {  	v4 =	vmul.f32 v9, v4  }
0x4a7: {  	v5 =	vadd.f32 v6, v5;
	v3 =	vmul.f32 v10, v3;
	_ =	sdelay $0x1  }
0x4a8: {  	v4 =	vadd.f32 v4, v5  }
0x4a9: {  	s13 =	sshrl.u32 s21, $0x3;
	s12 =	sadd.s32 s21, s6  }
0x4aa: {  	v6 =	vmov s12;
	s12 =	smul.u32 $0xC00, s13;
	v3 =	vadd.f32 v3, v4  }
0x4ab: {  	s13 =	sand.u32 $0x380, s10  }
0x4ac: {  	s12 =	sor.u32 s13, s12;
	[tilespmem:s15+$0x70] =	vst v3  }
0x4ad: {  	v7 =	vld [tilespmem:s12+$0x16C00]  }
0x4ae: {  	v8 =	vld [tilespmem:s12+$0x19800]  }
0x4af: {  	v9 =	vld [tilespmem:s12+$0x18400]  }
0x4b0: {  	v3 =	vld.idx.msk [tilespmem:v6+s19+$0x0], $0xffff  }
0x4b1: {  	v10 =	vld [tilespmem:s12+$0x15000]  }
0x4b2: {  	v11 =	vld [tilespmem:s12+$0x16800]  }
0x4b3: {  	v4 =	vld.idx.msk [tilespmem:v6+s18+$0x0], $0xffff  }
0x4b4: {  	v5 =	vld.idx.msk [tilespmem:v6+s16+$0x0], $0xffff  }
0x4b5: {  	v6 =	vld.idx.msk [tilespmem:v6+s17+$0x0], $0xffff  }
0x4b6: {  	v12 =	vld [tilespmem:s12+$0x15400]  }
0x4b7: {  	v13 =	vld [tilespmem:s12+$0x18000];
	_ =	sdelay $0x1  }
0x4b8: {  	v8 =	vmul.f32 v8, v3;
	v9 =	vmul.f32 v9, v4  }
0x4b9: {  	v10 =	vmul.f32 v10, v5  }
0x4ba: {  	v11 =	vmul.f32 v11, v6;
	v12 =	vmul.f32 v12, v5  }
0x4bb: {  	v7 =	vmul.f32 v7, v6;
	v13 =	vmul.f32 v13, v4  }
0x4bc: {  	s13 =	sadd.s32 $0x16800, s12;
	v10 =	vadd.f32 v11, v10  }
0x4bd: {  	v7 =	vadd.f32 v7, v12;
	v11 =	vld [tilespmem:s12+$0x15010]  }
0x4be: {  	v10 =	vadd.f32 v13, v10  }
0x4bf: {  	v7 =	vadd.f32 v9, v7;
	v12 =	vld [tilespmem:s12+$0x18010]  }
0x4c0: {  	s15 =	sadd.s32 $0x19800, s12;
	v8 =	vadd.f32 v8, v10;
	_ =	sdelay $0x1  }
0x4c1: {  	[tilespmem:s12+$0x1E000] =	vst v8;
	v8 =	vmul.f32 v11, v5  }
0x4c2: {  	v9 =	vld [tilespmem:s13+$0x10]  }
0x4c3: {  	v10 =	vmul.f32 v12, v4;
	_ =	sdelay $0x2  }
0x4c4: {  	v11 =	vld [tilespmem:s15+$0x10]  }
0x4c5: {  	v9 =	vmul.f32 v9, v6;
	_ =	sdelay $0x1  }
0x4c6: {  	v8 =	vadd.f32 v9, v8  }
0x4c7: {  	v9 =	vld [tilespmem:s12+$0x15020]  }
0x4c8: {  	v8 =	vadd.f32 v10, v8;
	v10 =	vmul.f32 v11, v3  }
0x4c9: {  	v11 =	vld [tilespmem:s12+$0x18020]  }
0x4ca: {  	v8 =	vadd.f32 v10, v8;
	_ =	sdelay $0x1  }
0x4cb: {  	[tilespmem:s12+$0x1E010] =	vst v8;
	v8 =	vmul.f32 v9, v5  }
0x4cc: {  	v9 =	vld [tilespmem:s13+$0x20]  }
0x4cd: {  	v10 =	vmul.f32 v11, v4;
	_ =	sdelay $0x2  }
0x4ce: {  	v11 =	vld [tilespmem:s15+$0x20]  }
0x4cf: {  	v9 =	vmul.f32 v9, v6;
	_ =	sdelay $0x1  }
0x4d0: {  	v8 =	vadd.f32 v9, v8  }
0x4d1: {  	v9 =	vld [tilespmem:s12+$0x15030]  }
0x4d2: {  	v8 =	vadd.f32 v10, v8;
	v10 =	vmul.f32 v11, v3  }
0x4d3: {  	v11 =	vld [tilespmem:s12+$0x18030]  }
0x4d4: {  	v8 =	vadd.f32 v10, v8;
	_ =	sdelay $0x1  }
0x4d5: {  	[tilespmem:s12+$0x1E020] =	vst v8;
	v8 =	vmul.f32 v9, v5  }
0x4d6: {  	v9 =	vld [tilespmem:s13+$0x30]  }
0x4d7: {  	v10 =	vmul.f32 v11, v4;
	_ =	sdelay $0x2  }
0x4d8: {  	v11 =	vld [tilespmem:s15+$0x30]  }
0x4d9: {  	v9 =	vmul.f32 v9, v6;
	_ =	sdelay $0x1  }
0x4da: {  	v8 =	vadd.f32 v9, v8  }
0x4db: {  	v9 =	vld [tilespmem:s12+$0x15040]  }
0x4dc: {  	v8 =	vadd.f32 v10, v8;
	v10 =	vmul.f32 v11, v3  }
0x4dd: {  	v11 =	vld [tilespmem:s12+$0x18040]  }
0x4de: {  	v8 =	vadd.f32 v10, v8;
	_ =	sdelay $0x1  }
0x4df: {  	[tilespmem:s12+$0x1E030] =	vst v8;
	v8 =	vmul.f32 v9, v5  }
0x4e0: {  	v9 =	vld [tilespmem:s13+$0x40]  }
0x4e1: {  	v10 =	vmul.f32 v11, v4;
	_ =	sdelay $0x2  }
0x4e2: {  	v11 =	vld [tilespmem:s15+$0x40]  }
0x4e3: {  	v9 =	vmul.f32 v9, v6;
	_ =	sdelay $0x1  }
0x4e4: {  	v8 =	vadd.f32 v9, v8  }
0x4e5: {  	v9 =	vld [tilespmem:s12+$0x15050]  }
0x4e6: {  	v8 =	vadd.f32 v10, v8;
	v10 =	vmul.f32 v11, v3  }
0x4e7: {  	v11 =	vld [tilespmem:s12+$0x18050]  }
0x4e8: {  	v8 =	vadd.f32 v10, v8;
	_ =	sdelay $0x1  }
0x4e9: {  	[tilespmem:s12+$0x1E040] =	vst v8;
	v8 =	vmul.f32 v9, v5  }
0x4ea: {  	v9 =	vld [tilespmem:s13+$0x50]  }
0x4eb: {  	v10 =	vmul.f32 v11, v4;
	v11 =	vld [tilespmem:s15+$0x50];
	_ =	sdelay $0x3  }
0x4ec: {  	v9 =	vmul.f32 v9, v6  }
0x4ed: {  	v11 =	vmul.f32 v11, v3  }
0x4ee: {  	v8 =	vadd.f32 v9, v8  }
0x4ef: {  	v9 =	vld [tilespmem:s12+$0x15060]  }
0x4f0: {  	v8 =	vadd.f32 v10, v8  }
0x4f1: {  	v10 =	vld [tilespmem:s12+$0x18060]  }
0x4f2: {  	v8 =	vadd.f32 v11, v8;
	_ =	sdelay $0x1  }
0x4f3: {  	[tilespmem:s12+$0x1E050] =	vst v8;
	v8 =	vmul.f32 v9, v5  }
0x4f4: {  	v9 =	vld [tilespmem:s13+$0x60]  }
0x4f5: {  	v10 =	vmul.f32 v10, v4;
	v11 =	vld [tilespmem:s15+$0x60];
	_ =	sdelay $0x3  }
0x4f6: {  	v9 =	vmul.f32 v9, v6  }
0x4f7: {  	v11 =	vmul.f32 v11, v3  }
0x4f8: {  	v8 =	vadd.f32 v9, v8;
	v9 =	vld [tilespmem:s12+$0x19C00];
	_ =	sdelay $0x1  }
0x4f9: {  	v8 =	vadd.f32 v10, v8;
	_ =	sdelay $0x1  }
0x4fa: {  	v8 =	vadd.f32 v11, v8  }
0x4fb: {  	v9 =	vmul.f32 v9, v3  }
0x4fc: {  	[tilespmem:s12+$0x1E060] =	vst v8;
	v8 =	vld [tilespmem:s12+$0x15070]  }
0x4fd: {  	v10 =	vld [tilespmem:s13+$0x70];
	v7 =	vadd.f32 v9, v7  }
0x4fe: {  	v9 =	vld [tilespmem:s15+$0x70]  }
0x4ff: {  	v11 =	vld [tilespmem:s12+$0x18070];
	[tilespmem:s12+$0x1E400] =	vst v7;
	_ =	sdelay $0x2  }
0x500: {  	v7 =	vmul.f32 v8, v5;
	v8 =	vmul.f32 v10, v6  }
0x501: {  	v9 =	vmul.f32 v9, v3  }
0x502: {  	v7 =	vadd.f32 v8, v7;
	v8 =	vmul.f32 v11, v4;
	_ =	sdelay $0x1  }
0x503: {  	v7 =	vadd.f32 v8, v7;
	_ =	sdelay $0x1  }
0x504: {  	v7 =	vadd.f32 v9, v7;
	_ =	sdelay $0x1  }
0x505: {  	s13 =	sadd.s32 $0x15400, s12;
	[tilespmem:s12+$0x1E070] =	vst v7  }
0x506: {  	s15 =	sadd.s32 $0x16C00, s12;
	v7 =	vld [tilespmem:s13+$0x10]  }
0x507: {  	s20 =	sadd.s32 $0x18400, s12;
	v8 =	vld [tilespmem:s15+$0x10]  }
0x508: {  	s21 =	sadd.s32 $0x19C00, s12;
	v9 =	vld [tilespmem:s20+$0x10]  }
0x509: {  	v10 =	vld [tilespmem:s21+$0x10];
	_ =	sdelay $0x1  }
0x50a: {  	v7 =	vmul.f32 v7, v5  }
0x50b: {  	v8 =	vmul.f32 v8, v6  }
0x50c: {  	v9 =	vmul.f32 v9, v4  }
0x50d: {  	v7 =	vadd.f32 v8, v7;
	v8 =	vmul.f32 v10, v3;
	_ =	sdelay $0x1  }
0x50e: {  	v7 =	vadd.f32 v9, v7;
	_ =	sdelay $0x1  }
0x50f: {  	v7 =	vadd.f32 v8, v7  }
0x510: {  	s22 =	sadd.s32 $0x1E400, s12  }
0x511: {  	[tilespmem:s22+$0x10] =	vst v7  }
0x512: {  	v7 =	vld [tilespmem:s15+$0x20]  }
0x513: {  	v8 =	vld [tilespmem:s13+$0x20]  }
0x514: {  	v9 =	vld [tilespmem:s20+$0x20]  }
0x515: {  	v10 =	vld [tilespmem:s21+$0x20];
	_ =	sdelay $0x1  }
0x516: {  	v7 =	vmul.f32 v7, v6  }
0x517: {  	v8 =	vmul.f32 v8, v5  }
0x518: {  	v9 =	vmul.f32 v9, v4  }
0x519: {  	v7 =	vadd.f32 v7, v8;
	v8 =	vmul.f32 v10, v3;
	_ =	sdelay $0x1  }
0x51a: {  	v7 =	vadd.f32 v9, v7;
	_ =	sdelay $0x1  }
0x51b: {  	v7 =	vadd.f32 v8, v7;
	_ =	sdelay $0x1  }
0x51c: {  	[tilespmem:s22+$0x20] =	vst v7  }
0x51d: {  	v7 =	vld [tilespmem:s13+$0x30]  }
0x51e: {  	v8 =	vld [tilespmem:s15+$0x30]  }
0x51f: {  	v9 =	vld [tilespmem:s20+$0x30]  }
0x520: {  	v10 =	vld [tilespmem:s21+$0x30];
	_ =	sdelay $0x1  }
0x521: {  	v7 =	vmul.f32 v7, v5  }
0x522: {  	v8 =	vmul.f32 v8, v6  }
0x523: {  	v9 =	vmul.f32 v9, v4  }
0x524: {  	v7 =	vadd.f32 v8, v7;
	v8 =	vmul.f32 v10, v3;
	_ =	sdelay $0x1  }
0x525: {  	v7 =	vadd.f32 v9, v7;
	_ =	sdelay $0x1  }
0x526: {  	v7 =	vadd.f32 v8, v7;
	_ =	sdelay $0x1  }
0x527: {  	[tilespmem:s22+$0x30] =	vst v7  }
0x528: {  	v7 =	vld [tilespmem:s13+$0x40]  }
0x529: {  	v8 =	vld [tilespmem:s15+$0x40]  }
0x52a: {  	v9 =	vld [tilespmem:s20+$0x40]  }
0x52b: {  	v10 =	vld [tilespmem:s21+$0x40];
	_ =	sdelay $0x1  }
0x52c: {  	v7 =	vmul.f32 v7, v5  }
0x52d: {  	v8 =	vmul.f32 v8, v6  }
0x52e: {  	v9 =	vmul.f32 v9, v4  }
0x52f: {  	v7 =	vadd.f32 v8, v7;
	v8 =	vmul.f32 v10, v3;
	_ =	sdelay $0x1  }
0x530: {  	v7 =	vadd.f32 v9, v7;
	_ =	sdelay $0x1  }
0x531: {  	v7 =	vadd.f32 v8, v7;
	_ =	sdelay $0x1  }
0x532: {  	[tilespmem:s22+$0x40] =	vst v7  }
0x533: {  	v7 =	vld [tilespmem:s13+$0x50]  }
0x534: {  	v8 =	vld [tilespmem:s15+$0x50]  }
0x535: {  	v9 =	vld [tilespmem:s21+$0x50]  }
0x536: {  	v10 =	vld [tilespmem:s20+$0x50];
	_ =	sdelay $0x1  }
0x537: {  	v7 =	vmul.f32 v7, v5  }
0x538: {  	v8 =	vmul.f32 v8, v6  }
0x539: {  	v9 =	vmul.f32 v9, v3  }
0x53a: {  	v7 =	vadd.f32 v8, v7;
	v8 =	vmul.f32 v10, v4;
	_ =	sdelay $0x1  }
0x53b: {  	v7 =	vadd.f32 v8, v7;
	_ =	sdelay $0x1  }
0x53c: {  	v7 =	vadd.f32 v9, v7;
	_ =	sdelay $0x1  }
0x53d: {  	[tilespmem:s22+$0x50] =	vst v7  }
0x53e: {  	v7 =	vld [tilespmem:s13+$0x60]  }
0x53f: {  	v8 =	vld [tilespmem:s15+$0x60]  }
0x540: {  	v9 =	vld [tilespmem:s20+$0x60]  }
0x541: {  	v10 =	vld [tilespmem:s21+$0x60];
	_ =	sdelay $0x1  }
0x542: {  	v7 =	vmul.f32 v7, v5  }
0x543: {  	v8 =	vmul.f32 v8, v6  }
0x544: {  	v9 =	vmul.f32 v9, v4  }
0x545: {  	v7 =	vadd.f32 v8, v7;
	v8 =	vmul.f32 v10, v3;
	_ =	sdelay $0x1  }
0x546: {  	v7 =	vadd.f32 v9, v7;
	_ =	sdelay $0x1  }
0x547: {  	v7 =	vadd.f32 v8, v7;
	_ =	sdelay $0x1  }
0x548: {  	[tilespmem:s22+$0x60] =	vst v7  }
0x549: {  	v7 =	vld [tilespmem:s13+$0x70]  }
0x54a: {  	v8 =	vld [tilespmem:s15+$0x70]  }
0x54b: {  	v9 =	vld [tilespmem:s20+$0x70]  }
0x54c: {  	v10 =	vld [tilespmem:s21+$0x70];
	_ =	sdelay $0x1  }
0x54d: {  	v7 =	vmul.f32 v7, v5  }
0x54e: {  	v8 =	vmul.f32 v8, v6  }
0x54f: {  	v9 =	vmul.f32 v9, v4  }
0x550: {  	v7 =	vadd.f32 v8, v7;
	_ =	sdelay $0x1  }
0x551: {  	v8 =	vmul.f32 v10, v3;
	v7 =	vadd.f32 v9, v7;
	_ =	sdelay $0x1  }
0x552: {  	v7 =	vadd.f32 v8, v7;
	_ =	sdelay $0x1  }
0x553: {  	[tilespmem:s22+$0x70] =	vst v7  }
0x554: {  	v7 =	vld [tilespmem:s12+$0x15800]  }
0x555: {  	v8 =	vld [tilespmem:s12+$0x17000]  }
0x556: {  	v9 =	vld [tilespmem:s12+$0x18800]  }
0x557: {  	v10 =	vld [tilespmem:s12+$0x1A000]  }
0x558: {  	v11 =	vld [tilespmem:s12+$0x17010]  }
0x559: {  	v7 =	vmul.f32 v7, v5;
	v12 =	vld [tilespmem:s12+$0x1A010]  }
0x55a: {  	v8 =	vmul.f32 v8, v6  }
0x55b: {  	v9 =	vmul.f32 v9, v4  }
0x55c: {  	v7 =	vadd.f32 v8, v7;
	v8 =	vmul.f32 v10, v3  }
0x55d: {  	v10 =	vmul.f32 v11, v6  }
0x55e: {  	v7 =	vadd.f32 v9, v7;
	v9 =	vmul.f32 v12, v3;
	_ =	sdelay $0x1  }
0x55f: {  	v7 =	vadd.f32 v8, v7;
	_ =	sdelay $0x1  }
0x560: {  	s13 =	sadd.s32 $0x15800, s12;
	[tilespmem:s12+$0x1E800] =	vst v7  }
0x561: {  	s20 =	sadd.s32 $0x18800, s12;
	v7 =	vld [tilespmem:s13+$0x10]  }
0x562: {  	v8 =	vld [tilespmem:s20+$0x10];
	_ =	sdelay $0x3  }
0x563: {  	v7 =	vmul.f32 v7, v5  }
0x564: {  	v8 =	vmul.f32 v8, v4  }
0x565: {  	v7 =	vadd.f32 v10, v7;
	_ =	sdelay $0x1  }
0x566: {  	v7 =	vadd.f32 v8, v7;
	_ =	sdelay $0x1  }
0x567: {  	v7 =	vadd.f32 v9, v7  }
0x568: {  	s15 =	sadd.s32 $0x1E800, s12  }
0x569: {  	[tilespmem:s15+$0x10] =	vst v7  }
0x56a: {  	v7 =	vld [tilespmem:s13+$0x20]  }
0x56b: {  	v8 =	vld [tilespmem:s12+$0x17020]  }
0x56c: {  	v9 =	vld [tilespmem:s12+$0x1A020]  }
0x56d: {  	v10 =	vld [tilespmem:s20+$0x20];
	_ =	sdelay $0x1  }
0x56e: {  	v7 =	vmul.f32 v7, v5  }
0x56f: {  	v8 =	vmul.f32 v8, v6  }
0x570: {  	v9 =	vmul.f32 v9, v3  }
0x571: {  	v7 =	vadd.f32 v8, v7;
	v8 =	vmul.f32 v10, v4;
	_ =	sdelay $0x1  }
0x572: {  	v7 =	vadd.f32 v8, v7;
	_ =	sdelay $0x1  }
0x573: {  	v7 =	vadd.f32 v9, v7;
	_ =	sdelay $0x1  }
0x574: {  	[tilespmem:s15+$0x20] =	vst v7  }
0x575: {  	v7 =	vld [tilespmem:s13+$0x30]  }
0x576: {  	v8 =	vld [tilespmem:s12+$0x17030]  }
0x577: {  	v9 =	vld [tilespmem:s20+$0x30]  }
0x578: {  	v10 =	vld [tilespmem:s12+$0x1A030];
	_ =	sdelay $0x1  }
0x579: {  	v7 =	vmul.f32 v7, v5  }
0x57a: {  	v8 =	vmul.f32 v8, v6  }
0x57b: {  	v9 =	vmul.f32 v9, v4  }
0x57c: {  	v7 =	vadd.f32 v8, v7;
	v8 =	vmul.f32 v10, v3;
	_ =	sdelay $0x1  }
0x57d: {  	v7 =	vadd.f32 v9, v7;
	_ =	sdelay $0x1  }
0x57e: {  	v7 =	vadd.f32 v8, v7;
	_ =	sdelay $0x1  }
0x57f: {  	[tilespmem:s15+$0x30] =	vst v7  }
0x580: {  	v7 =	vld [tilespmem:s12+$0x17040]  }
0x581: {  	v8 =	vld [tilespmem:s13+$0x40]  }
0x582: {  	v9 =	vld [tilespmem:s20+$0x40]  }
0x583: {  	v10 =	vld [tilespmem:s12+$0x1A040];
	_ =	sdelay $0x1  }
0x584: {  	v7 =	vmul.f32 v7, v6  }
0x585: {  	v8 =	vmul.f32 v8, v5  }
0x586: {  	v9 =	vmul.f32 v9, v4  }
0x587: {  	v7 =	vadd.f32 v7, v8;
	v8 =	vmul.f32 v10, v3;
	_ =	sdelay $0x1  }
0x588: {  	v7 =	vadd.f32 v9, v7;
	_ =	sdelay $0x1  }
0x589: {  	v7 =	vadd.f32 v8, v7;
	_ =	sdelay $0x1  }
0x58a: {  	[tilespmem:s15+$0x40] =	vst v7  }
0x58b: {  	v7 =	vld [tilespmem:s13+$0x50]  }
0x58c: {  	v8 =	vld [tilespmem:s12+$0x17050]  }
0x58d: {  	v9 =	vld [tilespmem:s20+$0x50]  }
0x58e: {  	v10 =	vld [tilespmem:s12+$0x1A050];
	_ =	sdelay $0x1  }
0x58f: {  	v7 =	vmul.f32 v7, v5  }
0x590: {  	v8 =	vmul.f32 v8, v6  }
0x591: {  	v9 =	vmul.f32 v9, v4  }
0x592: {  	v7 =	vadd.f32 v8, v7;
	v8 =	vmul.f32 v10, v3;
	_ =	sdelay $0x1  }
0x593: {  	v7 =	vadd.f32 v9, v7;
	_ =	sdelay $0x1  }
0x594: {  	v7 =	vadd.f32 v8, v7;
	_ =	sdelay $0x1  }
0x595: {  	[tilespmem:s15+$0x50] =	vst v7  }
0x596: {  	v7 =	vld [tilespmem:s13+$0x60]  }
0x597: {  	v8 =	vld [tilespmem:s12+$0x17060]  }
0x598: {  	v9 =	vld [tilespmem:s20+$0x60]  }
0x599: {  	v10 =	vld [tilespmem:s12+$0x1A060]  }
.Ltmp8:
0x59a: {  	(pc) =	sbr.rel @p0 .LBB2_15-.Ltmp8, $4  }
0x59b: {  	v11 =	vmul.f32 v7, v5  }
0x59c: {  	v8 =	vmul.f32 v8, v6  }
0x59d: {  	v7 =	vmul.f32 v9, v4  }
0x59e: {  	v9 =	vadd.f32 v8, v11;
	v8 =	vmul.f32 v10, v3  }
0x59f: {  	_ = 	snop  }
0x5a0: {  	v7 =	vadd.f32 v7, v9;
	_ =	sdelay $0x1  }
0x5a1: {  	v7 =	vadd.f32 v8, v7;
	_ =	sdelay $0x1  }
0x5a2: {  	[tilespmem:s15+$0x60] =	vst v7  }
0x5a3: {  	v7 =	vld [tilespmem:s13+$0x70]  }
0x5a4: {  	v62 =	vld [tilespmem:s12+$0x17070];
	_ =	sdelay $0x1  }
0x5a5: {  	v63 =	vld [tilespmem:s20+$0x70];
	_ =	sdelay $0x1  }
0x5a6: {  	v10 =	vld [tilespmem:s12+$0x1A070]  }
0x5a7: {  	v5 =	vmul.f32 v7, v5;
	v6 =	vmul.f32 v62, v6;
	_ =	sdelay $0x1  }
0x5a8: {  	v4 =	vmul.f32 v63, v4;
	v5 =	vadd.f32 v6, v5  }
0x5a9: {  	s8 =	sadd.s32 $0x1, s8  }
0x5aa: {  	s9 =	sadd.s32 s5, s9;
	p0 =	sne.s32 s8, $0x60;
	v3 =	vmul.f32 v10, v3;
	v4 =	vadd.f32 v4, v5  }
.Ltmp9:
0x5ab: {  	s9 =	sshrl.u32 s9, $0x3;
	(pc) =	sbr.rel @p0 .LBB2_2-.Ltmp9, $4  }
0x5ac: {  	s9 =	smul.u32 $0x180, s9;
	v3 =	vadd.f32 v3, v4  }
0x5ad: {  	s7 =	sadd.s32 $0x30, s7  }
0x5ae: {  	s0 =	sadd.s32 $0x30, s0;
	s6 =	sadd.s32 $0x30, s6;
	s9 =	sadd.s32 s2, s9;
	[tilespmem:s15+$0x70] =	vst v3  }
0x5af: {  	[hbm4b:s9+s3] =	stream.linear.scatter [tilespmem:s1], [sflag:$0x6], $0x1800, $0x38;
	[tilespmem:$0x1F800] =	vst v63  }
0x5b0: {  	s0 =	simm.s32 $0x4  }
0x5b1: {  	_ =	swait.ge [sflag:s0], $0x1800  }
0x5b2: {  	[sflag:s0] =	ssyncset.done $0x0  }
0x5b3: {  	[sflag:s0] =	ssyncadd.s32 $0xFFFFE800  }
0x5b4: {  	_ =	swait.ge [sflag:s28], $0x1800  }
0x5b5: {  	[sflag:s28] =	ssyncset.done $0x0  }
0x5b6: {  	[sflag:s28] =	ssyncadd.s32 $0xFFFFE800  }
0x5b7: {  	_ =	swait.ge [sflag:s31], $0x1800  }
0x5b8: {  	s6 =	rddreg [dreg:$0x9]  }
0x5b9: {  	s22 =	rddreg [dreg:$0x8];
	s6 =	sadd.s32 $0x1, s6  }
0x5ba: {  	p0 =	sne.s32 s6, s22  }
.Ltmp10:
0x5bb: {  	_ = 	snop;
	(pc) =	sbr.rel @p0 .LBB2_1-.Ltmp10, $3  }
0x5bc: {  	_ =	sdelay $0x1  }
0x5bd: {  	[sflag:s31] =	ssyncset.done $0x0  }
0x5be: {  	[sflag:s31] =	ssyncadd.s32 $0xFFFFE800  }
0x5bf: {  	_ =	sfence.sel $0x180000  }
0x5c0: {  	[bflag:$0x0] =	sbarrier.arrive $0xFFFF  }
0x5c1: {  	_ =	strace $0x9000004D  }
0x5c2: {  	s0 =	stileid.u32;
	[bflag:$0x2] =	sbarrier.arrive $0xFFFF  }
0x5c3: {  	p0 =	sne.s32 s0, $0x0;
	s0 =	rddreg [dreg:$0x2]  }
0x5c4: {  	s0 =	sadd.s32 @!p0 $0x100000, s0  }
0x5c5: {  	[sflag:s0] =	ssyncadd.tile.s32 @!p0 $0x1;
	_ =	shalt  }
.Lfunc_end2:
_tile_overlayer_lowered:
.L_overlay_start_2:
0x5c6: {  	(tag) =	ssettag $0x2  }
0x5c7: {  	s0 =	rddreg [dreg:$0x0];
	s2 =	stileid.u32  }
0x5c8: {  	s1 =	rddreg [dreg:$0x1];
	p0 =	sne.s32 s2, $0x0  }
0x5c9: {  	s3 =	rddreg [dreg:$0x2];
	[bflag:$0x3] =	sbarrier.arrive $0xFFFF;
	s2 =	simm.s32 @!p0 $0x1C07  }
0x5ca: {  	[timem:s3], [sflag:s2] =	dma.local @!p0 [hbm:s0], s1  }
0x5cb: {  	s0 =	simm.s32 @!p0 $0x7  }
0x5cc: {  	_ =	swait.ge @!p0 [sflag:s0], s1  }
0x5cd: {  	s1 =	ssub.s32 @!p0 $0x0, s1;
	[sflag:s0] =	ssyncset.done @!p0 $0x0  }
0x5ce: {  	[sflag:s0] =	ssyncadd.s32 @!p0 s1  }
0x5cf: {  	[bflag:$0x3] =	sbarrier.arrive $0xFFFF  }
0x5d0: {  	_ =	shalt  }

// kernel: sparse-core-data-format-call.1.cloned.1.call-start
scs
called_computation.1_lowered:
.L_overlay_start_0:
0x0: {  	s2 =	sld [smem:$0x3FD9]  }
0x1: {  	s3 =	sld [smem:$0x3FFE];
	_ =	sdelay $0x1  }
0x2: {  	s1 =	srdreg.scid  }
0x3: {  	s0 =	sand.u32 $0x1, s1  }
0x4: {  	s18 =	sshll.u32 s0, $0xA;
	s2 =	sadd.s32 s3, s2  }
0x5: {  	s2 =	sadd.s32 s2, s18  }
0x6: {  	[smem:$0x3FC6] =	sst s2  }
0x7: {  	_ = 	snop  }
0x8: {  	s2 =	sld [smem:$0x3FD0];
	(tm) =	ssettm $0x1  }
0x9: {  	s19 =	sld [smem:$0x3FFB];
	_ =	sdelay $0x3  }
0xa: {  	_ =	strace s19  }
0xb: {  	s3 =	sld [smem:$0x3FFC];
	_ =	sdelay $0x3  }
0xc: {  	_ =	strace s3  }
0xd: {  	s3 =	sld [smem:$0x3FFD];
	_ =	sdelay $0x3  }
0xe: {  	_ =	strace s3  }
0xf: {  	_ =	strace $0x8FFFFFFF  }
0x10: {  	s20 =	sld [smem:$0x3FDB];
	_ =	sdelay $0x1  }
0x11: {  	s4 =	simm.s32 $_scs_section_size  }
0x12: {  	s5 =	simm.s32 $_size__tile_overlayer_lowered;
	s6 =	simm.s32 $_tile_overlayer_lowered  }
0x13: {  	s23 =	simm.s32 $0x1BFF;
	s22 =	sshll.u32 s6, $0x1;
	s3 =	sadd.s32 s4, s20  }
0x14: {  	s7 =	simm.s32 $0x0;
	s21 =	sshll.u32 s5, $0x1;
	s5 =	sadd.s32 s22, s3  }
0x15: {  	[timem:s7], [sflag:s23] =	dma.local [hbm:s5], s21  }
0x16: {  	_ =	swait.ge [sflag:s23], s21  }
0x17: {  	s4 =	ssub.s32 $0x0, s21;
	[sflag:s23] =	ssyncset.done $0x0  }
0x18: {  	[sflag:s23] =	ssyncadd.s32 s4;
	_ =	sdelay $0x1  }
0x19: {  	s24 =	simm.s32 $0x1B8B  }
0x1a: {  	_ =	swait.ge [sflag:s24], $0x1  }
0x1b: {  	[sflag:s24] =	ssyncset.done $0x0  }
0x1c: {  	s26 =	simm.s32 $0x1B8E;
	s25 =	sld [smem:$0x3FFE];
	[sflag:s24] =	ssyncadd.s32 $0xFFFFFFFF  }
0x1d: {  	s27 =	simm.s32 $execute0_lowered;
	[smem:$0x3FD2] =	sst s26  }
0x1e: {  	s5 =	sshll.u32 s27, $0x1;
	_ =	strace $0x8000004F;
	[dreg:$0x1] =	wrdreg $0xFFFFFFFF  }
0x1f: {  	s28 =	simm.s32 $_size_execute0_lowered;
	s3 =	sadd.s32 s3, s5;
	[dreg:$0x0] =	wrdreg $0x0  }
0x20: {  	s5 =	sshll.u32 s28, $0x1;
	[dreg:$0x2] =	wrdreg s3  }
0x21: {  	[dreg:$0x3] =	wrdreg s5  }
0x22: {  	[dreg:$0x4] =	wrdreg $0xC0  }
0x23: {  	_ =	task [dreg:s7], $0x5FFFF  }
0x24: {  	[dreg:$0x1] =	wrdreg $0xFFFFFFFF  }
0x25: {  	[dreg:$0x0] =	wrdreg $0x60  }
0x26: {  	[dreg:$0x2] =	wrdreg s2  }
0x27: {  	[dreg:$0x3] =	wrdreg s25  }
0x28: {  	[dreg:$0x4] =	wrdreg $0x9  }
0x29: {  	_ =	task.clear_ibuf [dreg:s7], $0x5FFFF;
	_ =	strace $0x9000004F  }
0x2a: {  	s29 =	simm.s32 $0x9;
	_ =	strace $0x80000051  }
0x2b: {  	_ =	swait.ge [sflag:s29], $0x1  }
0x2c: {  	[sflag:s29] =	ssyncadd.s32 $0xFFFFFFFF  }
0x2d: {  	_ =	strace $0x90000051  }
0x2e: {  	_ =	sfence  }
0x2f: {  	s30 =	sld [smem:$0x0];
	_ =	sdelay $0x2  }
0x30: {  	s31 =	sshll.u32 s1, $0xD;
	s1 =	sshrl.u32 s1, $0x2  }
0x31: {  	s3 =	sand.u32 $0x4000, s31;
	s1 =	sadd.s32 s1, s30  }
0x32: {  	s0 =	sor.u32 s3, s0;
	s1 =	sshll.u32 s1, $0x11  }
0x33: {  	s0 =	sor.u32 s1, s0  }
0x34: {  	s0 =	sadd.s32 $0x8F2B, s0  }
0x35: {  	[sflag:s0] =	ssyncadd.remote.s32 $0x1  }
0x36: {  	_ =	sfence.sel $0xFFFF  }
0x37: {  	[dreg:$0x0] =	wrdreg $0xFFFFFFFF;
	(pc) =	sbr.abs _section_cstart, $3  }
0x38: {  	[dreg:$0x1] =	wrdreg $0xFFFFFFFF  }
0x39: {  	_ =	task.clear_ibuf [dreg:s7], $0x2FFFF;
	_ =	strace $0x9FFFFFFF  }
0x3a: {  	(tm) =	ssettm $0x7FFFFFFF  }
0x3b: {  	_ =	shalt  }
tec
execute0_lowered:
.L_overlay_start_1:
0x0: {  	(tag) =	ssettag $0x1  }
0x1: {  	s0 =	srdreg.scid  }
0x2: {  	s1 =	sshll.u32 s0, $0x4  }
0x3: {  	s0 =	stileid.u32;
	s1 =	sand.u32 $0x10, s1  }
0x4: {  	s3 =	rddreg [dreg:$0x0];
	s1 =	sor.u32 s0, s1  }
0x5: {  	s6 =	rddreg [dreg:$0x1];
	s2 =	sshll.u32 s1, $0x7  }
0x6: {  	s7 =	simm.s32 $0x2;
	s12 =	simm.s32 $0x0;
	s1 =	ssub.s32 $0x24000, s2  }
0x7: {  	s8 =	simm.s32 $0x120000;
	s13 =	simm.s32 $0x0;
	s4 =	sand.u32 $0xF80, s1  }
0x8: {  	s9 =	simm.s32 $0x0;
	p0 =	sne.s32 s4, $0x0;
	s4 =	simm.s32 $0x1  }
.Ltmp0:
0x9: {  	s5 =	sshrl.u32 s1, $0xC;
	s4 =	simm.s32 @!p0 $0x0;
	(pc) =	sbr.rel .LBB1_1-.Ltmp0, $4  }
0xa: {  	s11 =	simm.s32 $0x0;
	s1 =	rddreg [dreg:$0x2];
	s5 =	sadd.s32 s4, s5  }
0xb: {  	_ =	strace $0x80000050;
	s4 =	simm.s32 $0x1;
	s5 =	smul.u32 $0x3, s5  }
0xc: {  	s6 =	sadd.s32 $0x2600, s6;
	s10 =	smov.u32 s2;
	[sflag:s4] =	ssyncpa.u1 $0x0  }
0xd: {  	p0 =	por $0x0, $0x0;
	[sflag:s7] =	ssyncpa.u1 $0x0;
	s7 =	sadd.s32 $0x1, s5  }
.LBB1_4:
0xe: {  	s19 =	sshrl.u32 s12, $0x3  }
0xf: {  	s20 =	sshll.u32 s13, $0x3;
	s19 =	smul.u32 $0x120000, s19  }
0x10: {  	s20 =	sand.u32 $0xFFFFFC00, s20  }
0x11: {  	s19 =	sadd.s32 s20, s19  }
0x12: {  	s25 =	sshll.u32 s12, $0x7;
	s20 =	smulhi.u32 $0x38E38E39, s19  }
0x13: {  	v5 =	vld [tilespmem:s16+$0xFFFFFFD0];
	[tilespmem:s17+$0x2040 ss:$0x81] =	vst.msk $0xffff, v4;
	s26 =	sand.u32 $0x7F, s13;
	s12 =	sand.u32 $0x380, s25  }
0x14: {  	v58 =	vld [tilespmem:s16+$0xFFFFFFE0];
	[tilespmem:s17+$0x2850 ss:$0x81] =	vst.msk $0xffff, v3;
	s12 =	sor.u32 s26, s12;
	s27 =	sshrl.u32 s20, $0xF  }
0x15: {  	s18 =	sshra.s32 s18, $0x2;
	v59 =	vld [tilespmem:s16+$0xFFFFFFF0];
	[tilespmem:s17+$0x3060 ss:$0x81] =	vst.msk $0xffff, v2;
	s12 =	sor.u32 s19, s12;
	s28 =	smul.u32 $0x2AAB, s27  }
0x16: {  	v60 =	vld [tilespmem:s16+$0x0];
	[tilespmem:s17+$0x0 ss:$0x81] =	vst.msk $0xffff, v0;
	s15 =	sadd.s32 s18, s15;
	s29 =	smulhi.u32 $0x38E38E39, s12  }
0x17: {  	v61 =	vld [tilespmem:s16+$0x10];
	[tilespmem:s15+$0x3870 ss:$0x81] =	vst.msk $0xffff, v1;
	s30 =	sshrl.u32 s28, $0x16  }
0x18: {  	v62 =	vld [tilespmem:s16+$0x20];
	[tilespmem:s15+$0x810 ss:$0x81] =	vst.msk $0xffff, v5;
	s17 =	sshrl.u32 s29, $0xF;
	s18 =	smul.u32 $0x180, s30  }
0x19: {  	v63 =	vld [tilespmem:s16+$0xFFFFFFC0];
	[tilespmem:s15+$0x1020 ss:$0x81] =	vst.msk $0xffff, v58;
	s31 =	smul.u32 $0x24000, s17  }
0x1a: {  	[tilespmem:s15+$0x1830 ss:$0x81] =	vst.msk $0xffff, v59;
	s13 =	ssub.s32 s27, s18  }
0x1b: {  	[tilespmem:s15+$0x2040 ss:$0x81] =	vst.msk $0xffff, v60;
	s12 =	ssub.s32 s12, s31;
	s13 =	sand.u32 $0xFFFF, s13  }
0x1c: {  	[tilespmem:s15+$0x2850 ss:$0x81] =	vst.msk $0xffff, v61;
	s16 =	sshrl.u32 s12, $0x3;
	s12 =	sand.u32 $0x7, s12;
	s13 =	smul.u32 $0x4800, s13  }
0x1d: {  	[tilespmem:s15+$0x3060 ss:$0x81] =	vst.msk $0xffff, v62;
	s16 =	sadd.s32 s6, s16;
	s12 =	sshll.u32 s12, $0x12  }
0x1e: {  	[tilespmem:s15+$0x0 ss:$0x81] =	vst.msk $0xffff, v63;
	s12 =	sor.u32 $0x400, s12;
	s13 =	sadd.s32 s13, s16  }
0x1f: {  	[hbm4b:s13+s12] =	stream.strided.scatter [tilespmem:s14], [sflag:$0x2], $0x4000, s8, s12, $0x20;
	[tilespmem:$0x10100] =	vst v63  }
.LBB1_5:
0x20: {  	s14 =	sadd.s32 $0x80, s9  }
0x21: {  	s12 =	sadd.s32 $0x1000, s10;
	s16 =	smov.u32 s10;
	p2 =	sgt.s32 s14, $0x17F  }
0x22: {  	s16 =	smov.u32 @p2 s12  }
0x23: {  	s14 =	simm.s32 @p2 $0x0;
	p2 =	sgt.s32 s16, $0x23FFF  }
0x24: {  	s16 =	smov.u32 @p2 s2;
	p2 =	sne.s32 s11, s7  }
.Ltmp1:
0x25: {  	p1 =	slt.u32 s11, $0x2;
	(pc) =	sbr.rel @!p2 .LBB1_6-.Ltmp1, $4  }
0x26: {  	s15 =	simm.s32 @!p1 $0x2  }
0x27: {  	s13 =	smov.u32 s10;
	p0 =	por !p0, !p0;
	_ =	swait.ge @!p1 [sflag:s15], $0x4000  }
0x28: {  	s12 =	smov.u32 s9;
	[sflag:s15] =	ssyncset.done @!p1 $0x0;
	s9 =	smov.u32 s14  }
0x29: {  	s11 =	sadd.s32 $0x1, s11;
	[sflag:s15] =	ssyncadd.s32 @!p1 $0xFFFFC000;
	s10 =	smov.u32 s16  }
.LBB1_1:
0x2a: {  	p1 =	sge.u32 s11, s5  }
0x2b: {  	s14 =	sshrl.u32 @!p1 s10, $0x3  }
0x2c: {  	s15 =	sshll.u32 @!p1 s9, $0x3;
	s14 =	smul.u32 @!p1 $0xC00, s14  }
0x2d: {  	s16 =	sshll.u32 @!p1 s10, $0x7;
	s15 =	sand.u32 @!p1 $0xFFFFFC00, s15  }
0x2e: {  	s14 =	sadd.s32 @!p1 s14, s15;
	s15 =	sand.u32 @!p1 $0x380, s16  }
0x2f: {  	s14 =	sor.u32 @!p1 s15, s14  }
0x30: {  	s15 =	sand.u32 @!p1 $0x7F, s9;
	s16 =	smulhi.u32 @!p1 $0xAAAAAAAB, s14  }
0x31: {  	s14 =	sor.u32 @!p1 s15, s14  }
0x32: {  	s15 =	smulhi.u32 @!p1 $0xAAAAAAAB, s14;
	s16 =	sshrl.u32 @!p1 s16, $0x8  }
0x33: {  	s17 =	smulhi.u32 @!p1 $0xE38E39, s16  }
0x34: {  	s15 =	sshrl.u32 @!p1 s15, $0x8  }
0x35: {  	s15 =	smul.u32 @!p1 $0x180, s15;
	s17 =	sshrl.u32 @!p1 s17, $0x9  }
0x36: {  	s17 =	smul.u32 @!p1 $0x24000, s17  }
0x37: {  	s31 =	sadd.s32 $0xFFFFFFFF, s11;
	s18 =	sxor.u32 @!p1 $0xFFFFFFFF, s11  }
0x38: {  	s14 =	ssub.s32 @!p1 s14, s15;
	s15 =	sshll.u32 @!p1 s18, $0xE;
	s16 =	ssub.s32 @!p1 s16, s17  }
0x39: {  	s17 =	sshrl.u32 @!p1 s14, $0x3;
	s14 =	sand.u32 @!p1 $0x7, s14;
	s16 =	smul.u32 @!p1 $0x30, s16  }
0x3a: {  	s15 =	sand.u32 @!p1 $0x4000, s15;
	s17 =	sadd.s32 @!p1 s3, s17;
	s14 =	sshll.u32 @!p1 s14, $0x12  }
0x3b: {  	s14 =	sor.u32 @!p1 $0x400, s14;
	s16 =	sadd.s32 @!p1 s16, s17;
	s17 =	simm.s32 @!p1 $0xC00  }
0x3c: {  	[tilespmem:s15], [sflag:$0x1] =	stream.strided.gather @!p1 [hbm4b:s16+s14], $0x4000, s17, s14, $0x38;
	[tilespmem:$0x10100] =	vst v63  }
0x3d: {  	p1 =	sge.u32 s31, s5  }
.Ltmp2:
0x3e: {  	_ = 	snop;
	(pc) =	sbr.rel @p1 .LBB1_5-.Ltmp2, $1  }
0x3f: {  	_ =	sdelay $0x3  }
0x40: {  	s14 =	simm.s32 $0x1  }
0x41: {  	_ =	swait.ge [sflag:s4], $0x4000;
	s14 =	simm.s32 @!p0 $0x0  }
0x42: {  	[sflag:s4] =	ssyncset.done $0x0;
	s15 =	sshll.u32 s14, $0xE  }
0x43: {  	[sflag:s4] =	ssyncadd.s32 $0xFFFFC000;
	s16 =	sor.u32 $0x40, s15  }
0x44: {  	s14 =	smul.u32 $0x10200, s14;
	v0 =	vld [tilespmem:s16+$0x30]  }
0x45: {  	v1 =	vld [tilespmem:s16+$0xFFFFFFD0]  }
0x46: {  	s14 =	sshrl.u32 s14, $0x2;
	v5 =	vld [tilespmem:s16+$0xFFFFFFE0]  }
0x47: {  	v6 =	vld [tilespmem:s16+$0xFFFFFFF0];
	s15 =	sor.u32 $0x8000, s14  }
0x48: {  	s31 =	sand.u32 $0x1, s11;
	v4 =	vld [tilespmem:s16+$0x0];
	s17 =	sadd.s32 $0x0, s15  }
0x49: {  	v3 =	vld [tilespmem:s16+$0x10];
	s14 =	smul.u32 $0x10200, s31;
	[tilespmem:s17+$0x3870 ss:$0x81] =	vst.msk $0xffff, v0  }
0x4a: {  	v2 =	vld [tilespmem:s16+$0x20];
	[tilespmem:s17+$0x810 ss:$0x81] =	vst.msk $0xffff, v1  }
0x4b: {  	s14 =	sshrl.u32 s14, $0x2;
	v0 =	vld [tilespmem:s16+$0xFFFFFFC0];
	[tilespmem:s17+$0x1020 ss:$0x81] =	vst.msk $0xffff, v5;
	s16 =	sadd.s32 $0x80, s16  }
0x4c: {  	s18 =	simm.s32 $0x4;
	s19 =	simm.s32 $0x8;
	s14 =	sor.u32 $0x8000, s14;
	[tilespmem:s17+$0x1830 ss:$0x81] =	vst.msk $0xffff, v6;
	v1 =	vld [tilespmem:s16+$0x30]  }
.LBB1_3:
0x4d: {  	p1 =	sne.s32 s19, $0x1FC;
	v5 =	vld [tilespmem:s16+$0xFFFFFFD0];
	[tilespmem:s17+$0x2040 ss:$0x81] =	vst.msk $0xffff, v4  }
0x4e: {  	v6 =	vld [tilespmem:s16+$0xFFFFFFE0];
	[tilespmem:s17+$0x2850 ss:$0x81] =	vst.msk $0xffff, v3  }
0x4f: {  	s20 =	sshra.s32 s18, $0x2;
	s18 =	smov.u32 s19;
	v7 =	vld [tilespmem:s16+$0xFFFFFFF0];
	[tilespmem:s17+$0x3060 ss:$0x81] =	vst.msk $0xffff, v2  }
.Ltmp3:
0x50: {  	v4 =	vld [tilespmem:s16+$0x0];
	[tilespmem:s17+$0x0 ss:$0x81] =	vst.msk $0xffff, v0;
	s17 =	sadd.s32 s20, s15;
	(pc) =	sbr.rel @p1 .LBB1_3-.Ltmp3, $4  }
0x51: {  	v3 =	vld [tilespmem:s16+$0x10];
	[tilespmem:s17+$0x3870 ss:$0x81] =	vst.msk $0xffff, v1  }
0x52: {  	[tilespmem:s17+$0x810 ss:$0x81] =	vst.msk $0xffff, v5;
	v2 =	vld [tilespmem:s16+$0x20]  }
0x53: {  	v0 =	vld [tilespmem:s16+$0xFFFFFFC0];
	[tilespmem:s17+$0x1020 ss:$0x81] =	vst.msk $0xffff, v6;
	s16 =	sadd.s32 $0x80, s16  }
0x54: {  	s19 =	sadd.s32 $0x4, s19;
	v1 =	vld [tilespmem:s16+$0x30];
	[tilespmem:s17+$0x1830 ss:$0x81] =	vst.msk $0xffff, v7  }
.Ltmp4:
0x55: {  	_ = 	snop;
	(pc) =	sbr.rel .LBB1_4-.Ltmp4, $1  }
0x56: {  	_ =	sdelay $0x3  }
.LBB1_6:
0x57: {  	_ =	sfence.sel $0x180000  }
0x58: {  	s2 =	simm.s32 $0x1;
	[bflag:$0x0] =	sbarrier.arrive $0xFFFF  }
0x59: {  	s31 =	simm.s32 $0x2;
	[sflag:s2] =	ssyncpa.u1 $0x1  }
0x5a: {  	[sflag:s31] =	ssyncpa.u1 $0x1  }
0x5b: {  	p0 =	sne.s32 s0, $0x0;
	_ =	strace $0x90000050  }
0x5c: {  	s0 =	sadd.s32 @!p0 $0x100000, s1;
	[bflag:$0x2] =	sbarrier.arrive $0xFFFF  }
0x5d: {  	[sflag:s0] =	ssyncadd.tile.s32 @!p0 $0x1;
	_ =	shalt  }
.Lfunc_end1:
_tile_overlayer_lowered:
.L_overlay_start_2:
0x5e: {  	(tag) =	ssettag $0x2  }
0x5f: {  	s0 =	rddreg [dreg:$0x0];
	s2 =	stileid.u32  }
0x60: {  	s1 =	rddreg [dreg:$0x1];
	p0 =	sne.s32 s2, $0x0  }
0x61: {  	s3 =	rddreg [dreg:$0x2];
	[bflag:$0x3] =	sbarrier.arrive $0xFFFF;
	s2 =	simm.s32 @!p0 $0x1C01  }
0x62: {  	[timem:s3], [sflag:s2] =	dma.local @!p0 [hbm:s0], s1  }
0x63: {  	s0 =	simm.s32 @!p0 $0x1  }
0x64: {  	_ =	swait.ge @!p0 [sflag:s0], s1  }
0x65: {  	s1 =	ssub.s32 @!p0 $0x0, s1;
	[sflag:s0] =	ssyncset.done @!p0 $0x0  }
0x66: {  	[sflag:s0] =	ssyncadd.s32 @!p0 s1  }
0x67: {  	[bflag:$0x3] =	sbarrier.arrive $0xFFFF  }
0x68: {  	_ =	shalt  }

// kernel: sparse-core-data-format-call.2.cloned.1.call-start
scs
called_computation.2_lowered:
.L_overlay_start_0:
0x0: {  	s2 =	sld [smem:$0x3FD9]  }
0x1: {  	s3 =	sld [smem:$0x3FFE];
	_ =	sdelay $0x1  }
0x2: {  	s1 =	srdreg.scid  }
0x3: {  	s0 =	sand.u32 $0x1, s1  }
0x4: {  	s18 =	sshll.u32 s0, $0xA;
	s2 =	sadd.s32 s3, s2  }
0x5: {  	s2 =	sadd.s32 s2, s18  }
0x6: {  	[smem:$0x3FC6] =	sst s2  }
0x7: {  	_ = 	snop  }
0x8: {  	s2 =	sld [smem:$0x3FD0];
	(tm) =	ssettm $0x1  }
0x9: {  	s19 =	sld [smem:$0x3FFB];
	_ =	sdelay $0x3  }
0xa: {  	_ =	strace s19  }
0xb: {  	s3 =	sld [smem:$0x3FFC];
	_ =	sdelay $0x3  }
0xc: {  	_ =	strace s3  }
0xd: {  	s3 =	sld [smem:$0x3FFD];
	_ =	sdelay $0x3  }
0xe: {  	_ =	strace s3  }
0xf: {  	_ =	strace $0x8FFFFFFF  }
0x10: {  	s20 =	sld [smem:$0x3FDB];
	_ =	sdelay $0x1  }
0x11: {  	s4 =	simm.s32 $_scs_section_size  }
0x12: {  	s5 =	simm.s32 $_size__tile_overlayer_lowered;
	s6 =	simm.s32 $_tile_overlayer_lowered  }
0x13: {  	s23 =	simm.s32 $0x1BFF;
	s22 =	sshll.u32 s6, $0x1;
	s3 =	sadd.s32 s4, s20  }
0x14: {  	s7 =	simm.s32 $0x0;
	s21 =	sshll.u32 s5, $0x1;
	s5 =	sadd.s32 s22, s3  }
0x15: {  	[timem:s7], [sflag:s23] =	dma.local [hbm:s5], s21  }
0x16: {  	_ =	swait.ge [sflag:s23], s21  }
0x17: {  	s4 =	ssub.s32 $0x0, s21;
	[sflag:s23] =	ssyncset.done $0x0  }
0x18: {  	[sflag:s23] =	ssyncadd.s32 s4;
	_ =	sdelay $0x1  }
0x19: {  	s24 =	simm.s32 $0x1B8B  }
0x1a: {  	_ =	swait.ge [sflag:s24], $0x1  }
0x1b: {  	[sflag:s24] =	ssyncset.done $0x0  }
0x1c: {  	s26 =	simm.s32 $0x1B8E;
	s25 =	sld [smem:$0x3FFE];
	[sflag:s24] =	ssyncadd.s32 $0xFFFFFFFF  }
0x1d: {  	s27 =	simm.s32 $execute0_lowered;
	[smem:$0x3FD2] =	sst s26  }
0x1e: {  	s5 =	sshll.u32 s27, $0x1;
	_ =	strace $0x80000049;
	[dreg:$0x1] =	wrdreg $0xFFFFFFFF  }
0x1f: {  	s28 =	simm.s32 $_size_execute0_lowered;
	s3 =	sadd.s32 s3, s5;
	[dreg:$0x0] =	wrdreg $0x0  }
0x20: {  	s5 =	sshll.u32 s28, $0x1;
	[dreg:$0x2] =	wrdreg s3  }
0x21: {  	[dreg:$0x3] =	wrdreg s5  }
0x22: {  	[dreg:$0x4] =	wrdreg $0xC0  }
0x23: {  	_ =	task [dreg:s7], $0x5FFFF  }
0x24: {  	[dreg:$0x1] =	wrdreg $0xFFFFFFFF  }
0x25: {  	[dreg:$0x0] =	wrdreg $0x60  }
0x26: {  	[dreg:$0x2] =	wrdreg s2  }
0x27: {  	[dreg:$0x3] =	wrdreg s25  }
0x28: {  	[dreg:$0x4] =	wrdreg $0x9  }
0x29: {  	_ =	task.clear_ibuf [dreg:s7], $0x5FFFF;
	_ =	strace $0x90000049  }
0x2a: {  	s29 =	simm.s32 $0x9;
	_ =	strace $0x8000004B  }
0x2b: {  	_ =	swait.ge [sflag:s29], $0x1  }
0x2c: {  	[sflag:s29] =	ssyncadd.s32 $0xFFFFFFFF  }
0x2d: {  	_ =	strace $0x9000004B  }
0x2e: {  	_ =	sfence  }
0x2f: {  	s30 =	sld [smem:$0x0];
	_ =	sdelay $0x2  }
0x30: {  	s31 =	sshll.u32 s1, $0xD;
	s1 =	sshrl.u32 s1, $0x2  }
0x31: {  	s3 =	sand.u32 $0x4000, s31;
	s1 =	sadd.s32 s1, s30  }
0x32: {  	s0 =	sor.u32 s3, s0;
	s1 =	sshll.u32 s1, $0x11  }
0x33: {  	s0 =	sor.u32 s1, s0  }
0x34: {  	s0 =	sadd.s32 $0x8F2B, s0  }
0x35: {  	[sflag:s0] =	ssyncadd.remote.s32 $0x1  }
0x36: {  	_ =	sfence.sel $0xFFFF  }
0x37: {  	[dreg:$0x0] =	wrdreg $0xFFFFFFFF;
	(pc) =	sbr.abs _section_cstart, $3  }
0x38: {  	[dreg:$0x1] =	wrdreg $0xFFFFFFFF  }
0x39: {  	_ =	task.clear_ibuf [dreg:s7], $0x2FFFF;
	_ =	strace $0x9FFFFFFF  }
0x3a: {  	(tm) =	ssettm $0x7FFFFFFF  }
0x3b: {  	_ =	shalt  }
tec
execute0_lowered:
.L_overlay_start_1:
0x0: {  	(tag) =	ssettag $0x1  }
0x1: {  	s0 =	srdreg.scid  }
0x2: {  	s1 =	sshll.u32 s0, $0x4  }
0x3: {  	s0 =	stileid.u32;
	s1 =	sand.u32 $0x10, s1  }
0x4: {  	s3 =	rddreg [dreg:$0x0];
	s1 =	sor.u32 s0, s1  }
0x5: {  	s6 =	rddreg [dreg:$0x1];
	s2 =	sshll.u32 s1, $0x7  }
0x6: {  	s7 =	simm.s32 $0x2;
	s13 =	simm.s32 $0x0;
	s1 =	ssub.s32 $0x24000, s2  }
0x7: {  	s8 =	simm.s32 $0xC00;
	s12 =	simm.s32 $0x0;
	s4 =	sand.u32 $0xF80, s1  }
0x8: {  	s10 =	simm.s32 $0x0;
	p0 =	sne.s32 s4, $0x0;
	s4 =	simm.s32 $0x1  }
.Ltmp0:
0x9: {  	s5 =	sshrl.u32 s1, $0xC;
	s4 =	simm.s32 @!p0 $0x0;
	(pc) =	sbr.rel .LBB1_1-.Ltmp0, $4  }
0xa: {  	s11 =	simm.s32 $0x0;
	s1 =	rddreg [dreg:$0x2];
	s5 =	sadd.s32 s4, s5  }
0xb: {  	_ =	strace $0x8000004A;
	s4 =	simm.s32 $0x1;
	s5 =	smul.u32 $0x3, s5  }
0xc: {  	s6 =	sadd.s32 $0x26A00, s6;
	s9 =	smov.u32 s2;
	[sflag:s4] =	ssyncpa.u1 $0x0  }
0xd: {  	p0 =	por $0x0, $0x0;
	[sflag:s7] =	ssyncpa.u1 $0x0;
	s7 =	sadd.s32 $0x1, s5  }
.LBB1_4:
0xe: {  	s19 =	sshrl.u32 s13, $0x3  }
0xf: {  	s20 =	sshll.u32 s12, $0x3;
	s19 =	smul.u32 $0xC00, s19  }
0x10: {  	s24 =	sshll.u32 s13, $0x7;
	s20 =	sand.u32 $0xFFFFFC00, s20  }
0x11: {  	s13 =	sand.u32 $0x380, s24;
	s19 =	sadd.s32 s20, s19  }
0x12: {  	s13 =	sor.u32 s13, s19  }
0x13: {  	v5 =	vld [tilespmem:s16+$0xFFFFFFD0];
	[tilespmem:s17+$0x2040 ss:$0x81] =	vst.msk $0xffff, v4;
	s25 =	sand.u32 $0x7F, s12;
	s19 =	smulhi.u32 $0xAAAAAAAB, s13  }
0x14: {  	v58 =	vld [tilespmem:s16+$0xFFFFFFE0];
	[tilespmem:s17+$0x2850 ss:$0x81] =	vst.msk $0xffff, v3;
	s12 =	sor.u32 s25, s13  }
0x15: {  	s26 =	sshra.s32 s18, $0x2;
	v59 =	vld [tilespmem:s16+$0xFFFFFFF0];
	[tilespmem:s17+$0x3060 ss:$0x81] =	vst.msk $0xffff, v2;
	s27 =	smulhi.u32 $0xAAAAAAAB, s12;
	s19 =	sshrl.u32 s19, $0x8  }
0x16: {  	v60 =	vld [tilespmem:s16+$0x0];
	[tilespmem:s17+$0x0 ss:$0x81] =	vst.msk $0xffff, v0;
	s13 =	sadd.s32 s26, s15;
	s28 =	smulhi.u32 $0xE38E39, s19  }
0x17: {  	v61 =	vld [tilespmem:s16+$0x10];
	[tilespmem:s13+$0x3870 ss:$0x81] =	vst.msk $0xffff, v1;
	s29 =	sshrl.u32 s27, $0x8  }
0x18: {  	v62 =	vld [tilespmem:s16+$0x20];
	[tilespmem:s13+$0x810 ss:$0x81] =	vst.msk $0xffff, v5;
	s17 =	smul.u32 $0x180, s29;
	s15 =	sshrl.u32 s28, $0x9  }
0x19: {  	v63 =	vld [tilespmem:s16+$0xFFFFFFC0];
	[tilespmem:s13+$0x1020 ss:$0x81] =	vst.msk $0xffff, v58;
	s15 =	smul.u32 $0x24000, s15  }
0x1a: {  	[tilespmem:s13+$0x1830 ss:$0x81] =	vst.msk $0xffff, v59  }
0x1b: {  	[tilespmem:s13+$0x2040 ss:$0x81] =	vst.msk $0xffff, v60;
	s12 =	ssub.s32 s12, s17;
	s15 =	ssub.s32 s19, s15  }
0x1c: {  	[tilespmem:s13+$0x2850 ss:$0x81] =	vst.msk $0xffff, v61;
	s30 =	sshrl.u32 s12, $0x3;
	s12 =	sand.u32 $0x7, s12;
	s15 =	smul.u32 $0x30, s15  }
0x1d: {  	[tilespmem:s13+$0x3060 ss:$0x81] =	vst.msk $0xffff, v62;
	s16 =	sadd.s32 s6, s30;
	s12 =	sshll.u32 s12, $0x12  }
0x1e: {  	[tilespmem:s13+$0x0 ss:$0x81] =	vst.msk $0xffff, v63;
	s12 =	sor.u32 $0x400, s12;
	s31 =	sadd.s32 s15, s16  }
0x1f: {  	[hbm4b:s31+s12] =	stream.strided.scatter [tilespmem:s14], [sflag:$0x2], $0x4000, s8, s12, $0x20;
	[tilespmem:$0x10100] =	vst v63  }
.LBB1_5:
0x20: {  	s14 =	sadd.s32 $0x1000, s9  }
0x21: {  	s12 =	sadd.s32 $0x80, s10;
	s16 =	smov.u32 s10;
	p2 =	sgt.s32 s14, $0x23FFF  }
0x22: {  	s16 =	smov.u32 @p2 s12  }
0x23: {  	s14 =	smov.u32 @p2 s2;
	p2 =	sgt.s32 s16, $0x17F  }
0x24: {  	s16 =	simm.s32 @p2 $0x0;
	p2 =	sne.s32 s11, s7  }
.Ltmp1:
0x25: {  	p1 =	slt.u32 s11, $0x2;
	(pc) =	sbr.rel @!p2 .LBB1_6-.Ltmp1, $4  }
0x26: {  	s15 =	simm.s32 @!p1 $0x2  }
0x27: {  	s13 =	smov.u32 s9;
	p0 =	por !p0, !p0;
	_ =	swait.ge @!p1 [sflag:s15], $0x4000  }
0x28: {  	s12 =	smov.u32 s10;
	[sflag:s15] =	ssyncset.done @!p1 $0x0;
	s9 =	smov.u32 s14  }
0x29: {  	s11 =	sadd.s32 $0x1, s11;
	[sflag:s15] =	ssyncadd.s32 @!p1 $0xFFFFC000;
	s10 =	smov.u32 s16  }
.LBB1_1:
0x2a: {  	p1 =	sge.u32 s11, s5  }
0x2b: {  	s14 =	sshrl.u32 @!p1 s10, $0x3  }
0x2c: {  	s15 =	sshll.u32 @!p1 s9, $0x3;
	s14 =	smul.u32 @!p1 $0x120000, s14  }
0x2d: {  	s15 =	sand.u32 @!p1 $0xFFFFFC00, s15  }
0x2e: {  	s14 =	sadd.s32 @!p1 s14, s15  }
0x2f: {  	s15 =	sshll.u32 @!p1 s10, $0x7;
	s16 =	smulhi.u32 @!p1 $0x38E38E39, s14  }
0x30: {  	s17 =	sand.u32 @!p1 $0x7F, s9;
	s15 =	sand.u32 @!p1 $0x380, s15  }
0x31: {  	s15 =	sor.u32 @!p1 s17, s15;
	s16 =	sshrl.u32 @!p1 s16, $0xF  }
0x32: {  	s14 =	sor.u32 @!p1 s14, s15;
	s15 =	smul.u32 @!p1 $0x2AAB, s16  }
0x33: {  	s17 =	smulhi.u32 @!p1 $0x38E38E39, s14  }
0x34: {  	s15 =	sshrl.u32 @!p1 s15, $0x16  }
0x35: {  	s17 =	sshrl.u32 @!p1 s17, $0xF;
	s15 =	smul.u32 @!p1 $0x180, s15  }
0x36: {  	s17 =	smul.u32 @!p1 $0x24000, s17  }
0x37: {  	s31 =	sadd.s32 $0xFFFFFFFF, s11;
	s15 =	ssub.s32 @!p1 s16, s15;
	s16 =	sxor.u32 @!p1 $0xFFFFFFFF, s11  }
0x38: {  	s14 =	ssub.s32 @!p1 s14, s17;
	s16 =	sshll.u32 @!p1 s16, $0xE;
	s15 =	sand.u32 @!p1 $0xFFFF, s15  }
0x39: {  	s17 =	sshrl.u32 @!p1 s14, $0x3;
	s14 =	sand.u32 @!p1 $0x7, s14;
	s15 =	smul.u32 @!p1 $0x4800, s15  }
0x3a: {  	s16 =	sand.u32 @!p1 $0x4000, s16;
	s17 =	sadd.s32 @!p1 s3, s17;
	s14 =	sshll.u32 @!p1 s14, $0x12  }
0x3b: {  	s14 =	sor.u32 @!p1 $0x400, s14;
	s15 =	sadd.s32 @!p1 s15, s17;
	s17 =	simm.s32 @!p1 $0x120000  }
0x3c: {  	[tilespmem:s16], [sflag:$0x1] =	stream.strided.gather @!p1 [hbm4b:s15+s14], $0x4000, s17, s14, $0x38;
	[tilespmem:$0x10100] =	vst v63  }
0x3d: {  	p1 =	sge.u32 s31, s5  }
.Ltmp2:
0x3e: {  	_ = 	snop;
	(pc) =	sbr.rel @p1 .LBB1_5-.Ltmp2, $1  }
0x3f: {  	_ =	sdelay $0x3  }
0x40: {  	s14 =	simm.s32 $0x1  }
0x41: {  	_ =	swait.ge [sflag:s4], $0x4000;
	s14 =	simm.s32 @!p0 $0x0  }
0x42: {  	[sflag:s4] =	ssyncset.done $0x0;
	s15 =	sshll.u32 s14, $0xE  }
0x43: {  	[sflag:s4] =	ssyncadd.s32 $0xFFFFC000;
	s16 =	sor.u32 $0x40, s15  }
0x44: {  	s14 =	smul.u32 $0x10200, s14;
	v0 =	vld [tilespmem:s16+$0x30]  }
0x45: {  	v1 =	vld [tilespmem:s16+$0xFFFFFFD0]  }
0x46: {  	s14 =	sshrl.u32 s14, $0x2;
	v5 =	vld [tilespmem:s16+$0xFFFFFFE0]  }
0x47: {  	v6 =	vld [tilespmem:s16+$0xFFFFFFF0];
	s15 =	sor.u32 $0x8000, s14  }
0x48: {  	s31 =	sand.u32 $0x1, s11;
	v4 =	vld [tilespmem:s16+$0x0];
	s17 =	sadd.s32 $0x0, s15  }
0x49: {  	v3 =	vld [tilespmem:s16+$0x10];
	s14 =	smul.u32 $0x10200, s31;
	[tilespmem:s17+$0x3870 ss:$0x81] =	vst.msk $0xffff, v0  }
0x4a: {  	v2 =	vld [tilespmem:s16+$0x20];
	[tilespmem:s17+$0x810 ss:$0x81] =	vst.msk $0xffff, v1  }
0x4b: {  	s14 =	sshrl.u32 s14, $0x2;
	v0 =	vld [tilespmem:s16+$0xFFFFFFC0];
	[tilespmem:s17+$0x1020 ss:$0x81] =	vst.msk $0xffff, v5;
	s16 =	sadd.s32 $0x80, s16  }
0x4c: {  	s18 =	simm.s32 $0x4;
	s19 =	simm.s32 $0x8;
	s14 =	sor.u32 $0x8000, s14;
	[tilespmem:s17+$0x1830 ss:$0x81] =	vst.msk $0xffff, v6;
	v1 =	vld [tilespmem:s16+$0x30]  }
.LBB1_3:
0x4d: {  	p1 =	sne.s32 s19, $0x1FC;
	v5 =	vld [tilespmem:s16+$0xFFFFFFD0];
	[tilespmem:s17+$0x2040 ss:$0x81] =	vst.msk $0xffff, v4  }
0x4e: {  	v6 =	vld [tilespmem:s16+$0xFFFFFFE0];
	[tilespmem:s17+$0x2850 ss:$0x81] =	vst.msk $0xffff, v3  }
0x4f: {  	s20 =	sshra.s32 s18, $0x2;
	s18 =	smov.u32 s19;
	v7 =	vld [tilespmem:s16+$0xFFFFFFF0];
	[tilespmem:s17+$0x3060 ss:$0x81] =	vst.msk $0xffff, v2  }
.Ltmp3:
0x50: {  	v4 =	vld [tilespmem:s16+$0x0];
	[tilespmem:s17+$0x0 ss:$0x81] =	vst.msk $0xffff, v0;
	s17 =	sadd.s32 s20, s15;
	(pc) =	sbr.rel @p1 .LBB1_3-.Ltmp3, $4  }
0x51: {  	v3 =	vld [tilespmem:s16+$0x10];
	[tilespmem:s17+$0x3870 ss:$0x81] =	vst.msk $0xffff, v1  }
0x52: {  	[tilespmem:s17+$0x810 ss:$0x81] =	vst.msk $0xffff, v5;
	v2 =	vld [tilespmem:s16+$0x20]  }
0x53: {  	v0 =	vld [tilespmem:s16+$0xFFFFFFC0];
	[tilespmem:s17+$0x1020 ss:$0x81] =	vst.msk $0xffff, v6;
	s16 =	sadd.s32 $0x80, s16  }
0x54: {  	s19 =	sadd.s32 $0x4, s19;
	v1 =	vld [tilespmem:s16+$0x30];
	[tilespmem:s17+$0x1830 ss:$0x81] =	vst.msk $0xffff, v7  }
.Ltmp4:
0x55: {  	_ = 	snop;
	(pc) =	sbr.rel .LBB1_4-.Ltmp4, $1  }
0x56: {  	_ =	sdelay $0x3  }
.LBB1_6:
0x57: {  	_ =	sfence.sel $0x180000  }
0x58: {  	s2 =	simm.s32 $0x1;
	[bflag:$0x0] =	sbarrier.arrive $0xFFFF  }
0x59: {  	s31 =	simm.s32 $0x2;
	[sflag:s2] =	ssyncpa.u1 $0x1  }
0x5a: {  	[sflag:s31] =	ssyncpa.u1 $0x1  }
0x5b: {  	p0 =	sne.s32 s0, $0x0;
	_ =	strace $0x9000004A  }
0x5c: {  	s0 =	sadd.s32 @!p0 $0x100000, s1;
	[bflag:$0x2] =	sbarrier.arrive $0xFFFF  }
0x5d: {  	[sflag:s0] =	ssyncadd.tile.s32 @!p0 $0x1;
	_ =	shalt  }
.Lfunc_end1:
_tile_overlayer_lowered:
.L_overlay_start_2:
0x5e: {  	(tag) =	ssettag $0x2  }
0x5f: {  	s0 =	rddreg [dreg:$0x0];
	s2 =	stileid.u32  }
0x60: {  	s1 =	rddreg [dreg:$0x1];
	p0 =	sne.s32 s2, $0x0  }
0x61: {  	s3 =	rddreg [dreg:$0x2];
	[bflag:$0x3] =	sbarrier.arrive $0xFFFF;
	s2 =	simm.s32 @!p0 $0x1C01  }
0x62: {  	[timem:s3], [sflag:s2] =	dma.local @!p0 [hbm:s0], s1  }
0x63: {  	s0 =	simm.s32 @!p0 $0x1  }
0x64: {  	_ =	swait.ge @!p0 [sflag:s0], s1  }
0x65: {  	s1 =	ssub.s32 @!p0 $0x0, s1;
	[sflag:s0] =	ssyncset.done @!p0 $0x0  }
0x66: {  	[sflag:s0] =	ssyncadd.s32 @!p0 s1  }
0x67: {  	[bflag:$0x3] =	sbarrier.arrive $0xFFFF  }
0x68: {  	_ =	shalt  }

// kernel: sparse-core-data-format-call.3.cloned.1.call-start
scs
called_computation.3_lowered:
.L_overlay_start_0:
0x0: {  	s2 =	sld [smem:$0x3FD9]  }
0x1: {  	s3 =	sld [smem:$0x3FFE];
	_ =	sdelay $0x1  }
0x2: {  	s1 =	srdreg.scid  }
0x3: {  	s0 =	sand.u32 $0x1, s1  }
0x4: {  	s19 =	sshll.u32 s0, $0xA;
	s2 =	sadd.s32 s3, s2  }
0x5: {  	s2 =	sadd.s32 s2, s19  }
0x6: {  	[smem:$0x3FC6] =	sst s2  }
0x7: {  	_ = 	snop  }
0x8: {  	s2 =	sld [smem:$0x3FC9]  }
0x9: {  	s20 =	sld [smem:$0x3FD0];
	(tm) =	ssettm $0x1  }
0xa: {  	s4 =	sld [smem:$0x3FFB];
	_ =	sdelay $0x3  }
0xb: {  	_ =	strace s4  }
0xc: {  	s4 =	sld [smem:$0x3FFC];
	_ =	sdelay $0x3  }
0xd: {  	_ =	strace s4  }
0xe: {  	s4 =	sld [smem:$0x3FFD];
	_ =	sdelay $0x3  }
0xf: {  	_ =	strace s4  }
0x10: {  	_ =	strace $0x8FFFFFFF  }
0x11: {  	s21 =	sld [smem:$0x3FDB];
	_ =	sdelay $0x1  }
0x12: {  	s5 =	simm.s32 $_scs_section_size  }
0x13: {  	s6 =	simm.s32 $_size__tile_overlayer_lowered;
	s7 =	simm.s32 $_tile_overlayer_lowered  }
0x14: {  	s24 =	simm.s32 $0x1BFF;
	s23 =	sshll.u32 s7, $0x1;
	s4 =	sadd.s32 s5, s21  }
0x15: {  	s8 =	simm.s32 $0x0;
	s22 =	sshll.u32 s6, $0x1;
	s6 =	sadd.s32 s23, s4  }
0x16: {  	[timem:s8], [sflag:s24] =	dma.local [hbm:s6], s22  }
0x17: {  	_ =	swait.ge [sflag:s24], s22  }
0x18: {  	s5 =	ssub.s32 $0x0, s22;
	[sflag:s24] =	ssyncset.done $0x0  }
0x19: {  	[sflag:s24] =	ssyncadd.s32 s5;
	_ =	sdelay $0x1  }
0x1a: {  	s25 =	simm.s32 $0x1B8B  }
0x1b: {  	_ =	swait.ge [sflag:s25], $0x1  }
0x1c: {  	[sflag:s25] =	ssyncset.done $0x0  }
0x1d: {  	s26 =	simm.s32 $0x1B8E;
	[sflag:s25] =	ssyncadd.s32 $0xFFFFFFFF  }
0x1e: {  	s27 =	simm.s32 $execute0_lowered;
	[smem:$0x3FD2] =	sst s26  }
0x1f: {  	s5 =	sshll.u32 s27, $0x1;
	_ =	strace $0x80000046;
	[dreg:$0x1] =	wrdreg $0xFFFFFFFF  }
0x20: {  	s28 =	simm.s32 $_size_execute0_lowered;
	s4 =	sadd.s32 s4, s5;
	[dreg:$0x0] =	wrdreg $0x0  }
0x21: {  	s5 =	sshll.u32 s28, $0x1;
	[dreg:$0x2] =	wrdreg s4  }
0x22: {  	[dreg:$0x3] =	wrdreg s5  }
0x23: {  	[dreg:$0x4] =	wrdreg $0xC0  }
0x24: {  	_ =	task [dreg:s8], $0x5FFFF  }
0x25: {  	[dreg:$0x1] =	wrdreg $0xFFFFFFFF  }
0x26: {  	[dreg:$0x0] =	wrdreg $0x60  }
0x27: {  	[dreg:$0x2] =	wrdreg s2  }
0x28: {  	[dreg:$0x3] =	wrdreg s20  }
0x29: {  	[dreg:$0x4] =	wrdreg $0x9  }
0x2a: {  	_ =	task.clear_ibuf [dreg:s8], $0x5FFFF;
	_ =	strace $0x90000046  }
0x2b: {  	s29 =	simm.s32 $0x9;
	_ =	strace $0x80000048  }
0x2c: {  	_ =	swait.ge [sflag:s29], $0x1  }
0x2d: {  	[sflag:s29] =	ssyncadd.s32 $0xFFFFFFFF  }
0x2e: {  	_ =	strace $0x90000048  }
0x2f: {  	_ =	sfence  }
0x30: {  	s30 =	sld [smem:$0x0];
	_ =	sdelay $0x2  }
0x31: {  	s31 =	sshll.u32 s1, $0xD;
	s1 =	sshrl.u32 s1, $0x2  }
0x32: {  	s3 =	sand.u32 $0x4000, s31;
	s1 =	sadd.s32 s1, s30  }
0x33: {  	s0 =	sor.u32 s3, s0;
	s1 =	sshll.u32 s1, $0x11  }
0x34: {  	s0 =	sor.u32 s1, s0  }
0x35: {  	s0 =	sadd.s32 $0x8F2B, s0  }
0x36: {  	[sflag:s0] =	ssyncadd.remote.s32 $0x1  }
0x37: {  	_ =	sfence.sel $0xFFFF  }
0x38: {  	[dreg:$0x0] =	wrdreg $0xFFFFFFFF;
	(pc) =	sbr.abs _section_cstart, $3  }
0x39: {  	[dreg:$0x1] =	wrdreg $0xFFFFFFFF  }
0x3a: {  	_ =	task.clear_ibuf [dreg:s8], $0x2FFFF;
	_ =	strace $0x9FFFFFFF  }
0x3b: {  	(tm) =	ssettm $0x7FFFFFFF  }
tec
execute0_lowered:
.L_overlay_start_1:
0x0: {  	(tag) =	ssettag $0x1  }
0x1: {  	s2 =	rddreg [dreg:$0x0]  }
0x2: {  	s3 =	rddreg [dreg:$0x1]  }
0x3: {  	s0 =	rddreg [dreg:$0x2]  }
0x4: {  	s1 =	srdreg.scid;
	_ =	strace $0x80000047;
	s7 =	simm.s32 $0x2  }
0x5: {  	s15 =	simm.s32 $0x0;
	p0 =	por $0x0, $0x0;
	s13 =	simm.s32 $0x0  }
0x6: {  	s16 =	simm.s32 $0x0;
	s14 =	simm.s32 $0x0;
	s9 =	simm.s32 $0x0  }
.Ltmp0:
0x7: {  	s10 =	simm.s32 $0x0;
	s4 =	sshll.u32 s1, $0x4;
	(pc) =	sbr.rel .LBB1_1-.Ltmp0, $4  }
0x8: {  	s1 =	stileid.u32;
	s5 =	sand.u32 $0x10, s4;
	s4 =	simm.s32 $0x1  }
0x9: {  	s8 =	simm.s32 $0x0;
	s6 =	sor.u32 s1, s5;
	[sflag:s4] =	ssyncpa.u1 $0x0  }
0xa: {  	s5 =	sand.u32 $0x3, s1;
	s6 =	sshrl.u32 s6, $0x2;
	[sflag:s7] =	ssyncpa.u1 $0x0  }
0xb: {  	s7 =	simm.s32 $0xC00;
	s12 =	smov.u32 s5;
	s11 =	smov.u32 s6  }
.LBB1_5:
0xc: {  	s17 =	sadd.s32 $0x80, s9  }
0xd: {  	s13 =	sadd.s32 $0x80, s10;
	s18 =	smov.u32 s10;
	p2 =	sgt.s32 s17, $0x17F  }
0xe: {  	s18 =	smov.u32 @p2 s13  }
0xf: {  	s19 =	smov.u32 s11;
	s13 =	sadd.s32 $0x8, s11;
	p3 =	sgt.s32 s18, $0x17F  }
0x10: {  	s19 =	smov.u32 @p3 s13  }
0x11: {  	s20 =	smov.u32 s12;
	s13 =	sadd.s32 $0x4, s12;
	p4 =	sgt.s32 s19, $0x7  }
0x12: {  	p1 =	slt.u32 s8, $0x2;
	s20 =	smov.u32 @p4 s13  }
0x13: {  	s8 =	sadd.s32 $0x1, s8;
	s17 =	simm.s32 @p2 $0x0;
	p2 =	sgt.s32 s20, $0x2F  }
0x14: {  	s15 =	smov.u32 s9;
	s20 =	smov.u32 @p2 s5;
	p2 =	sne.s32 s8, $0x6E  }
.Ltmp1:
0x15: {  	s16 =	smov.u32 s11;
	s21 =	simm.s32 @!p1 $0x2;
	(pc) =	sbr.rel @!p2 .LBB1_6-.Ltmp1, $4  }
0x16: {  	s14 =	smov.u32 s12;
	p0 =	por !p0, !p0;
	_ =	swait.ge @!p1 [sflag:s21], $0x4000  }
0x17: {  	[sflag:s21] =	ssyncset.done @!p1 $0x0;
	s9 =	smov.u32 s17;
	s18 =	simm.s32 @p3 $0x0  }
0x18: {  	[sflag:s21] =	ssyncadd.s32 @!p1 $0xFFFFC000;
	s19 =	smov.u32 @p4 s6;
	s13 =	smov.u32 s10  }
0x19: {  	s10 =	smov.u32 s18;
	s11 =	smov.u32 s19;
	s12 =	smov.u32 s20  }
.LBB1_1:
0x1a: {  	p1 =	sgt.u32 s8, $0x6B  }
0x1b: {  	s17 =	sshrl.u32 @!p1 s10, $0x3  }
0x1c: {  	s18 =	sshll.u32 @!p1 s9, $0x3;
	s17 =	smul.u32 @!p1 $0xC00, s17  }
0x1d: {  	s19 =	sshll.u32 @!p1 s10, $0x7;
	s18 =	sand.u32 @!p1 $0xFFFFFC00, s18  }
0x1e: {  	s17 =	sadd.s32 @!p1 s17, s18;
	s18 =	sand.u32 @!p1 $0x380, s19  }
0x1f: {  	s19 =	sand.u32 @!p1 $0x7F, s9;
	s17 =	sor.u32 @!p1 s18, s17  }
0x20: {  	s18 =	sor.u32 @!p1 s19, s17;
	s17 =	smulhi.u32 @!p1 $0xAAAAAAAB, s17;
	_ =	sdelay $0x1  }
0x21: {  	s19 =	smulhi.u32 @!p1 $0xAAAAAAAB, s18;
	s17 =	sshrl.u32 @!p1 s17, $0x8  }
0x22: {  	s20 =	smulhi.u32 @!p1 $0xAAAAAB, s17  }
0x23: {  	s22 =	smul.u32 @!p1 $0x24000, s12  }
0x24: {  	s19 =	sshrl.u32 @!p1 s19, $0x8;
	s20 =	smul.u32 @!p1 $0x180, s20  }
0x25: {  	s21 =	sxor.u32 @!p1 $0xFFFFFFFF, s8;
	s19 =	smul.u32 @!p1 $0x180, s19  }
0x26: {  	s21 =	sshll.u32 @!p1 s21, $0xE;
	s17 =	ssub.s32 @!p1 s17, s20;
	s20 =	smul.u32 @!p1 $0x4800, s11  }
0x27: {  	s18 =	ssub.s32 @!p1 s18, s19;
	s19 =	sadd.s32 @!p1 s2, s22;
	s17 =	smul.u32 @!p1 $0x30, s17  }
0x28: {  	s21 =	sand.u32 @!p1 $0x4000, s21;
	s19 =	sadd.s32 @!p1 s20, s19;
	s20 =	sand.u32 @!p1 $0x7, s18  }
0x29: {  	s18 =	sshrl.u32 @!p1 s18, $0x3;
	s17 =	sadd.s32 @!p1 s17, s19;
	s19 =	sshll.u32 @!p1 s20, $0x12  }
0x2a: {  	s17 =	sadd.s32 @!p1 s18, s17;
	s18 =	sor.u32 @!p1 $0x400, s19;
	s19 =	simm.s32 @!p1 $0xC00  }
0x2b: {  	[tilespmem:s21], [sflag:$0x1] =	stream.strided.gather @!p1 [hbm4b:s17+s18], $0x4000, s19, s18, $0x38;
	[tilespmem:$0x10000] =	vst v63  }
0x2c: {  	p1 =	seq.s32 s8, $0x0  }
0x2d: {  	p2 =	seq.s32 @!p1 s8, $0x6D  }
0x2e: {  	p1 =	por p1, p2  }
.Ltmp2:
0x2f: {  	_ = 	snop;
	(pc) =	sbr.rel @p1 .LBB1_5-.Ltmp2, $1  }
0x30: {  	_ =	sdelay $0x3  }
0x31: {  	s17 =	simm.s32 $0x1  }
0x32: {  	s17 =	simm.s32 @!p0 $0x0  }
0x33: {  	s17 =	sshll.u32 s17, $0xE  }
0x34: {  	s18 =	sor.u32 $0x40, s17  }
0x35: {  	v1 =	vmov s18;
	_ =	sdelay $0x1  }
0x36: {  	_ =	swait.ge [sflag:s4], $0x4000  }
0x37: {  	[sflag:s4] =	ssyncset.done $0x0  }
0x38: {  	s19 =	simm.s32 $0x0;
	[sflag:s4] =	ssyncadd.s32 $0xFFFFC000  }
0x39: {  	s17 =	sor.u32 $0x8070, s17;
	v6 =	vld.idx.msk [tilespmem:v1+s19+$0x30 ss:$0x1], $0xffff  }
0x3a: {  	v0 =	vmov s17;
	v8 =	vld.idx.msk [tilespmem:v1+s19+$0xFFFFFFC0 ss:$0x1], $0xffff  }
0x3b: {  	v7 =	vld.idx.msk [tilespmem:v1+s19+$0xFFFFFFD0 ss:$0x1], $0xffff  }
0x3c: {  	v5 =	vld.idx.msk [tilespmem:v1+s19+$0xFFFFFFE0 ss:$0x1], $0xffff  }
0x3d: {  	v4 =	vld.idx.msk [tilespmem:v1+s19+$0xFFFFFFF0 ss:$0x1], $0xffff  }
0x3e: {  	s31 =	sshll.u32 s8, $0xE;
	v2 =	vld.idx.msk [tilespmem:v1+s19+$0x0 ss:$0x1], $0xffff  }
0x3f: {  	s17 =	sand.u32 $0x4000, s31;
	v3 =	vld.idx.msk [tilespmem:v1+s19+$0x10 ss:$0x1], $0xffff;
	[tilespmem:v0+s19+$0x0 ss:$0x1] =	vst.idx.msk $0xffff, v6  }
0x40: {  	s20 =	simm.s32 $0x400;
	s18 =	simm.s32 $0x80;
	s17 =	sor.u32 $0x8000, s17;
	[tilespmem:v0+s19+$0xFFFFFF90 ss:$0x1] =	vst.idx.msk $0xffff, v8;
	v6 =	vld.idx.msk [tilespmem:v1+s19+$0x20 ss:$0x1], $0xffff  }
.LBB1_3:
0x41: {  	p1 =	sne.s32 s20, $0xFE00;
	v8 =	vld.idx.msk [tilespmem:v1+s18+$0x30 ss:$0x1], $0xffff;
	[tilespmem:v0+s19+$0xFFFFFFA0 ss:$0x1] =	vst.idx.msk $0xffff, v7  }
0x42: {  	v9 =	vld.idx.msk [tilespmem:v1+s18+$0xFFFFFFC0 ss:$0x1], $0xffff;
	[tilespmem:v0+s19+$0xFFFFFFB0 ss:$0x1] =	vst.idx.msk $0xffff, v5  }
0x43: {  	v7 =	vld.idx.msk [tilespmem:v1+s18+$0xFFFFFFD0 ss:$0x1], $0xffff;
	[tilespmem:v0+s19+$0xFFFFFFC0 ss:$0x1] =	vst.idx.msk $0xffff, v4  }
.Ltmp3:
0x44: {  	v5 =	vld.idx.msk [tilespmem:v1+s18+$0xFFFFFFE0 ss:$0x1], $0xffff;
	[tilespmem:v0+s19+$0xFFFFFFD0 ss:$0x1] =	vst.idx.msk $0xffff, v2;
	(pc) =	sbr.rel @p1 .LBB1_3-.Ltmp3, $4  }
0x45: {  	v4 =	vld.idx.msk [tilespmem:v1+s18+$0xFFFFFFF0 ss:$0x1], $0xffff;
	[tilespmem:v0+s19+$0xFFFFFFE0 ss:$0x1] =	vst.idx.msk $0xffff, v3  }
0x46: {  	v2 =	vld.idx.msk [tilespmem:v1+s18+$0x0 ss:$0x1], $0xffff;
	[tilespmem:v0+s19+$0xFFFFFFF0 ss:$0x1] =	vst.idx.msk $0xffff, v6;
	s19 =	smov.u32 s18  }
0x47: {  	v3 =	vld.idx.msk [tilespmem:v1+s19+$0x10 ss:$0x1], $0xffff;
	[tilespmem:v0+s19+$0x0 ss:$0x1] =	vst.idx.msk $0xffff, v8  }
0x48: {  	s18 =	sshra.s32 s20, $0x2;
	s20 =	sadd.s32 $0x200, s20;
	[tilespmem:v0+s19+$0xFFFFFF90 ss:$0x1] =	vst.idx.msk $0xffff, v9;
	v6 =	vld.idx.msk [tilespmem:v1+s19+$0x20 ss:$0x1], $0xffff  }
0x49: {  	_ =	sdelay $0x2  }
0x4a: {  	s20 =	sshrl.u32 s16, $0x3  }
0x4b: {  	s21 =	sshll.u32 s15, $0x3;
	[tilespmem:v0+s19+$0xFFFFFFA0 ss:$0x1] =	vst.idx.msk $0xffff, v7;
	s20 =	smul.u32 $0xC00, s20  }
0x4c: {  	s27 =	sshll.u32 s16, $0x7;
	v56 =	vld.idx.msk [tilespmem:v1+s18+$0x30 ss:$0x1], $0xffff;
	[tilespmem:v0+s19+$0xFFFFFFB0 ss:$0x1] =	vst.idx.msk $0xffff, v5;
	s21 =	sand.u32 $0xFFFFFC00, s21  }
0x4d: {  	v57 =	vld.idx.msk [tilespmem:v1+s18+$0xFFFFFFC0 ss:$0x1], $0xffff;
	s16 =	sand.u32 $0x380, s27;
	[tilespmem:v0+s19+$0xFFFFFFC0 ss:$0x1] =	vst.idx.msk $0xffff, v4;
	s20 =	sadd.s32 s20, s21  }
0x4e: {  	s28 =	sand.u32 $0x7F, s15;
	v58 =	vld.idx.msk [tilespmem:v1+s18+$0xFFFFFFD0 ss:$0x1], $0xffff;
	[tilespmem:v0+s19+$0xFFFFFFD0 ss:$0x1] =	vst.idx.msk $0xffff, v2;
	s16 =	sor.u32 s16, s20  }
0x4f: {  	v59 =	vld.idx.msk [tilespmem:v1+s18+$0xFFFFFFE0 ss:$0x1], $0xffff;
	[tilespmem:v0+s19+$0xFFFFFFE0 ss:$0x1] =	vst.idx.msk $0xffff, v3;
	s15 =	sor.u32 s28, s16;
	s16 =	smulhi.u32 $0xAAAAAAAB, s16  }
0x50: {  	v60 =	vld.idx.msk [tilespmem:v1+s18+$0xFFFFFFF0 ss:$0x1], $0xffff;
	[tilespmem:v0+s19+$0xFFFFFFF0 ss:$0x1] =	vst.idx.msk $0xffff, v6;
	s29 =	smulhi.u32 $0xAAAAAAAB, s15  }
0x51: {  	v61 =	vld.idx.msk [tilespmem:v1+s18+$0x0 ss:$0x1], $0xffff;
	s14 =	smul.u32 $0x24000, s14;
	[tilespmem:v0+s18+$0x0 ss:$0x1] =	vst.idx.msk $0xffff, v56  }
0x52: {  	v62 =	vld.idx.msk [tilespmem:v1+s18+$0x10 ss:$0x1], $0xffff;
	s13 =	smul.u32 $0x180, s13;
	[tilespmem:v0+s18+$0xFFFFFF90 ss:$0x1] =	vst.idx.msk $0xffff, v57;
	s16 =	sshrl.u32 s16, $0x8;
	s30 =	sshrl.u32 s29, $0x8  }
0x53: {  	v63 =	vld.idx.msk [tilespmem:v1+s18+$0x20 ss:$0x1], $0xffff;
	[tilespmem:v0+s18+$0xFFFFFFA0 ss:$0x1] =	vst.idx.msk $0xffff, v58;
	s16 =	sand.u32 $0x7, s16;
	s19 =	smul.u32 $0x180, s30  }
0x54: {  	[tilespmem:v0+s18+$0xFFFFFFB0 ss:$0x1] =	vst.idx.msk $0xffff, v59;
	s16 =	smul.u32 $0x30, s16  }
.Ltmp4:
0x55: {  	s14 =	sadd.s32 s3, s14;
	[tilespmem:v0+s18+$0xFFFFFFC0 ss:$0x1] =	vst.idx.msk $0xffff, v60;
	s15 =	ssub.s32 s15, s19;
	(pc) =	sbr.rel .LBB1_5-.Ltmp4, $4  }
0x56: {  	s13 =	sadd.s32 s13, s14;
	[tilespmem:v0+s18+$0xFFFFFFD0 ss:$0x1] =	vst.idx.msk $0xffff, v61;
	s31 =	sand.u32 $0x7, s15  }
0x57: {  	[tilespmem:v0+s18+$0xFFFFFFE0 ss:$0x1] =	vst.idx.msk $0xffff, v62;
	s13 =	sadd.s32 s16, s13;
	s15 =	sshrl.u32 s15, $0x3;
	s14 =	sshll.u32 s31, $0x12  }
0x58: {  	[tilespmem:v0+s18+$0xFFFFFFF0 ss:$0x1] =	vst.idx.msk $0xffff, v63;
	s13 =	sadd.s32 s15, s13;
	s14 =	sor.u32 $0x80, s14  }
0x59: {  	[hbm4b:s13+s14] =	stream.strided.scatter [tilespmem:s17], [sflag:$0x2], $0x4000, s7, s14, $0x38;
	[tilespmem:$0x10000] =	vst v63  }
.LBB1_6:
0x5a: {  	_ =	sfence.sel $0x180000  }
0x5b: {  	s2 =	simm.s32 $0x1;
	[bflag:$0x0] =	sbarrier.arrive $0xFFFF  }
0x5c: {  	s31 =	simm.s32 $0x2;
	[sflag:s2] =	ssyncpa.u1 $0x1  }
0x5d: {  	[sflag:s31] =	ssyncpa.u1 $0x1  }
0x5e: {  	p0 =	sne.s32 s1, $0x0;
	_ =	strace $0x90000047  }
0x5f: {  	s0 =	sadd.s32 @!p0 $0x100000, s0;
	[bflag:$0x2] =	sbarrier.arrive $0xFFFF  }
0x60: {  	[sflag:s0] =	ssyncadd.tile.s32 @!p0 $0x1;
	_ =	shalt  }
.Lfunc_end1:
_tile_overlayer_lowered:
.L_overlay_start_2:
0x61: {  	(tag) =	ssettag $0x2  }
0x62: {  	s0 =	rddreg [dreg:$0x0];
	s2 =	stileid.u32  }
0x63: {  	s1 =	rddreg [dreg:$0x1];
	p0 =	sne.s32 s2, $0x0  }
0x64: {  	s3 =	rddreg [dreg:$0x2];
	[bflag:$0x3] =	sbarrier.arrive $0xFFFF;
	s2 =	simm.s32 @!p0 $0x1C01  }
0x65: {  	[timem:s3], [sflag:s2] =	dma.local @!p0 [hbm:s0], s1  }
0x66: {  	s0 =	simm.s32 @!p0 $0x1  }
0x67: {  	_ =	swait.ge @!p0 [sflag:s0], s1  }
0x68: {  	s1 =	ssub.s32 @!p0 $0x0, s1;
	[sflag:s0] =	ssyncset.done @!p0 $0x0  }
0x69: {  	[sflag:s0] =	ssyncadd.s32 @!p0 s1  }
0x6a: {  	[bflag:$0x3] =	sbarrier.arrive $0xFFFF  }
0x6b: {  	_ =	shalt  }

// kernel: sparse-core-data-format-call.cloned.1.call-start
scs
called_computation_lowered:
.L_overlay_start_0:
0x0: {  	s2 =	sld [smem:$0x3FD9]  }
0x1: {  	s3 =	sld [smem:$0x3FFE];
	_ =	sdelay $0x1  }
0x2: {  	s1 =	srdreg.scid  }
0x3: {  	s0 =	sand.u32 $0x1, s1  }
0x4: {  	s18 =	sshll.u32 s0, $0xA;
	s2 =	sadd.s32 s3, s2  }
0x5: {  	s2 =	sadd.s32 s2, s18  }
0x6: {  	[smem:$0x3FC6] =	sst s2  }
0x7: {  	_ = 	snop  }
0x8: {  	s2 =	sld [smem:$0x3FD0];
	(tm) =	ssettm $0x1  }
0x9: {  	s19 =	sld [smem:$0x3FFB];
	_ =	sdelay $0x3  }
0xa: {  	_ =	strace s19  }
0xb: {  	s3 =	sld [smem:$0x3FFC];
	_ =	sdelay $0x3  }
0xc: {  	_ =	strace s3  }
0xd: {  	s3 =	sld [smem:$0x3FFD];
	_ =	sdelay $0x3  }
0xe: {  	_ =	strace s3  }
0xf: {  	_ =	strace $0x8FFFFFFF  }
0x10: {  	s20 =	sld [smem:$0x3FDB];
	_ =	sdelay $0x1  }
0x11: {  	s4 =	simm.s32 $_scs_section_size  }
0x12: {  	s5 =	simm.s32 $_size__tile_overlayer_lowered;
	s6 =	simm.s32 $_tile_overlayer_lowered  }
0x13: {  	s23 =	simm.s32 $0x1BFF;
	s22 =	sshll.u32 s6, $0x1;
	s3 =	sadd.s32 s4, s20  }
0x14: {  	s7 =	simm.s32 $0x0;
	s21 =	sshll.u32 s5, $0x1;
	s5 =	sadd.s32 s22, s3  }
0x15: {  	[timem:s7], [sflag:s23] =	dma.local [hbm:s5], s21  }
0x16: {  	_ =	swait.ge [sflag:s23], s21  }
0x17: {  	s4 =	ssub.s32 $0x0, s21;
	[sflag:s23] =	ssyncset.done $0x0  }
0x18: {  	[sflag:s23] =	ssyncadd.s32 s4;
	_ =	sdelay $0x1  }
0x19: {  	s24 =	simm.s32 $0x1B8B  }
0x1a: {  	_ =	swait.ge [sflag:s24], $0x1  }
0x1b: {  	[sflag:s24] =	ssyncset.done $0x0  }
0x1c: {  	s26 =	simm.s32 $0x1B8E;
	s25 =	sld [smem:$0x3FFE];
	[sflag:s24] =	ssyncadd.s32 $0xFFFFFFFF  }
0x1d: {  	s27 =	simm.s32 $execute0_lowered;
	[smem:$0x3FD2] =	sst s26  }
0x1e: {  	s5 =	sshll.u32 s27, $0x1;
	_ =	strace $0x80000052;
	[dreg:$0x1] =	wrdreg $0xFFFFFFFF  }
0x1f: {  	s28 =	simm.s32 $_size_execute0_lowered;
	s3 =	sadd.s32 s3, s5;
	[dreg:$0x0] =	wrdreg $0x0  }
0x20: {  	s5 =	sshll.u32 s28, $0x1;
	[dreg:$0x2] =	wrdreg s3  }
0x21: {  	[dreg:$0x3] =	wrdreg s5  }
0x22: {  	[dreg:$0x4] =	wrdreg $0xC0  }
0x23: {  	_ =	task [dreg:s7], $0x5FFFF  }
0x24: {  	[dreg:$0x1] =	wrdreg $0xFFFFFFFF  }
0x25: {  	[dreg:$0x0] =	wrdreg $0x60  }
0x26: {  	[dreg:$0x2] =	wrdreg s25  }
0x27: {  	[dreg:$0x3] =	wrdreg s2  }
0x28: {  	[dreg:$0x4] =	wrdreg $0x9  }
0x29: {  	_ =	task.clear_ibuf [dreg:s7], $0x5FFFF;
	_ =	strace $0x90000052  }
0x2a: {  	s29 =	simm.s32 $0x9;
	_ =	strace $0x80000054  }
0x2b: {  	_ =	swait.ge [sflag:s29], $0x1  }
0x2c: {  	[sflag:s29] =	ssyncadd.s32 $0xFFFFFFFF  }
0x2d: {  	_ =	strace $0x90000054  }
0x2e: {  	_ =	sfence  }
0x2f: {  	s30 =	sld [smem:$0x0];
	_ =	sdelay $0x2  }
0x30: {  	s31 =	sshll.u32 s1, $0xD;
	s1 =	sshrl.u32 s1, $0x2  }
0x31: {  	s3 =	sand.u32 $0x4000, s31;
	s1 =	sadd.s32 s1, s30  }
0x32: {  	s0 =	sor.u32 s3, s0;
	s1 =	sshll.u32 s1, $0x11  }
0x33: {  	s0 =	sor.u32 s1, s0  }
0x34: {  	s0 =	sadd.s32 $0x8F2B, s0  }
0x35: {  	[sflag:s0] =	ssyncadd.remote.s32 $0x1  }
0x36: {  	_ =	sfence.sel $0xFFFF  }
0x37: {  	[dreg:$0x0] =	wrdreg $0xFFFFFFFF;
	(pc) =	sbr.abs _section_cstart, $3  }
0x38: {  	[dreg:$0x1] =	wrdreg $0xFFFFFFFF  }
0x39: {  	_ =	task.clear_ibuf [dreg:s7], $0x2FFFF;
	_ =	strace $0x9FFFFFFF  }
0x3a: {  	(tm) =	ssettm $0x7FFFFFFF  }
0x3b: {  	_ =	shalt  }
tec
execute0_lowered:
.L_overlay_start_1:
0x0: {  	(tag) =	ssettag $0x1  }
0x1: {  	s1 =	rddreg [dreg:$0x0]  }
0x2: {  	s2 =	rddreg [dreg:$0x1]  }
0x3: {  	s0 =	rddreg [dreg:$0x2];
	s4 =	srdreg.scid  }
0x4: {  	_ =	strace $0x80000053;
	s7 =	simm.s32 $0x2;
	s15 =	simm.s32 $0x0  }
0x5: {  	p0 =	por $0x0, $0x0;
	s13 =	simm.s32 $0x0;
	s16 =	simm.s32 $0x0  }
0x6: {  	s14 =	simm.s32 $0x0;
	s9 =	simm.s32 $0x0;
	s11 =	simm.s32 $0x0  }
.Ltmp0:
0x7: {  	s3 =	sadd.s32 $0x2600, s1;
	s4 =	sshll.u32 s4, $0x4;
	(pc) =	sbr.rel .LBB1_1-.Ltmp0, $4  }
0x8: {  	s1 =	stileid.u32;
	s5 =	sand.u32 $0x10, s4;
	s4 =	simm.s32 $0x1  }
0x9: {  	s8 =	simm.s32 $0x0;
	s6 =	sor.u32 s1, s5;
	[sflag:s4] =	ssyncpa.u1 $0x0  }
0xa: {  	s5 =	sand.u32 $0x3, s1;
	s6 =	sshrl.u32 s6, $0x2;
	[sflag:s7] =	ssyncpa.u1 $0x0  }
0xb: {  	s7 =	simm.s32 $0xC00;
	s12 =	smov.u32 s5;
	s10 =	smov.u32 s6  }
.LBB1_5:
0xc: {  	s17 =	sadd.s32 $0x80, s9  }
0xd: {  	s13 =	sadd.s32 $0x8, s10;
	s18 =	smov.u32 s10;
	p2 =	sgt.s32 s17, $0x17F  }
0xe: {  	s18 =	smov.u32 @p2 s13  }
0xf: {  	s19 =	smov.u32 s11;
	s13 =	sadd.s32 $0x80, s11;
	p3 =	sgt.s32 s18, $0x7  }
0x10: {  	s19 =	smov.u32 @p3 s13  }
0x11: {  	s20 =	smov.u32 s12;
	s13 =	sadd.s32 $0x4, s12;
	p4 =	sgt.s32 s19, $0x17F  }
0x12: {  	p1 =	slt.u32 s8, $0x2;
	s20 =	smov.u32 @p4 s13  }
0x13: {  	s8 =	sadd.s32 $0x1, s8;
	s17 =	simm.s32 @p2 $0x0;
	p2 =	sgt.s32 s20, $0x2F  }
0x14: {  	s15 =	smov.u32 s9;
	s20 =	smov.u32 @p2 s5;
	p2 =	sne.s32 s8, $0x6E  }
.Ltmp1:
0x15: {  	s16 =	smov.u32 s11;
	s21 =	simm.s32 @!p1 $0x2;
	(pc) =	sbr.rel @!p2 .LBB1_6-.Ltmp1, $4  }
0x16: {  	s14 =	smov.u32 s12;
	p0 =	por !p0, !p0;
	_ =	swait.ge @!p1 [sflag:s21], $0x4000  }
0x17: {  	[sflag:s21] =	ssyncset.done @!p1 $0x0;
	s9 =	smov.u32 s17;
	s18 =	smov.u32 @p3 s6  }
0x18: {  	[sflag:s21] =	ssyncadd.s32 @!p1 $0xFFFFC000;
	s19 =	simm.s32 @p4 $0x0;
	s13 =	smov.u32 s10  }
0x19: {  	s10 =	smov.u32 s18;
	s11 =	smov.u32 s19;
	s12 =	smov.u32 s20  }
.LBB1_1:
0x1a: {  	p1 =	sgt.u32 s8, $0x6B  }
0x1b: {  	s17 =	sshrl.u32 @!p1 s10, $0x3  }
0x1c: {  	s18 =	sshll.u32 @!p1 s9, $0x3;
	s17 =	smul.u32 @!p1 $0xC00, s17  }
0x1d: {  	s19 =	sshll.u32 @!p1 s10, $0x7;
	s18 =	sand.u32 @!p1 $0xFFFFFC00, s18  }
0x1e: {  	s17 =	sadd.s32 @!p1 s17, s18;
	s18 =	sand.u32 @!p1 $0x380, s19  }
0x1f: {  	s19 =	sand.u32 @!p1 $0x7F, s9;
	s17 =	sor.u32 @!p1 s18, s17  }
0x20: {  	s18 =	sor.u32 @!p1 s19, s17  }
0x21: {  	s19 =	smulhi.u32 @!p1 $0xAAAAAAAB, s18  }
0x22: {  	s17 =	smulhi.u32 @!p1 $0xAAAAAAAB, s17  }
0x23: {  	s21 =	smul.u32 @!p1 $0x24000, s12;
	s19 =	sshrl.u32 @!p1 s19, $0x8  }
0x24: {  	s20 =	sxor.u32 @!p1 $0xFFFFFFFF, s8;
	s17 =	sshrl.u32 @!p1 s17, $0x8;
	s19 =	smul.u32 @!p1 $0x180, s19  }
0x25: {  	s22 =	smul.u32 @!p1 $0x180, s11;
	s20 =	sshll.u32 @!p1 s20, $0xE;
	s17 =	sand.u32 @!p1 $0x7, s17  }
0x26: {  	s17 =	smul.u32 @!p1 $0x30, s17;
	s18 =	ssub.s32 @!p1 s18, s19;
	s19 =	sadd.s32 @!p1 s3, s21  }
0x27: {  	s20 =	sand.u32 @!p1 $0x4000, s20;
	s19 =	sadd.s32 @!p1 s22, s19;
	s21 =	sand.u32 @!p1 $0x7, s18  }
0x28: {  	s18 =	sshrl.u32 @!p1 s18, $0x3;
	s17 =	sadd.s32 @!p1 s17, s19;
	s19 =	sshll.u32 @!p1 s21, $0x12  }
0x29: {  	s17 =	sadd.s32 @!p1 s18, s17;
	s18 =	sor.u32 @!p1 $0x80, s19;
	s19 =	simm.s32 @!p1 $0xC00  }
0x2a: {  	[tilespmem:s20], [sflag:$0x1] =	stream.strided.gather @!p1 [hbm4b:s17+s18], $0x4000, s19, s18, $0x38;
	[tilespmem:$0x10000] =	vst v63  }
0x2b: {  	p1 =	seq.s32 s8, $0x0  }
0x2c: {  	p2 =	seq.s32 @!p1 s8, $0x6D  }
0x2d: {  	p1 =	por p1, p2  }
.Ltmp2:
0x2e: {  	_ = 	snop;
	(pc) =	sbr.rel @p1 .LBB1_5-.Ltmp2, $1  }
0x2f: {  	_ =	sdelay $0x3  }
0x30: {  	s17 =	simm.s32 $0x1  }
0x31: {  	s17 =	simm.s32 @!p0 $0x0  }
0x32: {  	s17 =	sshll.u32 s17, $0xE  }
0x33: {  	s18 =	sor.u32 $0x70, s17  }
0x34: {  	v1 =	vmov s18;
	_ =	sdelay $0x1  }
0x35: {  	_ =	swait.ge [sflag:s4], $0x4000  }
0x36: {  	[sflag:s4] =	ssyncset.done $0x0  }
0x37: {  	s19 =	simm.s32 $0x0;
	[sflag:s4] =	ssyncadd.s32 $0xFFFFC000  }
0x38: {  	s17 =	sor.u32 $0x8040, s17;
	v6 =	vld.idx.msk [tilespmem:v1+s19+$0x0 ss:$0x1], $0xffff  }
0x39: {  	v0 =	vmov s17;
	v8 =	vld.idx.msk [tilespmem:v1+s19+$0xFFFFFF90 ss:$0x1], $0xffff  }
0x3a: {  	v7 =	vld.idx.msk [tilespmem:v1+s19+$0xFFFFFFA0 ss:$0x1], $0xffff  }
0x3b: {  	v5 =	vld.idx.msk [tilespmem:v1+s19+$0xFFFFFFB0 ss:$0x1], $0xffff  }
0x3c: {  	v4 =	vld.idx.msk [tilespmem:v1+s19+$0xFFFFFFC0 ss:$0x1], $0xffff  }
0x3d: {  	s31 =	sshll.u32 s8, $0xE;
	v2 =	vld.idx.msk [tilespmem:v1+s19+$0xFFFFFFD0 ss:$0x1], $0xffff  }
0x3e: {  	s17 =	sand.u32 $0x4000, s31;
	v3 =	vld.idx.msk [tilespmem:v1+s19+$0xFFFFFFE0 ss:$0x1], $0xffff;
	[tilespmem:v0+s19+$0x30 ss:$0x1] =	vst.idx.msk $0xffff, v6  }
0x3f: {  	s20 =	simm.s32 $0x400;
	s18 =	simm.s32 $0x80;
	s17 =	sor.u32 $0x8000, s17;
	[tilespmem:v0+s19+$0xFFFFFFC0 ss:$0x1] =	vst.idx.msk $0xffff, v8;
	v6 =	vld.idx.msk [tilespmem:v1+s19+$0xFFFFFFF0 ss:$0x1], $0xffff  }
.LBB1_3:
0x40: {  	p1 =	sne.s32 s20, $0xFE00;
	v8 =	vld.idx.msk [tilespmem:v1+s18+$0x0 ss:$0x1], $0xffff;
	[tilespmem:v0+s19+$0xFFFFFFD0 ss:$0x1] =	vst.idx.msk $0xffff, v7  }
0x41: {  	v9 =	vld.idx.msk [tilespmem:v1+s18+$0xFFFFFF90 ss:$0x1], $0xffff;
	[tilespmem:v0+s19+$0xFFFFFFE0 ss:$0x1] =	vst.idx.msk $0xffff, v5  }
0x42: {  	v7 =	vld.idx.msk [tilespmem:v1+s18+$0xFFFFFFA0 ss:$0x1], $0xffff;
	[tilespmem:v0+s19+$0xFFFFFFF0 ss:$0x1] =	vst.idx.msk $0xffff, v4  }
.Ltmp3:
0x43: {  	v5 =	vld.idx.msk [tilespmem:v1+s18+$0xFFFFFFB0 ss:$0x1], $0xffff;
	[tilespmem:v0+s19+$0x0 ss:$0x1] =	vst.idx.msk $0xffff, v2;
	(pc) =	sbr.rel @p1 .LBB1_3-.Ltmp3, $4  }
0x44: {  	v4 =	vld.idx.msk [tilespmem:v1+s18+$0xFFFFFFC0 ss:$0x1], $0xffff;
	[tilespmem:v0+s19+$0x10 ss:$0x1] =	vst.idx.msk $0xffff, v3  }
0x45: {  	v2 =	vld.idx.msk [tilespmem:v1+s18+$0xFFFFFFD0 ss:$0x1], $0xffff;
	[tilespmem:v0+s19+$0x20 ss:$0x1] =	vst.idx.msk $0xffff, v6;
	s19 =	smov.u32 s18  }
0x46: {  	v3 =	vld.idx.msk [tilespmem:v1+s19+$0xFFFFFFE0 ss:$0x1], $0xffff;
	[tilespmem:v0+s19+$0x30 ss:$0x1] =	vst.idx.msk $0xffff, v8  }
0x47: {  	s18 =	sshra.s32 s20, $0x2;
	s20 =	sadd.s32 $0x200, s20;
	[tilespmem:v0+s19+$0xFFFFFFC0 ss:$0x1] =	vst.idx.msk $0xffff, v9;
	v6 =	vld.idx.msk [tilespmem:v1+s19+$0xFFFFFFF0 ss:$0x1], $0xffff  }
0x48: {  	s20 =	sshrl.u32 s16, $0x3  }
0x49: {  	s21 =	sshll.u32 s15, $0x3;
	s20 =	smul.u32 $0xC00, s20  }
0x4a: {  	s26 =	sshll.u32 s16, $0x7;
	s21 =	sand.u32 $0xFFFFFC00, s21  }
0x4b: {  	s16 =	sand.u32 $0x380, s26;
	s20 =	sadd.s32 s20, s21  }
0x4c: {  	[tilespmem:v0+s19+$0xFFFFFFD0 ss:$0x1] =	vst.idx.msk $0xffff, v7;
	s27 =	sand.u32 $0x7F, s15;
	s16 =	sor.u32 s16, s20  }
0x4d: {  	v56 =	vld.idx.msk [tilespmem:v1+s18+$0x0 ss:$0x1], $0xffff;
	[tilespmem:v0+s19+$0xFFFFFFE0 ss:$0x1] =	vst.idx.msk $0xffff, v5;
	s15 =	sor.u32 s27, s16;
	s16 =	smulhi.u32 $0xAAAAAAAB, s16  }
0x4e: {  	v57 =	vld.idx.msk [tilespmem:v1+s18+$0xFFFFFF90 ss:$0x1], $0xffff;
	[tilespmem:v0+s19+$0xFFFFFFF0 ss:$0x1] =	vst.idx.msk $0xffff, v4  }
0x4f: {  	v58 =	vld.idx.msk [tilespmem:v1+s18+$0xFFFFFFA0 ss:$0x1], $0xffff;
	s14 =	smul.u32 $0x24000, s14;
	[tilespmem:v0+s19+$0x0 ss:$0x1] =	vst.idx.msk $0xffff, v2;
	s16 =	sshrl.u32 s16, $0x8  }
0x50: {  	v59 =	vld.idx.msk [tilespmem:v1+s18+$0xFFFFFFB0 ss:$0x1], $0xffff;
	[tilespmem:v0+s19+$0x10 ss:$0x1] =	vst.idx.msk $0xffff, v3;
	s30 =	smulhi.u32 $0xAAAAAB, s16  }
0x51: {  	v60 =	vld.idx.msk [tilespmem:v1+s18+$0xFFFFFFC0 ss:$0x1], $0xffff;
	[tilespmem:v0+s19+$0x20 ss:$0x1] =	vst.idx.msk $0xffff, v6;
	s28 =	smulhi.u32 $0xAAAAAAAB, s15  }
0x52: {  	v61 =	vld.idx.msk [tilespmem:v1+s18+$0xFFFFFFD0 ss:$0x1], $0xffff;
	[tilespmem:v0+s18+$0x30 ss:$0x1] =	vst.idx.msk $0xffff, v56;
	s20 =	smul.u32 $0x180, s30  }
0x53: {  	v62 =	vld.idx.msk [tilespmem:v1+s18+$0xFFFFFFE0 ss:$0x1], $0xffff;
	s13 =	smul.u32 $0x4800, s13;
	[tilespmem:v0+s18+$0xFFFFFFC0 ss:$0x1] =	vst.idx.msk $0xffff, v57;
	s29 =	sshrl.u32 s28, $0x8  }
0x54: {  	v63 =	vld.idx.msk [tilespmem:v1+s18+$0xFFFFFFF0 ss:$0x1], $0xffff;
	[tilespmem:v0+s18+$0xFFFFFFD0 ss:$0x1] =	vst.idx.msk $0xffff, v58;
	s19 =	smul.u32 $0x180, s29;
	s16 =	ssub.s32 s16, s20  }
0x55: {  	[tilespmem:v0+s18+$0xFFFFFFE0 ss:$0x1] =	vst.idx.msk $0xffff, v59;
	s16 =	smul.u32 $0x30, s16  }
.Ltmp4:
0x56: {  	s14 =	sadd.s32 s2, s14;
	[tilespmem:v0+s18+$0xFFFFFFF0 ss:$0x1] =	vst.idx.msk $0xffff, v60;
	s15 =	ssub.s32 s15, s19;
	(pc) =	sbr.rel .LBB1_5-.Ltmp4, $4  }
0x57: {  	s13 =	sadd.s32 s13, s14;
	[tilespmem:v0+s18+$0x0 ss:$0x1] =	vst.idx.msk $0xffff, v61;
	s31 =	sand.u32 $0x7, s15  }
0x58: {  	[tilespmem:v0+s18+$0x10 ss:$0x1] =	vst.idx.msk $0xffff, v62;
	s15 =	sshrl.u32 s15, $0x3;
	s14 =	sshll.u32 s31, $0x12;
	s13 =	sadd.s32 s16, s13  }
0x59: {  	[tilespmem:v0+s18+$0x20 ss:$0x1] =	vst.idx.msk $0xffff, v63;
	s14 =	sor.u32 $0x400, s14;
	s13 =	sadd.s32 s15, s13  }
0x5a: {  	[hbm4b:s13+s14] =	stream.strided.scatter [tilespmem:s17], [sflag:$0x2], $0x4000, s7, s14, $0x38;
	[tilespmem:$0x10000] =	vst v63  }
.LBB1_6:
0x5b: {  	_ =	sfence.sel $0x180000  }
0x5c: {  	s2 =	simm.s32 $0x1;
	[bflag:$0x0] =	sbarrier.arrive $0xFFFF  }
0x5d: {  	s31 =	simm.s32 $0x2;
	[sflag:s2] =	ssyncpa.u1 $0x1  }
0x5e: {  	[sflag:s31] =	ssyncpa.u1 $0x1  }
0x5f: {  	p0 =	sne.s32 s1, $0x0;
	_ =	strace $0x90000053  }
0x60: {  	s0 =	sadd.s32 @!p0 $0x100000, s0;
	[bflag:$0x2] =	sbarrier.arrive $0xFFFF  }
0x61: {  	[sflag:s0] =	ssyncadd.tile.s32 @!p0 $0x1;
	_ =	shalt  }
.Lfunc_end1:
_tile_overlayer_lowered:
.L_overlay_start_2:
0x62: {  	(tag) =	ssettag $0x2  }
0x63: {  	s0 =	rddreg [dreg:$0x0];
	s2 =	stileid.u32  }
0x64: {  	s1 =	rddreg [dreg:$0x1];
	p0 =	sne.s32 s2, $0x0  }
0x65: {  	s3 =	rddreg [dreg:$0x2];
	[bflag:$0x3] =	sbarrier.arrive $0xFFFF;
	s2 =	simm.s32 @!p0 $0x1C01  }
0x66: {  	[timem:s3], [sflag:s2] =	dma.local @!p0 [hbm:s0], s1  }
0x67: {  	s0 =	simm.s32 @!p0 $0x1  }
0x68: {  	_ =	swait.ge @!p0 [sflag:s0], s1  }
0x69: {  	s1 =	ssub.s32 @!p0 $0x0, s1;
	[sflag:s0] =	ssyncset.done @!p0 $0x0  }
0x6a: {  	[sflag:s0] =	ssyncadd.s32 @!p0 s1  }
0x6b: {  	[bflag:$0x3] =	sbarrier.arrive $0xFFFF  }
0x6c: {  	_ =	shalt  }

</sc_bundles>
